<compile_context>
chip_gen: v7x
topology: tpu7x:2x2x1
jax: 0.10.2.dev20260603
libtpu: 0.0.44.dev20260713+nightly
codegen_flags: <defaults>
</compile_context>

<pallas_src>
import functools

import jax
import jax.numpy as jnp
from jax import lax
from jax.experimental import pallas as pl
from jax.experimental.pallas import tpu as pltpu
from jax.experimental.pallas import tpu_sc as plsc

N = 10000
EG = 320000
IN_DIM = 128
D = 16
H = 8
HD = H * D
CLAMP = 5.0

NC = 2
NS = 16
NW = NC * NS

CH = 128
NCHUNK = EG // CH
DUMP_WORKERS = 10
ROWS_PER_SUB = N // DUMP_WORKERS
INIT_ROWS = 200

_F32 = jnp.float32
_HIGH = lax.Precision.HIGHEST


def _proj_body(x_ref, qw_ref, kw_ref, vw_ref, qb_ref, kb_ref, vb_ref,
               q_ref, k_ref, v_ref):
    x = x_ref[...]
    q_ref[...] = jnp.dot(x, qw_ref[...], precision=_HIGH) + qb_ref[...]
    k_ref[...] = jnp.dot(x, kw_ref[...], precision=_HIGH) + kb_ref[...]
    v_ref[...] = jnp.dot(x, vw_ref[...], precision=_HIGH) + vb_ref[...]


def _project(x, QwT, KwT, VwT, Qb2, Kb2, Vb2):
    blk = 1000
    grid = N // blk
    wspec = pl.BlockSpec((IN_DIM, HD), lambda i: (0, 0))
    bspec = pl.BlockSpec((1, HD), lambda i: (0, 0))
    nspec = pl.BlockSpec((blk, HD), lambda i: (i, 0))
    return pl.pallas_call(
        _proj_body,
        grid=(grid,),
        in_specs=[pl.BlockSpec((blk, IN_DIM), lambda i: (i, 0)),
                  wspec, wspec, wspec, bspec, bspec, bspec],
        out_specs=[nspec, nspec, nspec],
        out_shape=[jax.ShapeDtypeStruct((N, HD), _F32)] * 3,
        compiler_params=pltpu.CompilerParams(
            dimension_semantics=("parallel",)),
    )(x, QwT, KwT, VwT, Qb2, Kb2, Vb2)


def _gather_edges(q_h, k_h, v_h, src, dst):
    ne = src.shape[0]
    ncnk = ne // CH
    mesh = plsc.VectorSubcoreMesh(core_axis_name="c", subcore_axis_name="s")
    nj = (ncnk + NW - 1) // NW

    npairs = (nj + 1) // 2

    @functools.partial(
        pl.kernel,
        mesh=mesh,
        out_type=[jax.ShapeDtypeStruct((ne, HD), _F32)] * 2,
        scratch_types=[
            pltpu.VMEM((CH,), jnp.int32),
            pltpu.VMEM((CH,), jnp.int32),
            pltpu.VMEM((CH,), jnp.int32),
            pltpu.VMEM((CH,), jnp.int32),
            pltpu.VMEM((CH, HD), _F32),
            pltpu.VMEM((CH, HD), _F32),
            pltpu.VMEM((CH, HD), _F32),
            pltpu.VMEM((CH, HD), _F32),
            pltpu.VMEM((CH, HD), _F32),
            pltpu.VMEM((CH, HD), _F32),
            pltpu.SemaphoreType.DMA,
            pltpu.SemaphoreType.DMA,
            pltpu.SemaphoreType.DMA,
        ],
    )
    def _kern(qh, kh, vh, src_h, dst_h, kq_out, v_out,
              si_a, di_a, si_b, di_b, bk_a, bq_a, bv_a, bk_b, bq_b, bv_b,
              sem_a, sem_b, sem_s):
        w = lax.axis_index("s") * NC + lax.axis_index("c")

        def _issue(t, si, di, bk, bq, bv, sem):
            base = t * CH
            pltpu.sync_copy(src_h.at[pl.ds(base, CH)], si)
            pltpu.sync_copy(dst_h.at[pl.ds(base, CH)], di)
            pltpu.async_copy(kh.at[si], bk, sem)
            pltpu.async_copy(qh.at[di], bq, sem)
            pltpu.async_copy(vh.at[si], bv, sem)

        def _consume(t, si, di, bk, bq, bv, sem):
            base = t * CH
            pltpu.make_async_copy(kh.at[si], bk, sem).wait()
            pltpu.make_async_copy(qh.at[di], bq, sem).wait()
            pltpu.make_async_copy(vh.at[si], bv, sem).wait()

            @pl.loop(0, CH)
            def _(r):
                for g in range(HD // 16):
                    bk[r, pl.ds(g * 16, 16)] = (
                        bk[r, pl.ds(g * 16, 16)] + bq[r, pl.ds(g * 16, 16)])

            kq_slice = kq_out.at[pl.ds(base, CH)]
            v_slice = v_out.at[pl.ds(base, CH)]
            pltpu.async_copy(bk, kq_slice, sem_s)
            pltpu.async_copy(bv, v_slice, sem_s)
            pltpu.make_async_copy(bk, kq_slice, sem_s).wait()
            pltpu.make_async_copy(bv, v_slice, sem_s).wait()

        _issue(w, si_a, di_a, bk_a, bq_a, bv_a, sem_a)

        @pl.loop(0, npairs)
        def _(q):
            ta = (2 * q) * NW + w
            tb = ta + NW
            ta2 = tb + NW

            @pl.when(tb < ncnk)
            def _():
                _issue(tb, si_b, di_b, bk_b, bq_b, bv_b, sem_b)

            @pl.when(ta < ncnk)
            def _():
                _consume(ta, si_a, di_a, bk_a, bq_a, bv_a, sem_a)

            @pl.when(ta2 < ncnk)
            def _():
                _issue(ta2, si_a, di_a, bk_a, bq_a, bv_a, sem_a)

            @pl.when(tb < ncnk)
            def _():
                _consume(tb, si_b, di_b, bk_b, bq_b, bv_b, sem_b)

    return _kern(q_h, k_h, v_h, src, dst)


def _signed_sqrt(v):
    return jnp.sign(v) * jnp.sqrt(jnp.abs(v))


def _edge_body(ea_ref, kq_ref, v_ref, eww_ref, ewb_ref, ebw_ref, ebb_ref,
               awm_ref, rep_ref, et_ref, msg_ref, wep_ref, p_ref):
    ea = ea_ref[...]
    e_w = jnp.dot(ea, eww_ref[...]) + ebw_ref[...]
    e_b2 = jnp.dot(ea, ewb_ref[...]) + ebb_ref[...]
    et = _signed_sqrt(kq_ref[...] * e_w) + e_b2
    et_ref[...] = et
    s16 = jnp.dot(et, awm_ref[...], precision=_HIGH)
    p16 = jnp.exp(jnp.clip(s16, -CLAMP, CLAMP))
    pbig = jnp.dot(p16, rep_ref[...], precision=_HIGH)
    p_ref[...] = pbig
    msg_ref[...] = v_ref[...] * pbig
    wep_ref[...] = et * pbig


def _edge_stage(edge_attr, kq, vsrc, EwwT, EwbT, Ebw2, Ebb2, AwM, Rep,
                blk0):
    blk = 2000
    ne = kq.shape[0]
    grid = ne // blk
    espec = pl.BlockSpec((blk, HD), lambda i: (i, 0))
    easpec = pl.BlockSpec((blk, HD), lambda i: (i + blk0, 0))
    return pl.pallas_call(
        _edge_body,
        grid=(grid,),
        in_specs=[easpec, espec, espec,
                  pl.BlockSpec((IN_DIM, HD), lambda i: (0, 0)),
                  pl.BlockSpec((IN_DIM, HD), lambda i: (0, 0)),
                  pl.BlockSpec((1, HD), lambda i: (0, 0)),
                  pl.BlockSpec((1, HD), lambda i: (0, 0)),
                  pl.BlockSpec((HD, 16), lambda i: (0, 0)),
                  pl.BlockSpec((16, HD), lambda i: (0, 0))],
        out_specs=[espec, espec, espec, espec],
        out_shape=[jax.ShapeDtypeStruct((ne, HD), _F32)] * 4,
        compiler_params=pltpu.CompilerParams(
            dimension_semantics=("parallel",)),
    )(edge_attr, kq, vsrc, EwwT, EwbT, Ebw2, Ebb2, AwM, Rep)


NH = N // 2
ACC_ROWS = NH + 8


def _seg_sum_128(stream, dst):
    ne = stream.shape[0]
    ncnk = ne // CH
    """Segment sum of a (EG, 128) f32 edge stream by dst into (N, 128).

    Core 0 accumulates nodes [0, NH), core 1 nodes [NH, N); each core scans
    the full edge stream and redirects out-of-half dst indices to a dummy
    accumulator row. Atomic indirect-stream scatter-add into shared VMEM.
    """
    mesh = plsc.VectorSubcoreMesh(core_axis_name="c", subcore_axis_name="s")
    nj = (ncnk + NS - 1) // NS
    ndw = NH // ROWS_PER_SUB

    npairs = (nj + 1) // 2

    @functools.partial(
        pl.kernel,
        mesh=mesh,
        out_type=jax.ShapeDtypeStruct((N, HD), _F32),
        scratch_types=[
            pltpu.VMEM((CH,), jnp.int32),
            pltpu.VMEM((CH,), jnp.int32),
            pltpu.VMEM((CH,), jnp.int32),
            pltpu.VMEM((CH, HD), _F32),
            pltpu.VMEM((CH, HD), _F32),
            pltpu.VMEM((INIT_ROWS, HD), _F32),
            pltpu.VMEM_SHARED((ACC_ROWS, HD), _F32),
            pltpu.SemaphoreType.DMA,
            pltpu.SemaphoreType.DMA,
        ],
    )
    def _kern(stream_h, dst_h, acc_o, didx_a, didx_b, didx2, dbuf_a, dbuf_b,
              zbuf, acc, sem_a, sem_b):
        c = lax.axis_index("c")
        s = lax.axis_index("s")
        lo = c * NH
        zero = jnp.zeros((16,), _F32)

        @pl.loop(0, INIT_ROWS)
        def _(r):
            for g in range(HD // 16):
                zbuf[r, pl.ds(g * 16, 16)] = zero

        @pl.when(s < ndw)
        def _():
            @pl.loop(0, ROWS_PER_SUB // INIT_ROWS)
            def _(q):
                row0 = s * ROWS_PER_SUB + q * INIT_ROWS
                pltpu.sync_copy(zbuf, acc.at[pl.ds(row0, INIT_ROWS)])

        plsc.subcore_barrier()

        def _issue(t, didx, dbuf, sem):
            base = t * CH
            pltpu.async_copy(dst_h.at[pl.ds(base, CH)], didx, sem)
            pltpu.async_copy(stream_h.at[pl.ds(base, CH)], dbuf, sem)

        def _consume(t, didx, dbuf, sem):
            base = t * CH
            pltpu.make_async_copy(dst_h.at[pl.ds(base, CH)], didx, sem).wait()
            pltpu.make_async_copy(stream_h.at[pl.ds(base, CH)], dbuf,
                                  sem).wait()

            @pl.loop(0, CH, step=16)
            def _(g):
                sl = pl.ds(g, 16)
                loc = didx[sl] - lo
                ok = (loc >= 0) & (loc < NH)
                didx2[sl] = jnp.where(ok, loc, NH)

            pltpu.sync_copy(dbuf, acc.at[didx2], add=True)

        _issue(s, didx_a, dbuf_a, sem_a)

        @pl.loop(0, npairs)
        def _(q):
            ta = (2 * q) * NS + s
            tb = ta + NS
            ta2 = tb + NS

            @pl.when(tb < ncnk)
            def _():
                _issue(tb, didx_b, dbuf_b, sem_b)

            @pl.when(ta < ncnk)
            def _():
                _consume(ta, didx_a, dbuf_a, sem_a)

            @pl.when(ta2 < ncnk)
            def _():
                _issue(ta2, didx_a, dbuf_a, sem_a)

            @pl.when(tb < ncnk)
            def _():
                _consume(tb, didx_b, dbuf_b, sem_b)

        plsc.subcore_barrier()

        @pl.when(s < ndw)
        def _():
            row0 = s * ROWS_PER_SUB
            pltpu.sync_copy(acc.at[pl.ds(row0, ROWS_PER_SUB)],
                            acc_o.at[pl.ds(lo + row0, ROWS_PER_SUB)])

    return _kern(stream, dst)


def _segment_sums(msg, wep, pbig, dst):
    return (_seg_sum_128(msg, dst), _seg_sum_128(pbig, dst),
            _seg_sum_128(wep, dst))


def _final_body(av1_ref, as1_ref, ae1_ref, av2_ref, as2_ref, ae2_ref,
                vem_ref, out_ref):
    ssum = as1_ref[...] + as2_ref[...] + 1e-16
    rv = (ae1_ref[...] + ae2_ref[...]) / ssum
    out_ref[...] = ((av1_ref[...] + av2_ref[...]) / ssum +
                    jnp.dot(rv, vem_ref[...], precision=_HIGH))


def _finalize(accs6, VeM):
    blk = 1000
    grid = N // blk
    nspec = pl.BlockSpec((blk, HD), lambda i: (i, 0))
    return pl.pallas_call(
        _final_body,
        grid=(grid,),
        in_specs=[nspec] * 6 + [pl.BlockSpec((HD, HD), lambda i: (0, 0))],
        out_specs=nspec,
        out_shape=jax.ShapeDtypeStruct((N, HD), _F32),
        compiler_params=pltpu.CompilerParams(
            dimension_semantics=("parallel",)),
    )(*accs6, VeM)


def kernel(x, edge_attr, edge_index, Qw, Qb, Kw, Kb, Ew, Eb, Vw, Vb, Aw,
           VeRow):
    hs = jnp.arange(H)
    ds_ = jnp.arange(D)
    perm_w = (hs[:, None] * 2 * D + ds_[None, :]).reshape(-1)
    perm_b = (hs[:, None] * 2 * D + D + ds_[None, :]).reshape(-1)

    QwT = Qw.T
    KwT = Kw.T
    VwT = Vw.T
    Qb2 = Qb[None, :]
    Kb2 = Kb[None, :]
    Vb2 = Vb[None, :]
    EwwT = Ew[perm_w, :].T
    EwbT = Ew[perm_b, :].T
    Ebw2 = Eb[perm_w][None, :]
    Ebb2 = Eb[perm_b][None, :]

    rows = (hs[:, None] * D + ds_[None, :]).reshape(-1)
    AwM = jnp.zeros((HD, 16), _F32).at[
        rows, jnp.repeat(hs, D)].set(Aw[:, :, 0].T.reshape(-1))
    Rep = jnp.zeros((16, HD), _F32).at[jnp.repeat(hs, D), rows].set(1.0)
    cs = (hs[:, None, None] * D + jnp.zeros((D, D), jnp.int32)[None] +
          jnp.arange(D)[None, None, :])
    rs = (hs[:, None, None] * D + ds_[None, :, None] +
          jnp.zeros((D, D), jnp.int32)[None] * 0)
    VeM = jnp.zeros((HD, HD), _F32).at[
        rs.reshape(-1), cs.reshape(-1)].set(
            jnp.transpose(VeRow, (1, 0, 2)).reshape(-1))

    src = edge_index[0]
    dst = edge_index[1]

    q_h, k_h, v_h = _project(x, QwT, KwT, VwT, Qb2, Kb2, Vb2)

    eh = EG // 2
    ets = []
    accs6 = [None] * 6
    for half in (0, 1):
        src_h = lax.slice(src, (half * eh,), ((half + 1) * eh,))
        dst_h = lax.slice(dst, (half * eh,), ((half + 1) * eh,))
        kq, vsrc = _gather_edges(q_h, k_h, v_h, src_h, dst_h)
        et, msg, wep, pbig = _edge_stage(edge_attr, kq, vsrc,
                                         EwwT, EwbT, Ebw2, Ebb2, AwM, Rep,
                                         half * (eh // 2000))
        ets.append(et)
        accs6[half * 3 + 0] = _seg_sum_128(msg, dst_h)
        accs6[half * 3 + 1] = _seg_sum_128(pbig, dst_h)
        accs6[half * 3 + 2] = _seg_sum_128(wep, dst_h)

    out = _finalize(accs6, VeM)
    et = jnp.concatenate(ets, axis=0)
    return (out.reshape(N, H, D), et)

# --- scband reference (transcript-rebuilt; emitter-appended) ---
"""Pipeline reference for scband-multi-head-attention-layer-grit-sparse-1675037246120 (READ-ONLY COPY).

The authoritative reference and input builder live on the scoring server;
editing this copy changes nothing except your own understanding.
"""

import jax, jax.numpy as jnp
import numpy as np

N = 10000
EG = 320000
IN_DIM = 128
D = 16
H = 8
CLAMP = 5.0


def _signed_sqrt(v):
    # sqrt(relu(v)) - sqrt(relu(-v)) with safe-where so grads match torch (0 in inactive branch)
    safe_p = jnp.where(v > 0, v, 1.0)
    safe_n = jnp.where(v < 0, -v, 1.0)
    pos = jnp.where(v > 0, jnp.sqrt(safe_p), 0.0)
    neg = jnp.where(v < 0, jnp.sqrt(safe_n), 0.0)
    return pos - neg


def setup_inputs(seed: int = 0) -> dict:
    key = jax.random.key(seed)
    ks = jax.random.split(key, 16)
    x = jax.random.normal(ks[0], (N, IN_DIM), dtype=jnp.float32)
    edge_attr = jax.random.normal(ks[1], (EG, IN_DIM), dtype=jnp.float32)
    edge_index = jax.random.randint(ks[2], (2, EG), 0, N)
    s_qkv = float(np.sqrt(2.0 / (IN_DIM + H * D)))
    s_e = float(np.sqrt(2.0 / (IN_DIM + H * D * 2)))
    Qw = jax.random.normal(ks[3], (H * D, IN_DIM), dtype=jnp.float32) * s_qkv
    Qb = jnp.zeros((H * D,), dtype=jnp.float32)
    Kw = jax.random.normal(ks[4], (H * D, IN_DIM), dtype=jnp.float32) * s_qkv
    Kb = jnp.zeros((H * D,), dtype=jnp.float32)
    Ew = jax.random.normal(ks[5], (H * D * 2, IN_DIM), dtype=jnp.float32) * s_e
    Eb = jnp.zeros((H * D * 2,), dtype=jnp.float32)
    Vw = jax.random.normal(ks[6], (H * D, IN_DIM), dtype=jnp.float32) * s_qkv
    Vb = jnp.zeros((H * D,), dtype=jnp.float32)
    Aw = jax.random.normal(ks[7], (D, H, 1), dtype=jnp.float32) * float(np.sqrt(2.0 / (D + 1)))
    VeRow = jax.random.normal(ks[8], (D, H, D), dtype=jnp.float32) * float(np.sqrt(2.0 / (D + D)))
    return {"x": x, "edge_attr": edge_attr, "edge_index": edge_index,
            "Qw": Qw, "Qb": Qb, "Kw": Kw, "Kb": Kb, "Ew": Ew, "Eb": Eb,
            "Vw": Vw, "Vb": Vb, "Aw": Aw, "VeRow": VeRow}


def reference(x, edge_attr, edge_index, Qw, Qb, Kw, Kb, Ew, Eb, Vw, Vb, Aw, VeRow):
    n = x.shape[0]
    Q_h = (x @ Qw.T + Qb).reshape(-1, H, D)
    K_h = (x @ Kw.T + Kb).reshape(-1, H, D)
    V_h = (x @ Vw.T + Vb).reshape(-1, H, D)
    E_all = edge_attr @ Ew.T + Eb
    src = K_h[edge_index[0]]
    dst = Q_h[edge_index[1]]
    score = src + dst
    Ev = E_all.reshape(-1, H, 2 * D)
    E_w = Ev[:, :, :D]
    E_b2 = Ev[:, :, D:]
    score = score * E_w
    score = _signed_sqrt(score)
    score = score + E_b2
    # act is Identity
    e_t = score
    batch_wE = score.reshape(score.shape[0], -1)
    score = jnp.einsum('ehd,dhc->ehc', score, Aw)
    score = jnp.clip(score, -CLAMP, CLAMP)
    idx = edge_index[1]
    smax = jax.ops.segment_max(score, idx, num_segments=n)
    out = jnp.exp(score - smax[idx])
    ssum = jax.ops.segment_sum(out, idx, num_segments=n)
    score = out / (ssum[idx] + 1e-16)
    # dropout p=0 -> identity
    msg = V_h[edge_index[0]] * score
    batch_wV = jax.ops.segment_sum(msg, idx, num_segments=n)
    rowV = jax.ops.segment_sum(e_t * score, idx, num_segments=n)
    rowV = jnp.einsum('nhd,dhc->nhc', rowV, VeRow)
    batch_wV = batch_wV + rowV
    return (batch_wV, batch_wE)

if __name__ == "__main__":
    import jax
    _d = setup_inputs()
    print(jax.jit(kernel)(*tuple(_d.values())))

</pallas_src>

<mosaic_0001>
#map = affine_map<(d0, d1) -> (0, 0)>
#map1 = affine_map<(d0, d1) -> (0)>
module attributes {stable_mosaic.version = 14 : i64} {
  func.func @_kern(%arg0: i32, %arg1: i32, %arg2: memref<160000x128xf32, #tpu.memory_space<hbm>>, %arg3: memref<160000xi32, #tpu.memory_space<hbm>>, %arg4: memref<10000x128xf32, #tpu.memory_space<hbm>>, %arg5: memref<128xi32, #tpu.memory_space<vmem>>, %arg6: memref<128xi32, #tpu.memory_space<vmem>>, %arg7: memref<128xi32, #tpu.memory_space<vmem>>, %arg8: memref<128x128xf32, #tpu.memory_space<vmem>>, %arg9: memref<128x128xf32, #tpu.memory_space<vmem>>, %arg10: memref<200x128xf32, #tpu.memory_space<vmem>>, %arg11: memref<5008x128xf32, #tpu.memory_space<vmem_shared>>, %arg12: memref<!tpu.dma_semaphore, #tpu.memory_space<semaphore_mem>>, %arg13: memref<!tpu.dma_semaphore, #tpu.memory_space<semaphore_mem>>) attributes {dimension_semantics = [#tpu.dimension_semantics<core_parallel>, #tpu.dimension_semantics<subcore_parallel>], iteration_bounds = array<i64: 2, 16>, scalar_prefetch = 0 : i64, scratch_operands = 9 : i64, tpu.core_type = #tpu.core_type<sc_vector_subcore>, window_params = [{transform_indices = #map}, {transform_indices = #map1}, {transform_indices = #map}]} {
    %mul3A = arith.constant 5000 : i32
    %mul3A_0 = arith.muli %arg0, %mul3A : i32
    %broadcast_in_dim3A = arith.constant 0.000000e+00 : f32
    %broadcast_in_dim3A_1 = vector.broadcast %broadcast_in_dim3A : f32 to vector<16xf32>
    %scan3A = arith.constant 0 : i32
    %scan3A_2 = arith.constant 200 : i32
    %scan3A_3 = arith.addi %scan3A, %scan3A_2 : i32
    %scan3A_4 = arith.constant 1 : i32
    scf.for %scan3A_26 = %scan3A to %scan3A_3 step %scan3A_4  : i32 {
      %mul3A_27 = arith.constant 1 : i32
      %mul3A_28 = arith.muli %scan3A_26, %mul3A_27 : i32
      %add3A = arith.constant 0 : i32
      %add3A_29 = arith.addi %add3A, %mul3A_28 : i32
      %swap3A = arith.index_cast %add3A_29 : i32 to index
      %swap3A_30 = arith.constant 0 : index
      %swap3A_31 = tpu.vector_load %arg10[%swap3A, %swap3A_30] {strides = array<i32>} : memref<200x128xf32, #tpu.memory_space<vmem>>, vector<1x16xf32>,
      %swap3A_32 = vector.shape_cast %swap3A_31 : vector<1x16xf32> to vector<16xf32>
      %swap3A_33 = vector.shape_cast %broadcast_in_dim3A_1 : vector<16xf32> to vector<1x16xf32>
      tpu.vector_store %arg10[%swap3A, %swap3A_30], %swap3A_33 {strides = array<i32>} : memref<200x128xf32, #tpu.memory_space<vmem>>, vector<1x16xf32>,
      %swap3A_34 = arith.index_cast %add3A_29 : i32 to index
      %swap3A_35 = arith.constant 16 : index
      %swap3A_36 = tpu.vector_load %arg10[%swap3A_34, %swap3A_35] {strides = array<i32>} : memref<200x128xf32, #tpu.memory_space<vmem>>, vector<1x16xf32>,
      %swap3A_37 = vector.shape_cast %swap3A_36 : vector<1x16xf32> to vector<16xf32>
      %swap3A_38 = vector.shape_cast %broadcast_in_dim3A_1 : vector<16xf32> to vector<1x16xf32>
      tpu.vector_store %arg10[%swap3A_34, %swap3A_35], %swap3A_38 {strides = array<i32>} : memref<200x128xf32, #tpu.memory_space<vmem>>, vector<1x16xf32>,
      %swap3A_39 = arith.index_cast %add3A_29 : i32 to index
      %swap3A_40 = arith.constant 32 : index
      %swap3A_41 = tpu.vector_load %arg10[%swap3A_39, %swap3A_40] {strides = array<i32>} : memref<200x128xf32, #tpu.memory_space<vmem>>, vector<1x16xf32>,
      %swap3A_42 = vector.shape_cast %swap3A_41 : vector<1x16xf32> to vector<16xf32>
      %swap3A_43 = vector.shape_cast %broadcast_in_dim3A_1 : vector<16xf32> to vector<1x16xf32>
      tpu.vector_store %arg10[%swap3A_39, %swap3A_40], %swap3A_43 {strides = array<i32>} : memref<200x128xf32, #tpu.memory_space<vmem>>, vector<1x16xf32>,
      %swap3A_44 = arith.index_cast %add3A_29 : i32 to index
      %swap3A_45 = arith.constant 48 : index
      %swap3A_46 = tpu.vector_load %arg10[%swap3A_44, %swap3A_45] {strides = array<i32>} : memref<200x128xf32, #tpu.memory_space<vmem>>, vector<1x16xf32>,
      %swap3A_47 = vector.shape_cast %swap3A_46 : vector<1x16xf32> to vector<16xf32>
      %swap3A_48 = vector.shape_cast %broadcast_in_dim3A_1 : vector<16xf32> to vector<1x16xf32>
      tpu.vector_store %arg10[%swap3A_44, %swap3A_45], %swap3A_48 {strides = array<i32>} : memref<200x128xf32, #tpu.memory_space<vmem>>, vector<1x16xf32>,
      %swap3A_49 = arith.index_cast %add3A_29 : i32 to index
      %swap3A_50 = arith.constant 64 : index
      %swap3A_51 = tpu.vector_load %arg10[%swap3A_49, %swap3A_50] {strides = array<i32>} : memref<200x128xf32, #tpu.memory_space<vmem>>, vector<1x16xf32>,
      %swap3A_52 = vector.shape_cast %swap3A_51 : vector<1x16xf32> to vector<16xf32>
      %swap3A_53 = vector.shape_cast %broadcast_in_dim3A_1 : vector<16xf32> to vector<1x16xf32>
      tpu.vector_store %arg10[%swap3A_49, %swap3A_50], %swap3A_53 {strides = array<i32>} : memref<200x128xf32, #tpu.memory_space<vmem>>, vector<1x16xf32>,
      %swap3A_54 = arith.index_cast %add3A_29 : i32 to index
      %swap3A_55 = arith.constant 80 : index
      %swap3A_56 = tpu.vector_load %arg10[%swap3A_54, %swap3A_55] {strides = array<i32>} : memref<200x128xf32, #tpu.memory_space<vmem>>, vector<1x16xf32>,
      %swap3A_57 = vector.shape_cast %swap3A_56 : vector<1x16xf32> to vector<16xf32>
      %swap3A_58 = vector.shape_cast %broadcast_in_dim3A_1 : vector<16xf32> to vector<1x16xf32>
      tpu.vector_store %arg10[%swap3A_54, %swap3A_55], %swap3A_58 {strides = array<i32>} : memref<200x128xf32, #tpu.memory_space<vmem>>, vector<1x16xf32>,
      %swap3A_59 = arith.index_cast %add3A_29 : i32 to index
      %swap3A_60 = arith.constant 96 : index
      %swap3A_61 = tpu.vector_load %arg10[%swap3A_59, %swap3A_60] {strides = array<i32>} : memref<200x128xf32, #tpu.memory_space<vmem>>, vector<1x16xf32>,
      %swap3A_62 = vector.shape_cast %swap3A_61 : vector<1x16xf32> to vector<16xf32>
      %swap3A_63 = vector.shape_cast %broadcast_in_dim3A_1 : vector<16xf32> to vector<1x16xf32>
      tpu.vector_store %arg10[%swap3A_59, %swap3A_60], %swap3A_63 {strides = array<i32>} : memref<200x128xf32, #tpu.memory_space<vmem>>, vector<1x16xf32>,
      %swap3A_64 = arith.index_cast %add3A_29 : i32 to index
      %swap3A_65 = arith.constant 112 : index
      %swap3A_66 = tpu.vector_load %arg10[%swap3A_64, %swap3A_65] {strides = array<i32>} : memref<200x128xf32, #tpu.memory_space<vmem>>, vector<1x16xf32>,
      %swap3A_67 = vector.shape_cast %swap3A_66 : vector<1x16xf32> to vector<16xf32>
      %swap3A_68 = vector.shape_cast %broadcast_in_dim3A_1 : vector<16xf32> to vector<1x16xf32>
      tpu.vector_store %arg10[%swap3A_64, %swap3A_65], %swap3A_68 {strides = array<i32>} : memref<200x128xf32, #tpu.memory_space<vmem>>, vector<1x16xf32>,
    }
    %scan3A_5 = arith.constant 200 : i32
    %lt3A = arith.constant 5 : i32
    %lt3A_6 = arith.cmpi slt, %arg1, %lt3A : i32
    %convert_element_type3A = arith.extui %lt3A_6 : i1 to i32
    %cond3A = arith.constant 0 : i32
    %cond3A_7 = arith.cmpi ne, %convert_element_type3A, %cond3A : i32
    scf.if %cond3A_7 {
      %scan3A_26 = arith.constant 0 : i32
      %scan3A_27 = arith.constant 5 : i32
      %scan3A_28 = arith.addi %scan3A_26, %scan3A_27 : i32
      %scan3A_29 = arith.constant 1 : i32
      scf.for %scan3A_31 = %scan3A_26 to %scan3A_28 step %scan3A_29  : i32 {
        %mul3A_32 = arith.constant 1 : i32
        %mul3A_33 = arith.muli %scan3A_31, %mul3A_32 : i32
        %add3A = arith.constant 0 : i32
        %add3A_34 = arith.addi %add3A, %mul3A_33 : i32
        %mul3A_35 = arith.constant 1000 : i32
        %mul3A_36 = arith.muli %arg1, %mul3A_35 : i32
        %mul3A_37 = arith.constant 200 : i32
        %mul3A_38 = arith.muli %add3A_34, %mul3A_37 : i32
        %add3A_39 = arith.addi %mul3A_36, %mul3A_38 : i32
        "tpu.region"() ({
          %run_scoped3A = tpu.sem_alloc : memref<!tpu.dma_semaphore, #tpu.memory_space<semaphore_mem>>
          %dma_start3A_40 = arith.constant 0 : i32
          %dma_start3A_41 = tpu.memref_slice %arg11[%add3A_39, %dma_start3A_40] : memref<5008x128xf32, #tpu.memory_space<vmem_shared>> -> memref<200x128xf32, #tpu.memory_space<vmem_shared>>
          %dma_start3A_42 = arith.constant 0 : i32
          %dma_start3A_43 = tpu.memref_slice %arg11[%add3A_39, %dma_start3A_42] : memref<5008x128xf32, #tpu.memory_space<vmem_shared>> -> memref<200x128xf32, #tpu.memory_space<vmem_shared>>
          tpu.enqueue_dma source(%arg10 : memref<200x128xf32, #tpu.memory_space<vmem>>) target(%dma_start3A_43 : memref<200x128xf32, #tpu.memory_space<vmem_shared>>) target_semaphore(%run_scoped3A : memref<!tpu.dma_semaphore, #tpu.memory_space<semaphore_mem>>)
          %dma_wait3A = arith.constant 0 : i32
          %dma_wait3A_44 = tpu.memref_slice %arg11[%add3A_39, %dma_wait3A] : memref<5008x128xf32, #tpu.memory_space<vmem_shared>> -> memref<200x128xf32, #tpu.memory_space<vmem_shared>>
          %dma_wait3A_45 = arith.constant 0 : i32
          %dma_wait3A_46 = tpu.memref_slice %arg11[%add3A_39, %dma_wait3A_45] : memref<5008x128xf32, #tpu.memory_space<vmem_shared>> -> memref<200x128xf32, #tpu.memory_space<vmem_shared>>
          tpu.wait_dma2 semaphore(%run_scoped3A : memref<!tpu.dma_semaphore, #tpu.memory_space<semaphore_mem>>) src(%arg10 : memref<200x128xf32, #tpu.memory_space<vmem>>) dst(%dma_wait3A_46 : memref<200x128xf32, #tpu.memory_space<vmem_shared>>)
          tpu.yield
        }) : () -> ()
      }
      %scan3A_30 = arith.constant 5 : i32
    } else {
    }
    %barrier3A = arith.constant 0 : index
    tpu.barrier barrier_id(%barrier3A)
    %mul3A_8 = arith.constant 128 : i32
    %mul3A_9 = arith.muli %arg1, %mul3A_8 : i32
    %dma_start3A = tpu.memref_slice %arg3[%mul3A_9] : memref<160000xi32, #tpu.memory_space<hbm>> -> memref<128xi32, #tpu.memory_space<hbm>>
    %dma_start3A_10 = tpu.memref_slice %arg3[%mul3A_9] : memref<160000xi32, #tpu.memory_space<hbm>> -> memref<128xi32, #tpu.memory_space<hbm>>
    tpu.enqueue_dma source(%dma_start3A_10 : memref<128xi32, #tpu.memory_space<hbm>>) target(%arg5 : memref<128xi32, #tpu.memory_space<vmem>>) target_semaphore(%arg12 : memref<!tpu.dma_semaphore, #tpu.memory_space<semaphore_mem>>)
    %dma_start3A_11 = arith.constant 0 : i32
    %dma_start3A_12 = tpu.memref_slice %arg2[%mul3A_9, %dma_start3A_11] : memref<160000x128xf32, #tpu.memory_space<hbm>> -> memref<128x128xf32, #tpu.memory_space<hbm>>
    %dma_start3A_13 = arith.constant 0 : i32
    %dma_start3A_14 = tpu.memref_slice %arg2[%mul3A_9, %dma_start3A_13] : memref<160000x128xf32, #tpu.memory_space<hbm>> -> memref<128x128xf32, #tpu.memory_space<hbm>>
    tpu.enqueue_dma source(%dma_start3A_14 : memref<128x128xf32, #tpu.memory_space<hbm>>) target(%arg8 : memref<128x128xf32, #tpu.memory_space<vmem>>) target_semaphore(%arg12 : memref<!tpu.dma_semaphore, #tpu.memory_space<semaphore_mem>>)
    %scan3A_15 = arith.constant 0 : i32
    %scan3A_16 = arith.constant 40 : i32
    %scan3A_17 = arith.addi %scan3A_15, %scan3A_16 : i32
    %scan3A_18 = arith.constant 1 : i32
    scf.for %scan3A_26 = %scan3A_15 to %scan3A_17 step %scan3A_18  : i32 {
      %mul3A_27 = arith.constant 1 : i32
      %mul3A_28 = arith.muli %scan3A_26, %mul3A_27 : i32
      %add3A = arith.constant 0 : i32
      %add3A_29 = arith.addi %add3A, %mul3A_28 : i32
      %mul3A_30 = arith.constant 2 : i32
      %mul3A_31 = arith.muli %mul3A_30, %add3A_29 : i32
      %mul3A_32 = arith.constant 16 : i32
      %mul3A_33 = arith.muli %mul3A_31, %mul3A_32 : i32
      %add3A_34 = arith.addi %mul3A_33, %arg1 : i32
      %add3A_35 = arith.constant 16 : i32
      %add3A_36 = arith.addi %add3A_34, %add3A_35 : i32
      %add3A_37 = arith.constant 16 : i32
      %add3A_38 = arith.addi %add3A_36, %add3A_37 : i32
      %lt3A_39 = arith.constant 1250 : i32
      %lt3A_40 = arith.cmpi slt, %add3A_36, %lt3A_39 : i32
      %convert_element_type3A_41 = arith.extui %lt3A_40 : i1 to i32
      %cond3A_42 = arith.constant 0 : i32
      %cond3A_43 = arith.cmpi ne, %convert_element_type3A_41, %cond3A_42 : i32
      scf.if %cond3A_43 {
        %mul3A_59 = arith.constant 128 : i32
        %mul3A_60 = arith.muli %add3A_36, %mul3A_59 : i32
        %dma_start3A_61 = tpu.memref_slice %arg3[%mul3A_60] : memref<160000xi32, #tpu.memory_space<hbm>> -> memref<128xi32, #tpu.memory_space<hbm>>
        %dma_start3A_62 = tpu.memref_slice %arg3[%mul3A_60] : memref<160000xi32, #tpu.memory_space<hbm>> -> memref<128xi32, #tpu.memory_space<hbm>>
        tpu.enqueue_dma source(%dma_start3A_62 : memref<128xi32, #tpu.memory_space<hbm>>) target(%arg6 : memref<128xi32, #tpu.memory_space<vmem>>) target_semaphore(%arg13 : memref<!tpu.dma_semaphore, #tpu.memory_space<semaphore_mem>>)
        %dma_start3A_63 = arith.constant 0 : i32
        %dma_start3A_64 = tpu.memref_slice %arg2[%mul3A_60, %dma_start3A_63] : memref<160000x128xf32, #tpu.memory_space<hbm>> -> memref<128x128xf32, #tpu.memory_space<hbm>>
        %dma_start3A_65 = arith.constant 0 : i32
        %dma_start3A_66 = tpu.memref_slice %arg2[%mul3A_60, %dma_start3A_65] : memref<160000x128xf32, #tpu.memory_space<hbm>> -> memref<128x128xf32, #tpu.memory_space<hbm>>
        tpu.enqueue_dma source(%dma_start3A_66 : memref<128x128xf32, #tpu.memory_space<hbm>>) target(%arg9 : memref<128x128xf32, #tpu.memory_space<vmem>>) target_semaphore(%arg13 : memref<!tpu.dma_semaphore, #tpu.memory_space<semaphore_mem>>)
      } else {
      }
      %lt3A_44 = arith.constant 1250 : i32
      %lt3A_45 = arith.cmpi slt, %add3A_34, %lt3A_44 : i32
      %convert_element_type3A_46 = arith.extui %lt3A_45 : i1 to i32
      %cond3A_47 = arith.constant 0 : i32
      %cond3A_48 = arith.cmpi ne, %convert_element_type3A_46, %cond3A_47 : i32
      scf.if %cond3A_48 {
        %mul3A_59 = arith.constant 128 : i32
        %mul3A_60 = arith.muli %add3A_34, %mul3A_59 : i32
        %dma_wait3A = tpu.memref_slice %arg3[%mul3A_60] : memref<160000xi32, #tpu.memory_space<hbm>> -> memref<128xi32, #tpu.memory_space<hbm>>
        %dma_wait3A_61 = tpu.memref_slice %arg3[%mul3A_60] : memref<160000xi32, #tpu.memory_space<hbm>> -> memref<128xi32, #tpu.memory_space<hbm>>
        tpu.wait_dma2 semaphore(%arg12 : memref<!tpu.dma_semaphore, #tpu.memory_space<semaphore_mem>>) src(%dma_wait3A_61 : memref<128xi32, #tpu.memory_space<hbm>>) dst(%arg5 : memref<128xi32, #tpu.memory_space<vmem>>)
        %dma_wait3A_62 = arith.constant 0 : i32
        %dma_wait3A_63 = tpu.memref_slice %arg2[%mul3A_60, %dma_wait3A_62] : memref<160000x128xf32, #tpu.memory_space<hbm>> -> memref<128x128xf32, #tpu.memory_space<hbm>>
        %dma_wait3A_64 = arith.constant 0 : i32
        %dma_wait3A_65 = tpu.memref_slice %arg2[%mul3A_60, %dma_wait3A_64] : memref<160000x128xf32, #tpu.memory_space<hbm>> -> memref<128x128xf32, #tpu.memory_space<hbm>>
        tpu.wait_dma2 semaphore(%arg12 : memref<!tpu.dma_semaphore, #tpu.memory_space<semaphore_mem>>) src(%dma_wait3A_65 : memref<128x128xf32, #tpu.memory_space<hbm>>) dst(%arg8 : memref<128x128xf32, #tpu.memory_space<vmem>>)
        %scan3A_66 = arith.constant 0 : i32
        %scan3A_67 = arith.constant 8 : i32
        %scan3A_68 = arith.addi %scan3A_66, %scan3A_67 : i32
        %scan3A_69 = arith.constant 1 : i32
        scf.for %scan3A_71 = %scan3A_66 to %scan3A_68 step %scan3A_69  : i32 {
          %mul3A_72 = arith.constant 16 : i32
          %mul3A_73 = arith.muli %scan3A_71, %mul3A_72 : i32
          %add3A_74 = arith.constant 0 : i32
          %add3A_75 = arith.addi %add3A_74, %mul3A_73 : i32
          %get3A = arith.index_cast %add3A_75 : i32 to index
          %get3A_76 = tpu.vector_load %arg5[%get3A] {strides = array<i32>} : memref<128xi32, #tpu.memory_space<vmem>>, vector<16xi32>,
          %get3A_77 = vector.shape_cast %get3A_76 : vector<16xi32> to vector<16xi32>
          %sub3A = vector.broadcast %mul3A_0 : i32 to vector<16xi32>
          %sub3A_78 = arith.subi %get3A_77, %sub3A : vector<16xi32>
          %ge3A = arith.constant 0 : i32
          %ge3A_79 = vector.broadcast %ge3A : i32 to vector<16xi32>
          %ge3A_80 = arith.cmpi sge, %sub3A_78, %ge3A_79 : vector<16xi32>
          %lt3A_81 = arith.constant 5000 : i32
          %lt3A_82 = vector.broadcast %lt3A_81 : i32 to vector<16xi32>
          %lt3A_83 = arith.cmpi slt, %sub3A_78, %lt3A_82 : vector<16xi32>
          %and3A = arith.andi %ge3A_80, %lt3A_83 : vector<16xi1>
          %jit3A = arith.constant 5000 : i32
          %broadcast_in_dim3A_84 = vector.broadcast %jit3A : i32 to vector<16xi32>
          %select_n3A = arith.select %and3A, %sub3A_78, %broadcast_in_dim3A_84 : vector<16xi1>, vector<16xi32>
          %swap3A = arith.index_cast %add3A_75 : i32 to index
          %swap3A_85 = tpu.vector_load %arg7[%swap3A] {strides = array<i32>} : memref<128xi32, #tpu.memory_space<vmem>>, vector<16xi32>,
          %swap3A_86 = vector.shape_cast %swap3A_85 : vector<16xi32> to vector<16xi32>
          %swap3A_87 = vector.shape_cast %select_n3A : vector<16xi32> to vector<16xi32>
          tpu.vector_store %arg7[%swap3A], %swap3A_87 {strides = array<i32>} : memref<128xi32, #tpu.memory_space<vmem>>, vector<16xi32>,
        }
        %scan3A_70 = arith.constant 8 : i32
        "tpu.region"() ({
          %run_scoped3A = tpu.sem_alloc : memref<!tpu.dma_semaphore, #tpu.memory_space<semaphore_mem>>
          %dma_start3A_71 = arith.constant 0 : i32
          %dma_start3A_72 = arith.constant 0 : i32
          %dma_start3A_73 = tpu.memref_slice %arg11[%dma_start3A_71, %dma_start3A_72] : memref<5008x128xf32, #tpu.memory_space<vmem_shared>> -> memref<5008x128xf32, #tpu.memory_space<vmem_shared>>
          tpu.enqueue_indirect_dma source(%arg8 : memref<128x128xf32, #tpu.memory_space<vmem>>) target(%dma_start3A_73 : memref<5008x128xf32, #tpu.memory_space<vmem_shared>>) offsets(%arg7 : memref<128xi32, #tpu.memory_space<vmem>>) semaphore(%run_scoped3A : memref<!tpu.dma_semaphore, #tpu.memory_space<semaphore_mem>>) {add = true}
          %dma_wait3A_74 = arith.constant 0 : i32
          %dma_wait3A_75 = arith.constant 0 : i32
          %dma_wait3A_76 = tpu.memref_slice %arg11[%dma_wait3A_74, %dma_wait3A_75] : memref<5008x128xf32, #tpu.memory_space<vmem_shared>> -> memref<5008x128xf32, #tpu.memory_space<vmem_shared>>
          tpu.wait_indirect_dma semaphore(%run_scoped3A : memref<!tpu.dma_semaphore, #tpu.memory_space<semaphore_mem>>) src(%arg8 : memref<128x128xf32, #tpu.memory_space<vmem>>) dst(%dma_wait3A_76 : memref<5008x128xf32, #tpu.memory_space<vmem_shared>>)
          tpu.yield
        }) : () -> ()
      } else {
      }
      %lt3A_49 = arith.constant 1250 : i32
      %lt3A_50 = arith.cmpi slt, %add3A_38, %lt3A_49 : i32
      %convert_element_type3A_51 = arith.extui %lt3A_50 : i1 to i32
      %cond3A_52 = arith.constant 0 : i32
      %cond3A_53 = arith.cmpi ne, %convert_element_type3A_51, %cond3A_52 : i32
      scf.if %cond3A_53 {
        %mul3A_59 = arith.constant 128 : i32
        %mul3A_60 = arith.muli %add3A_38, %mul3A_59 : i32
        %dma_start3A_61 = tpu.memref_slice %arg3[%mul3A_60] : memref<160000xi32, #tpu.memory_space<hbm>> -> memref<128xi32, #tpu.memory_space<hbm>>
        %dma_start3A_62 = tpu.memref_slice %arg3[%mul3A_60] : memref<160000xi32, #tpu.memory_space<hbm>> -> memref<128xi32, #tpu.memory_space<hbm>>
        tpu.enqueue_dma source(%dma_start3A_62 : memref<128xi32, #tpu.memory_space<hbm>>) target(%arg5 : memref<128xi32, #tpu.memory_space<vmem>>) target_semaphore(%arg12 : memref<!tpu.dma_semaphore, #tpu.memory_space<semaphore_mem>>)
        %dma_start3A_63 = arith.constant 0 : i32
        %dma_start3A_64 = tpu.memref_slice %arg2[%mul3A_60, %dma_start3A_63] : memref<160000x128xf32, #tpu.memory_space<hbm>> -> memref<128x128xf32, #tpu.memory_space<hbm>>
        %dma_start3A_65 = arith.constant 0 : i32
        %dma_start3A_66 = tpu.memref_slice %arg2[%mul3A_60, %dma_start3A_65] : memref<160000x128xf32, #tpu.memory_space<hbm>> -> memref<128x128xf32, #tpu.memory_space<hbm>>
        tpu.enqueue_dma source(%dma_start3A_66 : memref<128x128xf32, #tpu.memory_space<hbm>>) target(%arg8 : memref<128x128xf32, #tpu.memory_space<vmem>>) target_semaphore(%arg12 : memref<!tpu.dma_semaphore, #tpu.memory_space<semaphore_mem>>)
      } else {
      }
      %lt3A_54 = arith.constant 1250 : i32
      %lt3A_55 = arith.cmpi slt, %add3A_36, %lt3A_54 : i32
      %convert_element_type3A_56 = arith.extui %lt3A_55 : i1 to i32
      %cond3A_57 = arith.constant 0 : i32
      %cond3A_58 = arith.cmpi ne, %convert_element_type3A_56, %cond3A_57 : i32
      scf.if %cond3A_58 {
        %mul3A_59 = arith.constant 128 : i32
        %mul3A_60 = arith.muli %add3A_36, %mul3A_59 : i32
        %dma_wait3A = tpu.memref_slice %arg3[%mul3A_60] : memref<160000xi32, #tpu.memory_space<hbm>> -> memref<128xi32, #tpu.memory_space<hbm>>
        %dma_wait3A_61 = tpu.memref_slice %arg3[%mul3A_60] : memref<160000xi32, #tpu.memory_space<hbm>> -> memref<128xi32, #tpu.memory_space<hbm>>
        tpu.wait_dma2 semaphore(%arg13 : memref<!tpu.dma_semaphore, #tpu.memory_space<semaphore_mem>>) src(%dma_wait3A_61 : memref<128xi32, #tpu.memory_space<hbm>>) dst(%arg6 : memref<128xi32, #tpu.memory_space<vmem>>)
        %dma_wait3A_62 = arith.constant 0 : i32
        %dma_wait3A_63 = tpu.memref_slice %arg2[%mul3A_60, %dma_wait3A_62] : memref<160000x128xf32, #tpu.memory_space<hbm>> -> memref<128x128xf32, #tpu.memory_space<hbm>>
        %dma_wait3A_64 = arith.constant 0 : i32
        %dma_wait3A_65 = tpu.memref_slice %arg2[%mul3A_60, %dma_wait3A_64] : memref<160000x128xf32, #tpu.memory_space<hbm>> -> memref<128x128xf32, #tpu.memory_space<hbm>>
        tpu.wait_dma2 semaphore(%arg13 : memref<!tpu.dma_semaphore, #tpu.memory_space<semaphore_mem>>) src(%dma_wait3A_65 : memref<128x128xf32, #tpu.memory_space<hbm>>) dst(%arg9 : memref<128x128xf32, #tpu.memory_space<vmem>>)
        %scan3A_66 = arith.constant 0 : i32
        %scan3A_67 = arith.constant 8 : i32
        %scan3A_68 = arith.addi %scan3A_66, %scan3A_67 : i32
        %scan3A_69 = arith.constant 1 : i32
        scf.for %scan3A_71 = %scan3A_66 to %scan3A_68 step %scan3A_69  : i32 {
          %mul3A_72 = arith.constant 16 : i32
          %mul3A_73 = arith.muli %scan3A_71, %mul3A_72 : i32
          %add3A_74 = arith.constant 0 : i32
          %add3A_75 = arith.addi %add3A_74, %mul3A_73 : i32
          %get3A = arith.index_cast %add3A_75 : i32 to index
          %get3A_76 = tpu.vector_load %arg6[%get3A] {strides = array<i32>} : memref<128xi32, #tpu.memory_space<vmem>>, vector<16xi32>,
          %get3A_77 = vector.shape_cast %get3A_76 : vector<16xi32> to vector<16xi32>
          %sub3A = vector.broadcast %mul3A_0 : i32 to vector<16xi32>
          %sub3A_78 = arith.subi %get3A_77, %sub3A : vector<16xi32>
          %ge3A = arith.constant 0 : i32
          %ge3A_79 = vector.broadcast %ge3A : i32 to vector<16xi32>
          %ge3A_80 = arith.cmpi sge, %sub3A_78, %ge3A_79 : vector<16xi32>
          %lt3A_81 = arith.constant 5000 : i32
          %lt3A_82 = vector.broadcast %lt3A_81 : i32 to vector<16xi32>
          %lt3A_83 = arith.cmpi slt, %sub3A_78, %lt3A_82 : vector<16xi32>
          %and3A = arith.andi %ge3A_80, %lt3A_83 : vector<16xi1>
          %jit3A = arith.constant 5000 : i32
          %broadcast_in_dim3A_84 = vector.broadcast %jit3A : i32 to vector<16xi32>
          %select_n3A = arith.select %and3A, %sub3A_78, %broadcast_in_dim3A_84 : vector<16xi1>, vector<16xi32>
          %swap3A = arith.index_cast %add3A_75 : i32 to index
          %swap3A_85 = tpu.vector_load %arg7[%swap3A] {strides = array<i32>} : memref<128xi32, #tpu.memory_space<vmem>>, vector<16xi32>,
          %swap3A_86 = vector.shape_cast %swap3A_85 : vector<16xi32> to vector<16xi32>
          %swap3A_87 = vector.shape_cast %select_n3A : vector<16xi32> to vector<16xi32>
          tpu.vector_store %arg7[%swap3A], %swap3A_87 {strides = array<i32>} : memref<128xi32, #tpu.memory_space<vmem>>, vector<16xi32>,
        }
        %scan3A_70 = arith.constant 8 : i32
        "tpu.region"() ({
          %run_scoped3A = tpu.sem_alloc : memref<!tpu.dma_semaphore, #tpu.memory_space<semaphore_mem>>
          %dma_start3A_71 = arith.constant 0 : i32
          %dma_start3A_72 = arith.constant 0 : i32
          %dma_start3A_73 = tpu.memref_slice %arg11[%dma_start3A_71, %dma_start3A_72] : memref<5008x128xf32, #tpu.memory_space<vmem_shared>> -> memref<5008x128xf32, #tpu.memory_space<vmem_shared>>
          tpu.enqueue_indirect_dma source(%arg9 : memref<128x128xf32, #tpu.memory_space<vmem>>) target(%dma_start3A_73 : memref<5008x128xf32, #tpu.memory_space<vmem_shared>>) offsets(%arg7 : memref<128xi32, #tpu.memory_space<vmem>>) semaphore(%run_scoped3A : memref<!tpu.dma_semaphore, #tpu.memory_space<semaphore_mem>>) {add = true}
          %dma_wait3A_74 = arith.constant 0 : i32
          %dma_wait3A_75 = arith.constant 0 : i32
          %dma_wait3A_76 = tpu.memref_slice %arg11[%dma_wait3A_74, %dma_wait3A_75] : memref<5008x128xf32, #tpu.memory_space<vmem_shared>> -> memref<5008x128xf32, #tpu.memory_space<vmem_shared>>
          tpu.wait_indirect_dma semaphore(%run_scoped3A : memref<!tpu.dma_semaphore, #tpu.memory_space<semaphore_mem>>) src(%arg9 : memref<128x128xf32, #tpu.memory_space<vmem>>) dst(%dma_wait3A_76 : memref<5008x128xf32, #tpu.memory_space<vmem_shared>>)
          tpu.yield
        }) : () -> ()
      } else {
      }
    }
    %scan3A_19 = arith.constant 40 : i32
    %barrier3A_20 = arith.constant 0 : index
    tpu.barrier barrier_id(%barrier3A_20)
    %lt3A_21 = arith.constant 5 : i32
    %lt3A_22 = arith.cmpi slt, %arg1, %lt3A_21 : i32
    %convert_element_type3A_23 = arith.extui %lt3A_22 : i1 to i32
    %cond3A_24 = arith.constant 0 : i32
    %cond3A_25 = arith.cmpi ne, %convert_element_type3A_23, %cond3A_24 : i32
    scf.if %cond3A_25 {
      %mul3A_26 = arith.constant 1000 : i32
      %mul3A_27 = arith.muli %arg1, %mul3A_26 : i32
      %add3A = arith.addi %mul3A_0, %mul3A_27 : i32
      "tpu.region"() ({
        %run_scoped3A = tpu.sem_alloc : memref<!tpu.dma_semaphore, #tpu.memory_space<semaphore_mem>>
        %dma_start3A_28 = arith.constant 0 : i32
        %dma_start3A_29 = tpu.memref_slice %arg4[%add3A, %dma_start3A_28] : memref<10000x128xf32, #tpu.memory_space<hbm>> -> memref<1000x128xf32, #tpu.memory_space<hbm>>
        %dma_start3A_30 = arith.constant 0 : i32
        %dma_start3A_31 = tpu.memref_slice %arg11[%mul3A_27, %dma_start3A_30] : memref<5008x128xf32, #tpu.memory_space<vmem_shared>> -> memref<1000x128xf32, #tpu.memory_space<vmem_shared>>
        tpu.enqueue_dma source(%dma_start3A_31 : memref<1000x128xf32, #tpu.memory_space<vmem_shared>>) target(%dma_start3A_29 : memref<1000x128xf32, #tpu.memory_space<hbm>>) target_semaphore(%run_scoped3A : memref<!tpu.dma_semaphore, #tpu.memory_space<semaphore_mem>>)
        %dma_wait3A = arith.constant 0 : i32
        %dma_wait3A_32 = tpu.memref_slice %arg4[%add3A, %dma_wait3A] : memref<10000x128xf32, #tpu.memory_space<hbm>> -> memref<1000x128xf32, #tpu.memory_space<hbm>>
        %dma_wait3A_33 = arith.constant 0 : i32
        %dma_wait3A_34 = tpu.memref_slice %arg11[%mul3A_27, %dma_wait3A_33] : memref<5008x128xf32, #tpu.memory_space<vmem_shared>> -> memref<1000x128xf32, #tpu.memory_space<vmem_shared>>
        tpu.wait_dma2 semaphore(%run_scoped3A : memref<!tpu.dma_semaphore, #tpu.memory_space<semaphore_mem>>) src(%dma_wait3A_34 : memref<1000x128xf32, #tpu.memory_space<vmem_shared>>) dst(%dma_wait3A_32 : memref<1000x128xf32, #tpu.memory_space<hbm>>)
        tpu.yield
      }) : () -> ()
    } else {
    }
    return
  }
}

#map = affine_map<(d0, d1) -> (0, 0)>
#map1 = affine_map<(d0, d1) -> (0)>
module attributes {stable_mosaic.version = 14 : i64} {
  func.func @_kern(%arg0: i32, %arg1: i32, %arg2: memref<160000x128xf32, #tpu.memory_space<hbm>>, %arg3: memref<160000xi32, #tpu.memory_space<hbm>>, %arg4: memref<10000x128xf32, #tpu.memory_space<hbm>>, %arg5: memref<128xi32, #tpu.memory_space<vmem>>, %arg6: memref<128xi32, #tpu.memory_space<vmem>>, %arg7: memref<128xi32, #tpu.memory_space<vmem>>, %arg8: memref<128x128xf32, #tpu.memory_space<vmem>>, %arg9: memref<128x128xf32, #tpu.memory_space<vmem>>, %arg10: memref<200x128xf32, #tpu.memory_space<vmem>>, %arg11: memref<5008x128xf32, #tpu.memory_space<vmem_shared>>, %arg12: memref<!tpu.dma_semaphore, #tpu.memory_space<semaphore_mem>>, %arg13: memref<!tpu.dma_semaphore, #tpu.memory_space<semaphore_mem>>) attributes {dimension_semantics = [#tpu.dimension_semantics<core_parallel>, #tpu.dimension_semantics<subcore_parallel>], iteration_bounds = array<i64: 2, 16>, scalar_prefetch = 0 : i64, scratch_operands = 9 : i64, tpu.core_type = #tpu.core_type<sc_vector_subcore>, window_params = [{transform_indices = #map}, {transform_indices = #map1}, {transform_indices = #map}]} {
    %mul3A = arith.constant 5000 : i32
    %mul3A_0 = arith.muli %arg0, %mul3A : i32
    %broadcast_in_dim3A = arith.constant 0.000000e+00 : f32
    %broadcast_in_dim3A_1 = vector.broadcast %broadcast_in_dim3A : f32 to vector<16xf32>
    %scan3A = arith.constant 0 : i32
    %scan3A_2 = arith.constant 200 : i32
    %scan3A_3 = arith.addi %scan3A, %scan3A_2 : i32
    %scan3A_4 = arith.constant 1 : i32
    scf.for %scan3A_26 = %scan3A to %scan3A_3 step %scan3A_4  : i32 {
      %mul3A_27 = arith.constant 1 : i32
      %mul3A_28 = arith.muli %scan3A_26, %mul3A_27 : i32
      %add3A = arith.constant 0 : i32
      %add3A_29 = arith.addi %add3A, %mul3A_28 : i32
      %swap3A = arith.index_cast %add3A_29 : i32 to index
      %swap3A_30 = arith.constant 0 : index
      %swap3A_31 = tpu.vector_load %arg10[%swap3A, %swap3A_30] {strides = array<i32>} : memref<200x128xf32, #tpu.memory_space<vmem>>, vector<1x16xf32>,
      %swap3A_32 = vector.shape_cast %swap3A_31 : vector<1x16xf32> to vector<16xf32>
      %swap3A_33 = vector.shape_cast %broadcast_in_dim3A_1 : vector<16xf32> to vector<1x16xf32>
      tpu.vector_store %arg10[%swap3A, %swap3A_30], %swap3A_33 {strides = array<i32>} : memref<200x128xf32, #tpu.memory_space<vmem>>, vector<1x16xf32>,
      %swap3A_34 = arith.index_cast %add3A_29 : i32 to index
      %swap3A_35 = arith.constant 16 : index
      %swap3A_36 = tpu.vector_load %arg10[%swap3A_34, %swap3A_35] {strides = array<i32>} : memref<200x128xf32, #tpu.memory_space<vmem>>, vector<1x16xf32>,
      %swap3A_37 = vector.shape_cast %swap3A_36 : vector<1x16xf32> to vector<16xf32>
      %swap3A_38 = vector.shape_cast %broadcast_in_dim3A_1 : vector<16xf32> to vector<1x16xf32>
      tpu.vector_store %arg10[%swap3A_34, %swap3A_35], %swap3A_38 {strides = array<i32>} : memref<200x128xf32, #tpu.memory_space<vmem>>, vector<1x16xf32>,
      %swap3A_39 = arith.index_cast %add3A_29 : i32 to index
      %swap3A_40 = arith.constant 32 : index
      %swap3A_41 = tpu.vector_load %arg10[%swap3A_39, %swap3A_40] {strides = array<i32>} : memref<200x128xf32, #tpu.memory_space<vmem>>, vector<1x16xf32>,
      %swap3A_42 = vector.shape_cast %swap3A_41 : vector<1x16xf32> to vector<16xf32>
      %swap3A_43 = vector.shape_cast %broadcast_in_dim3A_1 : vector<16xf32> to vector<1x16xf32>
      tpu.vector_store %arg10[%swap3A_39, %swap3A_40], %swap3A_43 {strides = array<i32>} : memref<200x128xf32, #tpu.memory_space<vmem>>, vector<1x16xf32>,
      %swap3A_44 = arith.index_cast %add3A_29 : i32 to index
      %swap3A_45 = arith.constant 48 : index
      %swap3A_46 = tpu.vector_load %arg10[%swap3A_44, %swap3A_45] {strides = array<i32>} : memref<200x128xf32, #tpu.memory_space<vmem>>, vector<1x16xf32>,
      %swap3A_47 = vector.shape_cast %swap3A_46 : vector<1x16xf32> to vector<16xf32>
      %swap3A_48 = vector.shape_cast %broadcast_in_dim3A_1 : vector<16xf32> to vector<1x16xf32>
      tpu.vector_store %arg10[%swap3A_44, %swap3A_45], %swap3A_48 {strides = array<i32>} : memref<200x128xf32, #tpu.memory_space<vmem>>, vector<1x16xf32>,
      %swap3A_49 = arith.index_cast %add3A_29 : i32 to index
      %swap3A_50 = arith.constant 64 : index
      %swap3A_51 = tpu.vector_load %arg10[%swap3A_49, %swap3A_50] {strides = array<i32>} : memref<200x128xf32, #tpu.memory_space<vmem>>, vector<1x16xf32>,
      %swap3A_52 = vector.shape_cast %swap3A_51 : vector<1x16xf32> to vector<16xf32>
      %swap3A_53 = vector.shape_cast %broadcast_in_dim3A_1 : vector<16xf32> to vector<1x16xf32>
      tpu.vector_store %arg10[%swap3A_49, %swap3A_50], %swap3A_53 {strides = array<i32>} : memref<200x128xf32, #tpu.memory_space<vmem>>, vector<1x16xf32>,
      %swap3A_54 = arith.index_cast %add3A_29 : i32 to index
      %swap3A_55 = arith.constant 80 : index
      %swap3A_56 = tpu.vector_load %arg10[%swap3A_54, %swap3A_55] {strides = array<i32>} : memref<200x128xf32, #tpu.memory_space<vmem>>, vector<1x16xf32>,
      %swap3A_57 = vector.shape_cast %swap3A_56 : vector<1x16xf32> to vector<16xf32>
      %swap3A_58 = vector.shape_cast %broadcast_in_dim3A_1 : vector<16xf32> to vector<1x16xf32>
      tpu.vector_store %arg10[%swap3A_54, %swap3A_55], %swap3A_58 {strides = array<i32>} : memref<200x128xf32, #tpu.memory_space<vmem>>, vector<1x16xf32>,
      %swap3A_59 = arith.index_cast %add3A_29 : i32 to index
      %swap3A_60 = arith.constant 96 : index
      %swap3A_61 = tpu.vector_load %arg10[%swap3A_59, %swap3A_60] {strides = array<i32>} : memref<200x128xf32, #tpu.memory_space<vmem>>, vector<1x16xf32>,
      %swap3A_62 = vector.shape_cast %swap3A_61 : vector<1x16xf32> to vector<16xf32>
      %swap3A_63 = vector.shape_cast %broadcast_in_dim3A_1 : vector<16xf32> to vector<1x16xf32>
      tpu.vector_store %arg10[%swap3A_59, %swap3A_60], %swap3A_63 {strides = array<i32>} : memref<200x128xf32, #tpu.memory_space<vmem>>, vector<1x16xf32>,
      %swap3A_64 = arith.index_cast %add3A_29 : i32 to index
      %swap3A_65 = arith.constant 112 : index
      %swap3A_66 = tpu.vector_load %arg10[%swap3A_64, %swap3A_65] {strides = array<i32>} : memref<200x128xf32, #tpu.memory_space<vmem>>, vector<1x16xf32>,
      %swap3A_67 = vector.shape_cast %swap3A_66 : vector<1x16xf32> to vector<16xf32>
      %swap3A_68 = vector.shape_cast %broadcast_in_dim3A_1 : vector<16xf32> to vector<1x16xf32>
      tpu.vector_store %arg10[%swap3A_64, %swap3A_65], %swap3A_68 {strides = array<i32>} : memref<200x128xf32, #tpu.memory_space<vmem>>, vector<1x16xf32>,
    }
    %scan3A_5 = arith.constant 200 : i32
    %lt3A = arith.constant 5 : i32
    %lt3A_6 = arith.cmpi slt, %arg1, %lt3A : i32
    %convert_element_type3A = arith.extui %lt3A_6 : i1 to i32
    %cond3A = arith.constant 0 : i32
    %cond3A_7 = arith.cmpi ne, %convert_element_type3A, %cond3A : i32
    scf.if %cond3A_7 {
      %scan3A_26 = arith.constant 0 : i32
      %scan3A_27 = arith.constant 5 : i32
      %scan3A_28 = arith.addi %scan3A_26, %scan3A_27 : i32
      %scan3A_29 = arith.constant 1 : i32
      scf.for %scan3A_31 = %scan3A_26 to %scan3A_28 step %scan3A_29  : i32 {
        %mul3A_32 = arith.constant 1 : i32
        %mul3A_33 = arith.muli %scan3A_31, %mul3A_32 : i32
        %add3A = arith.constant 0 : i32
        %add3A_34 = arith.addi %add3A, %mul3A_33 : i32
        %mul3A_35 = arith.constant 1000 : i32
        %mul3A_36 = arith.muli %arg1, %mul3A_35 : i32
        %mul3A_37 = arith.constant 200 : i32
        %mul3A_38 = arith.muli %add3A_34, %mul3A_37 : i32
        %add3A_39 = arith.addi %mul3A_36, %mul3A_38 : i32
        "tpu.region"() ({
          %run_scoped3A = tpu.sem_alloc : memref<!tpu.dma_semaphore, #tpu.memory_space<semaphore_mem>>
          %dma_start3A_40 = arith.constant 0 : i32
          %dma_start3A_41 = tpu.memref_slice %arg11[%add3A_39, %dma_start3A_40] : memref<5008x128xf32, #tpu.memory_space<vmem_shared>> -> memref<200x128xf32, #tpu.memory_space<vmem_shared>>
          %dma_start3A_42 = arith.constant 0 : i32
          %dma_start3A_43 = tpu.memref_slice %arg11[%add3A_39, %dma_start3A_42] : memref<5008x128xf32, #tpu.memory_space<vmem_shared>> -> memref<200x128xf32, #tpu.memory_space<vmem_shared>>
          tpu.enqueue_dma source(%arg10 : memref<200x128xf32, #tpu.memory_space<vmem>>) target(%dma_start3A_43 : memref<200x128xf32, #tpu.memory_space<vmem_shared>>) target_semaphore(%run_scoped3A : memref<!tpu.dma_semaphore, #tpu.memory_space<semaphore_mem>>)
          %dma_wait3A = arith.constant 0 : i32
          %dma_wait3A_44 = tpu.memref_slice %arg11[%add3A_39, %dma_wait3A] : memref<5008x128xf32, #tpu.memory_space<vmem_shared>> -> memref<200x128xf32, #tpu.memory_space<vmem_shared>>
          %dma_wait3A_45 = arith.constant 0 : i32
          %dma_wait3A_46 = tpu.memref_slice %arg11[%add3A_39, %dma_wait3A_45] : memref<5008x128xf32, #tpu.memory_space<vmem_shared>> -> memref<200x128xf32, #tpu.memory_space<vmem_shared>>
          tpu.wait_dma2 semaphore(%run_scoped3A : memref<!tpu.dma_semaphore, #tpu.memory_space<semaphore_mem>>) src(%arg10 : memref<200x128xf32, #tpu.memory_space<vmem>>) dst(%dma_wait3A_46 : memref<200x128xf32, #tpu.memory_space<vmem_shared>>)
          tpu.yield
        }) : () -> ()
      }
      %scan3A_30 = arith.constant 5 : i32
    } else {
    }
    %barrier3A = arith.constant 0 : index
    tpu.barrier barrier_id(%barrier3A)
    %mul3A_8 = arith.constant 128 : i32
    %mul3A_9 = arith.muli %arg1, %mul3A_8 : i32
    %dma_start3A = tpu.memref_slice %arg3[%mul3A_9] : memref<160000xi32, #tpu.memory_space<hbm>> -> memref<128xi32, #tpu.memory_space<hbm>>
    %dma_start3A_10 = tpu.memref_slice %arg3[%mul3A_9] : memref<160000xi32, #tpu.memory_space<hbm>> -> memref<128xi32, #tpu.memory_space<hbm>>
    tpu.enqueue_dma source(%dma_start3A_10 : memref<128xi32, #tpu.memory_space<hbm>>) target(%arg5 : memref<128xi32, #tpu.memory_space<vmem>>) target_semaphore(%arg12 : memref<!tpu.dma_semaphore, #tpu.memory_space<semaphore_mem>>)
    %dma_start3A_11 = arith.constant 0 : i32
    %dma_start3A_12 = tpu.memref_slice %arg2[%mul3A_9, %dma_start3A_11] : memref<160000x128xf32, #tpu.memory_space<hbm>> -> memref<128x128xf32, #tpu.memory_space<hbm>>
    %dma_start3A_13 = arith.constant 0 : i32
    %dma_start3A_14 = tpu.memref_slice %arg2[%mul3A_9, %dma_start3A_13] : memref<160000x128xf32, #tpu.memory_space<hbm>> -> memref<128x128xf32, #tpu.memory_space<hbm>>
    tpu.enqueue_dma source(%dma_start3A_14 : memref<128x128xf32, #tpu.memory_space<hbm>>) target(%arg8 : memref<128x128xf32, #tpu.memory_space<vmem>>) target_semaphore(%arg12 : memref<!tpu.dma_semaphore, #tpu.memory_space<semaphore_mem>>)
    %scan3A_15 = arith.constant 0 : i32
    %scan3A_16 = arith.constant 40 : i32
    %scan3A_17 = arith.addi %scan3A_15, %scan3A_16 : i32
    %scan3A_18 = arith.constant 1 : i32
    scf.for %scan3A_26 = %scan3A_15 to %scan3A_17 step %scan3A_18  : i32 {
      %mul3A_27 = arith.constant 1 : i32
      %mul3A_28 = arith.muli %scan3A_26, %mul3A_27 : i32
      %add3A = arith.constant 0 : i32
      %add3A_29 = arith.addi %add3A, %mul3A_28 : i32
      %mul3A_30 = arith.constant 2 : i32
      %mul3A_31 = arith.muli %mul3A_30, %add3A_29 : i32
      %mul3A_32 = arith.constant 16 : i32
      %mul3A_33 = arith.muli %mul3A_31, %mul3A_32 : i32
      %add3A_34 = arith.addi %mul3A_33, %arg1 : i32
      %add3A_35 = arith.constant 16 : i32
      %add3A_36 = arith.addi %add3A_34, %add3A_35 : i32
      %add3A_37 = arith.constant 16 : i32
      %add3A_38 = arith.addi %add3A_36, %add3A_37 : i32
      %lt3A_39 = arith.constant 1250 : i32
      %lt3A_40 = arith.cmpi slt, %add3A_36, %lt3A_39 : i32
      %convert_element_type3A_41 = arith.extui %lt3A_40 : i1 to i32
      %cond3A_42 = arith.constant 0 : i32
      %cond3A_43 = arith.cmpi ne, %convert_element_type3A_41, %cond3A_42 : i32
      scf.if %cond3A_43 {
        %mul3A_59 = arith.constant 128 : i32
        %mul3A_60 = arith.muli %add3A_36, %mul3A_59 : i32
        %dma_start3A_61 = tpu.memref_slice %arg3[%mul3A_60] : memref<160000xi32, #tpu.memory_space<hbm>> -> memref<128xi32, #tpu.memory_space<hbm>>
        %dma_start3A_62 = tpu.memref_slice %arg3[%mul3A_60] : memref<160000xi32, #tpu.memory_space<hbm>> -> memref<128xi32, #tpu.memory_space<hbm>>
        tpu.enqueue_dma source(%dma_start3A_62 : memref<128xi32, #tpu.memory_space<hbm>>) target(%arg6 : memref<128xi32, #tpu.memory_space<vmem>>) target_semaphore(%arg13 : memref<!tpu.dma_semaphore, #tpu.memory_space<semaphore_mem>>)
        %dma_start3A_63 = arith.constant 0 : i32
        %dma_start3A_64 = tpu.memref_slice %arg2[%mul3A_60, %dma_start3A_63] : memref<160000x128xf32, #tpu.memory_space<hbm>> -> memref<128x128xf32, #tpu.memory_space<hbm>>
        %dma_start3A_65 = arith.constant 0 : i32
        %dma_start3A_66 = tpu.memref_slice %arg2[%mul3A_60, %dma_start3A_65] : memref<160000x128xf32, #tpu.memory_space<hbm>> -> memref<128x128xf32, #tpu.memory_space<hbm>>
        tpu.enqueue_dma source(%dma_start3A_66 : memref<128x128xf32, #tpu.memory_space<hbm>>) target(%arg9 : memref<128x128xf32, #tpu.memory_space<vmem>>) target_semaphore(%arg13 : memref<!tpu.dma_semaphore, #tpu.memory_space<semaphore_mem>>)
      } else {
      }
      %lt3A_44 = arith.constant 1250 : i32
      %lt3A_45 = arith.cmpi slt, %add3A_34, %lt3A_44 : i32
      %convert_element_type3A_46 = arith.extui %lt3A_45 : i1 to i32
      %cond3A_47 = arith.constant 0 : i32
      %cond3A_48 = arith.cmpi ne, %convert_element_type3A_46, %cond3A_47 : i32
      scf.if %cond3A_48 {
        %mul3A_59 = arith.constant 128 : i32
        %mul3A_60 = arith.muli %add3A_34, %mul3A_59 : i32
        %dma_wait3A = tpu.memref_slice %arg3[%mul3A_60] : memref<160000xi32, #tpu.memory_space<hbm>> -> memref<128xi32, #tpu.memory_space<hbm>>
        %dma_wait3A_61 = tpu.memref_slice %arg3[%mul3A_60] : memref<160000xi32, #tpu.memory_space<hbm>> -> memref<128xi32, #tpu.memory_space<hbm>>
        tpu.wait_dma2 semaphore(%arg12 : memref<!tpu.dma_semaphore, #tpu.memory_space<semaphore_mem>>) src(%dma_wait3A_61 : memref<128xi32, #tpu.memory_space<hbm>>) dst(%arg5 : memref<128xi32, #tpu.memory_space<vmem>>)
        %dma_wait3A_62 = arith.constant 0 : i32
        %dma_wait3A_63 = tpu.memref_slice %arg2[%mul3A_60, %dma_wait3A_62] : memref<160000x128xf32, #tpu.memory_space<hbm>> -> memref<128x128xf32, #tpu.memory_space<hbm>>
        %dma_wait3A_64 = arith.constant 0 : i32
        %dma_wait3A_65 = tpu.memref_slice %arg2[%mul3A_60, %dma_wait3A_64] : memref<160000x128xf32, #tpu.memory_space<hbm>> -> memref<128x128xf32, #tpu.memory_space<hbm>>
        tpu.wait_dma2 semaphore(%arg12 : memref<!tpu.dma_semaphore, #tpu.memory_space<semaphore_mem>>) src(%dma_wait3A_65 : memref<128x128xf32, #tpu.memory_space<hbm>>) dst(%arg8 : memref<128x128xf32, #tpu.memory_space<vmem>>)
        %scan3A_66 = arith.constant 0 : i32
        %scan3A_67 = arith.constant 8 : i32
        %scan3A_68 = arith.addi %scan3A_66, %scan3A_67 : i32
        %scan3A_69 = arith.constant 1 : i32
        scf.for %scan3A_71 = %scan3A_66 to %scan3A_68 step %scan3A_69  : i32 {
          %mul3A_72 = arith.constant 16 : i32
          %mul3A_73 = arith.muli %scan3A_71, %mul3A_72 : i32
          %add3A_74 = arith.constant 0 : i32
          %add3A_75 = arith.addi %add3A_74, %mul3A_73 : i32
          %get3A = arith.index_cast %add3A_75 : i32 to index
          %get3A_76 = tpu.vector_load %arg5[%get3A] {strides = array<i32>} : memref<128xi32, #tpu.memory_space<vmem>>, vector<16xi32>,
          %get3A_77 = vector.shape_cast %get3A_76 : vector<16xi32> to vector<16xi32>
          %sub3A = vector.broadcast %mul3A_0 : i32 to vector<16xi32>
          %sub3A_78 = arith.subi %get3A_77, %sub3A : vector<16xi32>
          %ge3A = arith.constant 0 : i32
          %ge3A_79 = vector.broadcast %ge3A : i32 to vector<16xi32>
          %ge3A_80 = arith.cmpi sge, %sub3A_78, %ge3A_79 : vector<16xi32>
          %lt3A_81 = arith.constant 5000 : i32
          %lt3A_82 = vector.broadcast %lt3A_81 : i32 to vector<16xi32>
          %lt3A_83 = arith.cmpi slt, %sub3A_78, %lt3A_82 : vector<16xi32>
          %and3A = arith.andi %ge3A_80, %lt3A_83 : vector<16xi1>
          %jit3A = arith.constant 5000 : i32
          %broadcast_in_dim3A_84 = vector.broadcast %jit3A : i32 to vector<16xi32>
          %select_n3A = arith.select %and3A, %sub3A_78, %broadcast_in_dim3A_84 : vector<16xi1>, vector<16xi32>
          %swap3A = arith.index_cast %add3A_75 : i32 to index
          %swap3A_85 = tpu.vector_load %arg7[%swap3A] {strides = array<i32>} : memref<128xi32, #tpu.memory_space<vmem>>, vector<16xi32>,
          %swap3A_86 = vector.shape_cast %swap3A_85 : vector<16xi32> to vector<16xi32>
          %swap3A_87 = vector.shape_cast %select_n3A : vector<16xi32> to vector<16xi32>
          tpu.vector_store %arg7[%swap3A], %swap3A_87 {strides = array<i32>} : memref<128xi32, #tpu.memory_space<vmem>>, vector<16xi32>,
        }
        %scan3A_70 = arith.constant 8 : i32
        "tpu.region"() ({
          %run_scoped3A = tpu.sem_alloc : memref<!tpu.dma_semaphore, #tpu.memory_space<semaphore_mem>>
          %dma_start3A_71 = arith.constant 0 : i32
          %dma_start3A_72 = arith.constant 0 : i32
          %dma_start3A_73 = tpu.memref_slice %arg11[%dma_start3A_71, %dma_start3A_72] : memref<5008x128xf32, #tpu.memory_space<vmem_shared>> -> memref<5008x128xf32, #tpu.memory_space<vmem_shared>>
          tpu.enqueue_indirect_dma source(%arg8 : memref<128x128xf32, #tpu.memory_space<vmem>>) target(%dma_start3A_73 : memref<5008x128xf32, #tpu.memory_space<vmem_shared>>) offsets(%arg7 : memref<128xi32, #tpu.memory_space<vmem>>) semaphore(%run_scoped3A : memref<!tpu.dma_semaphore, #tpu.memory_space<semaphore_mem>>) {add = true}
          %dma_wait3A_74 = arith.constant 0 : i32
          %dma_wait3A_75 = arith.constant 0 : i32
          %dma_wait3A_76 = tpu.memref_slice %arg11[%dma_wait3A_74, %dma_wait3A_75] : memref<5008x128xf32, #tpu.memory_space<vmem_shared>> -> memref<5008x128xf32, #tpu.memory_space<vmem_shared>>
          tpu.wait_indirect_dma semaphore(%run_scoped3A : memref<!tpu.dma_semaphore, #tpu.memory_space<semaphore_mem>>) src(%arg8 : memref<128x128xf32, #tpu.memory_space<vmem>>) dst(%dma_wait3A_76 : memref<5008x128xf32, #tpu.memory_space<vmem_shared>>)
          tpu.yield
        }) : () -> ()
      } else {
      }
      %lt3A_49 = arith.constant 1250 : i32
      %lt3A_50 = arith.cmpi slt, %add3A_38, %lt3A_49 : i32
      %convert_element_type3A_51 = arith.extui %lt3A_50 : i1 to i32
      %cond3A_52 = arith.constant 0 : i32
      %cond3A_53 = arith.cmpi ne, %convert_element_type3A_51, %cond3A_52 : i32
      scf.if %cond3A_53 {
        %mul3A_59 = arith.constant 128 : i32
        %mul3A_60 = arith.muli %add3A_38, %mul3A_59 : i32
        %dma_start3A_61 = tpu.memref_slice %arg3[%mul3A_60] : memref<160000xi32, #tpu.memory_space<hbm>> -> memref<128xi32, #tpu.memory_space<hbm>>
        %dma_start3A_62 = tpu.memref_slice %arg3[%mul3A_60] : memref<160000xi32, #tpu.memory_space<hbm>> -> memref<128xi32, #tpu.memory_space<hbm>>
        tpu.enqueue_dma source(%dma_start3A_62 : memref<128xi32, #tpu.memory_space<hbm>>) target(%arg5 : memref<128xi32, #tpu.memory_space<vmem>>) target_semaphore(%arg12 : memref<!tpu.dma_semaphore, #tpu.memory_space<semaphore_mem>>)
        %dma_start3A_63 = arith.constant 0 : i32
        %dma_start3A_64 = tpu.memref_slice %arg2[%mul3A_60, %dma_start3A_63] : memref<160000x128xf32, #tpu.memory_space<hbm>> -> memref<128x128xf32, #tpu.memory_space<hbm>>
        %dma_start3A_65 = arith.constant 0 : i32
        %dma_start3A_66 = tpu.memref_slice %arg2[%mul3A_60, %dma_start3A_65] : memref<160000x128xf32, #tpu.memory_space<hbm>> -> memref<128x128xf32, #tpu.memory_space<hbm>>
        tpu.enqueue_dma source(%dma_start3A_66 : memref<128x128xf32, #tpu.memory_space<hbm>>) target(%arg8 : memref<128x128xf32, #tpu.memory_space<vmem>>) target_semaphore(%arg12 : memref<!tpu.dma_semaphore, #tpu.memory_space<semaphore_mem>>)
      } else {
      }
      %lt3A_54 = arith.constant 1250 : i32
      %lt3A_55 = arith.cmpi slt, %add3A_36, %lt3A_54 : i32
      %convert_element_type3A_56 = arith.extui %lt3A_55 : i1 to i32
      %cond3A_57 = arith.constant 0 : i32
      %cond3A_58 = arith.cmpi ne, %convert_element_type3A_56, %cond3A_57 : i32
      scf.if %cond3A_58 {
        %mul3A_59 = arith.constant 128 : i32
        %mul3A_60 = arith.muli %add3A_36, %mul3A_59 : i32
        %dma_wait3A = tpu.memref_slice %arg3[%mul3A_60] : memref<160000xi32, #tpu.memory_space<hbm>> -> memref<128xi32, #tpu.memory_space<hbm>>
        %dma_wait3A_61 = tpu.memref_slice %arg3[%mul3A_60] : memref<160000xi32, #tpu.memory_space<hbm>> -> memref<128xi32, #tpu.memory_space<hbm>>
        tpu.wait_dma2 semaphore(%arg13 : memref<!tpu.dma_semaphore, #tpu.memory_space<semaphore_mem>>) src(%dma_wait3A_61 : memref<128xi32, #tpu.memory_space<hbm>>) dst(%arg6 : memref<128xi32, #tpu.memory_space<vmem>>)
        %dma_wait3A_62 = arith.constant 0 : i32
        %dma_wait3A_63 = tpu.memref_slice %arg2[%mul3A_60, %dma_wait3A_62] : memref<160000x128xf32, #tpu.memory_space<hbm>> -> memref<128x128xf32, #tpu.memory_space<hbm>>
        %dma_wait3A_64 = arith.constant 0 : i32
        %dma_wait3A_65 = tpu.memref_slice %arg2[%mul3A_60, %dma_wait3A_64] : memref<160000x128xf32, #tpu.memory_space<hbm>> -> memref<128x128xf32, #tpu.memory_space<hbm>>
        tpu.wait_dma2 semaphore(%arg13 : memref<!tpu.dma_semaphore, #tpu.memory_space<semaphore_mem>>) src(%dma_wait3A_65 : memref<128x128xf32, #tpu.memory_space<hbm>>) dst(%arg9 : memref<128x128xf32, #tpu.memory_space<vmem>>)
        %scan3A_66 = arith.constant 0 : i32
        %scan3A_67 = arith.constant 8 : i32
        %scan3A_68 = arith.addi %scan3A_66, %scan3A_67 : i32
        %scan3A_69 = arith.constant 1 : i32
        scf.for %scan3A_71 = %scan3A_66 to %scan3A_68 step %scan3A_69  : i32 {
          %mul3A_72 = arith.constant 16 : i32
          %mul3A_73 = arith.muli %scan3A_71, %mul3A_72 : i32
          %add3A_74 = arith.constant 0 : i32
          %add3A_75 = arith.addi %add3A_74, %mul3A_73 : i32
          %get3A = arith.index_cast %add3A_75 : i32 to index
          %get3A_76 = tpu.vector_load %arg6[%get3A] {strides = array<i32>} : memref<128xi32, #tpu.memory_space<vmem>>, vector<16xi32>,
          %get3A_77 = vector.shape_cast %get3A_76 : vector<16xi32> to vector<16xi32>
          %sub3A = vector.broadcast %mul3A_0 : i32 to vector<16xi32>
          %sub3A_78 = arith.subi %get3A_77, %sub3A : vector<16xi32>
          %ge3A = arith.constant 0 : i32
          %ge3A_79 = vector.broadcast %ge3A : i32 to vector<16xi32>
          %ge3A_80 = arith.cmpi sge, %sub3A_78, %ge3A_79 : vector<16xi32>
          %lt3A_81 = arith.constant 5000 : i32
          %lt3A_82 = vector.broadcast %lt3A_81 : i32 to vector<16xi32>
          %lt3A_83 = arith.cmpi slt, %sub3A_78, %lt3A_82 : vector<16xi32>
          %and3A = arith.andi %ge3A_80, %lt3A_83 : vector<16xi1>
          %jit3A = arith.constant 5000 : i32
          %broadcast_in_dim3A_84 = vector.broadcast %jit3A : i32 to vector<16xi32>
          %select_n3A = arith.select %and3A, %sub3A_78, %broadcast_in_dim3A_84 : vector<16xi1>, vector<16xi32>
          %swap3A = arith.index_cast %add3A_75 : i32 to index
          %swap3A_85 = tpu.vector_load %arg7[%swap3A] {strides = array<i32>} : memref<128xi32, #tpu.memory_space<vmem>>, vector<16xi32>,
          %swap3A_86 = vector.shape_cast %swap3A_85 : vector<16xi32> to vector<16xi32>
          %swap3A_87 = vector.shape_cast %select_n3A : vector<16xi32> to vector<16xi32>
          tpu.vector_store %arg7[%swap3A], %swap3A_87 {strides = array<i32>} : memref<128xi32, #tpu.memory_space<vmem>>, vector<16xi32>,
        }
        %scan3A_70 = arith.constant 8 : i32
        "tpu.region"() ({
          %run_scoped3A = tpu.sem_alloc : memref<!tpu.dma_semaphore, #tpu.memory_space<semaphore_mem>>
          %dma_start3A_71 = arith.constant 0 : i32
          %dma_start3A_72 = arith.constant 0 : i32
          %dma_start3A_73 = tpu.memref_slice %arg11[%dma_start3A_71, %dma_start3A_72] : memref<5008x128xf32, #tpu.memory_space<vmem_shared>> -> memref<5008x128xf32, #tpu.memory_space<vmem_shared>>
          tpu.enqueue_indirect_dma source(%arg9 : memref<128x128xf32, #tpu.memory_space<vmem>>) target(%dma_start3A_73 : memref<5008x128xf32, #tpu.memory_space<vmem_shared>>) offsets(%arg7 : memref<128xi32, #tpu.memory_space<vmem>>) semaphore(%run_scoped3A : memref<!tpu.dma_semaphore, #tpu.memory_space<semaphore_mem>>) {add = true}
          %dma_wait3A_74 = arith.constant 0 : i32
          %dma_wait3A_75 = arith.constant 0 : i32
          %dma_wait3A_76 = tpu.memref_slice %arg11[%dma_wait3A_74, %dma_wait3A_75] : memref<5008x128xf32, #tpu.memory_space<vmem_shared>> -> memref<5008x128xf32, #tpu.memory_space<vmem_shared>>
          tpu.wait_indirect_dma semaphore(%run_scoped3A : memref<!tpu.dma_semaphore, #tpu.memory_space<semaphore_mem>>) src(%arg9 : memref<128x128xf32, #tpu.memory_space<vmem>>) dst(%dma_wait3A_76 : memref<5008x128xf32, #tpu.memory_space<vmem_shared>>)
          tpu.yield
        }) : () -> ()
      } else {
      }
    }
    %scan3A_19 = arith.constant 40 : i32
    %barrier3A_20 = arith.constant 0 : index
    tpu.barrier barrier_id(%barrier3A_20)
    %lt3A_21 = arith.constant 5 : i32
    %lt3A_22 = arith.cmpi slt, %arg1, %lt3A_21 : i32
    %convert_element_type3A_23 = arith.extui %lt3A_22 : i1 to i32
    %cond3A_24 = arith.constant 0 : i32
    %cond3A_25 = arith.cmpi ne, %convert_element_type3A_23, %cond3A_24 : i32
    scf.if %cond3A_25 {
      %mul3A_26 = arith.constant 1000 : i32
      %mul3A_27 = arith.muli %arg1, %mul3A_26 : i32
      %add3A = arith.addi %mul3A_0, %mul3A_27 : i32
      "tpu.region"() ({
        %run_scoped3A = tpu.sem_alloc : memref<!tpu.dma_semaphore, #tpu.memory_space<semaphore_mem>>
        %dma_start3A_28 = arith.constant 0 : i32
        %dma_start3A_29 = tpu.memref_slice %arg4[%add3A, %dma_start3A_28] : memref<10000x128xf32, #tpu.memory_space<hbm>> -> memref<1000x128xf32, #tpu.memory_space<hbm>>
        %dma_start3A_30 = arith.constant 0 : i32
        %dma_start3A_31 = tpu.memref_slice %arg11[%mul3A_27, %dma_start3A_30] : memref<5008x128xf32, #tpu.memory_space<vmem_shared>> -> memref<1000x128xf32, #tpu.memory_space<vmem_shared>>
        tpu.enqueue_dma source(%dma_start3A_31 : memref<1000x128xf32, #tpu.memory_space<vmem_shared>>) target(%dma_start3A_29 : memref<1000x128xf32, #tpu.memory_space<hbm>>) target_semaphore(%run_scoped3A : memref<!tpu.dma_semaphore, #tpu.memory_space<semaphore_mem>>)
        %dma_wait3A = arith.constant 0 : i32
        %dma_wait3A_32 = tpu.memref_slice %arg4[%add3A, %dma_wait3A] : memref<10000x128xf32, #tpu.memory_space<hbm>> -> memref<1000x128xf32, #tpu.memory_space<hbm>>
        %dma_wait3A_33 = arith.constant 0 : i32
        %dma_wait3A_34 = tpu.memref_slice %arg11[%mul3A_27, %dma_wait3A_33] : memref<5008x128xf32, #tpu.memory_space<vmem_shared>> -> memref<1000x128xf32, #tpu.memory_space<vmem_shared>>
        tpu.wait_dma2 semaphore(%run_scoped3A : memref<!tpu.dma_semaphore, #tpu.memory_space<semaphore_mem>>) src(%dma_wait3A_34 : memref<1000x128xf32, #tpu.memory_space<vmem_shared>>) dst(%dma_wait3A_32 : memref<1000x128xf32, #tpu.memory_space<hbm>>)
        tpu.yield
      }) : () -> ()
    } else {
    }
    return
  }
}

#map = affine_map<(d0, d1) -> (0, 0)>
#map1 = affine_map<(d0, d1) -> (0)>
module attributes {stable_mosaic.version = 14 : i64} {
  func.func @_kern(%arg0: i32, %arg1: i32, %arg2: memref<10000x128xf32, #tpu.memory_space<hbm>>, %arg3: memref<10000x128xf32, #tpu.memory_space<hbm>>, %arg4: memref<10000x128xf32, #tpu.memory_space<hbm>>, %arg5: memref<160000xi32, #tpu.memory_space<hbm>>, %arg6: memref<160000xi32, #tpu.memory_space<hbm>>, %arg7: memref<160000x128xf32, #tpu.memory_space<hbm>>, %arg8: memref<160000x128xf32, #tpu.memory_space<hbm>>, %arg9: memref<128xi32, #tpu.memory_space<vmem>>, %arg10: memref<128xi32, #tpu.memory_space<vmem>>, %arg11: memref<128xi32, #tpu.memory_space<vmem>>, %arg12: memref<128xi32, #tpu.memory_space<vmem>>, %arg13: memref<128x128xf32, #tpu.memory_space<vmem>>, %arg14: memref<128x128xf32, #tpu.memory_space<vmem>>, %arg15: memref<128x128xf32, #tpu.memory_space<vmem>>, %arg16: memref<128x128xf32, #tpu.memory_space<vmem>>, %arg17: memref<128x128xf32, #tpu.memory_space<vmem>>, %arg18: memref<128x128xf32, #tpu.memory_space<vmem>>, %arg19: memref<!tpu.dma_semaphore, #tpu.memory_space<semaphore_mem>>, %arg20: memref<!tpu.dma_semaphore, #tpu.memory_space<semaphore_mem>>, %arg21: memref<!tpu.dma_semaphore, #tpu.memory_space<semaphore_mem>>) attributes {dimension_semantics = [#tpu.dimension_semantics<core_parallel>, #tpu.dimension_semantics<subcore_parallel>], iteration_bounds = array<i64: 2, 16>, scalar_prefetch = 0 : i64, scratch_operands = 13 : i64, tpu.core_type = #tpu.core_type<sc_vector_subcore>, window_params = [{transform_indices = #map}, {transform_indices = #map}, {transform_indices = #map}, {transform_indices = #map1}, {transform_indices = #map1}, {transform_indices = #map}, {transform_indices = #map}]} {
    %mul3A = arith.constant 2 : i32
    %mul3A_0 = arith.muli %arg1, %mul3A : i32
    %add3A = arith.addi %mul3A_0, %arg0 : i32
    %mul3A_1 = arith.constant 128 : i32
    %mul3A_2 = arith.muli %add3A, %mul3A_1 : i32
    "tpu.region"() ({
      %run_scoped3A = tpu.sem_alloc : memref<!tpu.dma_semaphore, #tpu.memory_space<semaphore_mem>>
      %dma_start3A_15 = tpu.memref_slice %arg5[%mul3A_2] : memref<160000xi32, #tpu.memory_space<hbm>> -> memref<128xi32, #tpu.memory_space<hbm>>
      %dma_start3A_16 = tpu.memref_slice %arg5[%mul3A_2] : memref<160000xi32, #tpu.memory_space<hbm>> -> memref<128xi32, #tpu.memory_space<hbm>>
      tpu.enqueue_dma source(%dma_start3A_16 : memref<128xi32, #tpu.memory_space<hbm>>) target(%arg9 : memref<128xi32, #tpu.memory_space<vmem>>) target_semaphore(%run_scoped3A : memref<!tpu.dma_semaphore, #tpu.memory_space<semaphore_mem>>)
      %dma_wait3A = tpu.memref_slice %arg5[%mul3A_2] : memref<160000xi32, #tpu.memory_space<hbm>> -> memref<128xi32, #tpu.memory_space<hbm>>
      %dma_wait3A_17 = tpu.memref_slice %arg5[%mul3A_2] : memref<160000xi32, #tpu.memory_space<hbm>> -> memref<128xi32, #tpu.memory_space<hbm>>
      tpu.wait_dma2 semaphore(%run_scoped3A : memref<!tpu.dma_semaphore, #tpu.memory_space<semaphore_mem>>) src(%dma_wait3A_17 : memref<128xi32, #tpu.memory_space<hbm>>) dst(%arg9 : memref<128xi32, #tpu.memory_space<vmem>>)
      tpu.yield
    }) : () -> ()
    "tpu.region"() ({
      %run_scoped3A = tpu.sem_alloc : memref<!tpu.dma_semaphore, #tpu.memory_space<semaphore_mem>>
      %dma_start3A_15 = tpu.memref_slice %arg6[%mul3A_2] : memref<160000xi32, #tpu.memory_space<hbm>> -> memref<128xi32, #tpu.memory_space<hbm>>
      %dma_start3A_16 = tpu.memref_slice %arg6[%mul3A_2] : memref<160000xi32, #tpu.memory_space<hbm>> -> memref<128xi32, #tpu.memory_space<hbm>>
      tpu.enqueue_dma source(%dma_start3A_16 : memref<128xi32, #tpu.memory_space<hbm>>) target(%arg10 : memref<128xi32, #tpu.memory_space<vmem>>) target_semaphore(%run_scoped3A : memref<!tpu.dma_semaphore, #tpu.memory_space<semaphore_mem>>)
      %dma_wait3A = tpu.memref_slice %arg6[%mul3A_2] : memref<160000xi32, #tpu.memory_space<hbm>> -> memref<128xi32, #tpu.memory_space<hbm>>
      %dma_wait3A_17 = tpu.memref_slice %arg6[%mul3A_2] : memref<160000xi32, #tpu.memory_space<hbm>> -> memref<128xi32, #tpu.memory_space<hbm>>
      tpu.wait_dma2 semaphore(%run_scoped3A : memref<!tpu.dma_semaphore, #tpu.memory_space<semaphore_mem>>) src(%dma_wait3A_17 : memref<128xi32, #tpu.memory_space<hbm>>) dst(%arg10 : memref<128xi32, #tpu.memory_space<vmem>>)
      tpu.yield
    }) : () -> ()
    %dma_start3A = arith.constant 0 : i32
    %dma_start3A_3 = arith.constant 0 : i32
    %dma_start3A_4 = tpu.memref_slice %arg3[%dma_start3A, %dma_start3A_3] : memref<10000x128xf32, #tpu.memory_space<hbm>> -> memref<10000x128xf32, #tpu.memory_space<hbm>>
    tpu.enqueue_indirect_dma source(%dma_start3A_4 : memref<10000x128xf32, #tpu.memory_space<hbm>>) target(%arg13 : memref<128x128xf32, #tpu.memory_space<vmem>>) offsets(%arg9 : memref<128xi32, #tpu.memory_space<vmem>>) semaphore(%arg19 : memref<!tpu.dma_semaphore, #tpu.memory_space<semaphore_mem>>)
    %dma_start3A_5 = arith.constant 0 : i32
    %dma_start3A_6 = arith.constant 0 : i32
    %dma_start3A_7 = tpu.memref_slice %arg2[%dma_start3A_5, %dma_start3A_6] : memref<10000x128xf32, #tpu.memory_space<hbm>> -> memref<10000x128xf32, #tpu.memory_space<hbm>>
    tpu.enqueue_indirect_dma source(%dma_start3A_7 : memref<10000x128xf32, #tpu.memory_space<hbm>>) target(%arg14 : memref<128x128xf32, #tpu.memory_space<vmem>>) offsets(%arg10 : memref<128xi32, #tpu.memory_space<vmem>>) semaphore(%arg19 : memref<!tpu.dma_semaphore, #tpu.memory_space<semaphore_mem>>)
    %dma_start3A_8 = arith.constant 0 : i32
    %dma_start3A_9 = arith.constant 0 : i32
    %dma_start3A_10 = tpu.memref_slice %arg4[%dma_start3A_8, %dma_start3A_9] : memref<10000x128xf32, #tpu.memory_space<hbm>> -> memref<10000x128xf32, #tpu.memory_space<hbm>>
    tpu.enqueue_indirect_dma source(%dma_start3A_10 : memref<10000x128xf32, #tpu.memory_space<hbm>>) target(%arg15 : memref<128x128xf32, #tpu.memory_space<vmem>>) offsets(%arg9 : memref<128xi32, #tpu.memory_space<vmem>>) semaphore(%arg19 : memref<!tpu.dma_semaphore, #tpu.memory_space<semaphore_mem>>)
    %scan3A = arith.constant 0 : i32
    %scan3A_11 = arith.constant 20 : i32
    %scan3A_12 = arith.addi %scan3A, %scan3A_11 : i32
    %scan3A_13 = arith.constant 1 : i32
    scf.for %scan3A_15 = %scan3A to %scan3A_12 step %scan3A_13  : i32 {
      %mul3A_16 = arith.constant 1 : i32
      %mul3A_17 = arith.muli %scan3A_15, %mul3A_16 : i32
      %add3A_18 = arith.constant 0 : i32
      %add3A_19 = arith.addi %add3A_18, %mul3A_17 : i32
      %mul3A_20 = arith.constant 2 : i32
      %mul3A_21 = arith.muli %mul3A_20, %add3A_19 : i32
      %mul3A_22 = arith.constant 32 : i32
      %mul3A_23 = arith.muli %mul3A_21, %mul3A_22 : i32
      %add3A_24 = arith.addi %mul3A_23, %add3A : i32
      %add3A_25 = arith.constant 32 : i32
      %add3A_26 = arith.addi %add3A_24, %add3A_25 : i32
      %add3A_27 = arith.constant 32 : i32
      %add3A_28 = arith.addi %add3A_26, %add3A_27 : i32
      %lt3A = arith.constant 1250 : i32
      %lt3A_29 = arith.cmpi slt, %add3A_26, %lt3A : i32
      %convert_element_type3A = arith.extui %lt3A_29 : i1 to i32
      %cond3A = arith.constant 0 : i32
      %cond3A_30 = arith.cmpi ne, %convert_element_type3A, %cond3A : i32
      scf.if %cond3A_30 {
        %mul3A_46 = arith.constant 128 : i32
        %mul3A_47 = arith.muli %add3A_26, %mul3A_46 : i32
        "tpu.region"() ({
          %run_scoped3A = tpu.sem_alloc : memref<!tpu.dma_semaphore, #tpu.memory_space<semaphore_mem>>
          %dma_start3A_57 = tpu.memref_slice %arg5[%mul3A_47] : memref<160000xi32, #tpu.memory_space<hbm>> -> memref<128xi32, #tpu.memory_space<hbm>>
          %dma_start3A_58 = tpu.memref_slice %arg5[%mul3A_47] : memref<160000xi32, #tpu.memory_space<hbm>> -> memref<128xi32, #tpu.memory_space<hbm>>
          tpu.enqueue_dma source(%dma_start3A_58 : memref<128xi32, #tpu.memory_space<hbm>>) target(%arg11 : memref<128xi32, #tpu.memory_space<vmem>>) target_semaphore(%run_scoped3A : memref<!tpu.dma_semaphore, #tpu.memory_space<semaphore_mem>>)
          %dma_wait3A = tpu.memref_slice %arg5[%mul3A_47] : memref<160000xi32, #tpu.memory_space<hbm>> -> memref<128xi32, #tpu.memory_space<hbm>>
          %dma_wait3A_59 = tpu.memref_slice %arg5[%mul3A_47] : memref<160000xi32, #tpu.memory_space<hbm>> -> memref<128xi32, #tpu.memory_space<hbm>>
          tpu.wait_dma2 semaphore(%run_scoped3A : memref<!tpu.dma_semaphore, #tpu.memory_space<semaphore_mem>>) src(%dma_wait3A_59 : memref<128xi32, #tpu.memory_space<hbm>>) dst(%arg11 : memref<128xi32, #tpu.memory_space<vmem>>)
          tpu.yield
        }) : () -> ()
        "tpu.region"() ({
          %run_scoped3A = tpu.sem_alloc : memref<!tpu.dma_semaphore, #tpu.memory_space<semaphore_mem>>
          %dma_start3A_57 = tpu.memref_slice %arg6[%mul3A_47] : memref<160000xi32, #tpu.memory_space<hbm>> -> memref<128xi32, #tpu.memory_space<hbm>>
          %dma_start3A_58 = tpu.memref_slice %arg6[%mul3A_47] : memref<160000xi32, #tpu.memory_space<hbm>> -> memref<128xi32, #tpu.memory_space<hbm>>
          tpu.enqueue_dma source(%dma_start3A_58 : memref<128xi32, #tpu.memory_space<hbm>>) target(%arg12 : memref<128xi32, #tpu.memory_space<vmem>>) target_semaphore(%run_scoped3A : memref<!tpu.dma_semaphore, #tpu.memory_space<semaphore_mem>>)
          %dma_wait3A = tpu.memref_slice %arg6[%mul3A_47] : memref<160000xi32, #tpu.memory_space<hbm>> -> memref<128xi32, #tpu.memory_space<hbm>>
          %dma_wait3A_59 = tpu.memref_slice %arg6[%mul3A_47] : memref<160000xi32, #tpu.memory_space<hbm>> -> memref<128xi32, #tpu.memory_space<hbm>>
          tpu.wait_dma2 semaphore(%run_scoped3A : memref<!tpu.dma_semaphore, #tpu.memory_space<semaphore_mem>>) src(%dma_wait3A_59 : memref<128xi32, #tpu.memory_space<hbm>>) dst(%arg12 : memref<128xi32, #tpu.memory_space<vmem>>)
          tpu.yield
        }) : () -> ()
        %dma_start3A_48 = arith.constant 0 : i32
        %dma_start3A_49 = arith.constant 0 : i32
        %dma_start3A_50 = tpu.memref_slice %arg3[%dma_start3A_48, %dma_start3A_49] : memref<10000x128xf32, #tpu.memory_space<hbm>> -> memref<10000x128xf32, #tpu.memory_space<hbm>>
        tpu.enqueue_indirect_dma source(%dma_start3A_50 : memref<10000x128xf32, #tpu.memory_space<hbm>>) target(%arg16 : memref<128x128xf32, #tpu.memory_space<vmem>>) offsets(%arg11 : memref<128xi32, #tpu.memory_space<vmem>>) semaphore(%arg20 : memref<!tpu.dma_semaphore, #tpu.memory_space<semaphore_mem>>)
        %dma_start3A_51 = arith.constant 0 : i32
        %dma_start3A_52 = arith.constant 0 : i32
        %dma_start3A_53 = tpu.memref_slice %arg2[%dma_start3A_51, %dma_start3A_52] : memref<10000x128xf32, #tpu.memory_space<hbm>> -> memref<10000x128xf32, #tpu.memory_space<hbm>>
        tpu.enqueue_indirect_dma source(%dma_start3A_53 : memref<10000x128xf32, #tpu.memory_space<hbm>>) target(%arg17 : memref<128x128xf32, #tpu.memory_space<vmem>>) offsets(%arg12 : memref<128xi32, #tpu.memory_space<vmem>>) semaphore(%arg20 : memref<!tpu.dma_semaphore, #tpu.memory_space<semaphore_mem>>)
        %dma_start3A_54 = arith.constant 0 : i32
        %dma_start3A_55 = arith.constant 0 : i32
        %dma_start3A_56 = tpu.memref_slice %arg4[%dma_start3A_54, %dma_start3A_55] : memref<10000x128xf32, #tpu.memory_space<hbm>> -> memref<10000x128xf32, #tpu.memory_space<hbm>>
        tpu.enqueue_indirect_dma source(%dma_start3A_56 : memref<10000x128xf32, #tpu.memory_space<hbm>>) target(%arg18 : memref<128x128xf32, #tpu.memory_space<vmem>>) offsets(%arg11 : memref<128xi32, #tpu.memory_space<vmem>>) semaphore(%arg20 : memref<!tpu.dma_semaphore, #tpu.memory_space<semaphore_mem>>)
      } else {
      }
      %lt3A_31 = arith.constant 1250 : i32
      %lt3A_32 = arith.cmpi slt, %add3A_24, %lt3A_31 : i32
      %convert_element_type3A_33 = arith.extui %lt3A_32 : i1 to i32
      %cond3A_34 = arith.constant 0 : i32
      %cond3A_35 = arith.cmpi ne, %convert_element_type3A_33, %cond3A_34 : i32
      scf.if %cond3A_35 {
        %mul3A_46 = arith.constant 128 : i32
        %mul3A_47 = arith.muli %add3A_24, %mul3A_46 : i32
        %dma_wait3A = arith.constant 0 : i32
        %dma_wait3A_48 = arith.constant 0 : i32
        %dma_wait3A_49 = tpu.memref_slice %arg3[%dma_wait3A, %dma_wait3A_48] : memref<10000x128xf32, #tpu.memory_space<hbm>> -> memref<10000x128xf32, #tpu.memory_space<hbm>>
        tpu.wait_indirect_dma semaphore(%arg19 : memref<!tpu.dma_semaphore, #tpu.memory_space<semaphore_mem>>) src(%dma_wait3A_49 : memref<10000x128xf32, #tpu.memory_space<hbm>>) dst(%arg13 : memref<128x128xf32, #tpu.memory_space<vmem>>)
        %dma_wait3A_50 = arith.constant 0 : i32
        %dma_wait3A_51 = arith.constant 0 : i32
        %dma_wait3A_52 = tpu.memref_slice %arg2[%dma_wait3A_50, %dma_wait3A_51] : memref<10000x128xf32, #tpu.memory_space<hbm>> -> memref<10000x128xf32, #tpu.memory_space<hbm>>
        tpu.wait_indirect_dma semaphore(%arg19 : memref<!tpu.dma_semaphore, #tpu.memory_space<semaphore_mem>>) src(%dma_wait3A_52 : memref<10000x128xf32, #tpu.memory_space<hbm>>) dst(%arg14 : memref<128x128xf32, #tpu.memory_space<vmem>>)
        %dma_wait3A_53 = arith.constant 0 : i32
        %dma_wait3A_54 = arith.constant 0 : i32
        %dma_wait3A_55 = tpu.memref_slice %arg4[%dma_wait3A_53, %dma_wait3A_54] : memref<10000x128xf32, #tpu.memory_space<hbm>> -> memref<10000x128xf32, #tpu.memory_space<hbm>>
        tpu.wait_indirect_dma semaphore(%arg19 : memref<!tpu.dma_semaphore, #tpu.memory_space<semaphore_mem>>) src(%dma_wait3A_55 : memref<10000x128xf32, #tpu.memory_space<hbm>>) dst(%arg15 : memref<128x128xf32, #tpu.memory_space<vmem>>)
        %scan3A_56 = arith.constant 0 : i32
        %scan3A_57 = arith.constant 128 : i32
        %scan3A_58 = arith.addi %scan3A_56, %scan3A_57 : i32
        %scan3A_59 = arith.constant 1 : i32
        scf.for %scan3A_77 = %scan3A_56 to %scan3A_58 step %scan3A_59  : i32 {
          %mul3A_78 = arith.constant 1 : i32
          %mul3A_79 = arith.muli %scan3A_77, %mul3A_78 : i32
          %add3A_80 = arith.constant 0 : i32
          %add3A_81 = arith.addi %add3A_80, %mul3A_79 : i32
          %get3A = arith.index_cast %add3A_81 : i32 to index
          %get3A_82 = arith.constant 0 : index
          %get3A_83 = tpu.vector_load %arg13[%get3A, %get3A_82] {strides = array<i32>} : memref<128x128xf32, #tpu.memory_space<vmem>>, vector<1x16xf32>,
          %get3A_84 = vector.shape_cast %get3A_83 : vector<1x16xf32> to vector<16xf32>
          %get3A_85 = arith.index_cast %add3A_81 : i32 to index
          %get3A_86 = arith.constant 0 : index
          %get3A_87 = tpu.vector_load %arg14[%get3A_85, %get3A_86] {strides = array<i32>} : memref<128x128xf32, #tpu.memory_space<vmem>>, vector<1x16xf32>,
          %get3A_88 = vector.shape_cast %get3A_87 : vector<1x16xf32> to vector<16xf32>
          %add3A_89 = arith.addf %get3A_84, %get3A_88 : vector<16xf32>
          %swap3A = arith.index_cast %add3A_81 : i32 to index
          %swap3A_90 = arith.constant 0 : index
          %swap3A_91 = tpu.vector_load %arg13[%swap3A, %swap3A_90] {strides = array<i32>} : memref<128x128xf32, #tpu.memory_space<vmem>>, vector<1x16xf32>,
          %swap3A_92 = vector.shape_cast %swap3A_91 : vector<1x16xf32> to vector<16xf32>
          %swap3A_93 = vector.shape_cast %add3A_89 : vector<16xf32> to vector<1x16xf32>
          tpu.vector_store %arg13[%swap3A, %swap3A_90], %swap3A_93 {strides = array<i32>} : memref<128x128xf32, #tpu.memory_space<vmem>>, vector<1x16xf32>,
          %get3A_94 = arith.index_cast %add3A_81 : i32 to index
          %get3A_95 = arith.constant 16 : index
          %get3A_96 = tpu.vector_load %arg13[%get3A_94, %get3A_95] {strides = array<i32>} : memref<128x128xf32, #tpu.memory_space<vmem>>, vector<1x16xf32>,
          %get3A_97 = vector.shape_cast %get3A_96 : vector<1x16xf32> to vector<16xf32>
          %get3A_98 = arith.index_cast %add3A_81 : i32 to index
          %get3A_99 = arith.constant 16 : index
          %get3A_100 = tpu.vector_load %arg14[%get3A_98, %get3A_99] {strides = array<i32>} : memref<128x128xf32, #tpu.memory_space<vmem>>, vector<1x16xf32>,
          %get3A_101 = vector.shape_cast %get3A_100 : vector<1x16xf32> to vector<16xf32>
          %add3A_102 = arith.addf %get3A_97, %get3A_101 : vector<16xf32>
          %swap3A_103 = arith.index_cast %add3A_81 : i32 to index
          %swap3A_104 = arith.constant 16 : index
          %swap3A_105 = tpu.vector_load %arg13[%swap3A_103, %swap3A_104] {strides = array<i32>} : memref<128x128xf32, #tpu.memory_space<vmem>>, vector<1x16xf32>,
          %swap3A_106 = vector.shape_cast %swap3A_105 : vector<1x16xf32> to vector<16xf32>
          %swap3A_107 = vector.shape_cast %add3A_102 : vector<16xf32> to vector<1x16xf32>
          tpu.vector_store %arg13[%swap3A_103, %swap3A_104], %swap3A_107 {strides = array<i32>} : memref<128x128xf32, #tpu.memory_space<vmem>>, vector<1x16xf32>,
          %get3A_108 = arith.index_cast %add3A_81 : i32 to index
          %get3A_109 = arith.constant 32 : index
          %get3A_110 = tpu.vector_load %arg13[%get3A_108, %get3A_109] {strides = array<i32>} : memref<128x128xf32, #tpu.memory_space<vmem>>, vector<1x16xf32>,
          %get3A_111 = vector.shape_cast %get3A_110 : vector<1x16xf32> to vector<16xf32>
          %get3A_112 = arith.index_cast %add3A_81 : i32 to index
          %get3A_113 = arith.constant 32 : index
          %get3A_114 = tpu.vector_load %arg14[%get3A_112, %get3A_113] {strides = array<i32>} : memref<128x128xf32, #tpu.memory_space<vmem>>, vector<1x16xf32>,
          %get3A_115 = vector.shape_cast %get3A_114 : vector<1x16xf32> to vector<16xf32>
          %add3A_116 = arith.addf %get3A_111, %get3A_115 : vector<16xf32>
          %swap3A_117 = arith.index_cast %add3A_81 : i32 to index
          %swap3A_118 = arith.constant 32 : index
          %swap3A_119 = tpu.vector_load %arg13[%swap3A_117, %swap3A_118] {strides = array<i32>} : memref<128x128xf32, #tpu.memory_space<vmem>>, vector<1x16xf32>,
          %swap3A_120 = vector.shape_cast %swap3A_119 : vector<1x16xf32> to vector<16xf32>
          %swap3A_121 = vector.shape_cast %add3A_116 : vector<16xf32> to vector<1x16xf32>
          tpu.vector_store %arg13[%swap3A_117, %swap3A_118], %swap3A_121 {strides = array<i32>} : memref<128x128xf32, #tpu.memory_space<vmem>>, vector<1x16xf32>,
          %get3A_122 = arith.index_cast %add3A_81 : i32 to index
          %get3A_123 = arith.constant 48 : index
          %get3A_124 = tpu.vector_load %arg13[%get3A_122, %get3A_123] {strides = array<i32>} : memref<128x128xf32, #tpu.memory_space<vmem>>, vector<1x16xf32>,
          %get3A_125 = vector.shape_cast %get3A_124 : vector<1x16xf32> to vector<16xf32>
          %get3A_126 = arith.index_cast %add3A_81 : i32 to index
          %get3A_127 = arith.constant 48 : index
          %get3A_128 = tpu.vector_load %arg14[%get3A_126, %get3A_127] {strides = array<i32>} : memref<128x128xf32, #tpu.memory_space<vmem>>, vector<1x16xf32>,
          %get3A_129 = vector.shape_cast %get3A_128 : vector<1x16xf32> to vector<16xf32>
          %add3A_130 = arith.addf %get3A_125, %get3A_129 : vector<16xf32>
          %swap3A_131 = arith.index_cast %add3A_81 : i32 to index
          %swap3A_132 = arith.constant 48 : index
          %swap3A_133 = tpu.vector_load %arg13[%swap3A_131, %swap3A_132] {strides = array<i32>} : memref<128x128xf32, #tpu.memory_space<vmem>>, vector<1x16xf32>,
          %swap3A_134 = vector.shape_cast %swap3A_133 : vector<1x16xf32> to vector<16xf32>
          %swap3A_135 = vector.shape_cast %add3A_130 : vector<16xf32> to vector<1x16xf32>
          tpu.vector_store %arg13[%swap3A_131, %swap3A_132], %swap3A_135 {strides = array<i32>} : memref<128x128xf32, #tpu.memory_space<vmem>>, vector<1x16xf32>,
          %get3A_136 = arith.index_cast %add3A_81 : i32 to index
          %get3A_137 = arith.constant 64 : index
          %get3A_138 = tpu.vector_load %arg13[%get3A_136, %get3A_137] {strides = array<i32>} : memref<128x128xf32, #tpu.memory_space<vmem>>, vector<1x16xf32>,
          %get3A_139 = vector.shape_cast %get3A_138 : vector<1x16xf32> to vector<16xf32>
          %get3A_140 = arith.index_cast %add3A_81 : i32 to index
          %get3A_141 = arith.constant 64 : index
          %get3A_142 = tpu.vector_load %arg14[%get3A_140, %get3A_141] {strides = array<i32>} : memref<128x128xf32, #tpu.memory_space<vmem>>, vector<1x16xf32>,
          %get3A_143 = vector.shape_cast %get3A_142 : vector<1x16xf32> to vector<16xf32>
          %add3A_144 = arith.addf %get3A_139, %get3A_143 : vector<16xf32>
          %swap3A_145 = arith.index_cast %add3A_81 : i32 to index
          %swap3A_146 = arith.constant 64 : index
          %swap3A_147 = tpu.vector_load %arg13[%swap3A_145, %swap3A_146] {strides = array<i32>} : memref<128x128xf32, #tpu.memory_space<vmem>>, vector<1x16xf32>,
          %swap3A_148 = vector.shape_cast %swap3A_147 : vector<1x16xf32> to vector<16xf32>
          %swap3A_149 = vector.shape_cast %add3A_144 : vector<16xf32> to vector<1x16xf32>
          tpu.vector_store %arg13[%swap3A_145, %swap3A_146], %swap3A_149 {strides = array<i32>} : memref<128x128xf32, #tpu.memory_space<vmem>>, vector<1x16xf32>,
          %get3A_150 = arith.index_cast %add3A_81 : i32 to index
          %get3A_151 = arith.constant 80 : index
          %get3A_152 = tpu.vector_load %arg13[%get3A_150, %get3A_151] {strides = array<i32>} : memref<128x128xf32, #tpu.memory_space<vmem>>, vector<1x16xf32>,
          %get3A_153 = vector.shape_cast %get3A_152 : vector<1x16xf32> to vector<16xf32>
          %get3A_154 = arith.index_cast %add3A_81 : i32 to index
          %get3A_155 = arith.constant 80 : index
          %get3A_156 = tpu.vector_load %arg14[%get3A_154, %get3A_155] {strides = array<i32>} : memref<128x128xf32, #tpu.memory_space<vmem>>, vector<1x16xf32>,
          %get3A_157 = vector.shape_cast %get3A_156 : vector<1x16xf32> to vector<16xf32>
          %add3A_158 = arith.addf %get3A_153, %get3A_157 : vector<16xf32>
          %swap3A_159 = arith.index_cast %add3A_81 : i32 to index
          %swap3A_160 = arith.constant 80 : index
          %swap3A_161 = tpu.vector_load %arg13[%swap3A_159, %swap3A_160] {strides = array<i32>} : memref<128x128xf32, #tpu.memory_space<vmem>>, vector<1x16xf32>,
          %swap3A_162 = vector.shape_cast %swap3A_161 : vector<1x16xf32> to vector<16xf32>
          %swap3A_163 = vector.shape_cast %add3A_158 : vector<16xf32> to vector<1x16xf32>
          tpu.vector_store %arg13[%swap3A_159, %swap3A_160], %swap3A_163 {strides = array<i32>} : memref<128x128xf32, #tpu.memory_space<vmem>>, vector<1x16xf32>,
          %get3A_164 = arith.index_cast %add3A_81 : i32 to index
          %get3A_165 = arith.constant 96 : index
          %get3A_166 = tpu.vector_load %arg13[%get3A_164, %get3A_165] {strides = array<i32>} : memref<128x128xf32, #tpu.memory_space<vmem>>, vector<1x16xf32>,
          %get3A_167 = vector.shape_cast %get3A_166 : vector<1x16xf32> to vector<16xf32>
          %get3A_168 = arith.index_cast %add3A_81 : i32 to index
          %get3A_169 = arith.constant 96 : index
          %get3A_170 = tpu.vector_load %arg14[%get3A_168, %get3A_169] {strides = array<i32>} : memref<128x128xf32, #tpu.memory_space<vmem>>, vector<1x16xf32>,
          %get3A_171 = vector.shape_cast %get3A_170 : vector<1x16xf32> to vector<16xf32>
          %add3A_172 = arith.addf %get3A_167, %get3A_171 : vector<16xf32>
          %swap3A_173 = arith.index_cast %add3A_81 : i32 to index
          %swap3A_174 = arith.constant 96 : index
          %swap3A_175 = tpu.vector_load %arg13[%swap3A_173, %swap3A_174] {strides = array<i32>} : memref<128x128xf32, #tpu.memory_space<vmem>>, vector<1x16xf32>,
          %swap3A_176 = vector.shape_cast %swap3A_175 : vector<1x16xf32> to vector<16xf32>
          %swap3A_177 = vector.shape_cast %add3A_172 : vector<16xf32> to vector<1x16xf32>
          tpu.vector_store %arg13[%swap3A_173, %swap3A_174], %swap3A_177 {strides = array<i32>} : memref<128x128xf32, #tpu.memory_space<vmem>>, vector<1x16xf32>,
          %get3A_178 = arith.index_cast %add3A_81 : i32 to index
          %get3A_179 = arith.constant 112 : index
          %get3A_180 = tpu.vector_load %arg13[%get3A_178, %get3A_179] {strides = array<i32>} : memref<128x128xf32, #tpu.memory_space<vmem>>, vector<1x16xf32>,
          %get3A_181 = vector.shape_cast %get3A_180 : vector<1x16xf32> to vector<16xf32>
          %get3A_182 = arith.index_cast %add3A_81 : i32 to index
          %get3A_183 = arith.constant 112 : index
          %get3A_184 = tpu.vector_load %arg14[%get3A_182, %get3A_183] {strides = array<i32>} : memref<128x128xf32, #tpu.memory_space<vmem>>, vector<1x16xf32>,
          %get3A_185 = vector.shape_cast %get3A_184 : vector<1x16xf32> to vector<16xf32>
          %add3A_186 = arith.addf %get3A_181, %get3A_185 : vector<16xf32>
          %swap3A_187 = arith.index_cast %add3A_81 : i32 to index
          %swap3A_188 = arith.constant 112 : index
          %swap3A_189 = tpu.vector_load %arg13[%swap3A_187, %swap3A_188] {strides = array<i32>} : memref<128x128xf32, #tpu.memory_space<vmem>>, vector<1x16xf32>,
          %swap3A_190 = vector.shape_cast %swap3A_189 : vector<1x16xf32> to vector<16xf32>
          %swap3A_191 = vector.shape_cast %add3A_186 : vector<16xf32> to vector<1x16xf32>
          tpu.vector_store %arg13[%swap3A_187, %swap3A_188], %swap3A_191 {strides = array<i32>} : memref<128x128xf32, #tpu.memory_space<vmem>>, vector<1x16xf32>,
        }
        %scan3A_60 = arith.constant 128 : i32
        %dma_start3A_61 = arith.constant 0 : i32
        %dma_start3A_62 = tpu.memref_slice %arg7[%mul3A_47, %dma_start3A_61] : memref<160000x128xf32, #tpu.memory_space<hbm>> -> memref<128x128xf32, #tpu.memory_space<hbm>>
        %dma_start3A_63 = arith.constant 0 : i32
        %dma_start3A_64 = tpu.memref_slice %arg7[%mul3A_47, %dma_start3A_63] : memref<160000x128xf32, #tpu.memory_space<hbm>> -> memref<128x128xf32, #tpu.memory_space<hbm>>
        tpu.enqueue_dma source(%arg13 : memref<128x128xf32, #tpu.memory_space<vmem>>) target(%dma_start3A_64 : memref<128x128xf32, #tpu.memory_space<hbm>>) target_semaphore(%arg21 : memref<!tpu.dma_semaphore, #tpu.memory_space<semaphore_mem>>)
        %dma_start3A_65 = arith.constant 0 : i32
        %dma_start3A_66 = tpu.memref_slice %arg8[%mul3A_47, %dma_start3A_65] : memref<160000x128xf32, #tpu.memory_space<hbm>> -> memref<128x128xf32, #tpu.memory_space<hbm>>
        %dma_start3A_67 = arith.constant 0 : i32
        %dma_start3A_68 = tpu.memref_slice %arg8[%mul3A_47, %dma_start3A_67] : memref<160000x128xf32, #tpu.memory_space<hbm>> -> memref<128x128xf32, #tpu.memory_space<hbm>>
        tpu.enqueue_dma source(%arg15 : memref<128x128xf32, #tpu.memory_space<vmem>>) target(%dma_start3A_68 : memref<128x128xf32, #tpu.memory_space<hbm>>) target_semaphore(%arg21 : memref<!tpu.dma_semaphore, #tpu.memory_space<semaphore_mem>>)
        %dma_wait3A_69 = arith.constant 0 : i32
        %dma_wait3A_70 = tpu.memref_slice %arg7[%mul3A_47, %dma_wait3A_69] : memref<160000x128xf32, #tpu.memory_space<hbm>> -> memref<128x128xf32, #tpu.memory_space<hbm>>
        %dma_wait3A_71 = arith.constant 0 : i32
        %dma_wait3A_72 = tpu.memref_slice %arg7[%mul3A_47, %dma_wait3A_71] : memref<160000x128xf32, #tpu.memory_space<hbm>> -> memref<128x128xf32, #tpu.memory_space<hbm>>
        tpu.wait_dma2 semaphore(%arg21 : memref<!tpu.dma_semaphore, #tpu.memory_space<semaphore_mem>>) src(%arg13 : memref<128x128xf32, #tpu.memory_space<vmem>>) dst(%dma_wait3A_72 : memref<128x128xf32, #tpu.memory_space<hbm>>)
        %dma_wait3A_73 = arith.constant 0 : i32
        %dma_wait3A_74 = tpu.memref_slice %arg8[%mul3A_47, %dma_wait3A_73] : memref<160000x128xf32, #tpu.memory_space<hbm>> -> memref<128x128xf32, #tpu.memory_space<hbm>>
        %dma_wait3A_75 = arith.constant 0 : i32
        %dma_wait3A_76 = tpu.memref_slice %arg8[%mul3A_47, %dma_wait3A_75] : memref<160000x128xf32, #tpu.memory_space<hbm>> -> memref<128x128xf32, #tpu.memory_space<hbm>>
        tpu.wait_dma2 semaphore(%arg21 : memref<!tpu.dma_semaphore, #tpu.memory_space<semaphore_mem>>) src(%arg15 : memref<128x128xf32, #tpu.memory_space<vmem>>) dst(%dma_wait3A_76 : memref<128x128xf32, #tpu.memory_space<hbm>>)
      } else {
      }
      %lt3A_36 = arith.constant 1250 : i32
      %lt3A_37 = arith.cmpi slt, %add3A_28, %lt3A_36 : i32
      %convert_element_type3A_38 = arith.extui %lt3A_37 : i1 to i32
      %cond3A_39 = arith.constant 0 : i32
      %cond3A_40 = arith.cmpi ne, %convert_element_type3A_38, %cond3A_39 : i32
      scf.if %cond3A_40 {
        %mul3A_46 = arith.constant 128 : i32
        %mul3A_47 = arith.muli %add3A_28, %mul3A_46 : i32
        "tpu.region"() ({
          %run_scoped3A = tpu.sem_alloc : memref<!tpu.dma_semaphore, #tpu.memory_space<semaphore_mem>>
          %dma_start3A_57 = tpu.memref_slice %arg5[%mul3A_47] : memref<160000xi32, #tpu.memory_space<hbm>> -> memref<128xi32, #tpu.memory_space<hbm>>
          %dma_start3A_58 = tpu.memref_slice %arg5[%mul3A_47] : memref<160000xi32, #tpu.memory_space<hbm>> -> memref<128xi32, #tpu.memory_space<hbm>>
          tpu.enqueue_dma source(%dma_start3A_58 : memref<128xi32, #tpu.memory_space<hbm>>) target(%arg9 : memref<128xi32, #tpu.memory_space<vmem>>) target_semaphore(%run_scoped3A : memref<!tpu.dma_semaphore, #tpu.memory_space<semaphore_mem>>)
          %dma_wait3A = tpu.memref_slice %arg5[%mul3A_47] : memref<160000xi32, #tpu.memory_space<hbm>> -> memref<128xi32, #tpu.memory_space<hbm>>
          %dma_wait3A_59 = tpu.memref_slice %arg5[%mul3A_47] : memref<160000xi32, #tpu.memory_space<hbm>> -> memref<128xi32, #tpu.memory_space<hbm>>
          tpu.wait_dma2 semaphore(%run_scoped3A : memref<!tpu.dma_semaphore, #tpu.memory_space<semaphore_mem>>) src(%dma_wait3A_59 : memref<128xi32, #tpu.memory_space<hbm>>) dst(%arg9 : memref<128xi32, #tpu.memory_space<vmem>>)
          tpu.yield
        }) : () -> ()
        "tpu.region"() ({
          %run_scoped3A = tpu.sem_alloc : memref<!tpu.dma_semaphore, #tpu.memory_space<semaphore_mem>>
          %dma_start3A_57 = tpu.memref_slice %arg6[%mul3A_47] : memref<160000xi32, #tpu.memory_space<hbm>> -> memref<128xi32, #tpu.memory_space<hbm>>
          %dma_start3A_58 = tpu.memref_slice %arg6[%mul3A_47] : memref<160000xi32, #tpu.memory_space<hbm>> -> memref<128xi32, #tpu.memory_space<hbm>>
          tpu.enqueue_dma source(%dma_start3A_58 : memref<128xi32, #tpu.memory_space<hbm>>) target(%arg10 : memref<128xi32, #tpu.memory_space<vmem>>) target_semaphore(%run_scoped3A : memref<!tpu.dma_semaphore, #tpu.memory_space<semaphore_mem>>)
          %dma_wait3A = tpu.memref_slice %arg6[%mul3A_47] : memref<160000xi32, #tpu.memory_space<hbm>> -> memref<128xi32, #tpu.memory_space<hbm>>
          %dma_wait3A_59 = tpu.memref_slice %arg6[%mul3A_47] : memref<160000xi32, #tpu.memory_space<hbm>> -> memref<128xi32, #tpu.memory_space<hbm>>
          tpu.wait_dma2 semaphore(%run_scoped3A : memref<!tpu.dma_semaphore, #tpu.memory_space<semaphore_mem>>) src(%dma_wait3A_59 : memref<128xi32, #tpu.memory_space<hbm>>) dst(%arg10 : memref<128xi32, #tpu.memory_space<vmem>>)
          tpu.yield
        }) : () -> ()
        %dma_start3A_48 = arith.constant 0 : i32
        %dma_start3A_49 = arith.constant 0 : i32
        %dma_start3A_50 = tpu.memref_slice %arg3[%dma_start3A_48, %dma_start3A_49] : memref<10000x128xf32, #tpu.memory_space<hbm>> -> memref<10000x128xf32, #tpu.memory_space<hbm>>
        tpu.enqueue_indirect_dma source(%dma_start3A_50 : memref<10000x128xf32, #tpu.memory_space<hbm>>) target(%arg13 : memref<128x128xf32, #tpu.memory_space<vmem>>) offsets(%arg9 : memref<128xi32, #tpu.memory_space<vmem>>) semaphore(%arg19 : memref<!tpu.dma_semaphore, #tpu.memory_space<semaphore_mem>>)
        %dma_start3A_51 = arith.constant 0 : i32
        %dma_start3A_52 = arith.constant 0 : i32
        %dma_start3A_53 = tpu.memref_slice %arg2[%dma_start3A_51, %dma_start3A_52] : memref<10000x128xf32, #tpu.memory_space<hbm>> -> memref<10000x128xf32, #tpu.memory_space<hbm>>
        tpu.enqueue_indirect_dma source(%dma_start3A_53 : memref<10000x128xf32, #tpu.memory_space<hbm>>) target(%arg14 : memref<128x128xf32, #tpu.memory_space<vmem>>) offsets(%arg10 : memref<128xi32, #tpu.memory_space<vmem>>) semaphore(%arg19 : memref<!tpu.dma_semaphore, #tpu.memory_space<semaphore_mem>>)
        %dma_start3A_54 = arith.constant 0 : i32
        %dma_start3A_55 = arith.constant 0 : i32
        %dma_start3A_56 = tpu.memref_slice %arg4[%dma_start3A_54, %dma_start3A_55] : memref<10000x128xf32, #tpu.memory_space<hbm>> -> memref<10000x128xf32, #tpu.memory_space<hbm>>
        tpu.enqueue_indirect_dma source(%dma_start3A_56 : memref<10000x128xf32, #tpu.memory_space<hbm>>) target(%arg15 : memref<128x128xf32, #tpu.memory_space<vmem>>) offsets(%arg9 : memref<128xi32, #tpu.memory_space<vmem>>) semaphore(%arg19 : memref<!tpu.dma_semaphore, #tpu.memory_space<semaphore_mem>>)
      } else {
      }
      %lt3A_41 = arith.constant 1250 : i32
      %lt3A_42 = arith.cmpi slt, %add3A_26, %lt3A_41 : i32
      %convert_element_type3A_43 = arith.extui %lt3A_42 : i1 to i32
      %cond3A_44 = arith.constant 0 : i32
      %cond3A_45 = arith.cmpi ne, %convert_element_type3A_43, %cond3A_44 : i32
      scf.if %cond3A_45 {
        %mul3A_46 = arith.constant 128 : i32
        %mul3A_47 = arith.muli %add3A_26, %mul3A_46 : i32
        %dma_wait3A = arith.constant 0 : i32
        %dma_wait3A_48 = arith.constant 0 : i32
        %dma_wait3A_49 = tpu.memref_slice %arg3[%dma_wait3A, %dma_wait3A_48] : memref<10000x128xf32, #tpu.memory_space<hbm>> -> memref<10000x128xf32, #tpu.memory_space<hbm>>
        tpu.wait_indirect_dma semaphore(%arg20 : memref<!tpu.dma_semaphore, #tpu.memory_space<semaphore_mem>>) src(%dma_wait3A_49 : memref<10000x128xf32, #tpu.memory_space<hbm>>) dst(%arg16 : memref<128x128xf32, #tpu.memory_space<vmem>>)
        %dma_wait3A_50 = arith.constant 0 : i32
        %dma_wait3A_51 = arith.constant 0 : i32
        %dma_wait3A_52 = tpu.memref_slice %arg2[%dma_wait3A_50, %dma_wait3A_51] : memref<10000x128xf32, #tpu.memory_space<hbm>> -> memref<10000x128xf32, #tpu.memory_space<hbm>>
        tpu.wait_indirect_dma semaphore(%arg20 : memref<!tpu.dma_semaphore, #tpu.memory_space<semaphore_mem>>) src(%dma_wait3A_52 : memref<10000x128xf32, #tpu.memory_space<hbm>>) dst(%arg17 : memref<128x128xf32, #tpu.memory_space<vmem>>)
        %dma_wait3A_53 = arith.constant 0 : i32
        %dma_wait3A_54 = arith.constant 0 : i32
        %dma_wait3A_55 = tpu.memref_slice %arg4[%dma_wait3A_53, %dma_wait3A_54] : memref<10000x128xf32, #tpu.memory_space<hbm>> -> memref<10000x128xf32, #tpu.memory_space<hbm>>
        tpu.wait_indirect_dma semaphore(%arg20 : memref<!tpu.dma_semaphore, #tpu.memory_space<semaphore_mem>>) src(%dma_wait3A_55 : memref<10000x128xf32, #tpu.memory_space<hbm>>) dst(%arg18 : memref<128x128xf32, #tpu.memory_space<vmem>>)
        %scan3A_56 = arith.constant 0 : i32
        %scan3A_57 = arith.constant 128 : i32
        %scan3A_58 = arith.addi %scan3A_56, %scan3A_57 : i32
        %scan3A_59 = arith.constant 1 : i32
        scf.for %scan3A_77 = %scan3A_56 to %scan3A_58 step %scan3A_59  : i32 {
          %mul3A_78 = arith.constant 1 : i32
          %mul3A_79 = arith.muli %scan3A_77, %mul3A_78 : i32
          %add3A_80 = arith.constant 0 : i32
          %add3A_81 = arith.addi %add3A_80, %mul3A_79 : i32
          %get3A = arith.index_cast %add3A_81 : i32 to index
          %get3A_82 = arith.constant 0 : index
          %get3A_83 = tpu.vector_load %arg16[%get3A, %get3A_82] {strides = array<i32>} : memref<128x128xf32, #tpu.memory_space<vmem>>, vector<1x16xf32>,
          %get3A_84 = vector.shape_cast %get3A_83 : vector<1x16xf32> to vector<16xf32>
          %get3A_85 = arith.index_cast %add3A_81 : i32 to index
          %get3A_86 = arith.constant 0 : index
          %get3A_87 = tpu.vector_load %arg17[%get3A_85, %get3A_86] {strides = array<i32>} : memref<128x128xf32, #tpu.memory_space<vmem>>, vector<1x16xf32>,
          %get3A_88 = vector.shape_cast %get3A_87 : vector<1x16xf32> to vector<16xf32>
          %add3A_89 = arith.addf %get3A_84, %get3A_88 : vector<16xf32>
          %swap3A = arith.index_cast %add3A_81 : i32 to index
          %swap3A_90 = arith.constant 0 : index
          %swap3A_91 = tpu.vector_load %arg16[%swap3A, %swap3A_90] {strides = array<i32>} : memref<128x128xf32, #tpu.memory_space<vmem>>, vector<1x16xf32>,
          %swap3A_92 = vector.shape_cast %swap3A_91 : vector<1x16xf32> to vector<16xf32>
          %swap3A_93 = vector.shape_cast %add3A_89 : vector<16xf32> to vector<1x16xf32>
          tpu.vector_store %arg16[%swap3A, %swap3A_90], %swap3A_93 {strides = array<i32>} : memref<128x128xf32, #tpu.memory_space<vmem>>, vector<1x16xf32>,
          %get3A_94 = arith.index_cast %add3A_81 : i32 to index
          %get3A_95 = arith.constant 16 : index
          %get3A_96 = tpu.vector_load %arg16[%get3A_94, %get3A_95] {strides = array<i32>} : memref<128x128xf32, #tpu.memory_space<vmem>>, vector<1x16xf32>,
          %get3A_97 = vector.shape_cast %get3A_96 : vector<1x16xf32> to vector<16xf32>
          %get3A_98 = arith.index_cast %add3A_81 : i32 to index
          %get3A_99 = arith.constant 16 : index
          %get3A_100 = tpu.vector_load %arg17[%get3A_98, %get3A_99] {strides = array<i32>} : memref<128x128xf32, #tpu.memory_space<vmem>>, vector<1x16xf32>,
          %get3A_101 = vector.shape_cast %get3A_100 : vector<1x16xf32> to vector<16xf32>
          %add3A_102 = arith.addf %get3A_97, %get3A_101 : vector<16xf32>
          %swap3A_103 = arith.index_cast %add3A_81 : i32 to index
          %swap3A_104 = arith.constant 16 : index
          %swap3A_105 = tpu.vector_load %arg16[%swap3A_103, %swap3A_104] {strides = array<i32>} : memref<128x128xf32, #tpu.memory_space<vmem>>, vector<1x16xf32>,
          %swap3A_106 = vector.shape_cast %swap3A_105 : vector<1x16xf32> to vector<16xf32>
          %swap3A_107 = vector.shape_cast %add3A_102 : vector<16xf32> to vector<1x16xf32>
          tpu.vector_store %arg16[%swap3A_103, %swap3A_104], %swap3A_107 {strides = array<i32>} : memref<128x128xf32, #tpu.memory_space<vmem>>, vector<1x16xf32>,
          %get3A_108 = arith.index_cast %add3A_81 : i32 to index
          %get3A_109 = arith.constant 32 : index
          %get3A_110 = tpu.vector_load %arg16[%get3A_108, %get3A_109] {strides = array<i32>} : memref<128x128xf32, #tpu.memory_space<vmem>>, vector<1x16xf32>,
          %get3A_111 = vector.shape_cast %get3A_110 : vector<1x16xf32> to vector<16xf32>
          %get3A_112 = arith.index_cast %add3A_81 : i32 to index
          %get3A_113 = arith.constant 32 : index
          %get3A_114 = tpu.vector_load %arg17[%get3A_112, %get3A_113] {strides = array<i32>} : memref<128x128xf32, #tpu.memory_space<vmem>>, vector<1x16xf32>,
          %get3A_115 = vector.shape_cast %get3A_114 : vector<1x16xf32> to vector<16xf32>
          %add3A_116 = arith.addf %get3A_111, %get3A_115 : vector<16xf32>
          %swap3A_117 = arith.index_cast %add3A_81 : i32 to index
          %swap3A_118 = arith.constant 32 : index
          %swap3A_119 = tpu.vector_load %arg16[%swap3A_117, %swap3A_118] {strides = array<i32>} : memref<128x128xf32, #tpu.memory_space<vmem>>, vector<1x16xf32>,
          %swap3A_120 = vector.shape_cast %swap3A_119 : vector<1x16xf32> to vector<16xf32>
          %swap3A_121 = vector.shape_cast %add3A_116 : vector<16xf32> to vector<1x16xf32>
          tpu.vector_store %arg16[%swap3A_117, %swap3A_118], %swap3A_121 {strides = array<i32>} : memref<128x128xf32, #tpu.memory_space<vmem>>, vector<1x16xf32>,
          %get3A_122 = arith.index_cast %add3A_81 : i32 to index
          %get3A_123 = arith.constant 48 : index
          %get3A_124 = tpu.vector_load %arg16[%get3A_122, %get3A_123] {strides = array<i32>} : memref<128x128xf32, #tpu.memory_space<vmem>>, vector<1x16xf32>,
          %get3A_125 = vector.shape_cast %get3A_124 : vector<1x16xf32> to vector<16xf32>
          %get3A_126 = arith.index_cast %add3A_81 : i32 to index
          %get3A_127 = arith.constant 48 : index
          %get3A_128 = tpu.vector_load %arg17[%get3A_126, %get3A_127] {strides = array<i32>} : memref<128x128xf32, #tpu.memory_space<vmem>>, vector<1x16xf32>,
          %get3A_129 = vector.shape_cast %get3A_128 : vector<1x16xf32> to vector<16xf32>
          %add3A_130 = arith.addf %get3A_125, %get3A_129 : vector<16xf32>
          %swap3A_131 = arith.index_cast %add3A_81 : i32 to index
          %swap3A_132 = arith.constant 48 : index
          %swap3A_133 = tpu.vector_load %arg16[%swap3A_131, %swap3A_132] {strides = array<i32>} : memref<128x128xf32, #tpu.memory_space<vmem>>, vector<1x16xf32>,
          %swap3A_134 = vector.shape_cast %swap3A_133 : vector<1x16xf32> to vector<16xf32>
          %swap3A_135 = vector.shape_cast %add3A_130 : vector<16xf32> to vector<1x16xf32>
          tpu.vector_store %arg16[%swap3A_131, %swap3A_132], %swap3A_135 {strides = array<i32>} : memref<128x128xf32, #tpu.memory_space<vmem>>, vector<1x16xf32>,
          %get3A_136 = arith.index_cast %add3A_81 : i32 to index
          %get3A_137 = arith.constant 64 : index
          %get3A_138 = tpu.vector_load %arg16[%get3A_136, %get3A_137] {strides = array<i32>} : memref<128x128xf32, #tpu.memory_space<vmem>>, vector<1x16xf32>,
          %get3A_139 = vector.shape_cast %get3A_138 : vector<1x16xf32> to vector<16xf32>
          %get3A_140 = arith.index_cast %add3A_81 : i32 to index
          %get3A_141 = arith.constant 64 : index
          %get3A_142 = tpu.vector_load %arg17[%get3A_140, %get3A_141] {strides = array<i32>} : memref<128x128xf32, #tpu.memory_space<vmem>>, vector<1x16xf32>,
          %get3A_143 = vector.shape_cast %get3A_142 : vector<1x16xf32> to vector<16xf32>
          %add3A_144 = arith.addf %get3A_139, %get3A_143 : vector<16xf32>
          %swap3A_145 = arith.index_cast %add3A_81 : i32 to index
          %swap3A_146 = arith.constant 64 : index
          %swap3A_147 = tpu.vector_load %arg16[%swap3A_145, %swap3A_146] {strides = array<i32>} : memref<128x128xf32, #tpu.memory_space<vmem>>, vector<1x16xf32>,
          %swap3A_148 = vector.shape_cast %swap3A_147 : vector<1x16xf32> to vector<16xf32>
          %swap3A_149 = vector.shape_cast %add3A_144 : vector<16xf32> to vector<1x16xf32>
          tpu.vector_store %arg16[%swap3A_145, %swap3A_146], %swap3A_149 {strides = array<i32>} : memref<128x128xf32, #tpu.memory_space<vmem>>, vector<1x16xf32>,
          %get3A_150 = arith.index_cast %add3A_81 : i32 to index
          %get3A_151 = arith.constant 80 : index
          %get3A_152 = tpu.vector_load %arg16[%get3A_150, %get3A_151] {strides = array<i32>} : memref<128x128xf32, #tpu.memory_space<vmem>>, vector<1x16xf32>,
          %get3A_153 = vector.shape_cast %get3A_152 : vector<1x16xf32> to vector<16xf32>
          %get3A_154 = arith.index_cast %add3A_81 : i32 to index
          %get3A_155 = arith.constant 80 : index
          %get3A_156 = tpu.vector_load %arg17[%get3A_154, %get3A_155] {strides = array<i32>} : memref<128x128xf32, #tpu.memory_space<vmem>>, vector<1x16xf32>,
          %get3A_157 = vector.shape_cast %get3A_156 : vector<1x16xf32> to vector<16xf32>
          %add3A_158 = arith.addf %get3A_153, %get3A_157 : vector<16xf32>
          %swap3A_159 = arith.index_cast %add3A_81 : i32 to index
          %swap3A_160 = arith.constant 80 : index
          %swap3A_161 = tpu.vector_load %arg16[%swap3A_159, %swap3A_160] {strides = array<i32>} : memref<128x128xf32, #tpu.memory_space<vmem>>, vector<1x16xf32>,
          %swap3A_162 = vector.shape_cast %swap3A_161 : vector<1x16xf32> to vector<16xf32>
          %swap3A_163 = vector.shape_cast %add3A_158 : vector<16xf32> to vector<1x16xf32>
          tpu.vector_store %arg16[%swap3A_159, %swap3A_160], %swap3A_163 {strides = array<i32>} : memref<128x128xf32, #tpu.memory_space<vmem>>, vector<1x16xf32>,
          %get3A_164 = arith.index_cast %add3A_81 : i32 to index
          %get3A_165 = arith.constant 96 : index
          %get3A_166 = tpu.vector_load %arg16[%get3A_164, %get3A_165] {strides = array<i32>} : memref<128x128xf32, #tpu.memory_space<vmem>>, vector<1x16xf32>,
          %get3A_167 = vector.shape_cast %get3A_166 : vector<1x16xf32> to vector<16xf32>
          %get3A_168 = arith.index_cast %add3A_81 : i32 to index
          %get3A_169 = arith.constant 96 : index
          %get3A_170 = tpu.vector_load %arg17[%get3A_168, %get3A_169] {strides = array<i32>} : memref<128x128xf32, #tpu.memory_space<vmem>>, vector<1x16xf32>,
          %get3A_171 = vector.shape_cast %get3A_170 : vector<1x16xf32> to vector<16xf32>
          %add3A_172 = arith.addf %get3A_167, %get3A_171 : vector<16xf32>
          %swap3A_173 = arith.index_cast %add3A_81 : i32 to index
          %swap3A_174 = arith.constant 96 : index
          %swap3A_175 = tpu.vector_load %arg16[%swap3A_173, %swap3A_174] {strides = array<i32>} : memref<128x128xf32, #tpu.memory_space<vmem>>, vector<1x16xf32>,
          %swap3A_176 = vector.shape_cast %swap3A_175 : vector<1x16xf32> to vector<16xf32>
          %swap3A_177 = vector.shape_cast %add3A_172 : vector<16xf32> to vector<1x16xf32>
          tpu.vector_store %arg16[%swap3A_173, %swap3A_174], %swap3A_177 {strides = array<i32>} : memref<128x128xf32, #tpu.memory_space<vmem>>, vector<1x16xf32>,
          %get3A_178 = arith.index_cast %add3A_81 : i32 to index
          %get3A_179 = arith.constant 112 : index
          %get3A_180 = tpu.vector_load %arg16[%get3A_178, %get3A_179] {strides = array<i32>} : memref<128x128xf32, #tpu.memory_space<vmem>>, vector<1x16xf32>,
          %get3A_181 = vector.shape_cast %get3A_180 : vector<1x16xf32> to vector<16xf32>
          %get3A_182 = arith.index_cast %add3A_81 : i32 to index
          %get3A_183 = arith.constant 112 : index
          %get3A_184 = tpu.vector_load %arg17[%get3A_182, %get3A_183] {strides = array<i32>} : memref<128x128xf32, #tpu.memory_space<vmem>>, vector<1x16xf32>,
          %get3A_185 = vector.shape_cast %get3A_184 : vector<1x16xf32> to vector<16xf32>
          %add3A_186 = arith.addf %get3A_181, %get3A_185 : vector<16xf32>
          %swap3A_187 = arith.index_cast %add3A_81 : i32 to index
          %swap3A_188 = arith.constant 112 : index
          %swap3A_189 = tpu.vector_load %arg16[%swap3A_187, %swap3A_188] {strides = array<i32>} : memref<128x128xf32, #tpu.memory_space<vmem>>, vector<1x16xf32>,
          %swap3A_190 = vector.shape_cast %swap3A_189 : vector<1x16xf32> to vector<16xf32>
          %swap3A_191 = vector.shape_cast %add3A_186 : vector<16xf32> to vector<1x16xf32>
          tpu.vector_store %arg16[%swap3A_187, %swap3A_188], %swap3A_191 {strides = array<i32>} : memref<128x128xf32, #tpu.memory_space<vmem>>, vector<1x16xf32>,
        }
        %scan3A_60 = arith.constant 128 : i32
        %dma_start3A_61 = arith.constant 0 : i32
        %dma_start3A_62 = tpu.memref_slice %arg7[%mul3A_47, %dma_start3A_61] : memref<160000x128xf32, #tpu.memory_space<hbm>> -> memref<128x128xf32, #tpu.memory_space<hbm>>
        %dma_start3A_63 = arith.constant 0 : i32
        %dma_start3A_64 = tpu.memref_slice %arg7[%mul3A_47, %dma_start3A_63] : memref<160000x128xf32, #tpu.memory_space<hbm>> -> memref<128x128xf32, #tpu.memory_space<hbm>>
        tpu.enqueue_dma source(%arg16 : memref<128x128xf32, #tpu.memory_space<vmem>>) target(%dma_start3A_64 : memref<128x128xf32, #tpu.memory_space<hbm>>) target_semaphore(%arg21 : memref<!tpu.dma_semaphore, #tpu.memory_space<semaphore_mem>>)
        %dma_start3A_65 = arith.constant 0 : i32
        %dma_start3A_66 = tpu.memref_slice %arg8[%mul3A_47, %dma_start3A_65] : memref<160000x128xf32, #tpu.memory_space<hbm>> -> memref<128x128xf32, #tpu.memory_space<hbm>>
        %dma_start3A_67 = arith.constant 0 : i32
        %dma_start3A_68 = tpu.memref_slice %arg8[%mul3A_47, %dma_start3A_67] : memref<160000x128xf32, #tpu.memory_space<hbm>> -> memref<128x128xf32, #tpu.memory_space<hbm>>
        tpu.enqueue_dma source(%arg18 : memref<128x128xf32, #tpu.memory_space<vmem>>) target(%dma_start3A_68 : memref<128x128xf32, #tpu.memory_space<hbm>>) target_semaphore(%arg21 : memref<!tpu.dma_semaphore, #tpu.memory_space<semaphore_mem>>)
        %dma_wait3A_69 = arith.constant 0 : i32
        %dma_wait3A_70 = tpu.memref_slice %arg7[%mul3A_47, %dma_wait3A_69] : memref<160000x128xf32, #tpu.memory_space<hbm>> -> memref<128x128xf32, #tpu.memory_space<hbm>>
        %dma_wait3A_71 = arith.constant 0 : i32
        %dma_wait3A_72 = tpu.memref_slice %arg7[%mul3A_47, %dma_wait3A_71] : memref<160000x128xf32, #tpu.memory_space<hbm>> -> memref<128x128xf32, #tpu.memory_space<hbm>>
        tpu.wait_dma2 semaphore(%arg21 : memref<!tpu.dma_semaphore, #tpu.memory_space<semaphore_mem>>) src(%arg16 : memref<128x128xf32, #tpu.memory_space<vmem>>) dst(%dma_wait3A_72 : memref<128x128xf32, #tpu.memory_space<hbm>>)
        %dma_wait3A_73 = arith.constant 0 : i32
        %dma_wait3A_74 = tpu.memref_slice %arg8[%mul3A_47, %dma_wait3A_73] : memref<160000x128xf32, #tpu.memory_space<hbm>> -> memref<128x128xf32, #tpu.memory_space<hbm>>
        %dma_wait3A_75 = arith.constant 0 : i32
        %dma_wait3A_76 = tpu.memref_slice %arg8[%mul3A_47, %dma_wait3A_75] : memref<160000x128xf32, #tpu.memory_space<hbm>> -> memref<128x128xf32, #tpu.memory_space<hbm>>
        tpu.wait_dma2 semaphore(%arg21 : memref<!tpu.dma_semaphore, #tpu.memory_space<semaphore_mem>>) src(%arg18 : memref<128x128xf32, #tpu.memory_space<vmem>>) dst(%dma_wait3A_76 : memref<128x128xf32, #tpu.memory_space<hbm>>)
      } else {
      }
    }
    %scan3A_14 = arith.constant 20 : i32
    return
  }
}

#map = affine_map<(d0, d1) -> (0, 0)>
#map1 = affine_map<(d0, d1) -> (0)>
module attributes {stable_mosaic.version = 14 : i64} {
  func.func @_kern(%arg0: i32, %arg1: i32, %arg2: memref<10000x128xf32, #tpu.memory_space<hbm>>, %arg3: memref<10000x128xf32, #tpu.memory_space<hbm>>, %arg4: memref<10000x128xf32, #tpu.memory_space<hbm>>, %arg5: memref<160000xi32, #tpu.memory_space<hbm>>, %arg6: memref<160000xi32, #tpu.memory_space<hbm>>, %arg7: memref<160000x128xf32, #tpu.memory_space<hbm>>, %arg8: memref<160000x128xf32, #tpu.memory_space<hbm>>, %arg9: memref<128xi32, #tpu.memory_space<vmem>>, %arg10: memref<128xi32, #tpu.memory_space<vmem>>, %arg11: memref<128xi32, #tpu.memory_space<vmem>>, %arg12: memref<128xi32, #tpu.memory_space<vmem>>, %arg13: memref<128x128xf32, #tpu.memory_space<vmem>>, %arg14: memref<128x128xf32, #tpu.memory_space<vmem>>, %arg15: memref<128x128xf32, #tpu.memory_space<vmem>>, %arg16: memref<128x128xf32, #tpu.memory_space<vmem>>, %arg17: memref<128x128xf32, #tpu.memory_space<vmem>>, %arg18: memref<128x128xf32, #tpu.memory_space<vmem>>, %arg19: memref<!tpu.dma_semaphore, #tpu.memory_space<semaphore_mem>>, %arg20: memref<!tpu.dma_semaphore, #tpu.memory_space<semaphore_mem>>, %arg21: memref<!tpu.dma_semaphore, #tpu.memory_space<semaphore_mem>>) attributes {dimension_semantics = [#tpu.dimension_semantics<core_parallel>, #tpu.dimension_semantics<subcore_parallel>], iteration_bounds = array<i64: 2, 16>, scalar_prefetch = 0 : i64, scratch_operands = 13 : i64, tpu.core_type = #tpu.core_type<sc_vector_subcore>, window_params = [{transform_indices = #map}, {transform_indices = #map}, {transform_indices = #map}, {transform_indices = #map1}, {transform_indices = #map1}, {transform_indices = #map}, {transform_indices = #map}]} {
    %mul3A = arith.constant 2 : i32
    %mul3A_0 = arith.muli %arg1, %mul3A : i32
    %add3A = arith.addi %mul3A_0, %arg0 : i32
    %mul3A_1 = arith.constant 128 : i32
    %mul3A_2 = arith.muli %add3A, %mul3A_1 : i32
    "tpu.region"() ({
      %run_scoped3A = tpu.sem_alloc : memref<!tpu.dma_semaphore, #tpu.memory_space<semaphore_mem>>
      %dma_start3A_15 = tpu.memref_slice %arg5[%mul3A_2] : memref<160000xi32, #tpu.memory_space<hbm>> -> memref<128xi32, #tpu.memory_space<hbm>>
      %dma_start3A_16 = tpu.memref_slice %arg5[%mul3A_2] : memref<160000xi32, #tpu.memory_space<hbm>> -> memref<128xi32, #tpu.memory_space<hbm>>
      tpu.enqueue_dma source(%dma_start3A_16 : memref<128xi32, #tpu.memory_space<hbm>>) target(%arg9 : memref<128xi32, #tpu.memory_space<vmem>>) target_semaphore(%run_scoped3A : memref<!tpu.dma_semaphore, #tpu.memory_space<semaphore_mem>>)
      %dma_wait3A = tpu.memref_slice %arg5[%mul3A_2] : memref<160000xi32, #tpu.memory_space<hbm>> -> memref<128xi32, #tpu.memory_space<hbm>>
      %dma_wait3A_17 = tpu.memref_slice %arg5[%mul3A_2] : memref<160000xi32, #tpu.memory_space<hbm>> -> memref<128xi32, #tpu.memory_space<hbm>>
      tpu.wait_dma2 semaphore(%run_scoped3A : memref<!tpu.dma_semaphore, #tpu.memory_space<semaphore_mem>>) src(%dma_wait3A_17 : memref<128xi32, #tpu.memory_space<hbm>>) dst(%arg9 : memref<128xi32, #tpu.memory_space<vmem>>)
      tpu.yield
    }) : () -> ()
    "tpu.region"() ({
      %run_scoped3A = tpu.sem_alloc : memref<!tpu.dma_semaphore, #tpu.memory_space<semaphore_mem>>
      %dma_start3A_15 = tpu.memref_slice %arg6[%mul3A_2] : memref<160000xi32, #tpu.memory_space<hbm>> -> memref<128xi32, #tpu.memory_space<hbm>>
      %dma_start3A_16 = tpu.memref_slice %arg6[%mul3A_2] : memref<160000xi32, #tpu.memory_space<hbm>> -> memref<128xi32, #tpu.memory_space<hbm>>
      tpu.enqueue_dma source(%dma_start3A_16 : memref<128xi32, #tpu.memory_space<hbm>>) target(%arg10 : memref<128xi32, #tpu.memory_space<vmem>>) target_semaphore(%run_scoped3A : memref<!tpu.dma_semaphore, #tpu.memory_space<semaphore_mem>>)
      %dma_wait3A = tpu.memref_slice %arg6[%mul3A_2] : memref<160000xi32, #tpu.memory_space<hbm>> -> memref<128xi32, #tpu.memory_space<hbm>>
      %dma_wait3A_17 = tpu.memref_slice %arg6[%mul3A_2] : memref<160000xi32, #tpu.memory_space<hbm>> -> memref<128xi32, #tpu.memory_space<hbm>>
      tpu.wait_dma2 semaphore(%run_scoped3A : memref<!tpu.dma_semaphore, #tpu.memory_space<semaphore_mem>>) src(%dma_wait3A_17 : memref<128xi32, #tpu.memory_space<hbm>>) dst(%arg10 : memref<128xi32, #tpu.memory_space<vmem>>)
      tpu.yield
    }) : () -> ()
    %dma_start3A = arith.constant 0 : i32
    %dma_start3A_3 = arith.constant 0 : i32
    %dma_start3A_4 = tpu.memref_slice %arg3[%dma_start3A, %dma_start3A_3] : memref<10000x128xf32, #tpu.memory_space<hbm>> -> memref<10000x128xf32, #tpu.memory_space<hbm>>
    tpu.enqueue_indirect_dma source(%dma_start3A_4 : memref<10000x128xf32, #tpu.memory_space<hbm>>) target(%arg13 : memref<128x128xf32, #tpu.memory_space<vmem>>) offsets(%arg9 : memref<128xi32, #tpu.memory_space<vmem>>) semaphore(%arg19 : memref<!tpu.dma_semaphore, #tpu.memory_space<semaphore_mem>>)
    %dma_start3A_5 = arith.constant 0 : i32
    %dma_start3A_6 = arith.constant 0 : i32
    %dma_start3A_7 = tpu.memref_slice %arg2[%dma_start3A_5, %dma_start3A_6] : memref<10000x128xf32, #tpu.memory_space<hbm>> -> memref<10000x128xf32, #tpu.memory_space<hbm>>
    tpu.enqueue_indirect_dma source(%dma_start3A_7 : memref<10000x128xf32, #tpu.memory_space<hbm>>) target(%arg14 : memref<128x128xf32, #tpu.memory_space<vmem>>) offsets(%arg10 : memref<128xi32, #tpu.memory_space<vmem>>) semaphore(%arg19 : memref<!tpu.dma_semaphore, #tpu.memory_space<semaphore_mem>>)
    %dma_start3A_8 = arith.constant 0 : i32
    %dma_start3A_9 = arith.constant 0 : i32
    %dma_start3A_10 = tpu.memref_slice %arg4[%dma_start3A_8, %dma_start3A_9] : memref<10000x128xf32, #tpu.memory_space<hbm>> -> memref<10000x128xf32, #tpu.memory_space<hbm>>
    tpu.enqueue_indirect_dma source(%dma_start3A_10 : memref<10000x128xf32, #tpu.memory_space<hbm>>) target(%arg15 : memref<128x128xf32, #tpu.memory_space<vmem>>) offsets(%arg9 : memref<128xi32, #tpu.memory_space<vmem>>) semaphore(%arg19 : memref<!tpu.dma_semaphore, #tpu.memory_space<semaphore_mem>>)
    %scan3A = arith.constant 0 : i32
    %scan3A_11 = arith.constant 20 : i32
    %scan3A_12 = arith.addi %scan3A, %scan3A_11 : i32
    %scan3A_13 = arith.constant 1 : i32
    scf.for %scan3A_15 = %scan3A to %scan3A_12 step %scan3A_13  : i32 {
      %mul3A_16 = arith.constant 1 : i32
      %mul3A_17 = arith.muli %scan3A_15, %mul3A_16 : i32
      %add3A_18 = arith.constant 0 : i32
      %add3A_19 = arith.addi %add3A_18, %mul3A_17 : i32
      %mul3A_20 = arith.constant 2 : i32
      %mul3A_21 = arith.muli %mul3A_20, %add3A_19 : i32
      %mul3A_22 = arith.constant 32 : i32
      %mul3A_23 = arith.muli %mul3A_21, %mul3A_22 : i32
      %add3A_24 = arith.addi %mul3A_23, %add3A : i32
      %add3A_25 = arith.constant 32 : i32
      %add3A_26 = arith.addi %add3A_24, %add3A_25 : i32
      %add3A_27 = arith.constant 32 : i32
      %add3A_28 = arith.addi %add3A_26, %add3A_27 : i32
      %lt3A = arith.constant 1250 : i32
      %lt3A_29 = arith.cmpi slt, %add3A_26, %lt3A : i32
      %convert_element_type3A = arith.extui %lt3A_29 : i1 to i32
      %cond3A = arith.constant 0 : i32
      %cond3A_30 = arith.cmpi ne, %convert_element_type3A, %cond3A : i32
      scf.if %cond3A_30 {
        %mul3A_46 = arith.constant 128 : i32
        %mul3A_47 = arith.muli %add3A_26, %mul3A_46 : i32
        "tpu.region"() ({
          %run_scoped3A = tpu.sem_alloc : memref<!tpu.dma_semaphore, #tpu.memory_space<semaphore_mem>>
          %dma_start3A_57 = tpu.memref_slice %arg5[%mul3A_47] : memref<160000xi32, #tpu.memory_space<hbm>> -> memref<128xi32, #tpu.memory_space<hbm>>
          %dma_start3A_58 = tpu.memref_slice %arg5[%mul3A_47] : memref<160000xi32, #tpu.memory_space<hbm>> -> memref<128xi32, #tpu.memory_space<hbm>>
          tpu.enqueue_dma source(%dma_start3A_58 : memref<128xi32, #tpu.memory_space<hbm>>) target(%arg11 : memref<128xi32, #tpu.memory_space<vmem>>) target_semaphore(%run_scoped3A : memref<!tpu.dma_semaphore, #tpu.memory_space<semaphore_mem>>)
          %dma_wait3A = tpu.memref_slice %arg5[%mul3A_47] : memref<160000xi32, #tpu.memory_space<hbm>> -> memref<128xi32, #tpu.memory_space<hbm>>
          %dma_wait3A_59 = tpu.memref_slice %arg5[%mul3A_47] : memref<160000xi32, #tpu.memory_space<hbm>> -> memref<128xi32, #tpu.memory_space<hbm>>
          tpu.wait_dma2 semaphore(%run_scoped3A : memref<!tpu.dma_semaphore, #tpu.memory_space<semaphore_mem>>) src(%dma_wait3A_59 : memref<128xi32, #tpu.memory_space<hbm>>) dst(%arg11 : memref<128xi32, #tpu.memory_space<vmem>>)
          tpu.yield
        }) : () -> ()
        "tpu.region"() ({
          %run_scoped3A = tpu.sem_alloc : memref<!tpu.dma_semaphore, #tpu.memory_space<semaphore_mem>>
          %dma_start3A_57 = tpu.memref_slice %arg6[%mul3A_47] : memref<160000xi32, #tpu.memory_space<hbm>> -> memref<128xi32, #tpu.memory_space<hbm>>
          %dma_start3A_58 = tpu.memref_slice %arg6[%mul3A_47] : memref<160000xi32, #tpu.memory_space<hbm>> -> memref<128xi32, #tpu.memory_space<hbm>>
          tpu.enqueue_dma source(%dma_start3A_58 : memref<128xi32, #tpu.memory_space<hbm>>) target(%arg12 : memref<128xi32, #tpu.memory_space<vmem>>) target_semaphore(%run_scoped3A : memref<!tpu.dma_semaphore, #tpu.memory_space<semaphore_mem>>)
          %dma_wait3A = tpu.memref_slice %arg6[%mul3A_47] : memref<160000xi32, #tpu.memory_space<hbm>> -> memref<128xi32, #tpu.memory_space<hbm>>
          %dma_wait3A_59 = tpu.memref_slice %arg6[%mul3A_47] : memref<160000xi32, #tpu.memory_space<hbm>> -> memref<128xi32, #tpu.memory_space<hbm>>
          tpu.wait_dma2 semaphore(%run_scoped3A : memref<!tpu.dma_semaphore, #tpu.memory_space<semaphore_mem>>) src(%dma_wait3A_59 : memref<128xi32, #tpu.memory_space<hbm>>) dst(%arg12 : memref<128xi32, #tpu.memory_space<vmem>>)
          tpu.yield
        }) : () -> ()
        %dma_start3A_48 = arith.constant 0 : i32
        %dma_start3A_49 = arith.constant 0 : i32
        %dma_start3A_50 = tpu.memref_slice %arg3[%dma_start3A_48, %dma_start3A_49] : memref<10000x128xf32, #tpu.memory_space<hbm>> -> memref<10000x128xf32, #tpu.memory_space<hbm>>
        tpu.enqueue_indirect_dma source(%dma_start3A_50 : memref<10000x128xf32, #tpu.memory_space<hbm>>) target(%arg16 : memref<128x128xf32, #tpu.memory_space<vmem>>) offsets(%arg11 : memref<128xi32, #tpu.memory_space<vmem>>) semaphore(%arg20 : memref<!tpu.dma_semaphore, #tpu.memory_space<semaphore_mem>>)
        %dma_start3A_51 = arith.constant 0 : i32
        %dma_start3A_52 = arith.constant 0 : i32
        %dma_start3A_53 = tpu.memref_slice %arg2[%dma_start3A_51, %dma_start3A_52] : memref<10000x128xf32, #tpu.memory_space<hbm>> -> memref<10000x128xf32, #tpu.memory_space<hbm>>
        tpu.enqueue_indirect_dma source(%dma_start3A_53 : memref<10000x128xf32, #tpu.memory_space<hbm>>) target(%arg17 : memref<128x128xf32, #tpu.memory_space<vmem>>) offsets(%arg12 : memref<128xi32, #tpu.memory_space<vmem>>) semaphore(%arg20 : memref<!tpu.dma_semaphore, #tpu.memory_space<semaphore_mem>>)
        %dma_start3A_54 = arith.constant 0 : i32
        %dma_start3A_55 = arith.constant 0 : i32
        %dma_start3A_56 = tpu.memref_slice %arg4[%dma_start3A_54, %dma_start3A_55] : memref<10000x128xf32, #tpu.memory_space<hbm>> -> memref<10000x128xf32, #tpu.memory_space<hbm>>
        tpu.enqueue_indirect_dma source(%dma_start3A_56 : memref<10000x128xf32, #tpu.memory_space<hbm>>) target(%arg18 : memref<128x128xf32, #tpu.memory_space<vmem>>) offsets(%arg11 : memref<128xi32, #tpu.memory_space<vmem>>) semaphore(%arg20 : memref<!tpu.dma_semaphore, #tpu.memory_space<semaphore_mem>>)
      } else {
      }
      %lt3A_31 = arith.constant 1250 : i32
      %lt3A_32 = arith.cmpi slt, %add3A_24, %lt3A_31 : i32
      %convert_element_type3A_33 = arith.extui %lt3A_32 : i1 to i32
      %cond3A_34 = arith.constant 0 : i32
      %cond3A_35 = arith.cmpi ne, %convert_element_type3A_33, %cond3A_34 : i32
      scf.if %cond3A_35 {
        %mul3A_46 = arith.constant 128 : i32
        %mul3A_47 = arith.muli %add3A_24, %mul3A_46 : i32
        %dma_wait3A = arith.constant 0 : i32
        %dma_wait3A_48 = arith.constant 0 : i32
        %dma_wait3A_49 = tpu.memref_slice %arg3[%dma_wait3A, %dma_wait3A_48] : memref<10000x128xf32, #tpu.memory_space<hbm>> -> memref<10000x128xf32, #tpu.memory_space<hbm>>
        tpu.wait_indirect_dma semaphore(%arg19 : memref<!tpu.dma_semaphore, #tpu.memory_space<semaphore_mem>>) src(%dma_wait3A_49 : memref<10000x128xf32, #tpu.memory_space<hbm>>) dst(%arg13 : memref<128x128xf32, #tpu.memory_space<vmem>>)
        %dma_wait3A_50 = arith.constant 0 : i32
        %dma_wait3A_51 = arith.constant 0 : i32
        %dma_wait3A_52 = tpu.memref_slice %arg2[%dma_wait3A_50, %dma_wait3A_51] : memref<10000x128xf32, #tpu.memory_space<hbm>> -> memref<10000x128xf32, #tpu.memory_space<hbm>>
        tpu.wait_indirect_dma semaphore(%arg19 : memref<!tpu.dma_semaphore, #tpu.memory_space<semaphore_mem>>) src(%dma_wait3A_52 : memref<10000x128xf32, #tpu.memory_space<hbm>>) dst(%arg14 : memref<128x128xf32, #tpu.memory_space<vmem>>)
        %dma_wait3A_53 = arith.constant 0 : i32
        %dma_wait3A_54 = arith.constant 0 : i32
        %dma_wait3A_55 = tpu.memref_slice %arg4[%dma_wait3A_53, %dma_wait3A_54] : memref<10000x128xf32, #tpu.memory_space<hbm>> -> memref<10000x128xf32, #tpu.memory_space<hbm>>
        tpu.wait_indirect_dma semaphore(%arg19 : memref<!tpu.dma_semaphore, #tpu.memory_space<semaphore_mem>>) src(%dma_wait3A_55 : memref<10000x128xf32, #tpu.memory_space<hbm>>) dst(%arg15 : memref<128x128xf32, #tpu.memory_space<vmem>>)
        %scan3A_56 = arith.constant 0 : i32
        %scan3A_57 = arith.constant 128 : i32
        %scan3A_58 = arith.addi %scan3A_56, %scan3A_57 : i32
        %scan3A_59 = arith.constant 1 : i32
        scf.for %scan3A_77 = %scan3A_56 to %scan3A_58 step %scan3A_59  : i32 {
          %mul3A_78 = arith.constant 1 : i32
          %mul3A_79 = arith.muli %scan3A_77, %mul3A_78 : i32
          %add3A_80 = arith.constant 0 : i32
          %add3A_81 = arith.addi %add3A_80, %mul3A_79 : i32
          %get3A = arith.index_cast %add3A_81 : i32 to index
          %get3A_82 = arith.constant 0 : index
          %get3A_83 = tpu.vector_load %arg13[%get3A, %get3A_82] {strides = array<i32>} : memref<128x128xf32, #tpu.memory_space<vmem>>, vector<1x16xf32>,
          %get3A_84 = vector.shape_cast %get3A_83 : vector<1x16xf32> to vector<16xf32>
          %get3A_85 = arith.index_cast %add3A_81 : i32 to index
          %get3A_86 = arith.constant 0 : index
          %get3A_87 = tpu.vector_load %arg14[%get3A_85, %get3A_86] {strides = array<i32>} : memref<128x128xf32, #tpu.memory_space<vmem>>, vector<1x16xf32>,
          %get3A_88 = vector.shape_cast %get3A_87 : vector<1x16xf32> to vector<16xf32>
          %add3A_89 = arith.addf %get3A_84, %get3A_88 : vector<16xf32>
          %swap3A = arith.index_cast %add3A_81 : i32 to index
          %swap3A_90 = arith.constant 0 : index
          %swap3A_91 = tpu.vector_load %arg13[%swap3A, %swap3A_90] {strides = array<i32>} : memref<128x128xf32, #tpu.memory_space<vmem>>, vector<1x16xf32>,
          %swap3A_92 = vector.shape_cast %swap3A_91 : vector<1x16xf32> to vector<16xf32>
          %swap3A_93 = vector.shape_cast %add3A_89 : vector<16xf32> to vector<1x16xf32>
          tpu.vector_store %arg13[%swap3A, %swap3A_90], %swap3A_93 {strides = array<i32>} : memref<128x128xf32, #tpu.memory_space<vmem>>, vector<1x16xf32>,
          %get3A_94 = arith.index_cast %add3A_81 : i32 to index
          %get3A_95 = arith.constant 16 : index
          %get3A_96 = tpu.vector_load %arg13[%get3A_94, %get3A_95] {strides = array<i32>} : memref<128x128xf32, #tpu.memory_space<vmem>>, vector<1x16xf32>,
          %get3A_97 = vector.shape_cast %get3A_96 : vector<1x16xf32> to vector<16xf32>
          %get3A_98 = arith.index_cast %add3A_81 : i32 to index
          %get3A_99 = arith.constant 16 : index
          %get3A_100 = tpu.vector_load %arg14[%get3A_98, %get3A_99] {strides = array<i32>} : memref<128x128xf32, #tpu.memory_space<vmem>>, vector<1x16xf32>,
          %get3A_101 = vector.shape_cast %get3A_100 : vector<1x16xf32> to vector<16xf32>
          %add3A_102 = arith.addf %get3A_97, %get3A_101 : vector<16xf32>
          %swap3A_103 = arith.index_cast %add3A_81 : i32 to index
          %swap3A_104 = arith.constant 16 : index
          %swap3A_105 = tpu.vector_load %arg13[%swap3A_103, %swap3A_104] {strides = array<i32>} : memref<128x128xf32, #tpu.memory_space<vmem>>, vector<1x16xf32>,
          %swap3A_106 = vector.shape_cast %swap3A_105 : vector<1x16xf32> to vector<16xf32>
          %swap3A_107 = vector.shape_cast %add3A_102 : vector<16xf32> to vector<1x16xf32>
          tpu.vector_store %arg13[%swap3A_103, %swap3A_104], %swap3A_107 {strides = array<i32>} : memref<128x128xf32, #tpu.memory_space<vmem>>, vector<1x16xf32>,
          %get3A_108 = arith.index_cast %add3A_81 : i32 to index
          %get3A_109 = arith.constant 32 : index
          %get3A_110 = tpu.vector_load %arg13[%get3A_108, %get3A_109] {strides = array<i32>} : memref<128x128xf32, #tpu.memory_space<vmem>>, vector<1x16xf32>,
          %get3A_111 = vector.shape_cast %get3A_110 : vector<1x16xf32> to vector<16xf32>
          %get3A_112 = arith.index_cast %add3A_81 : i32 to index
          %get3A_113 = arith.constant 32 : index
          %get3A_114 = tpu.vector_load %arg14[%get3A_112, %get3A_113] {strides = array<i32>} : memref<128x128xf32, #tpu.memory_space<vmem>>, vector<1x16xf32>,
          %get3A_115 = vector.shape_cast %get3A_114 : vector<1x16xf32> to vector<16xf32>
          %add3A_116 = arith.addf %get3A_111, %get3A_115 : vector<16xf32>
          %swap3A_117 = arith.index_cast %add3A_81 : i32 to index
          %swap3A_118 = arith.constant 32 : index
          %swap3A_119 = tpu.vector_load %arg13[%swap3A_117, %swap3A_118] {strides = array<i32>} : memref<128x128xf32, #tpu.memory_space<vmem>>, vector<1x16xf32>,
          %swap3A_120 = vector.shape_cast %swap3A_119 : vector<1x16xf32> to vector<16xf32>
          %swap3A_121 = vector.shape_cast %add3A_116 : vector<16xf32> to vector<1x16xf32>
          tpu.vector_store %arg13[%swap3A_117, %swap3A_118], %swap3A_121 {strides = array<i32>} : memref<128x128xf32, #tpu.memory_space<vmem>>, vector<1x16xf32>,
          %get3A_122 = arith.index_cast %add3A_81 : i32 to index
          %get3A_123 = arith.constant 48 : index
          %get3A_124 = tpu.vector_load %arg13[%get3A_122, %get3A_123] {strides = array<i32>} : memref<128x128xf32, #tpu.memory_space<vmem>>, vector<1x16xf32>,
          %get3A_125 = vector.shape_cast %get3A_124 : vector<1x16xf32> to vector<16xf32>
          %get3A_126 = arith.index_cast %add3A_81 : i32 to index
          %get3A_127 = arith.constant 48 : index
          %get3A_128 = tpu.vector_load %arg14[%get3A_126, %get3A_127] {strides = array<i32>} : memref<128x128xf32, #tpu.memory_space<vmem>>, vector<1x16xf32>,
          %get3A_129 = vector.shape_cast %get3A_128 : vector<1x16xf32> to vector<16xf32>
          %add3A_130 = arith.addf %get3A_125, %get3A_129 : vector<16xf32>
          %swap3A_131 = arith.index_cast %add3A_81 : i32 to index
          %swap3A_132 = arith.constant 48 : index
          %swap3A_133 = tpu.vector_load %arg13[%swap3A_131, %swap3A_132] {strides = array<i32>} : memref<128x128xf32, #tpu.memory_space<vmem>>, vector<1x16xf32>,
          %swap3A_134 = vector.shape_cast %swap3A_133 : vector<1x16xf32> to vector<16xf32>
          %swap3A_135 = vector.shape_cast %add3A_130 : vector<16xf32> to vector<1x16xf32>
          tpu.vector_store %arg13[%swap3A_131, %swap3A_132], %swap3A_135 {strides = array<i32>} : memref<128x128xf32, #tpu.memory_space<vmem>>, vector<1x16xf32>,
          %get3A_136 = arith.index_cast %add3A_81 : i32 to index
          %get3A_137 = arith.constant 64 : index
          %get3A_138 = tpu.vector_load %arg13[%get3A_136, %get3A_137] {strides = array<i32>} : memref<128x128xf32, #tpu.memory_space<vmem>>, vector<1x16xf32>,
          %get3A_139 = vector.shape_cast %get3A_138 : vector<1x16xf32> to vector<16xf32>
          %get3A_140 = arith.index_cast %add3A_81 : i32 to index
          %get3A_141 = arith.constant 64 : index
          %get3A_142 = tpu.vector_load %arg14[%get3A_140, %get3A_141] {strides = array<i32>} : memref<128x128xf32, #tpu.memory_space<vmem>>, vector<1x16xf32>,
          %get3A_143 = vector.shape_cast %get3A_142 : vector<1x16xf32> to vector<16xf32>
          %add3A_144 = arith.addf %get3A_139, %get3A_143 : vector<16xf32>
          %swap3A_145 = arith.index_cast %add3A_81 : i32 to index
          %swap3A_146 = arith.constant 64 : index
          %swap3A_147 = tpu.vector_load %arg13[%swap3A_145, %swap3A_146] {strides = array<i32>} : memref<128x128xf32, #tpu.memory_space<vmem>>, vector<1x16xf32>,
          %swap3A_148 = vector.shape_cast %swap3A_147 : vector<1x16xf32> to vector<16xf32>
          %swap3A_149 = vector.shape_cast %add3A_144 : vector<16xf32> to vector<1x16xf32>
          tpu.vector_store %arg13[%swap3A_145, %swap3A_146], %swap3A_149 {strides = array<i32>} : memref<128x128xf32, #tpu.memory_space<vmem>>, vector<1x16xf32>,
          %get3A_150 = arith.index_cast %add3A_81 : i32 to index
          %get3A_151 = arith.constant 80 : index
          %get3A_152 = tpu.vector_load %arg13[%get3A_150, %get3A_151] {strides = array<i32>} : memref<128x128xf32, #tpu.memory_space<vmem>>, vector<1x16xf32>,
          %get3A_153 = vector.shape_cast %get3A_152 : vector<1x16xf32> to vector<16xf32>
          %get3A_154 = arith.index_cast %add3A_81 : i32 to index
          %get3A_155 = arith.constant 80 : index
          %get3A_156 = tpu.vector_load %arg14[%get3A_154, %get3A_155] {strides = array<i32>} : memref<128x128xf32, #tpu.memory_space<vmem>>, vector<1x16xf32>,
          %get3A_157 = vector.shape_cast %get3A_156 : vector<1x16xf32> to vector<16xf32>
          %add3A_158 = arith.addf %get3A_153, %get3A_157 : vector<16xf32>
          %swap3A_159 = arith.index_cast %add3A_81 : i32 to index
          %swap3A_160 = arith.constant 80 : index
          %swap3A_161 = tpu.vector_load %arg13[%swap3A_159, %swap3A_160] {strides = array<i32>} : memref<128x128xf32, #tpu.memory_space<vmem>>, vector<1x16xf32>,
          %swap3A_162 = vector.shape_cast %swap3A_161 : vector<1x16xf32> to vector<16xf32>
          %swap3A_163 = vector.shape_cast %add3A_158 : vector<16xf32> to vector<1x16xf32>
          tpu.vector_store %arg13[%swap3A_159, %swap3A_160], %swap3A_163 {strides = array<i32>} : memref<128x128xf32, #tpu.memory_space<vmem>>, vector<1x16xf32>,
          %get3A_164 = arith.index_cast %add3A_81 : i32 to index
          %get3A_165 = arith.constant 96 : index
          %get3A_166 = tpu.vector_load %arg13[%get3A_164, %get3A_165] {strides = array<i32>} : memref<128x128xf32, #tpu.memory_space<vmem>>, vector<1x16xf32>,
          %get3A_167 = vector.shape_cast %get3A_166 : vector<1x16xf32> to vector<16xf32>
          %get3A_168 = arith.index_cast %add3A_81 : i32 to index
          %get3A_169 = arith.constant 96 : index
          %get3A_170 = tpu.vector_load %arg14[%get3A_168, %get3A_169] {strides = array<i32>} : memref<128x128xf32, #tpu.memory_space<vmem>>, vector<1x16xf32>,
          %get3A_171 = vector.shape_cast %get3A_170 : vector<1x16xf32> to vector<16xf32>
          %add3A_172 = arith.addf %get3A_167, %get3A_171 : vector<16xf32>
          %swap3A_173 = arith.index_cast %add3A_81 : i32 to index
          %swap3A_174 = arith.constant 96 : index
          %swap3A_175 = tpu.vector_load %arg13[%swap3A_173, %swap3A_174] {strides = array<i32>} : memref<128x128xf32, #tpu.memory_space<vmem>>, vector<1x16xf32>,
          %swap3A_176 = vector.shape_cast %swap3A_175 : vector<1x16xf32> to vector<16xf32>
          %swap3A_177 = vector.shape_cast %add3A_172 : vector<16xf32> to vector<1x16xf32>
          tpu.vector_store %arg13[%swap3A_173, %swap3A_174], %swap3A_177 {strides = array<i32>} : memref<128x128xf32, #tpu.memory_space<vmem>>, vector<1x16xf32>,
          %get3A_178 = arith.index_cast %add3A_81 : i32 to index
          %get3A_179 = arith.constant 112 : index
          %get3A_180 = tpu.vector_load %arg13[%get3A_178, %get3A_179] {strides = array<i32>} : memref<128x128xf32, #tpu.memory_space<vmem>>, vector<1x16xf32>,
          %get3A_181 = vector.shape_cast %get3A_180 : vector<1x16xf32> to vector<16xf32>
          %get3A_182 = arith.index_cast %add3A_81 : i32 to index
          %get3A_183 = arith.constant 112 : index
          %get3A_184 = tpu.vector_load %arg14[%get3A_182, %get3A_183] {strides = array<i32>} : memref<128x128xf32, #tpu.memory_space<vmem>>, vector<1x16xf32>,
          %get3A_185 = vector.shape_cast %get3A_184 : vector<1x16xf32> to vector<16xf32>
          %add3A_186 = arith.addf %get3A_181, %get3A_185 : vector<16xf32>
          %swap3A_187 = arith.index_cast %add3A_81 : i32 to index
          %swap3A_188 = arith.constant 112 : index
          %swap3A_189 = tpu.vector_load %arg13[%swap3A_187, %swap3A_188] {strides = array<i32>} : memref<128x128xf32, #tpu.memory_space<vmem>>, vector<1x16xf32>,
          %swap3A_190 = vector.shape_cast %swap3A_189 : vector<1x16xf32> to vector<16xf32>
          %swap3A_191 = vector.shape_cast %add3A_186 : vector<16xf32> to vector<1x16xf32>
          tpu.vector_store %arg13[%swap3A_187, %swap3A_188], %swap3A_191 {strides = array<i32>} : memref<128x128xf32, #tpu.memory_space<vmem>>, vector<1x16xf32>,
        }
        %scan3A_60 = arith.constant 128 : i32
        %dma_start3A_61 = arith.constant 0 : i32
        %dma_start3A_62 = tpu.memref_slice %arg7[%mul3A_47, %dma_start3A_61] : memref<160000x128xf32, #tpu.memory_space<hbm>> -> memref<128x128xf32, #tpu.memory_space<hbm>>
        %dma_start3A_63 = arith.constant 0 : i32
        %dma_start3A_64 = tpu.memref_slice %arg7[%mul3A_47, %dma_start3A_63] : memref<160000x128xf32, #tpu.memory_space<hbm>> -> memref<128x128xf32, #tpu.memory_space<hbm>>
        tpu.enqueue_dma source(%arg13 : memref<128x128xf32, #tpu.memory_space<vmem>>) target(%dma_start3A_64 : memref<128x128xf32, #tpu.memory_space<hbm>>) target_semaphore(%arg21 : memref<!tpu.dma_semaphore, #tpu.memory_space<semaphore_mem>>)
        %dma_start3A_65 = arith.constant 0 : i32
        %dma_start3A_66 = tpu.memref_slice %arg8[%mul3A_47, %dma_start3A_65] : memref<160000x128xf32, #tpu.memory_space<hbm>> -> memref<128x128xf32, #tpu.memory_space<hbm>>
        %dma_start3A_67 = arith.constant 0 : i32
        %dma_start3A_68 = tpu.memref_slice %arg8[%mul3A_47, %dma_start3A_67] : memref<160000x128xf32, #tpu.memory_space<hbm>> -> memref<128x128xf32, #tpu.memory_space<hbm>>
        tpu.enqueue_dma source(%arg15 : memref<128x128xf32, #tpu.memory_space<vmem>>) target(%dma_start3A_68 : memref<128x128xf32, #tpu.memory_space<hbm>>) target_semaphore(%arg21 : memref<!tpu.dma_semaphore, #tpu.memory_space<semaphore_mem>>)
        %dma_wait3A_69 = arith.constant 0 : i32
        %dma_wait3A_70 = tpu.memref_slice %arg7[%mul3A_47, %dma_wait3A_69] : memref<160000x128xf32, #tpu.memory_space<hbm>> -> memref<128x128xf32, #tpu.memory_space<hbm>>
        %dma_wait3A_71 = arith.constant 0 : i32
        %dma_wait3A_72 = tpu.memref_slice %arg7[%mul3A_47, %dma_wait3A_71] : memref<160000x128xf32, #tpu.memory_space<hbm>> -> memref<128x128xf32, #tpu.memory_space<hbm>>
        tpu.wait_dma2 semaphore(%arg21 : memref<!tpu.dma_semaphore, #tpu.memory_space<semaphore_mem>>) src(%arg13 : memref<128x128xf32, #tpu.memory_space<vmem>>) dst(%dma_wait3A_72 : memref<128x128xf32, #tpu.memory_space<hbm>>)
        %dma_wait3A_73 = arith.constant 0 : i32
        %dma_wait3A_74 = tpu.memref_slice %arg8[%mul3A_47, %dma_wait3A_73] : memref<160000x128xf32, #tpu.memory_space<hbm>> -> memref<128x128xf32, #tpu.memory_space<hbm>>
        %dma_wait3A_75 = arith.constant 0 : i32
        %dma_wait3A_76 = tpu.memref_slice %arg8[%mul3A_47, %dma_wait3A_75] : memref<160000x128xf32, #tpu.memory_space<hbm>> -> memref<128x128xf32, #tpu.memory_space<hbm>>
        tpu.wait_dma2 semaphore(%arg21 : memref<!tpu.dma_semaphore, #tpu.memory_space<semaphore_mem>>) src(%arg15 : memref<128x128xf32, #tpu.memory_space<vmem>>) dst(%dma_wait3A_76 : memref<128x128xf32, #tpu.memory_space<hbm>>)
      } else {
      }
      %lt3A_36 = arith.constant 1250 : i32
      %lt3A_37 = arith.cmpi slt, %add3A_28, %lt3A_36 : i32
      %convert_element_type3A_38 = arith.extui %lt3A_37 : i1 to i32
      %cond3A_39 = arith.constant 0 : i32
      %cond3A_40 = arith.cmpi ne, %convert_element_type3A_38, %cond3A_39 : i32
      scf.if %cond3A_40 {
        %mul3A_46 = arith.constant 128 : i32
        %mul3A_47 = arith.muli %add3A_28, %mul3A_46 : i32
        "tpu.region"() ({
          %run_scoped3A = tpu.sem_alloc : memref<!tpu.dma_semaphore, #tpu.memory_space<semaphore_mem>>
          %dma_start3A_57 = tpu.memref_slice %arg5[%mul3A_47] : memref<160000xi32, #tpu.memory_space<hbm>> -> memref<128xi32, #tpu.memory_space<hbm>>
          %dma_start3A_58 = tpu.memref_slice %arg5[%mul3A_47] : memref<160000xi32, #tpu.memory_space<hbm>> -> memref<128xi32, #tpu.memory_space<hbm>>
          tpu.enqueue_dma source(%dma_start3A_58 : memref<128xi32, #tpu.memory_space<hbm>>) target(%arg9 : memref<128xi32, #tpu.memory_space<vmem>>) target_semaphore(%run_scoped3A : memref<!tpu.dma_semaphore, #tpu.memory_space<semaphore_mem>>)
          %dma_wait3A = tpu.memref_slice %arg5[%mul3A_47] : memref<160000xi32, #tpu.memory_space<hbm>> -> memref<128xi32, #tpu.memory_space<hbm>>
          %dma_wait3A_59 = tpu.memref_slice %arg5[%mul3A_47] : memref<160000xi32, #tpu.memory_space<hbm>> -> memref<128xi32, #tpu.memory_space<hbm>>
          tpu.wait_dma2 semaphore(%run_scoped3A : memref<!tpu.dma_semaphore, #tpu.memory_space<semaphore_mem>>) src(%dma_wait3A_59 : memref<128xi32, #tpu.memory_space<hbm>>) dst(%arg9 : memref<128xi32, #tpu.memory_space<vmem>>)
          tpu.yield
        }) : () -> ()
        "tpu.region"() ({
          %run_scoped3A = tpu.sem_alloc : memref<!tpu.dma_semaphore, #tpu.memory_space<semaphore_mem>>
          %dma_start3A_57 = tpu.memref_slice %arg6[%mul3A_47] : memref<160000xi32, #tpu.memory_space<hbm>> -> memref<128xi32, #tpu.memory_space<hbm>>
          %dma_start3A_58 = tpu.memref_slice %arg6[%mul3A_47] : memref<160000xi32, #tpu.memory_space<hbm>> -> memref<128xi32, #tpu.memory_space<hbm>>
          tpu.enqueue_dma source(%dma_start3A_58 : memref<128xi32, #tpu.memory_space<hbm>>) target(%arg10 : memref<128xi32, #tpu.memory_space<vmem>>) target_semaphore(%run_scoped3A : memref<!tpu.dma_semaphore, #tpu.memory_space<semaphore_mem>>)
          %dma_wait3A = tpu.memref_slice %arg6[%mul3A_47] : memref<160000xi32, #tpu.memory_space<hbm>> -> memref<128xi32, #tpu.memory_space<hbm>>
          %dma_wait3A_59 = tpu.memref_slice %arg6[%mul3A_47] : memref<160000xi32, #tpu.memory_space<hbm>> -> memref<128xi32, #tpu.memory_space<hbm>>
          tpu.wait_dma2 semaphore(%run_scoped3A : memref<!tpu.dma_semaphore, #tpu.memory_space<semaphore_mem>>) src(%dma_wait3A_59 : memref<128xi32, #tpu.memory_space<hbm>>) dst(%arg10 : memref<128xi32, #tpu.memory_space<vmem>>)
          tpu.yield
        }) : () -> ()
        %dma_start3A_48 = arith.constant 0 : i32
        %dma_start3A_49 = arith.constant 0 : i32
        %dma_start3A_50 = tpu.memref_slice %arg3[%dma_start3A_48, %dma_start3A_49] : memref<10000x128xf32, #tpu.memory_space<hbm>> -> memref<10000x128xf32, #tpu.memory_space<hbm>>
        tpu.enqueue_indirect_dma source(%dma_start3A_50 : memref<10000x128xf32, #tpu.memory_space<hbm>>) target(%arg13 : memref<128x128xf32, #tpu.memory_space<vmem>>) offsets(%arg9 : memref<128xi32, #tpu.memory_space<vmem>>) semaphore(%arg19 : memref<!tpu.dma_semaphore, #tpu.memory_space<semaphore_mem>>)
        %dma_start3A_51 = arith.constant 0 : i32
        %dma_start3A_52 = arith.constant 0 : i32
        %dma_start3A_53 = tpu.memref_slice %arg2[%dma_start3A_51, %dma_start3A_52] : memref<10000x128xf32, #tpu.memory_space<hbm>> -> memref<10000x128xf32, #tpu.memory_space<hbm>>
        tpu.enqueue_indirect_dma source(%dma_start3A_53 : memref<10000x128xf32, #tpu.memory_space<hbm>>) target(%arg14 : memref<128x128xf32, #tpu.memory_space<vmem>>) offsets(%arg10 : memref<128xi32, #tpu.memory_space<vmem>>) semaphore(%arg19 : memref<!tpu.dma_semaphore, #tpu.memory_space<semaphore_mem>>)
        %dma_start3A_54 = arith.constant 0 : i32
        %dma_start3A_55 = arith.constant 0 : i32
        %dma_start3A_56 = tpu.memref_slice %arg4[%dma_start3A_54, %dma_start3A_55] : memref<10000x128xf32, #tpu.memory_space<hbm>> -> memref<10000x128xf32, #tpu.memory_space<hbm>>
        tpu.enqueue_indirect_dma source(%dma_start3A_56 : memref<10000x128xf32, #tpu.memory_space<hbm>>) target(%arg15 : memref<128x128xf32, #tpu.memory_space<vmem>>) offsets(%arg9 : memref<128xi32, #tpu.memory_space<vmem>>) semaphore(%arg19 : memref<!tpu.dma_semaphore, #tpu.memory_space<semaphore_mem>>)
      } else {
      }
      %lt3A_41 = arith.constant 1250 : i32
      %lt3A_42 = arith.cmpi slt, %add3A_26, %lt3A_41 : i32
      %convert_element_type3A_43 = arith.extui %lt3A_42 : i1 to i32
      %cond3A_44 = arith.constant 0 : i32
      %cond3A_45 = arith.cmpi ne, %convert_element_type3A_43, %cond3A_44 : i32
      scf.if %cond3A_45 {
        %mul3A_46 = arith.constant 128 : i32
        %mul3A_47 = arith.muli %add3A_26, %mul3A_46 : i32
        %dma_wait3A = arith.constant 0 : i32
        %dma_wait3A_48 = arith.constant 0 : i32
        %dma_wait3A_49 = tpu.memref_slice %arg3[%dma_wait3A, %dma_wait3A_48] : memref<10000x128xf32, #tpu.memory_space<hbm>> -> memref<10000x128xf32, #tpu.memory_space<hbm>>
        tpu.wait_indirect_dma semaphore(%arg20 : memref<!tpu.dma_semaphore, #tpu.memory_space<semaphore_mem>>) src(%dma_wait3A_49 : memref<10000x128xf32, #tpu.memory_space<hbm>>) dst(%arg16 : memref<128x128xf32, #tpu.memory_space<vmem>>)
        %dma_wait3A_50 = arith.constant 0 : i32
        %dma_wait3A_51 = arith.constant 0 : i32
        %dma_wait3A_52 = tpu.memref_slice %arg2[%dma_wait3A_50, %dma_wait3A_51] : memref<10000x128xf32, #tpu.memory_space<hbm>> -> memref<10000x128xf32, #tpu.memory_space<hbm>>
        tpu.wait_indirect_dma semaphore(%arg20 : memref<!tpu.dma_semaphore, #tpu.memory_space<semaphore_mem>>) src(%dma_wait3A_52 : memref<10000x128xf32, #tpu.memory_space<hbm>>) dst(%arg17 : memref<128x128xf32, #tpu.memory_space<vmem>>)
        %dma_wait3A_53 = arith.constant 0 : i32
        %dma_wait3A_54 = arith.constant 0 : i32
        %dma_wait3A_55 = tpu.memref_slice %arg4[%dma_wait3A_53, %dma_wait3A_54] : memref<10000x128xf32, #tpu.memory_space<hbm>> -> memref<10000x128xf32, #tpu.memory_space<hbm>>
        tpu.wait_indirect_dma semaphore(%arg20 : memref<!tpu.dma_semaphore, #tpu.memory_space<semaphore_mem>>) src(%dma_wait3A_55 : memref<10000x128xf32, #tpu.memory_space<hbm>>) dst(%arg18 : memref<128x128xf32, #tpu.memory_space<vmem>>)
        %scan3A_56 = arith.constant 0 : i32
        %scan3A_57 = arith.constant 128 : i32
        %scan3A_58 = arith.addi %scan3A_56, %scan3A_57 : i32
        %scan3A_59 = arith.constant 1 : i32
        scf.for %scan3A_77 = %scan3A_56 to %scan3A_58 step %scan3A_59  : i32 {
          %mul3A_78 = arith.constant 1 : i32
          %mul3A_79 = arith.muli %scan3A_77, %mul3A_78 : i32
          %add3A_80 = arith.constant 0 : i32
          %add3A_81 = arith.addi %add3A_80, %mul3A_79 : i32
          %get3A = arith.index_cast %add3A_81 : i32 to index
          %get3A_82 = arith.constant 0 : index
          %get3A_83 = tpu.vector_load %arg16[%get3A, %get3A_82] {strides = array<i32>} : memref<128x128xf32, #tpu.memory_space<vmem>>, vector<1x16xf32>,
          %get3A_84 = vector.shape_cast %get3A_83 : vector<1x16xf32> to vector<16xf32>
          %get3A_85 = arith.index_cast %add3A_81 : i32 to index
          %get3A_86 = arith.constant 0 : index
          %get3A_87 = tpu.vector_load %arg17[%get3A_85, %get3A_86] {strides = array<i32>} : memref<128x128xf32, #tpu.memory_space<vmem>>, vector<1x16xf32>,
          %get3A_88 = vector.shape_cast %get3A_87 : vector<1x16xf32> to vector<16xf32>
          %add3A_89 = arith.addf %get3A_84, %get3A_88 : vector<16xf32>
          %swap3A = arith.index_cast %add3A_81 : i32 to index
          %swap3A_90 = arith.constant 0 : index
          %swap3A_91 = tpu.vector_load %arg16[%swap3A, %swap3A_90] {strides = array<i32>} : memref<128x128xf32, #tpu.memory_space<vmem>>, vector<1x16xf32>,
          %swap3A_92 = vector.shape_cast %swap3A_91 : vector<1x16xf32> to vector<16xf32>
          %swap3A_93 = vector.shape_cast %add3A_89 : vector<16xf32> to vector<1x16xf32>
          tpu.vector_store %arg16[%swap3A, %swap3A_90], %swap3A_93 {strides = array<i32>} : memref<128x128xf32, #tpu.memory_space<vmem>>, vector<1x16xf32>,
          %get3A_94 = arith.index_cast %add3A_81 : i32 to index
          %get3A_95 = arith.constant 16 : index
          %get3A_96 = tpu.vector_load %arg16[%get3A_94, %get3A_95] {strides = array<i32>} : memref<128x128xf32, #tpu.memory_space<vmem>>, vector<1x16xf32>,
          %get3A_97 = vector.shape_cast %get3A_96 : vector<1x16xf32> to vector<16xf32>
          %get3A_98 = arith.index_cast %add3A_81 : i32 to index
          %get3A_99 = arith.constant 16 : index
          %get3A_100 = tpu.vector_load %arg17[%get3A_98, %get3A_99] {strides = array<i32>} : memref<128x128xf32, #tpu.memory_space<vmem>>, vector<1x16xf32>,
          %get3A_101 = vector.shape_cast %get3A_100 : vector<1x16xf32> to vector<16xf32>
          %add3A_102 = arith.addf %get3A_97, %get3A_101 : vector<16xf32>
          %swap3A_103 = arith.index_cast %add3A_81 : i32 to index
          %swap3A_104 = arith.constant 16 : index
          %swap3A_105 = tpu.vector_load %arg16[%swap3A_103, %swap3A_104] {strides = array<i32>} : memref<128x128xf32, #tpu.memory_space<vmem>>, vector<1x16xf32>,
          %swap3A_106 = vector.shape_cast %swap3A_105 : vector<1x16xf32> to vector<16xf32>
          %swap3A_107 = vector.shape_cast %add3A_102 : vector<16xf32> to vector<1x16xf32>
          tpu.vector_store %arg16[%swap3A_103, %swap3A_104], %swap3A_107 {strides = array<i32>} : memref<128x128xf32, #tpu.memory_space<vmem>>, vector<1x16xf32>,
          %get3A_108 = arith.index_cast %add3A_81 : i32 to index
          %get3A_109 = arith.constant 32 : index
          %get3A_110 = tpu.vector_load %arg16[%get3A_108, %get3A_109] {strides = array<i32>} : memref<128x128xf32, #tpu.memory_space<vmem>>, vector<1x16xf32>,
          %get3A_111 = vector.shape_cast %get3A_110 : vector<1x16xf32> to vector<16xf32>
          %get3A_112 = arith.index_cast %add3A_81 : i32 to index
          %get3A_113 = arith.constant 32 : index
          %get3A_114 = tpu.vector_load %arg17[%get3A_112, %get3A_113] {strides = array<i32>} : memref<128x128xf32, #tpu.memory_space<vmem>>, vector<1x16xf32>,
          %get3A_115 = vector.shape_cast %get3A_114 : vector<1x16xf32> to vector<16xf32>
          %add3A_116 = arith.addf %get3A_111, %get3A_115 : vector<16xf32>
          %swap3A_117 = arith.index_cast %add3A_81 : i32 to index
          %swap3A_118 = arith.constant 32 : index
          %swap3A_119 = tpu.vector_load %arg16[%swap3A_117, %swap3A_118] {strides = array<i32>} : memref<128x128xf32, #tpu.memory_space<vmem>>, vector<1x16xf32>,
          %swap3A_120 = vector.shape_cast %swap3A_119 : vector<1x16xf32> to vector<16xf32>
          %swap3A_121 = vector.shape_cast %add3A_116 : vector<16xf32> to vector<1x16xf32>
          tpu.vector_store %arg16[%swap3A_117, %swap3A_118], %swap3A_121 {strides = array<i32>} : memref<128x128xf32, #tpu.memory_space<vmem>>, vector<1x16xf32>,
          %get3A_122 = arith.index_cast %add3A_81 : i32 to index
          %get3A_123 = arith.constant 48 : index
          %get3A_124 = tpu.vector_load %arg16[%get3A_122, %get3A_123] {strides = array<i32>} : memref<128x128xf32, #tpu.memory_space<vmem>>, vector<1x16xf32>,
          %get3A_125 = vector.shape_cast %get3A_124 : vector<1x16xf32> to vector<16xf32>
          %get3A_126 = arith.index_cast %add3A_81 : i32 to index
          %get3A_127 = arith.constant 48 : index
          %get3A_128 = tpu.vector_load %arg17[%get3A_126, %get3A_127] {strides = array<i32>} : memref<128x128xf32, #tpu.memory_space<vmem>>, vector<1x16xf32>,
          %get3A_129 = vector.shape_cast %get3A_128 : vector<1x16xf32> to vector<16xf32>
          %add3A_130 = arith.addf %get3A_125, %get3A_129 : vector<16xf32>
          %swap3A_131 = arith.index_cast %add3A_81 : i32 to index
          %swap3A_132 = arith.constant 48 : index
          %swap3A_133 = tpu.vector_load %arg16[%swap3A_131, %swap3A_132] {strides = array<i32>} : memref<128x128xf32, #tpu.memory_space<vmem>>, vector<1x16xf32>,
          %swap3A_134 = vector.shape_cast %swap3A_133 : vector<1x16xf32> to vector<16xf32>
          %swap3A_135 = vector.shape_cast %add3A_130 : vector<16xf32> to vector<1x16xf32>
          tpu.vector_store %arg16[%swap3A_131, %swap3A_132], %swap3A_135 {strides = array<i32>} : memref<128x128xf32, #tpu.memory_space<vmem>>, vector<1x16xf32>,
          %get3A_136 = arith.index_cast %add3A_81 : i32 to index
          %get3A_137 = arith.constant 64 : index
          %get3A_138 = tpu.vector_load %arg16[%get3A_136, %get3A_137] {strides = array<i32>} : memref<128x128xf32, #tpu.memory_space<vmem>>, vector<1x16xf32>,
          %get3A_139 = vector.shape_cast %get3A_138 : vector<1x16xf32> to vector<16xf32>
          %get3A_140 = arith.index_cast %add3A_81 : i32 to index
          %get3A_141 = arith.constant 64 : index
          %get3A_142 = tpu.vector_load %arg17[%get3A_140, %get3A_141] {strides = array<i32>} : memref<128x128xf32, #tpu.memory_space<vmem>>, vector<1x16xf32>,
          %get3A_143 = vector.shape_cast %get3A_142 : vector<1x16xf32> to vector<16xf32>
          %add3A_144 = arith.addf %get3A_139, %get3A_143 : vector<16xf32>
          %swap3A_145 = arith.index_cast %add3A_81 : i32 to index
          %swap3A_146 = arith.constant 64 : index
          %swap3A_147 = tpu.vector_load %arg16[%swap3A_145, %swap3A_146] {strides = array<i32>} : memref<128x128xf32, #tpu.memory_space<vmem>>, vector<1x16xf32>,
          %swap3A_148 = vector.shape_cast %swap3A_147 : vector<1x16xf32> to vector<16xf32>
          %swap3A_149 = vector.shape_cast %add3A_144 : vector<16xf32> to vector<1x16xf32>
          tpu.vector_store %arg16[%swap3A_145, %swap3A_146], %swap3A_149 {strides = array<i32>} : memref<128x128xf32, #tpu.memory_space<vmem>>, vector<1x16xf32>,
          %get3A_150 = arith.index_cast %add3A_81 : i32 to index
          %get3A_151 = arith.constant 80 : index
          %get3A_152 = tpu.vector_load %arg16[%get3A_150, %get3A_151] {strides = array<i32>} : memref<128x128xf32, #tpu.memory_space<vmem>>, vector<1x16xf32>,
          %get3A_153 = vector.shape_cast %get3A_152 : vector<1x16xf32> to vector<16xf32>
          %get3A_154 = arith.index_cast %add3A_81 : i32 to index
          %get3A_155 = arith.constant 80 : index
          %get3A_156 = tpu.vector_load %arg17[%get3A_154, %get3A_155] {strides = array<i32>} : memref<128x128xf32, #tpu.memory_space<vmem>>, vector<1x16xf32>,
          %get3A_157 = vector.shape_cast %get3A_156 : vector<1x16xf32> to vector<16xf32>
          %add3A_158 = arith.addf %get3A_153, %get3A_157 : vector<16xf32>
          %swap3A_159 = arith.index_cast %add3A_81 : i32 to index
          %swap3A_160 = arith.constant 80 : index
          %swap3A_161 = tpu.vector_load %arg16[%swap3A_159, %swap3A_160] {strides = array<i32>} : memref<128x128xf32, #tpu.memory_space<vmem>>, vector<1x16xf32>,
          %swap3A_162 = vector.shape_cast %swap3A_161 : vector<1x16xf32> to vector<16xf32>
          %swap3A_163 = vector.shape_cast %add3A_158 : vector<16xf32> to vector<1x16xf32>
          tpu.vector_store %arg16[%swap3A_159, %swap3A_160], %swap3A_163 {strides = array<i32>} : memref<128x128xf32, #tpu.memory_space<vmem>>, vector<1x16xf32>,
          %get3A_164 = arith.index_cast %add3A_81 : i32 to index
          %get3A_165 = arith.constant 96 : index
          %get3A_166 = tpu.vector_load %arg16[%get3A_164, %get3A_165] {strides = array<i32>} : memref<128x128xf32, #tpu.memory_space<vmem>>, vector<1x16xf32>,
          %get3A_167 = vector.shape_cast %get3A_166 : vector<1x16xf32> to vector<16xf32>
          %get3A_168 = arith.index_cast %add3A_81 : i32 to index
          %get3A_169 = arith.constant 96 : index
          %get3A_170 = tpu.vector_load %arg17[%get3A_168, %get3A_169] {strides = array<i32>} : memref<128x128xf32, #tpu.memory_space<vmem>>, vector<1x16xf32>,
          %get3A_171 = vector.shape_cast %get3A_170 : vector<1x16xf32> to vector<16xf32>
          %add3A_172 = arith.addf %get3A_167, %get3A_171 : vector<16xf32>
          %swap3A_173 = arith.index_cast %add3A_81 : i32 to index
          %swap3A_174 = arith.constant 96 : index
          %swap3A_175 = tpu.vector_load %arg16[%swap3A_173, %swap3A_174] {strides = array<i32>} : memref<128x128xf32, #tpu.memory_space<vmem>>, vector<1x16xf32>,
          %swap3A_176 = vector.shape_cast %swap3A_175 : vector<1x16xf32> to vector<16xf32>
          %swap3A_177 = vector.shape_cast %add3A_172 : vector<16xf32> to vector<1x16xf32>
          tpu.vector_store %arg16[%swap3A_173, %swap3A_174], %swap3A_177 {strides = array<i32>} : memref<128x128xf32, #tpu.memory_space<vmem>>, vector<1x16xf32>,
          %get3A_178 = arith.index_cast %add3A_81 : i32 to index
          %get3A_179 = arith.constant 112 : index
          %get3A_180 = tpu.vector_load %arg16[%get3A_178, %get3A_179] {strides = array<i32>} : memref<128x128xf32, #tpu.memory_space<vmem>>, vector<1x16xf32>,
          %get3A_181 = vector.shape_cast %get3A_180 : vector<1x16xf32> to vector<16xf32>
          %get3A_182 = arith.index_cast %add3A_81 : i32 to index
          %get3A_183 = arith.constant 112 : index
          %get3A_184 = tpu.vector_load %arg17[%get3A_182, %get3A_183] {strides = array<i32>} : memref<128x128xf32, #tpu.memory_space<vmem>>, vector<1x16xf32>,
          %get3A_185 = vector.shape_cast %get3A_184 : vector<1x16xf32> to vector<16xf32>
          %add3A_186 = arith.addf %get3A_181, %get3A_185 : vector<16xf32>
          %swap3A_187 = arith.index_cast %add3A_81 : i32 to index
          %swap3A_188 = arith.constant 112 : index
          %swap3A_189 = tpu.vector_load %arg16[%swap3A_187, %swap3A_188] {strides = array<i32>} : memref<128x128xf32, #tpu.memory_space<vmem>>, vector<1x16xf32>,
          %swap3A_190 = vector.shape_cast %swap3A_189 : vector<1x16xf32> to vector<16xf32>
          %swap3A_191 = vector.shape_cast %add3A_186 : vector<16xf32> to vector<1x16xf32>
          tpu.vector_store %arg16[%swap3A_187, %swap3A_188], %swap3A_191 {strides = array<i32>} : memref<128x128xf32, #tpu.memory_space<vmem>>, vector<1x16xf32>,
        }
        %scan3A_60 = arith.constant 128 : i32
        %dma_start3A_61 = arith.constant 0 : i32
        %dma_start3A_62 = tpu.memref_slice %arg7[%mul3A_47, %dma_start3A_61] : memref<160000x128xf32, #tpu.memory_space<hbm>> -> memref<128x128xf32, #tpu.memory_space<hbm>>
        %dma_start3A_63 = arith.constant 0 : i32
        %dma_start3A_64 = tpu.memref_slice %arg7[%mul3A_47, %dma_start3A_63] : memref<160000x128xf32, #tpu.memory_space<hbm>> -> memref<128x128xf32, #tpu.memory_space<hbm>>
        tpu.enqueue_dma source(%arg16 : memref<128x128xf32, #tpu.memory_space<vmem>>) target(%dma_start3A_64 : memref<128x128xf32, #tpu.memory_space<hbm>>) target_semaphore(%arg21 : memref<!tpu.dma_semaphore, #tpu.memory_space<semaphore_mem>>)
        %dma_start3A_65 = arith.constant 0 : i32
        %dma_start3A_66 = tpu.memref_slice %arg8[%mul3A_47, %dma_start3A_65] : memref<160000x128xf32, #tpu.memory_space<hbm>> -> memref<128x128xf32, #tpu.memory_space<hbm>>
        %dma_start3A_67 = arith.constant 0 : i32
        %dma_start3A_68 = tpu.memref_slice %arg8[%mul3A_47, %dma_start3A_67] : memref<160000x128xf32, #tpu.memory_space<hbm>> -> memref<128x128xf32, #tpu.memory_space<hbm>>
        tpu.enqueue_dma source(%arg18 : memref<128x128xf32, #tpu.memory_space<vmem>>) target(%dma_start3A_68 : memref<128x128xf32, #tpu.memory_space<hbm>>) target_semaphore(%arg21 : memref<!tpu.dma_semaphore, #tpu.memory_space<semaphore_mem>>)
        %dma_wait3A_69 = arith.constant 0 : i32
        %dma_wait3A_70 = tpu.memref_slice %arg7[%mul3A_47, %dma_wait3A_69] : memref<160000x128xf32, #tpu.memory_space<hbm>> -> memref<128x128xf32, #tpu.memory_space<hbm>>
        %dma_wait3A_71 = arith.constant 0 : i32
        %dma_wait3A_72 = tpu.memref_slice %arg7[%mul3A_47, %dma_wait3A_71] : memref<160000x128xf32, #tpu.memory_space<hbm>> -> memref<128x128xf32, #tpu.memory_space<hbm>>
        tpu.wait_dma2 semaphore(%arg21 : memref<!tpu.dma_semaphore, #tpu.memory_space<semaphore_mem>>) src(%arg16 : memref<128x128xf32, #tpu.memory_space<vmem>>) dst(%dma_wait3A_72 : memref<128x128xf32, #tpu.memory_space<hbm>>)
        %dma_wait3A_73 = arith.constant 0 : i32
        %dma_wait3A_74 = tpu.memref_slice %arg8[%mul3A_47, %dma_wait3A_73] : memref<160000x128xf32, #tpu.memory_space<hbm>> -> memref<128x128xf32, #tpu.memory_space<hbm>>
        %dma_wait3A_75 = arith.constant 0 : i32
        %dma_wait3A_76 = tpu.memref_slice %arg8[%mul3A_47, %dma_wait3A_75] : memref<160000x128xf32, #tpu.memory_space<hbm>> -> memref<128x128xf32, #tpu.memory_space<hbm>>
        tpu.wait_dma2 semaphore(%arg21 : memref<!tpu.dma_semaphore, #tpu.memory_space<semaphore_mem>>) src(%arg18 : memref<128x128xf32, #tpu.memory_space<vmem>>) dst(%dma_wait3A_76 : memref<128x128xf32, #tpu.memory_space<hbm>>)
      } else {
      }
    }
    %scan3A_14 = arith.constant 20 : i32
    return
  }
}

#map = affine_map<(d0, d1) -> (0, 0)>
#map1 = affine_map<(d0, d1) -> (0)>
module attributes {stable_mosaic.version = 14 : i64} {
  func.func @_kern(%arg0: i32, %arg1: i32, %arg2: memref<160000x128xf32, #tpu.memory_space<hbm>>, %arg3: memref<160000xi32, #tpu.memory_space<hbm>>, %arg4: memref<10000x128xf32, #tpu.memory_space<hbm>>, %arg5: memref<128xi32, #tpu.memory_space<vmem>>, %arg6: memref<128xi32, #tpu.memory_space<vmem>>, %arg7: memref<128xi32, #tpu.memory_space<vmem>>, %arg8: memref<128x128xf32, #tpu.memory_space<vmem>>, %arg9: memref<128x128xf32, #tpu.memory_space<vmem>>, %arg10: memref<200x128xf32, #tpu.memory_space<vmem>>, %arg11: memref<5008x128xf32, #tpu.memory_space<vmem_shared>>, %arg12: memref<!tpu.dma_semaphore, #tpu.memory_space<semaphore_mem>>, %arg13: memref<!tpu.dma_semaphore, #tpu.memory_space<semaphore_mem>>) attributes {dimension_semantics = [#tpu.dimension_semantics<core_parallel>, #tpu.dimension_semantics<subcore_parallel>], iteration_bounds = array<i64: 2, 16>, scalar_prefetch = 0 : i64, scratch_operands = 9 : i64, tpu.core_type = #tpu.core_type<sc_vector_subcore>, window_params = [{transform_indices = #map}, {transform_indices = #map1}, {transform_indices = #map}]} {
    %mul3A = arith.constant 5000 : i32
    %mul3A_0 = arith.muli %arg0, %mul3A : i32
    %broadcast_in_dim3A = arith.constant 0.000000e+00 : f32
    %broadcast_in_dim3A_1 = vector.broadcast %broadcast_in_dim3A : f32 to vector<16xf32>
    %scan3A = arith.constant 0 : i32
    %scan3A_2 = arith.constant 200 : i32
    %scan3A_3 = arith.addi %scan3A, %scan3A_2 : i32
    %scan3A_4 = arith.constant 1 : i32
    scf.for %scan3A_26 = %scan3A to %scan3A_3 step %scan3A_4  : i32 {
      %mul3A_27 = arith.constant 1 : i32
      %mul3A_28 = arith.muli %scan3A_26, %mul3A_27 : i32
      %add3A = arith.constant 0 : i32
      %add3A_29 = arith.addi %add3A, %mul3A_28 : i32
      %swap3A = arith.index_cast %add3A_29 : i32 to index
      %swap3A_30 = arith.constant 0 : index
      %swap3A_31 = tpu.vector_load %arg10[%swap3A, %swap3A_30] {strides = array<i32>} : memref<200x128xf32, #tpu.memory_space<vmem>>, vector<1x16xf32>,
      %swap3A_32 = vector.shape_cast %swap3A_31 : vector<1x16xf32> to vector<16xf32>
      %swap3A_33 = vector.shape_cast %broadcast_in_dim3A_1 : vector<16xf32> to vector<1x16xf32>
      tpu.vector_store %arg10[%swap3A, %swap3A_30], %swap3A_33 {strides = array<i32>} : memref<200x128xf32, #tpu.memory_space<vmem>>, vector<1x16xf32>,
      %swap3A_34 = arith.index_cast %add3A_29 : i32 to index
      %swap3A_35 = arith.constant 16 : index
      %swap3A_36 = tpu.vector_load %arg10[%swap3A_34, %swap3A_35] {strides = array<i32>} : memref<200x128xf32, #tpu.memory_space<vmem>>, vector<1x16xf32>,
      %swap3A_37 = vector.shape_cast %swap3A_36 : vector<1x16xf32> to vector<16xf32>
      %swap3A_38 = vector.shape_cast %broadcast_in_dim3A_1 : vector<16xf32> to vector<1x16xf32>
      tpu.vector_store %arg10[%swap3A_34, %swap3A_35], %swap3A_38 {strides = array<i32>} : memref<200x128xf32, #tpu.memory_space<vmem>>, vector<1x16xf32>,
      %swap3A_39 = arith.index_cast %add3A_29 : i32 to index
      %swap3A_40 = arith.constant 32 : index
      %swap3A_41 = tpu.vector_load %arg10[%swap3A_39, %swap3A_40] {strides = array<i32>} : memref<200x128xf32, #tpu.memory_space<vmem>>, vector<1x16xf32>,
      %swap3A_42 = vector.shape_cast %swap3A_41 : vector<1x16xf32> to vector<16xf32>
      %swap3A_43 = vector.shape_cast %broadcast_in_dim3A_1 : vector<16xf32> to vector<1x16xf32>
      tpu.vector_store %arg10[%swap3A_39, %swap3A_40], %swap3A_43 {strides = array<i32>} : memref<200x128xf32, #tpu.memory_space<vmem>>, vector<1x16xf32>,
      %swap3A_44 = arith.index_cast %add3A_29 : i32 to index
      %swap3A_45 = arith.constant 48 : index
      %swap3A_46 = tpu.vector_load %arg10[%swap3A_44, %swap3A_45] {strides = array<i32>} : memref<200x128xf32, #tpu.memory_space<vmem>>, vector<1x16xf32>,
      %swap3A_47 = vector.shape_cast %swap3A_46 : vector<1x16xf32> to vector<16xf32>
      %swap3A_48 = vector.shape_cast %broadcast_in_dim3A_1 : vector<16xf32> to vector<1x16xf32>
      tpu.vector_store %arg10[%swap3A_44, %swap3A_45], %swap3A_48 {strides = array<i32>} : memref<200x128xf32, #tpu.memory_space<vmem>>, vector<1x16xf32>,
      %swap3A_49 = arith.index_cast %add3A_29 : i32 to index
      %swap3A_50 = arith.constant 64 : index
      %swap3A_51 = tpu.vector_load %arg10[%swap3A_49, %swap3A_50] {strides = array<i32>} : memref<200x128xf32, #tpu.memory_space<vmem>>, vector<1x16xf32>,
      %swap3A_52 = vector.shape_cast %swap3A_51 : vector<1x16xf32> to vector<16xf32>
      %swap3A_53 = vector.shape_cast %broadcast_in_dim3A_1 : vector<16xf32> to vector<1x16xf32>
      tpu.vector_store %arg10[%swap3A_49, %swap3A_50], %swap3A_53 {strides = array<i32>} : memref<200x128xf32, #tpu.memory_space<vmem>>, vector<1x16xf32>,
      %swap3A_54 = arith.index_cast %add3A_29 : i32 to index
      %swap3A_55 = arith.constant 80 : index
      %swap3A_56 = tpu.vector_load %arg10[%swap3A_54, %swap3A_55] {strides = array<i32>} : memref<200x128xf32, #tpu.memory_space<vmem>>, vector<1x16xf32>,
      %swap3A_57 = vector.shape_cast %swap3A_56 : vector<1x16xf32> to vector<16xf32>
      %swap3A_58 = vector.shape_cast %broadcast_in_dim3A_1 : vector<16xf32> to vector<1x16xf32>
      tpu.vector_store %arg10[%swap3A_54, %swap3A_55], %swap3A_58 {strides = array<i32>} : memref<200x128xf32, #tpu.memory_space<vmem>>, vector<1x16xf32>,
      %swap3A_59 = arith.index_cast %add3A_29 : i32 to index
      %swap3A_60 = arith.constant 96 : index
      %swap3A_61 = tpu.vector_load %arg10[%swap3A_59, %swap3A_60] {strides = array<i32>} : memref<200x128xf32, #tpu.memory_space<vmem>>, vector<1x16xf32>,
      %swap3A_62 = vector.shape_cast %swap3A_61 : vector<1x16xf32> to vector<16xf32>
      %swap3A_63 = vector.shape_cast %broadcast_in_dim3A_1 : vector<16xf32> to vector<1x16xf32>
      tpu.vector_store %arg10[%swap3A_59, %swap3A_60], %swap3A_63 {strides = array<i32>} : memref<200x128xf32, #tpu.memory_space<vmem>>, vector<1x16xf32>,
      %swap3A_64 = arith.index_cast %add3A_29 : i32 to index
      %swap3A_65 = arith.constant 112 : index
      %swap3A_66 = tpu.vector_load %arg10[%swap3A_64, %swap3A_65] {strides = array<i32>} : memref<200x128xf32, #tpu.memory_space<vmem>>, vector<1x16xf32>,
      %swap3A_67 = vector.shape_cast %swap3A_66 : vector<1x16xf32> to vector<16xf32>
      %swap3A_68 = vector.shape_cast %broadcast_in_dim3A_1 : vector<16xf32> to vector<1x16xf32>
      tpu.vector_store %arg10[%swap3A_64, %swap3A_65], %swap3A_68 {strides = array<i32>} : memref<200x128xf32, #tpu.memory_space<vmem>>, vector<1x16xf32>,
    }
    %scan3A_5 = arith.constant 200 : i32
    %lt3A = arith.constant 5 : i32
    %lt3A_6 = arith.cmpi slt, %arg1, %lt3A : i32
    %convert_element_type3A = arith.extui %lt3A_6 : i1 to i32
    %cond3A = arith.constant 0 : i32
    %cond3A_7 = arith.cmpi ne, %convert_element_type3A, %cond3A : i32
    scf.if %cond3A_7 {
      %scan3A_26 = arith.constant 0 : i32
      %scan3A_27 = arith.constant 5 : i32
      %scan3A_28 = arith.addi %scan3A_26, %scan3A_27 : i32
      %scan3A_29 = arith.constant 1 : i32
      scf.for %scan3A_31 = %scan3A_26 to %scan3A_28 step %scan3A_29  : i32 {
        %mul3A_32 = arith.constant 1 : i32
        %mul3A_33 = arith.muli %scan3A_31, %mul3A_32 : i32
        %add3A = arith.constant 0 : i32
        %add3A_34 = arith.addi %add3A, %mul3A_33 : i32
        %mul3A_35 = arith.constant 1000 : i32
        %mul3A_36 = arith.muli %arg1, %mul3A_35 : i32
        %mul3A_37 = arith.constant 200 : i32
        %mul3A_38 = arith.muli %add3A_34, %mul3A_37 : i32
        %add3A_39 = arith.addi %mul3A_36, %mul3A_38 : i32
        "tpu.region"() ({
          %run_scoped3A = tpu.sem_alloc : memref<!tpu.dma_semaphore, #tpu.memory_space<semaphore_mem>>
          %dma_start3A_40 = arith.constant 0 : i32
          %dma_start3A_41 = tpu.memref_slice %arg11[%add3A_39, %dma_start3A_40] : memref<5008x128xf32, #tpu.memory_space<vmem_shared>> -> memref<200x128xf32, #tpu.memory_space<vmem_shared>>
          %dma_start3A_42 = arith.constant 0 : i32
          %dma_start3A_43 = tpu.memref_slice %arg11[%add3A_39, %dma_start3A_42] : memref<5008x128xf32, #tpu.memory_space<vmem_shared>> -> memref<200x128xf32, #tpu.memory_space<vmem_shared>>
          tpu.enqueue_dma source(%arg10 : memref<200x128xf32, #tpu.memory_space<vmem>>) target(%dma_start3A_43 : memref<200x128xf32, #tpu.memory_space<vmem_shared>>) target_semaphore(%run_scoped3A : memref<!tpu.dma_semaphore, #tpu.memory_space<semaphore_mem>>)
          %dma_wait3A = arith.constant 0 : i32
          %dma_wait3A_44 = tpu.memref_slice %arg11[%add3A_39, %dma_wait3A] : memref<5008x128xf32, #tpu.memory_space<vmem_shared>> -> memref<200x128xf32, #tpu.memory_space<vmem_shared>>
          %dma_wait3A_45 = arith.constant 0 : i32
          %dma_wait3A_46 = tpu.memref_slice %arg11[%add3A_39, %dma_wait3A_45] : memref<5008x128xf32, #tpu.memory_space<vmem_shared>> -> memref<200x128xf32, #tpu.memory_space<vmem_shared>>
          tpu.wait_dma2 semaphore(%run_scoped3A : memref<!tpu.dma_semaphore, #tpu.memory_space<semaphore_mem>>) src(%arg10 : memref<200x128xf32, #tpu.memory_space<vmem>>) dst(%dma_wait3A_46 : memref<200x128xf32, #tpu.memory_space<vmem_shared>>)
          tpu.yield
        }) : () -> ()
      }
      %scan3A_30 = arith.constant 5 : i32
    } else {
    }
    %barrier3A = arith.constant 0 : index
    tpu.barrier barrier_id(%barrier3A)
    %mul3A_8 = arith.constant 128 : i32
    %mul3A_9 = arith.muli %arg1, %mul3A_8 : i32
    %dma_start3A = tpu.memref_slice %arg3[%mul3A_9] : memref<160000xi32, #tpu.memory_space<hbm>> -> memref<128xi32, #tpu.memory_space<hbm>>
    %dma_start3A_10 = tpu.memref_slice %arg3[%mul3A_9] : memref<160000xi32, #tpu.memory_space<hbm>> -> memref<128xi32, #tpu.memory_space<hbm>>
    tpu.enqueue_dma source(%dma_start3A_10 : memref<128xi32, #tpu.memory_space<hbm>>) target(%arg5 : memref<128xi32, #tpu.memory_space<vmem>>) target_semaphore(%arg12 : memref<!tpu.dma_semaphore, #tpu.memory_space<semaphore_mem>>)
    %dma_start3A_11 = arith.constant 0 : i32
    %dma_start3A_12 = tpu.memref_slice %arg2[%mul3A_9, %dma_start3A_11] : memref<160000x128xf32, #tpu.memory_space<hbm>> -> memref<128x128xf32, #tpu.memory_space<hbm>>
    %dma_start3A_13 = arith.constant 0 : i32
    %dma_start3A_14 = tpu.memref_slice %arg2[%mul3A_9, %dma_start3A_13] : memref<160000x128xf32, #tpu.memory_space<hbm>> -> memref<128x128xf32, #tpu.memory_space<hbm>>
    tpu.enqueue_dma source(%dma_start3A_14 : memref<128x128xf32, #tpu.memory_space<hbm>>) target(%arg8 : memref<128x128xf32, #tpu.memory_space<vmem>>) target_semaphore(%arg12 : memref<!tpu.dma_semaphore, #tpu.memory_space<semaphore_mem>>)
    %scan3A_15 = arith.constant 0 : i32
    %scan3A_16 = arith.constant 40 : i32
    %scan3A_17 = arith.addi %scan3A_15, %scan3A_16 : i32
    %scan3A_18 = arith.constant 1 : i32
    scf.for %scan3A_26 = %scan3A_15 to %scan3A_17 step %scan3A_18  : i32 {
      %mul3A_27 = arith.constant 1 : i32
      %mul3A_28 = arith.muli %scan3A_26, %mul3A_27 : i32
      %add3A = arith.constant 0 : i32
      %add3A_29 = arith.addi %add3A, %mul3A_28 : i32
      %mul3A_30 = arith.constant 2 : i32
      %mul3A_31 = arith.muli %mul3A_30, %add3A_29 : i32
      %mul3A_32 = arith.constant 16 : i32
      %mul3A_33 = arith.muli %mul3A_31, %mul3A_32 : i32
      %add3A_34 = arith.addi %mul3A_33, %arg1 : i32
      %add3A_35 = arith.constant 16 : i32
      %add3A_36 = arith.addi %add3A_34, %add3A_35 : i32
      %add3A_37 = arith.constant 16 : i32
      %add3A_38 = arith.addi %add3A_36, %add3A_37 : i32
      %lt3A_39 = arith.constant 1250 : i32
      %lt3A_40 = arith.cmpi slt, %add3A_36, %lt3A_39 : i32
      %convert_element_type3A_41 = arith.extui %lt3A_40 : i1 to i32
      %cond3A_42 = arith.constant 0 : i32
      %cond3A_43 = arith.cmpi ne, %convert_element_type3A_41, %cond3A_42 : i32
      scf.if %cond3A_43 {
        %mul3A_59 = arith.constant 128 : i32
        %mul3A_60 = arith.muli %add3A_36, %mul3A_59 : i32
        %dma_start3A_61 = tpu.memref_slice %arg3[%mul3A_60] : memref<160000xi32, #tpu.memory_space<hbm>> -> memref<128xi32, #tpu.memory_space<hbm>>
        %dma_start3A_62 = tpu.memref_slice %arg3[%mul3A_60] : memref<160000xi32, #tpu.memory_space<hbm>> -> memref<128xi32, #tpu.memory_space<hbm>>
        tpu.enqueue_dma source(%dma_start3A_62 : memref<128xi32, #tpu.memory_space<hbm>>) target(%arg6 : memref<128xi32, #tpu.memory_space<vmem>>) target_semaphore(%arg13 : memref<!tpu.dma_semaphore, #tpu.memory_space<semaphore_mem>>)
        %dma_start3A_63 = arith.constant 0 : i32
        %dma_start3A_64 = tpu.memref_slice %arg2[%mul3A_60, %dma_start3A_63] : memref<160000x128xf32, #tpu.memory_space<hbm>> -> memref<128x128xf32, #tpu.memory_space<hbm>>
        %dma_start3A_65 = arith.constant 0 : i32
        %dma_start3A_66 = tpu.memref_slice %arg2[%mul3A_60, %dma_start3A_65] : memref<160000x128xf32, #tpu.memory_space<hbm>> -> memref<128x128xf32, #tpu.memory_space<hbm>>
        tpu.enqueue_dma source(%dma_start3A_66 : memref<128x128xf32, #tpu.memory_space<hbm>>) target(%arg9 : memref<128x128xf32, #tpu.memory_space<vmem>>) target_semaphore(%arg13 : memref<!tpu.dma_semaphore, #tpu.memory_space<semaphore_mem>>)
      } else {
      }
      %lt3A_44 = arith.constant 1250 : i32
      %lt3A_45 = arith.cmpi slt, %add3A_34, %lt3A_44 : i32
      %convert_element_type3A_46 = arith.extui %lt3A_45 : i1 to i32
      %cond3A_47 = arith.constant 0 : i32
      %cond3A_48 = arith.cmpi ne, %convert_element_type3A_46, %cond3A_47 : i32
      scf.if %cond3A_48 {
        %mul3A_59 = arith.constant 128 : i32
        %mul3A_60 = arith.muli %add3A_34, %mul3A_59 : i32
        %dma_wait3A = tpu.memref_slice %arg3[%mul3A_60] : memref<160000xi32, #tpu.memory_space<hbm>> -> memref<128xi32, #tpu.memory_space<hbm>>
        %dma_wait3A_61 = tpu.memref_slice %arg3[%mul3A_60] : memref<160000xi32, #tpu.memory_space<hbm>> -> memref<128xi32, #tpu.memory_space<hbm>>
        tpu.wait_dma2 semaphore(%arg12 : memref<!tpu.dma_semaphore, #tpu.memory_space<semaphore_mem>>) src(%dma_wait3A_61 : memref<128xi32, #tpu.memory_space<hbm>>) dst(%arg5 : memref<128xi32, #tpu.memory_space<vmem>>)
        %dma_wait3A_62 = arith.constant 0 : i32
        %dma_wait3A_63 = tpu.memref_slice %arg2[%mul3A_60, %dma_wait3A_62] : memref<160000x128xf32, #tpu.memory_space<hbm>> -> memref<128x128xf32, #tpu.memory_space<hbm>>
        %dma_wait3A_64 = arith.constant 0 : i32
        %dma_wait3A_65 = tpu.memref_slice %arg2[%mul3A_60, %dma_wait3A_64] : memref<160000x128xf32, #tpu.memory_space<hbm>> -> memref<128x128xf32, #tpu.memory_space<hbm>>
        tpu.wait_dma2 semaphore(%arg12 : memref<!tpu.dma_semaphore, #tpu.memory_space<semaphore_mem>>) src(%dma_wait3A_65 : memref<128x128xf32, #tpu.memory_space<hbm>>) dst(%arg8 : memref<128x128xf32, #tpu.memory_space<vmem>>)
        %scan3A_66 = arith.constant 0 : i32
        %scan3A_67 = arith.constant 8 : i32
        %scan3A_68 = arith.addi %scan3A_66, %scan3A_67 : i32
        %scan3A_69 = arith.constant 1 : i32
        scf.for %scan3A_71 = %scan3A_66 to %scan3A_68 step %scan3A_69  : i32 {
          %mul3A_72 = arith.constant 16 : i32
          %mul3A_73 = arith.muli %scan3A_71, %mul3A_72 : i32
          %add3A_74 = arith.constant 0 : i32
          %add3A_75 = arith.addi %add3A_74, %mul3A_73 : i32
          %get3A = arith.index_cast %add3A_75 : i32 to index
          %get3A_76 = tpu.vector_load %arg5[%get3A] {strides = array<i32>} : memref<128xi32, #tpu.memory_space<vmem>>, vector<16xi32>,
          %get3A_77 = vector.shape_cast %get3A_76 : vector<16xi32> to vector<16xi32>
          %sub3A = vector.broadcast %mul3A_0 : i32 to vector<16xi32>
          %sub3A_78 = arith.subi %get3A_77, %sub3A : vector<16xi32>
          %ge3A = arith.constant 0 : i32
          %ge3A_79 = vector.broadcast %ge3A : i32 to vector<16xi32>
          %ge3A_80 = arith.cmpi sge, %sub3A_78, %ge3A_79 : vector<16xi32>
          %lt3A_81 = arith.constant 5000 : i32
          %lt3A_82 = vector.broadcast %lt3A_81 : i32 to vector<16xi32>
          %lt3A_83 = arith.cmpi slt, %sub3A_78, %lt3A_82 : vector<16xi32>
          %and3A = arith.andi %ge3A_80, %lt3A_83 : vector<16xi1>
          %jit3A = arith.constant 5000 : i32
          %broadcast_in_dim3A_84 = vector.broadcast %jit3A : i32 to vector<16xi32>
          %select_n3A = arith.select %and3A, %sub3A_78, %broadcast_in_dim3A_84 : vector<16xi1>, vector<16xi32>
          %swap3A = arith.index_cast %add3A_75 : i32 to index
          %swap3A_85 = tpu.vector_load %arg7[%swap3A] {strides = array<i32>} : memref<128xi32, #tpu.memory_space<vmem>>, vector<16xi32>,
          %swap3A_86 = vector.shape_cast %swap3A_85 : vector<16xi32> to vector<16xi32>
          %swap3A_87 = vector.shape_cast %select_n3A : vector<16xi32> to vector<16xi32>
          tpu.vector_store %arg7[%swap3A], %swap3A_87 {strides = array<i32>} : memref<128xi32, #tpu.memory_space<vmem>>, vector<16xi32>,
        }
        %scan3A_70 = arith.constant 8 : i32
        "tpu.region"() ({
          %run_scoped3A = tpu.sem_alloc : memref<!tpu.dma_semaphore, #tpu.memory_space<semaphore_mem>>
          %dma_start3A_71 = arith.constant 0 : i32
          %dma_start3A_72 = arith.constant 0 : i32
          %dma_start3A_73 = tpu.memref_slice %arg11[%dma_start3A_71, %dma_start3A_72] : memref<5008x128xf32, #tpu.memory_space<vmem_shared>> -> memref<5008x128xf32, #tpu.memory_space<vmem_shared>>
          tpu.enqueue_indirect_dma source(%arg8 : memref<128x128xf32, #tpu.memory_space<vmem>>) target(%dma_start3A_73 : memref<5008x128xf32, #tpu.memory_space<vmem_shared>>) offsets(%arg7 : memref<128xi32, #tpu.memory_space<vmem>>) semaphore(%run_scoped3A : memref<!tpu.dma_semaphore, #tpu.memory_space<semaphore_mem>>) {add = true}
          %dma_wait3A_74 = arith.constant 0 : i32
          %dma_wait3A_75 = arith.constant 0 : i32
          %dma_wait3A_76 = tpu.memref_slice %arg11[%dma_wait3A_74, %dma_wait3A_75] : memref<5008x128xf32, #tpu.memory_space<vmem_shared>> -> memref<5008x128xf32, #tpu.memory_space<vmem_shared>>
          tpu.wait_indirect_dma semaphore(%run_scoped3A : memref<!tpu.dma_semaphore, #tpu.memory_space<semaphore_mem>>) src(%arg8 : memref<128x128xf32, #tpu.memory_space<vmem>>) dst(%dma_wait3A_76 : memref<5008x128xf32, #tpu.memory_space<vmem_shared>>)
          tpu.yield
        }) : () -> ()
      } else {
      }
      %lt3A_49 = arith.constant 1250 : i32
      %lt3A_50 = arith.cmpi slt, %add3A_38, %lt3A_49 : i32
      %convert_element_type3A_51 = arith.extui %lt3A_50 : i1 to i32
      %cond3A_52 = arith.constant 0 : i32
      %cond3A_53 = arith.cmpi ne, %convert_element_type3A_51, %cond3A_52 : i32
      scf.if %cond3A_53 {
        %mul3A_59 = arith.constant 128 : i32
        %mul3A_60 = arith.muli %add3A_38, %mul3A_59 : i32
        %dma_start3A_61 = tpu.memref_slice %arg3[%mul3A_60] : memref<160000xi32, #tpu.memory_space<hbm>> -> memref<128xi32, #tpu.memory_space<hbm>>
        %dma_start3A_62 = tpu.memref_slice %arg3[%mul3A_60] : memref<160000xi32, #tpu.memory_space<hbm>> -> memref<128xi32, #tpu.memory_space<hbm>>
        tpu.enqueue_dma source(%dma_start3A_62 : memref<128xi32, #tpu.memory_space<hbm>>) target(%arg5 : memref<128xi32, #tpu.memory_space<vmem>>) target_semaphore(%arg12 : memref<!tpu.dma_semaphore, #tpu.memory_space<semaphore_mem>>)
        %dma_start3A_63 = arith.constant 0 : i32
        %dma_start3A_64 = tpu.memref_slice %arg2[%mul3A_60, %dma_start3A_63] : memref<160000x128xf32, #tpu.memory_space<hbm>> -> memref<128x128xf32, #tpu.memory_space<hbm>>
        %dma_start3A_65 = arith.constant 0 : i32
        %dma_start3A_66 = tpu.memref_slice %arg2[%mul3A_60, %dma_start3A_65] : memref<160000x128xf32, #tpu.memory_space<hbm>> -> memref<128x128xf32, #tpu.memory_space<hbm>>
        tpu.enqueue_dma source(%dma_start3A_66 : memref<128x128xf32, #tpu.memory_space<hbm>>) target(%arg8 : memref<128x128xf32, #tpu.memory_space<vmem>>) target_semaphore(%arg12 : memref<!tpu.dma_semaphore, #tpu.memory_space<semaphore_mem>>)
      } else {
      }
      %lt3A_54 = arith.constant 1250 : i32
      %lt3A_55 = arith.cmpi slt, %add3A_36, %lt3A_54 : i32
      %convert_element_type3A_56 = arith.extui %lt3A_55 : i1 to i32
      %cond3A_57 = arith.constant 0 : i32
      %cond3A_58 = arith.cmpi ne, %convert_element_type3A_56, %cond3A_57 : i32
      scf.if %cond3A_58 {
        %mul3A_59 = arith.constant 128 : i32
        %mul3A_60 = arith.muli %add3A_36, %mul3A_59 : i32
        %dma_wait3A = tpu.memref_slice %arg3[%mul3A_60] : memref<160000xi32, #tpu.memory_space<hbm>> -> memref<128xi32, #tpu.memory_space<hbm>>
        %dma_wait3A_61 = tpu.memref_slice %arg3[%mul3A_60] : memref<160000xi32, #tpu.memory_space<hbm>> -> memref<128xi32, #tpu.memory_space<hbm>>
        tpu.wait_dma2 semaphore(%arg13 : memref<!tpu.dma_semaphore, #tpu.memory_space<semaphore_mem>>) src(%dma_wait3A_61 : memref<128xi32, #tpu.memory_space<hbm>>) dst(%arg6 : memref<128xi32, #tpu.memory_space<vmem>>)
        %dma_wait3A_62 = arith.constant 0 : i32
        %dma_wait3A_63 = tpu.memref_slice %arg2[%mul3A_60, %dma_wait3A_62] : memref<160000x128xf32, #tpu.memory_space<hbm>> -> memref<128x128xf32, #tpu.memory_space<hbm>>
        %dma_wait3A_64 = arith.constant 0 : i32
        %dma_wait3A_65 = tpu.memref_slice %arg2[%mul3A_60, %dma_wait3A_64] : memref<160000x128xf32, #tpu.memory_space<hbm>> -> memref<128x128xf32, #tpu.memory_space<hbm>>
        tpu.wait_dma2 semaphore(%arg13 : memref<!tpu.dma_semaphore, #tpu.memory_space<semaphore_mem>>) src(%dma_wait3A_65 : memref<128x128xf32, #tpu.memory_space<hbm>>) dst(%arg9 : memref<128x128xf32, #tpu.memory_space<vmem>>)
        %scan3A_66 = arith.constant 0 : i32
        %scan3A_67 = arith.constant 8 : i32
        %scan3A_68 = arith.addi %scan3A_66, %scan3A_67 : i32
        %scan3A_69 = arith.constant 1 : i32
        scf.for %scan3A_71 = %scan3A_66 to %scan3A_68 step %scan3A_69  : i32 {
          %mul3A_72 = arith.constant 16 : i32
          %mul3A_73 = arith.muli %scan3A_71, %mul3A_72 : i32
          %add3A_74 = arith.constant 0 : i32
          %add3A_75 = arith.addi %add3A_74, %mul3A_73 : i32
          %get3A = arith.index_cast %add3A_75 : i32 to index
          %get3A_76 = tpu.vector_load %arg6[%get3A] {strides = array<i32>} : memref<128xi32, #tpu.memory_space<vmem>>, vector<16xi32>,
          %get3A_77 = vector.shape_cast %get3A_76 : vector<16xi32> to vector<16xi32>
          %sub3A = vector.broadcast %mul3A_0 : i32 to vector<16xi32>
          %sub3A_78 = arith.subi %get3A_77, %sub3A : vector<16xi32>
          %ge3A = arith.constant 0 : i32
          %ge3A_79 = vector.broadcast %ge3A : i32 to vector<16xi32>
          %ge3A_80 = arith.cmpi sge, %sub3A_78, %ge3A_79 : vector<16xi32>
          %lt3A_81 = arith.constant 5000 : i32
          %lt3A_82 = vector.broadcast %lt3A_81 : i32 to vector<16xi32>
          %lt3A_83 = arith.cmpi slt, %sub3A_78, %lt3A_82 : vector<16xi32>
          %and3A = arith.andi %ge3A_80, %lt3A_83 : vector<16xi1>
          %jit3A = arith.constant 5000 : i32
          %broadcast_in_dim3A_84 = vector.broadcast %jit3A : i32 to vector<16xi32>
          %select_n3A = arith.select %and3A, %sub3A_78, %broadcast_in_dim3A_84 : vector<16xi1>, vector<16xi32>
          %swap3A = arith.index_cast %add3A_75 : i32 to index
          %swap3A_85 = tpu.vector_load %arg7[%swap3A] {strides = array<i32>} : memref<128xi32, #tpu.memory_space<vmem>>, vector<16xi32>,
          %swap3A_86 = vector.shape_cast %swap3A_85 : vector<16xi32> to vector<16xi32>
          %swap3A_87 = vector.shape_cast %select_n3A : vector<16xi32> to vector<16xi32>
          tpu.vector_store %arg7[%swap3A], %swap3A_87 {strides = array<i32>} : memref<128xi32, #tpu.memory_space<vmem>>, vector<16xi32>,
        }
        %scan3A_70 = arith.constant 8 : i32
        "tpu.region"() ({
          %run_scoped3A = tpu.sem_alloc : memref<!tpu.dma_semaphore, #tpu.memory_space<semaphore_mem>>
          %dma_start3A_71 = arith.constant 0 : i32
          %dma_start3A_72 = arith.constant 0 : i32
          %dma_start3A_73 = tpu.memref_slice %arg11[%dma_start3A_71, %dma_start3A_72] : memref<5008x128xf32, #tpu.memory_space<vmem_shared>> -> memref<5008x128xf32, #tpu.memory_space<vmem_shared>>
          tpu.enqueue_indirect_dma source(%arg9 : memref<128x128xf32, #tpu.memory_space<vmem>>) target(%dma_start3A_73 : memref<5008x128xf32, #tpu.memory_space<vmem_shared>>) offsets(%arg7 : memref<128xi32, #tpu.memory_space<vmem>>) semaphore(%run_scoped3A : memref<!tpu.dma_semaphore, #tpu.memory_space<semaphore_mem>>) {add = true}
          %dma_wait3A_74 = arith.constant 0 : i32
          %dma_wait3A_75 = arith.constant 0 : i32
          %dma_wait3A_76 = tpu.memref_slice %arg11[%dma_wait3A_74, %dma_wait3A_75] : memref<5008x128xf32, #tpu.memory_space<vmem_shared>> -> memref<5008x128xf32, #tpu.memory_space<vmem_shared>>
          tpu.wait_indirect_dma semaphore(%run_scoped3A : memref<!tpu.dma_semaphore, #tpu.memory_space<semaphore_mem>>) src(%arg9 : memref<128x128xf32, #tpu.memory_space<vmem>>) dst(%dma_wait3A_76 : memref<5008x128xf32, #tpu.memory_space<vmem_shared>>)
          tpu.yield
        }) : () -> ()
      } else {
      }
    }
    %scan3A_19 = arith.constant 40 : i32
    %barrier3A_20 = arith.constant 0 : index
    tpu.barrier barrier_id(%barrier3A_20)
    %lt3A_21 = arith.constant 5 : i32
    %lt3A_22 = arith.cmpi slt, %arg1, %lt3A_21 : i32
    %convert_element_type3A_23 = arith.extui %lt3A_22 : i1 to i32
    %cond3A_24 = arith.constant 0 : i32
    %cond3A_25 = arith.cmpi ne, %convert_element_type3A_23, %cond3A_24 : i32
    scf.if %cond3A_25 {
      %mul3A_26 = arith.constant 1000 : i32
      %mul3A_27 = arith.muli %arg1, %mul3A_26 : i32
      %add3A = arith.addi %mul3A_0, %mul3A_27 : i32
      "tpu.region"() ({
        %run_scoped3A = tpu.sem_alloc : memref<!tpu.dma_semaphore, #tpu.memory_space<semaphore_mem>>
        %dma_start3A_28 = arith.constant 0 : i32
        %dma_start3A_29 = tpu.memref_slice %arg4[%add3A, %dma_start3A_28] : memref<10000x128xf32, #tpu.memory_space<hbm>> -> memref<1000x128xf32, #tpu.memory_space<hbm>>
        %dma_start3A_30 = arith.constant 0 : i32
        %dma_start3A_31 = tpu.memref_slice %arg11[%mul3A_27, %dma_start3A_30] : memref<5008x128xf32, #tpu.memory_space<vmem_shared>> -> memref<1000x128xf32, #tpu.memory_space<vmem_shared>>
        tpu.enqueue_dma source(%dma_start3A_31 : memref<1000x128xf32, #tpu.memory_space<vmem_shared>>) target(%dma_start3A_29 : memref<1000x128xf32, #tpu.memory_space<hbm>>) target_semaphore(%run_scoped3A : memref<!tpu.dma_semaphore, #tpu.memory_space<semaphore_mem>>)
        %dma_wait3A = arith.constant 0 : i32
        %dma_wait3A_32 = tpu.memref_slice %arg4[%add3A, %dma_wait3A] : memref<10000x128xf32, #tpu.memory_space<hbm>> -> memref<1000x128xf32, #tpu.memory_space<hbm>>
        %dma_wait3A_33 = arith.constant 0 : i32
        %dma_wait3A_34 = tpu.memref_slice %arg11[%mul3A_27, %dma_wait3A_33] : memref<5008x128xf32, #tpu.memory_space<vmem_shared>> -> memref<1000x128xf32, #tpu.memory_space<vmem_shared>>
        tpu.wait_dma2 semaphore(%run_scoped3A : memref<!tpu.dma_semaphore, #tpu.memory_space<semaphore_mem>>) src(%dma_wait3A_34 : memref<1000x128xf32, #tpu.memory_space<vmem_shared>>) dst(%dma_wait3A_32 : memref<1000x128xf32, #tpu.memory_space<hbm>>)
        tpu.yield
      }) : () -> ()
    } else {
    }
    return
  }
}

#map = affine_map<(d0, d1) -> (0, 0)>
#map1 = affine_map<(d0, d1) -> (0)>
module attributes {stable_mosaic.version = 14 : i64} {
  func.func @_kern(%arg0: i32, %arg1: i32, %arg2: memref<160000x128xf32, #tpu.memory_space<hbm>>, %arg3: memref<160000xi32, #tpu.memory_space<hbm>>, %arg4: memref<10000x128xf32, #tpu.memory_space<hbm>>, %arg5: memref<128xi32, #tpu.memory_space<vmem>>, %arg6: memref<128xi32, #tpu.memory_space<vmem>>, %arg7: memref<128xi32, #tpu.memory_space<vmem>>, %arg8: memref<128x128xf32, #tpu.memory_space<vmem>>, %arg9: memref<128x128xf32, #tpu.memory_space<vmem>>, %arg10: memref<200x128xf32, #tpu.memory_space<vmem>>, %arg11: memref<5008x128xf32, #tpu.memory_space<vmem_shared>>, %arg12: memref<!tpu.dma_semaphore, #tpu.memory_space<semaphore_mem>>, %arg13: memref<!tpu.dma_semaphore, #tpu.memory_space<semaphore_mem>>) attributes {dimension_semantics = [#tpu.dimension_semantics<core_parallel>, #tpu.dimension_semantics<subcore_parallel>], iteration_bounds = array<i64: 2, 16>, scalar_prefetch = 0 : i64, scratch_operands = 9 : i64, tpu.core_type = #tpu.core_type<sc_vector_subcore>, window_params = [{transform_indices = #map}, {transform_indices = #map1}, {transform_indices = #map}]} {
    %mul3A = arith.constant 5000 : i32
    %mul3A_0 = arith.muli %arg0, %mul3A : i32
    %broadcast_in_dim3A = arith.constant 0.000000e+00 : f32
    %broadcast_in_dim3A_1 = vector.broadcast %broadcast_in_dim3A : f32 to vector<16xf32>
    %scan3A = arith.constant 0 : i32
    %scan3A_2 = arith.constant 200 : i32
    %scan3A_3 = arith.addi %scan3A, %scan3A_2 : i32
    %scan3A_4 = arith.constant 1 : i32
    scf.for %scan3A_26 = %scan3A to %scan3A_3 step %scan3A_4  : i32 {
      %mul3A_27 = arith.constant 1 : i32
      %mul3A_28 = arith.muli %scan3A_26, %mul3A_27 : i32
      %add3A = arith.constant 0 : i32
      %add3A_29 = arith.addi %add3A, %mul3A_28 : i32
      %swap3A = arith.index_cast %add3A_29 : i32 to index
      %swap3A_30 = arith.constant 0 : index
      %swap3A_31 = tpu.vector_load %arg10[%swap3A, %swap3A_30] {strides = array<i32>} : memref<200x128xf32, #tpu.memory_space<vmem>>, vector<1x16xf32>,
      %swap3A_32 = vector.shape_cast %swap3A_31 : vector<1x16xf32> to vector<16xf32>
      %swap3A_33 = vector.shape_cast %broadcast_in_dim3A_1 : vector<16xf32> to vector<1x16xf32>
      tpu.vector_store %arg10[%swap3A, %swap3A_30], %swap3A_33 {strides = array<i32>} : memref<200x128xf32, #tpu.memory_space<vmem>>, vector<1x16xf32>,
      %swap3A_34 = arith.index_cast %add3A_29 : i32 to index
      %swap3A_35 = arith.constant 16 : index
      %swap3A_36 = tpu.vector_load %arg10[%swap3A_34, %swap3A_35] {strides = array<i32>} : memref<200x128xf32, #tpu.memory_space<vmem>>, vector<1x16xf32>,
      %swap3A_37 = vector.shape_cast %swap3A_36 : vector<1x16xf32> to vector<16xf32>
      %swap3A_38 = vector.shape_cast %broadcast_in_dim3A_1 : vector<16xf32> to vector<1x16xf32>
      tpu.vector_store %arg10[%swap3A_34, %swap3A_35], %swap3A_38 {strides = array<i32>} : memref<200x128xf32, #tpu.memory_space<vmem>>, vector<1x16xf32>,
      %swap3A_39 = arith.index_cast %add3A_29 : i32 to index
      %swap3A_40 = arith.constant 32 : index
      %swap3A_41 = tpu.vector_load %arg10[%swap3A_39, %swap3A_40] {strides = array<i32>} : memref<200x128xf32, #tpu.memory_space<vmem>>, vector<1x16xf32>,
      %swap3A_42 = vector.shape_cast %swap3A_41 : vector<1x16xf32> to vector<16xf32>
      %swap3A_43 = vector.shape_cast %broadcast_in_dim3A_1 : vector<16xf32> to vector<1x16xf32>
      tpu.vector_store %arg10[%swap3A_39, %swap3A_40], %swap3A_43 {strides = array<i32>} : memref<200x128xf32, #tpu.memory_space<vmem>>, vector<1x16xf32>,
      %swap3A_44 = arith.index_cast %add3A_29 : i32 to index
      %swap3A_45 = arith.constant 48 : index
      %swap3A_46 = tpu.vector_load %arg10[%swap3A_44, %swap3A_45] {strides = array<i32>} : memref<200x128xf32, #tpu.memory_space<vmem>>, vector<1x16xf32>,
      %swap3A_47 = vector.shape_cast %swap3A_46 : vector<1x16xf32> to vector<16xf32>
      %swap3A_48 = vector.shape_cast %broadcast_in_dim3A_1 : vector<16xf32> to vector<1x16xf32>
      tpu.vector_store %arg10[%swap3A_44, %swap3A_45], %swap3A_48 {strides = array<i32>} : memref<200x128xf32, #tpu.memory_space<vmem>>, vector<1x16xf32>,
      %swap3A_49 = arith.index_cast %add3A_29 : i32 to index
      %swap3A_50 = arith.constant 64 : index
      %swap3A_51 = tpu.vector_load %arg10[%swap3A_49, %swap3A_50] {strides = array<i32>} : memref<200x128xf32, #tpu.memory_space<vmem>>, vector<1x16xf32>,
      %swap3A_52 = vector.shape_cast %swap3A_51 : vector<1x16xf32> to vector<16xf32>
      %swap3A_53 = vector.shape_cast %broadcast_in_dim3A_1 : vector<16xf32> to vector<1x16xf32>
      tpu.vector_store %arg10[%swap3A_49, %swap3A_50], %swap3A_53 {strides = array<i32>} : memref<200x128xf32, #tpu.memory_space<vmem>>, vector<1x16xf32>,
      %swap3A_54 = arith.index_cast %add3A_29 : i32 to index
      %swap3A_55 = arith.constant 80 : index
      %swap3A_56 = tpu.vector_load %arg10[%swap3A_54, %swap3A_55] {strides = array<i32>} : memref<200x128xf32, #tpu.memory_space<vmem>>, vector<1x16xf32>,
      %swap3A_57 = vector.shape_cast %swap3A_56 : vector<1x16xf32> to vector<16xf32>
      %swap3A_58 = vector.shape_cast %broadcast_in_dim3A_1 : vector<16xf32> to vector<1x16xf32>
      tpu.vector_store %arg10[%swap3A_54, %swap3A_55], %swap3A_58 {strides = array<i32>} : memref<200x128xf32, #tpu.memory_space<vmem>>, vector<1x16xf32>,
      %swap3A_59 = arith.index_cast %add3A_29 : i32 to index
      %swap3A_60 = arith.constant 96 : index
      %swap3A_61 = tpu.vector_load %arg10[%swap3A_59, %swap3A_60] {strides = array<i32>} : memref<200x128xf32, #tpu.memory_space<vmem>>, vector<1x16xf32>,
      %swap3A_62 = vector.shape_cast %swap3A_61 : vector<1x16xf32> to vector<16xf32>
      %swap3A_63 = vector.shape_cast %broadcast_in_dim3A_1 : vector<16xf32> to vector<1x16xf32>
      tpu.vector_store %arg10[%swap3A_59, %swap3A_60], %swap3A_63 {strides = array<i32>} : memref<200x128xf32, #tpu.memory_space<vmem>>, vector<1x16xf32>,
      %swap3A_64 = arith.index_cast %add3A_29 : i32 to index
      %swap3A_65 = arith.constant 112 : index
      %swap3A_66 = tpu.vector_load %arg10[%swap3A_64, %swap3A_65] {strides = array<i32>} : memref<200x128xf32, #tpu.memory_space<vmem>>, vector<1x16xf32>,
      %swap3A_67 = vector.shape_cast %swap3A_66 : vector<1x16xf32> to vector<16xf32>
      %swap3A_68 = vector.shape_cast %broadcast_in_dim3A_1 : vector<16xf32> to vector<1x16xf32>
      tpu.vector_store %arg10[%swap3A_64, %swap3A_65], %swap3A_68 {strides = array<i32>} : memref<200x128xf32, #tpu.memory_space<vmem>>, vector<1x16xf32>,
    }
    %scan3A_5 = arith.constant 200 : i32
    %lt3A = arith.constant 5 : i32
    %lt3A_6 = arith.cmpi slt, %arg1, %lt3A : i32
    %convert_element_type3A = arith.extui %lt3A_6 : i1 to i32
    %cond3A = arith.constant 0 : i32
    %cond3A_7 = arith.cmpi ne, %convert_element_type3A, %cond3A : i32
    scf.if %cond3A_7 {
      %scan3A_26 = arith.constant 0 : i32
      %scan3A_27 = arith.constant 5 : i32
      %scan3A_28 = arith.addi %scan3A_26, %scan3A_27 : i32
      %scan3A_29 = arith.constant 1 : i32
      scf.for %scan3A_31 = %scan3A_26 to %scan3A_28 step %scan3A_29  : i32 {
        %mul3A_32 = arith.constant 1 : i32
        %mul3A_33 = arith.muli %scan3A_31, %mul3A_32 : i32
        %add3A = arith.constant 0 : i32
        %add3A_34 = arith.addi %add3A, %mul3A_33 : i32
        %mul3A_35 = arith.constant 1000 : i32
        %mul3A_36 = arith.muli %arg1, %mul3A_35 : i32
        %mul3A_37 = arith.constant 200 : i32
        %mul3A_38 = arith.muli %add3A_34, %mul3A_37 : i32
        %add3A_39 = arith.addi %mul3A_36, %mul3A_38 : i32
        "tpu.region"() ({
          %run_scoped3A = tpu.sem_alloc : memref<!tpu.dma_semaphore, #tpu.memory_space<semaphore_mem>>
          %dma_start3A_40 = arith.constant 0 : i32
          %dma_start3A_41 = tpu.memref_slice %arg11[%add3A_39, %dma_start3A_40] : memref<5008x128xf32, #tpu.memory_space<vmem_shared>> -> memref<200x128xf32, #tpu.memory_space<vmem_shared>>
          %dma_start3A_42 = arith.constant 0 : i32
          %dma_start3A_43 = tpu.memref_slice %arg11[%add3A_39, %dma_start3A_42] : memref<5008x128xf32, #tpu.memory_space<vmem_shared>> -> memref<200x128xf32, #tpu.memory_space<vmem_shared>>
          tpu.enqueue_dma source(%arg10 : memref<200x128xf32, #tpu.memory_space<vmem>>) target(%dma_start3A_43 : memref<200x128xf32, #tpu.memory_space<vmem_shared>>) target_semaphore(%run_scoped3A : memref<!tpu.dma_semaphore, #tpu.memory_space<semaphore_mem>>)
          %dma_wait3A = arith.constant 0 : i32
          %dma_wait3A_44 = tpu.memref_slice %arg11[%add3A_39, %dma_wait3A] : memref<5008x128xf32, #tpu.memory_space<vmem_shared>> -> memref<200x128xf32, #tpu.memory_space<vmem_shared>>
          %dma_wait3A_45 = arith.constant 0 : i32
          %dma_wait3A_46 = tpu.memref_slice %arg11[%add3A_39, %dma_wait3A_45] : memref<5008x128xf32, #tpu.memory_space<vmem_shared>> -> memref<200x128xf32, #tpu.memory_space<vmem_shared>>
          tpu.wait_dma2 semaphore(%run_scoped3A : memref<!tpu.dma_semaphore, #tpu.memory_space<semaphore_mem>>) src(%arg10 : memref<200x128xf32, #tpu.memory_space<vmem>>) dst(%dma_wait3A_46 : memref<200x128xf32, #tpu.memory_space<vmem_shared>>)
          tpu.yield
        }) : () -> ()
      }
      %scan3A_30 = arith.constant 5 : i32
    } else {
    }
    %barrier3A = arith.constant 0 : index
    tpu.barrier barrier_id(%barrier3A)
    %mul3A_8 = arith.constant 128 : i32
    %mul3A_9 = arith.muli %arg1, %mul3A_8 : i32
    %dma_start3A = tpu.memref_slice %arg3[%mul3A_9] : memref<160000xi32, #tpu.memory_space<hbm>> -> memref<128xi32, #tpu.memory_space<hbm>>
    %dma_start3A_10 = tpu.memref_slice %arg3[%mul3A_9] : memref<160000xi32, #tpu.memory_space<hbm>> -> memref<128xi32, #tpu.memory_space<hbm>>
    tpu.enqueue_dma source(%dma_start3A_10 : memref<128xi32, #tpu.memory_space<hbm>>) target(%arg5 : memref<128xi32, #tpu.memory_space<vmem>>) target_semaphore(%arg12 : memref<!tpu.dma_semaphore, #tpu.memory_space<semaphore_mem>>)
    %dma_start3A_11 = arith.constant 0 : i32
    %dma_start3A_12 = tpu.memref_slice %arg2[%mul3A_9, %dma_start3A_11] : memref<160000x128xf32, #tpu.memory_space<hbm>> -> memref<128x128xf32, #tpu.memory_space<hbm>>
    %dma_start3A_13 = arith.constant 0 : i32
    %dma_start3A_14 = tpu.memref_slice %arg2[%mul3A_9, %dma_start3A_13] : memref<160000x128xf32, #tpu.memory_space<hbm>> -> memref<128x128xf32, #tpu.memory_space<hbm>>
    tpu.enqueue_dma source(%dma_start3A_14 : memref<128x128xf32, #tpu.memory_space<hbm>>) target(%arg8 : memref<128x128xf32, #tpu.memory_space<vmem>>) target_semaphore(%arg12 : memref<!tpu.dma_semaphore, #tpu.memory_space<semaphore_mem>>)
    %scan3A_15 = arith.constant 0 : i32
    %scan3A_16 = arith.constant 40 : i32
    %scan3A_17 = arith.addi %scan3A_15, %scan3A_16 : i32
    %scan3A_18 = arith.constant 1 : i32
    scf.for %scan3A_26 = %scan3A_15 to %scan3A_17 step %scan3A_18  : i32 {
      %mul3A_27 = arith.constant 1 : i32
      %mul3A_28 = arith.muli %scan3A_26, %mul3A_27 : i32
      %add3A = arith.constant 0 : i32
      %add3A_29 = arith.addi %add3A, %mul3A_28 : i32
      %mul3A_30 = arith.constant 2 : i32
      %mul3A_31 = arith.muli %mul3A_30, %add3A_29 : i32
      %mul3A_32 = arith.constant 16 : i32
      %mul3A_33 = arith.muli %mul3A_31, %mul3A_32 : i32
      %add3A_34 = arith.addi %mul3A_33, %arg1 : i32
      %add3A_35 = arith.constant 16 : i32
      %add3A_36 = arith.addi %add3A_34, %add3A_35 : i32
      %add3A_37 = arith.constant 16 : i32
      %add3A_38 = arith.addi %add3A_36, %add3A_37 : i32
      %lt3A_39 = arith.constant 1250 : i32
      %lt3A_40 = arith.cmpi slt, %add3A_36, %lt3A_39 : i32
      %convert_element_type3A_41 = arith.extui %lt3A_40 : i1 to i32
      %cond3A_42 = arith.constant 0 : i32
      %cond3A_43 = arith.cmpi ne, %convert_element_type3A_41, %cond3A_42 : i32
      scf.if %cond3A_43 {
        %mul3A_59 = arith.constant 128 : i32
        %mul3A_60 = arith.muli %add3A_36, %mul3A_59 : i32
        %dma_start3A_61 = tpu.memref_slice %arg3[%mul3A_60] : memref<160000xi32, #tpu.memory_space<hbm>> -> memref<128xi32, #tpu.memory_space<hbm>>
        %dma_start3A_62 = tpu.memref_slice %arg3[%mul3A_60] : memref<160000xi32, #tpu.memory_space<hbm>> -> memref<128xi32, #tpu.memory_space<hbm>>
        tpu.enqueue_dma source(%dma_start3A_62 : memref<128xi32, #tpu.memory_space<hbm>>) target(%arg6 : memref<128xi32, #tpu.memory_space<vmem>>) target_semaphore(%arg13 : memref<!tpu.dma_semaphore, #tpu.memory_space<semaphore_mem>>)
        %dma_start3A_63 = arith.constant 0 : i32
        %dma_start3A_64 = tpu.memref_slice %arg2[%mul3A_60, %dma_start3A_63] : memref<160000x128xf32, #tpu.memory_space<hbm>> -> memref<128x128xf32, #tpu.memory_space<hbm>>
        %dma_start3A_65 = arith.constant 0 : i32
        %dma_start3A_66 = tpu.memref_slice %arg2[%mul3A_60, %dma_start3A_65] : memref<160000x128xf32, #tpu.memory_space<hbm>> -> memref<128x128xf32, #tpu.memory_space<hbm>>
        tpu.enqueue_dma source(%dma_start3A_66 : memref<128x128xf32, #tpu.memory_space<hbm>>) target(%arg9 : memref<128x128xf32, #tpu.memory_space<vmem>>) target_semaphore(%arg13 : memref<!tpu.dma_semaphore, #tpu.memory_space<semaphore_mem>>)
      } else {
      }
      %lt3A_44 = arith.constant 1250 : i32
      %lt3A_45 = arith.cmpi slt, %add3A_34, %lt3A_44 : i32
      %convert_element_type3A_46 = arith.extui %lt3A_45 : i1 to i32
      %cond3A_47 = arith.constant 0 : i32
      %cond3A_48 = arith.cmpi ne, %convert_element_type3A_46, %cond3A_47 : i32
      scf.if %cond3A_48 {
        %mul3A_59 = arith.constant 128 : i32
        %mul3A_60 = arith.muli %add3A_34, %mul3A_59 : i32
        %dma_wait3A = tpu.memref_slice %arg3[%mul3A_60] : memref<160000xi32, #tpu.memory_space<hbm>> -> memref<128xi32, #tpu.memory_space<hbm>>
        %dma_wait3A_61 = tpu.memref_slice %arg3[%mul3A_60] : memref<160000xi32, #tpu.memory_space<hbm>> -> memref<128xi32, #tpu.memory_space<hbm>>
        tpu.wait_dma2 semaphore(%arg12 : memref<!tpu.dma_semaphore, #tpu.memory_space<semaphore_mem>>) src(%dma_wait3A_61 : memref<128xi32, #tpu.memory_space<hbm>>) dst(%arg5 : memref<128xi32, #tpu.memory_space<vmem>>)
        %dma_wait3A_62 = arith.constant 0 : i32
        %dma_wait3A_63 = tpu.memref_slice %arg2[%mul3A_60, %dma_wait3A_62] : memref<160000x128xf32, #tpu.memory_space<hbm>> -> memref<128x128xf32, #tpu.memory_space<hbm>>
        %dma_wait3A_64 = arith.constant 0 : i32
        %dma_wait3A_65 = tpu.memref_slice %arg2[%mul3A_60, %dma_wait3A_64] : memref<160000x128xf32, #tpu.memory_space<hbm>> -> memref<128x128xf32, #tpu.memory_space<hbm>>
        tpu.wait_dma2 semaphore(%arg12 : memref<!tpu.dma_semaphore, #tpu.memory_space<semaphore_mem>>) src(%dma_wait3A_65 : memref<128x128xf32, #tpu.memory_space<hbm>>) dst(%arg8 : memref<128x128xf32, #tpu.memory_space<vmem>>)
        %scan3A_66 = arith.constant 0 : i32
        %scan3A_67 = arith.constant 8 : i32
        %scan3A_68 = arith.addi %scan3A_66, %scan3A_67 : i32
        %scan3A_69 = arith.constant 1 : i32
        scf.for %scan3A_71 = %scan3A_66 to %scan3A_68 step %scan3A_69  : i32 {
          %mul3A_72 = arith.constant 16 : i32
          %mul3A_73 = arith.muli %scan3A_71, %mul3A_72 : i32
          %add3A_74 = arith.constant 0 : i32
          %add3A_75 = arith.addi %add3A_74, %mul3A_73 : i32
          %get3A = arith.index_cast %add3A_75 : i32 to index
          %get3A_76 = tpu.vector_load %arg5[%get3A] {strides = array<i32>} : memref<128xi32, #tpu.memory_space<vmem>>, vector<16xi32>,
          %get3A_77 = vector.shape_cast %get3A_76 : vector<16xi32> to vector<16xi32>
          %sub3A = vector.broadcast %mul3A_0 : i32 to vector<16xi32>
          %sub3A_78 = arith.subi %get3A_77, %sub3A : vector<16xi32>
          %ge3A = arith.constant 0 : i32
          %ge3A_79 = vector.broadcast %ge3A : i32 to vector<16xi32>
          %ge3A_80 = arith.cmpi sge, %sub3A_78, %ge3A_79 : vector<16xi32>
          %lt3A_81 = arith.constant 5000 : i32
          %lt3A_82 = vector.broadcast %lt3A_81 : i32 to vector<16xi32>
          %lt3A_83 = arith.cmpi slt, %sub3A_78, %lt3A_82 : vector<16xi32>
          %and3A = arith.andi %ge3A_80, %lt3A_83 : vector<16xi1>
          %jit3A = arith.constant 5000 : i32
          %broadcast_in_dim3A_84 = vector.broadcast %jit3A : i32 to vector<16xi32>
          %select_n3A = arith.select %and3A, %sub3A_78, %broadcast_in_dim3A_84 : vector<16xi1>, vector<16xi32>
          %swap3A = arith.index_cast %add3A_75 : i32 to index
          %swap3A_85 = tpu.vector_load %arg7[%swap3A] {strides = array<i32>} : memref<128xi32, #tpu.memory_space<vmem>>, vector<16xi32>,
          %swap3A_86 = vector.shape_cast %swap3A_85 : vector<16xi32> to vector<16xi32>
          %swap3A_87 = vector.shape_cast %select_n3A : vector<16xi32> to vector<16xi32>
          tpu.vector_store %arg7[%swap3A], %swap3A_87 {strides = array<i32>} : memref<128xi32, #tpu.memory_space<vmem>>, vector<16xi32>,
        }
        %scan3A_70 = arith.constant 8 : i32
        "tpu.region"() ({
          %run_scoped3A = tpu.sem_alloc : memref<!tpu.dma_semaphore, #tpu.memory_space<semaphore_mem>>
          %dma_start3A_71 = arith.constant 0 : i32
          %dma_start3A_72 = arith.constant 0 : i32
          %dma_start3A_73 = tpu.memref_slice %arg11[%dma_start3A_71, %dma_start3A_72] : memref<5008x128xf32, #tpu.memory_space<vmem_shared>> -> memref<5008x128xf32, #tpu.memory_space<vmem_shared>>
          tpu.enqueue_indirect_dma source(%arg8 : memref<128x128xf32, #tpu.memory_space<vmem>>) target(%dma_start3A_73 : memref<5008x128xf32, #tpu.memory_space<vmem_shared>>) offsets(%arg7 : memref<128xi32, #tpu.memory_space<vmem>>) semaphore(%run_scoped3A : memref<!tpu.dma_semaphore, #tpu.memory_space<semaphore_mem>>) {add = true}
          %dma_wait3A_74 = arith.constant 0 : i32
          %dma_wait3A_75 = arith.constant 0 : i32
          %dma_wait3A_76 = tpu.memref_slice %arg11[%dma_wait3A_74, %dma_wait3A_75] : memref<5008x128xf32, #tpu.memory_space<vmem_shared>> -> memref<5008x128xf32, #tpu.memory_space<vmem_shared>>
          tpu.wait_indirect_dma semaphore(%run_scoped3A : memref<!tpu.dma_semaphore, #tpu.memory_space<semaphore_mem>>) src(%arg8 : memref<128x128xf32, #tpu.memory_space<vmem>>) dst(%dma_wait3A_76 : memref<5008x128xf32, #tpu.memory_space<vmem_shared>>)
          tpu.yield
        }) : () -> ()
      } else {
      }
      %lt3A_49 = arith.constant 1250 : i32
      %lt3A_50 = arith.cmpi slt, %add3A_38, %lt3A_49 : i32
      %convert_element_type3A_51 = arith.extui %lt3A_50 : i1 to i32
      %cond3A_52 = arith.constant 0 : i32
      %cond3A_53 = arith.cmpi ne, %convert_element_type3A_51, %cond3A_52 : i32
      scf.if %cond3A_53 {
        %mul3A_59 = arith.constant 128 : i32
        %mul3A_60 = arith.muli %add3A_38, %mul3A_59 : i32
        %dma_start3A_61 = tpu.memref_slice %arg3[%mul3A_60] : memref<160000xi32, #tpu.memory_space<hbm>> -> memref<128xi32, #tpu.memory_space<hbm>>
        %dma_start3A_62 = tpu.memref_slice %arg3[%mul3A_60] : memref<160000xi32, #tpu.memory_space<hbm>> -> memref<128xi32, #tpu.memory_space<hbm>>
        tpu.enqueue_dma source(%dma_start3A_62 : memref<128xi32, #tpu.memory_space<hbm>>) target(%arg5 : memref<128xi32, #tpu.memory_space<vmem>>) target_semaphore(%arg12 : memref<!tpu.dma_semaphore, #tpu.memory_space<semaphore_mem>>)
        %dma_start3A_63 = arith.constant 0 : i32
        %dma_start3A_64 = tpu.memref_slice %arg2[%mul3A_60, %dma_start3A_63] : memref<160000x128xf32, #tpu.memory_space<hbm>> -> memref<128x128xf32, #tpu.memory_space<hbm>>
        %dma_start3A_65 = arith.constant 0 : i32
        %dma_start3A_66 = tpu.memref_slice %arg2[%mul3A_60, %dma_start3A_65] : memref<160000x128xf32, #tpu.memory_space<hbm>> -> memref<128x128xf32, #tpu.memory_space<hbm>>
        tpu.enqueue_dma source(%dma_start3A_66 : memref<128x128xf32, #tpu.memory_space<hbm>>) target(%arg8 : memref<128x128xf32, #tpu.memory_space<vmem>>) target_semaphore(%arg12 : memref<!tpu.dma_semaphore, #tpu.memory_space<semaphore_mem>>)
      } else {
      }
      %lt3A_54 = arith.constant 1250 : i32
      %lt3A_55 = arith.cmpi slt, %add3A_36, %lt3A_54 : i32
      %convert_element_type3A_56 = arith.extui %lt3A_55 : i1 to i32
      %cond3A_57 = arith.constant 0 : i32
      %cond3A_58 = arith.cmpi ne, %convert_element_type3A_56, %cond3A_57 : i32
      scf.if %cond3A_58 {
        %mul3A_59 = arith.constant 128 : i32
        %mul3A_60 = arith.muli %add3A_36, %mul3A_59 : i32
        %dma_wait3A = tpu.memref_slice %arg3[%mul3A_60] : memref<160000xi32, #tpu.memory_space<hbm>> -> memref<128xi32, #tpu.memory_space<hbm>>
        %dma_wait3A_61 = tpu.memref_slice %arg3[%mul3A_60] : memref<160000xi32, #tpu.memory_space<hbm>> -> memref<128xi32, #tpu.memory_space<hbm>>
        tpu.wait_dma2 semaphore(%arg13 : memref<!tpu.dma_semaphore, #tpu.memory_space<semaphore_mem>>) src(%dma_wait3A_61 : memref<128xi32, #tpu.memory_space<hbm>>) dst(%arg6 : memref<128xi32, #tpu.memory_space<vmem>>)
        %dma_wait3A_62 = arith.constant 0 : i32
        %dma_wait3A_63 = tpu.memref_slice %arg2[%mul3A_60, %dma_wait3A_62] : memref<160000x128xf32, #tpu.memory_space<hbm>> -> memref<128x128xf32, #tpu.memory_space<hbm>>
        %dma_wait3A_64 = arith.constant 0 : i32
        %dma_wait3A_65 = tpu.memref_slice %arg2[%mul3A_60, %dma_wait3A_64] : memref<160000x128xf32, #tpu.memory_space<hbm>> -> memref<128x128xf32, #tpu.memory_space<hbm>>
        tpu.wait_dma2 semaphore(%arg13 : memref<!tpu.dma_semaphore, #tpu.memory_space<semaphore_mem>>) src(%dma_wait3A_65 : memref<128x128xf32, #tpu.memory_space<hbm>>) dst(%arg9 : memref<128x128xf32, #tpu.memory_space<vmem>>)
        %scan3A_66 = arith.constant 0 : i32
        %scan3A_67 = arith.constant 8 : i32
        %scan3A_68 = arith.addi %scan3A_66, %scan3A_67 : i32
        %scan3A_69 = arith.constant 1 : i32
        scf.for %scan3A_71 = %scan3A_66 to %scan3A_68 step %scan3A_69  : i32 {
          %mul3A_72 = arith.constant 16 : i32
          %mul3A_73 = arith.muli %scan3A_71, %mul3A_72 : i32
          %add3A_74 = arith.constant 0 : i32
          %add3A_75 = arith.addi %add3A_74, %mul3A_73 : i32
          %get3A = arith.index_cast %add3A_75 : i32 to index
          %get3A_76 = tpu.vector_load %arg6[%get3A] {strides = array<i32>} : memref<128xi32, #tpu.memory_space<vmem>>, vector<16xi32>,
          %get3A_77 = vector.shape_cast %get3A_76 : vector<16xi32> to vector<16xi32>
          %sub3A = vector.broadcast %mul3A_0 : i32 to vector<16xi32>
          %sub3A_78 = arith.subi %get3A_77, %sub3A : vector<16xi32>
          %ge3A = arith.constant 0 : i32
          %ge3A_79 = vector.broadcast %ge3A : i32 to vector<16xi32>
          %ge3A_80 = arith.cmpi sge, %sub3A_78, %ge3A_79 : vector<16xi32>
          %lt3A_81 = arith.constant 5000 : i32
          %lt3A_82 = vector.broadcast %lt3A_81 : i32 to vector<16xi32>
          %lt3A_83 = arith.cmpi slt, %sub3A_78, %lt3A_82 : vector<16xi32>
          %and3A = arith.andi %ge3A_80, %lt3A_83 : vector<16xi1>
          %jit3A = arith.constant 5000 : i32
          %broadcast_in_dim3A_84 = vector.broadcast %jit3A : i32 to vector<16xi32>
          %select_n3A = arith.select %and3A, %sub3A_78, %broadcast_in_dim3A_84 : vector<16xi1>, vector<16xi32>
          %swap3A = arith.index_cast %add3A_75 : i32 to index
          %swap3A_85 = tpu.vector_load %arg7[%swap3A] {strides = array<i32>} : memref<128xi32, #tpu.memory_space<vmem>>, vector<16xi32>,
          %swap3A_86 = vector.shape_cast %swap3A_85 : vector<16xi32> to vector<16xi32>
          %swap3A_87 = vector.shape_cast %select_n3A : vector<16xi32> to vector<16xi32>
          tpu.vector_store %arg7[%swap3A], %swap3A_87 {strides = array<i32>} : memref<128xi32, #tpu.memory_space<vmem>>, vector<16xi32>,
        }
        %scan3A_70 = arith.constant 8 : i32
        "tpu.region"() ({
          %run_scoped3A = tpu.sem_alloc : memref<!tpu.dma_semaphore, #tpu.memory_space<semaphore_mem>>
          %dma_start3A_71 = arith.constant 0 : i32
          %dma_start3A_72 = arith.constant 0 : i32
          %dma_start3A_73 = tpu.memref_slice %arg11[%dma_start3A_71, %dma_start3A_72] : memref<5008x128xf32, #tpu.memory_space<vmem_shared>> -> memref<5008x128xf32, #tpu.memory_space<vmem_shared>>
          tpu.enqueue_indirect_dma source(%arg9 : memref<128x128xf32, #tpu.memory_space<vmem>>) target(%dma_start3A_73 : memref<5008x128xf32, #tpu.memory_space<vmem_shared>>) offsets(%arg7 : memref<128xi32, #tpu.memory_space<vmem>>) semaphore(%run_scoped3A : memref<!tpu.dma_semaphore, #tpu.memory_space<semaphore_mem>>) {add = true}
          %dma_wait3A_74 = arith.constant 0 : i32
          %dma_wait3A_75 = arith.constant 0 : i32
          %dma_wait3A_76 = tpu.memref_slice %arg11[%dma_wait3A_74, %dma_wait3A_75] : memref<5008x128xf32, #tpu.memory_space<vmem_shared>> -> memref<5008x128xf32, #tpu.memory_space<vmem_shared>>
          tpu.wait_indirect_dma semaphore(%run_scoped3A : memref<!tpu.dma_semaphore, #tpu.memory_space<semaphore_mem>>) src(%arg9 : memref<128x128xf32, #tpu.memory_space<vmem>>) dst(%dma_wait3A_76 : memref<5008x128xf32, #tpu.memory_space<vmem_shared>>)
          tpu.yield
        }) : () -> ()
      } else {
      }
    }
    %scan3A_19 = arith.constant 40 : i32
    %barrier3A_20 = arith.constant 0 : index
    tpu.barrier barrier_id(%barrier3A_20)
    %lt3A_21 = arith.constant 5 : i32
    %lt3A_22 = arith.cmpi slt, %arg1, %lt3A_21 : i32
    %convert_element_type3A_23 = arith.extui %lt3A_22 : i1 to i32
    %cond3A_24 = arith.constant 0 : i32
    %cond3A_25 = arith.cmpi ne, %convert_element_type3A_23, %cond3A_24 : i32
    scf.if %cond3A_25 {
      %mul3A_26 = arith.constant 1000 : i32
      %mul3A_27 = arith.muli %arg1, %mul3A_26 : i32
      %add3A = arith.addi %mul3A_0, %mul3A_27 : i32
      "tpu.region"() ({
        %run_scoped3A = tpu.sem_alloc : memref<!tpu.dma_semaphore, #tpu.memory_space<semaphore_mem>>
        %dma_start3A_28 = arith.constant 0 : i32
        %dma_start3A_29 = tpu.memref_slice %arg4[%add3A, %dma_start3A_28] : memref<10000x128xf32, #tpu.memory_space<hbm>> -> memref<1000x128xf32, #tpu.memory_space<hbm>>
        %dma_start3A_30 = arith.constant 0 : i32
        %dma_start3A_31 = tpu.memref_slice %arg11[%mul3A_27, %dma_start3A_30] : memref<5008x128xf32, #tpu.memory_space<vmem_shared>> -> memref<1000x128xf32, #tpu.memory_space<vmem_shared>>
        tpu.enqueue_dma source(%dma_start3A_31 : memref<1000x128xf32, #tpu.memory_space<vmem_shared>>) target(%dma_start3A_29 : memref<1000x128xf32, #tpu.memory_space<hbm>>) target_semaphore(%run_scoped3A : memref<!tpu.dma_semaphore, #tpu.memory_space<semaphore_mem>>)
        %dma_wait3A = arith.constant 0 : i32
        %dma_wait3A_32 = tpu.memref_slice %arg4[%add3A, %dma_wait3A] : memref<10000x128xf32, #tpu.memory_space<hbm>> -> memref<1000x128xf32, #tpu.memory_space<hbm>>
        %dma_wait3A_33 = arith.constant 0 : i32
        %dma_wait3A_34 = tpu.memref_slice %arg11[%mul3A_27, %dma_wait3A_33] : memref<5008x128xf32, #tpu.memory_space<vmem_shared>> -> memref<1000x128xf32, #tpu.memory_space<vmem_shared>>
        tpu.wait_dma2 semaphore(%run_scoped3A : memref<!tpu.dma_semaphore, #tpu.memory_space<semaphore_mem>>) src(%dma_wait3A_34 : memref<1000x128xf32, #tpu.memory_space<vmem_shared>>) dst(%dma_wait3A_32 : memref<1000x128xf32, #tpu.memory_space<hbm>>)
        tpu.yield
      }) : () -> ()
    } else {
    }
    return
  }
}

#map = affine_map<(d0, d1) -> (0, 0)>
#map1 = affine_map<(d0, d1) -> (0)>
module attributes {stable_mosaic.version = 14 : i64} {
  func.func @_kern(%arg0: i32, %arg1: i32, %arg2: memref<160000x128xf32, #tpu.memory_space<hbm>>, %arg3: memref<160000xi32, #tpu.memory_space<hbm>>, %arg4: memref<10000x128xf32, #tpu.memory_space<hbm>>, %arg5: memref<128xi32, #tpu.memory_space<vmem>>, %arg6: memref<128xi32, #tpu.memory_space<vmem>>, %arg7: memref<128xi32, #tpu.memory_space<vmem>>, %arg8: memref<128x128xf32, #tpu.memory_space<vmem>>, %arg9: memref<128x128xf32, #tpu.memory_space<vmem>>, %arg10: memref<200x128xf32, #tpu.memory_space<vmem>>, %arg11: memref<5008x128xf32, #tpu.memory_space<vmem_shared>>, %arg12: memref<!tpu.dma_semaphore, #tpu.memory_space<semaphore_mem>>, %arg13: memref<!tpu.dma_semaphore, #tpu.memory_space<semaphore_mem>>) attributes {dimension_semantics = [#tpu.dimension_semantics<core_parallel>, #tpu.dimension_semantics<subcore_parallel>], iteration_bounds = array<i64: 2, 16>, scalar_prefetch = 0 : i64, scratch_operands = 9 : i64, tpu.core_type = #tpu.core_type<sc_vector_subcore>, window_params = [{transform_indices = #map}, {transform_indices = #map1}, {transform_indices = #map}]} {
    %mul3A = arith.constant 5000 : i32
    %mul3A_0 = arith.muli %arg0, %mul3A : i32
    %broadcast_in_dim3A = arith.constant 0.000000e+00 : f32
    %broadcast_in_dim3A_1 = vector.broadcast %broadcast_in_dim3A : f32 to vector<16xf32>
    %scan3A = arith.constant 0 : i32
    %scan3A_2 = arith.constant 200 : i32
    %scan3A_3 = arith.addi %scan3A, %scan3A_2 : i32
    %scan3A_4 = arith.constant 1 : i32
    scf.for %scan3A_26 = %scan3A to %scan3A_3 step %scan3A_4  : i32 {
      %mul3A_27 = arith.constant 1 : i32
      %mul3A_28 = arith.muli %scan3A_26, %mul3A_27 : i32
      %add3A = arith.constant 0 : i32
      %add3A_29 = arith.addi %add3A, %mul3A_28 : i32
      %swap3A = arith.index_cast %add3A_29 : i32 to index
      %swap3A_30 = arith.constant 0 : index
      %swap3A_31 = tpu.vector_load %arg10[%swap3A, %swap3A_30] {strides = array<i32>} : memref<200x128xf32, #tpu.memory_space<vmem>>, vector<1x16xf32>,
      %swap3A_32 = vector.shape_cast %swap3A_31 : vector<1x16xf32> to vector<16xf32>
      %swap3A_33 = vector.shape_cast %broadcast_in_dim3A_1 : vector<16xf32> to vector<1x16xf32>
      tpu.vector_store %arg10[%swap3A, %swap3A_30], %swap3A_33 {strides = array<i32>} : memref<200x128xf32, #tpu.memory_space<vmem>>, vector<1x16xf32>,
      %swap3A_34 = arith.index_cast %add3A_29 : i32 to index
      %swap3A_35 = arith.constant 16 : index
      %swap3A_36 = tpu.vector_load %arg10[%swap3A_34, %swap3A_35] {strides = array<i32>} : memref<200x128xf32, #tpu.memory_space<vmem>>, vector<1x16xf32>,
      %swap3A_37 = vector.shape_cast %swap3A_36 : vector<1x16xf32> to vector<16xf32>
      %swap3A_38 = vector.shape_cast %broadcast_in_dim3A_1 : vector<16xf32> to vector<1x16xf32>
      tpu.vector_store %arg10[%swap3A_34, %swap3A_35], %swap3A_38 {strides = array<i32>} : memref<200x128xf32, #tpu.memory_space<vmem>>, vector<1x16xf32>,
      %swap3A_39 = arith.index_cast %add3A_29 : i32 to index
      %swap3A_40 = arith.constant 32 : index
      %swap3A_41 = tpu.vector_load %arg10[%swap3A_39, %swap3A_40] {strides = array<i32>} : memref<200x128xf32, #tpu.memory_space<vmem>>, vector<1x16xf32>,
      %swap3A_42 = vector.shape_cast %swap3A_41 : vector<1x16xf32> to vector<16xf32>
      %swap3A_43 = vector.shape_cast %broadcast_in_dim3A_1 : vector<16xf32> to vector<1x16xf32>
      tpu.vector_store %arg10[%swap3A_39, %swap3A_40], %swap3A_43 {strides = array<i32>} : memref<200x128xf32, #tpu.memory_space<vmem>>, vector<1x16xf32>,
      %swap3A_44 = arith.index_cast %add3A_29 : i32 to index
      %swap3A_45 = arith.constant 48 : index
      %swap3A_46 = tpu.vector_load %arg10[%swap3A_44, %swap3A_45] {strides = array<i32>} : memref<200x128xf32, #tpu.memory_space<vmem>>, vector<1x16xf32>,
      %swap3A_47 = vector.shape_cast %swap3A_46 : vector<1x16xf32> to vector<16xf32>
      %swap3A_48 = vector.shape_cast %broadcast_in_dim3A_1 : vector<16xf32> to vector<1x16xf32>
      tpu.vector_store %arg10[%swap3A_44, %swap3A_45], %swap3A_48 {strides = array<i32>} : memref<200x128xf32, #tpu.memory_space<vmem>>, vector<1x16xf32>,
      %swap3A_49 = arith.index_cast %add3A_29 : i32 to index
      %swap3A_50 = arith.constant 64 : index
      %swap3A_51 = tpu.vector_load %arg10[%swap3A_49, %swap3A_50] {strides = array<i32>} : memref<200x128xf32, #tpu.memory_space<vmem>>, vector<1x16xf32>,
      %swap3A_52 = vector.shape_cast %swap3A_51 : vector<1x16xf32> to vector<16xf32>
      %swap3A_53 = vector.shape_cast %broadcast_in_dim3A_1 : vector<16xf32> to vector<1x16xf32>
      tpu.vector_store %arg10[%swap3A_49, %swap3A_50], %swap3A_53 {strides = array<i32>} : memref<200x128xf32, #tpu.memory_space<vmem>>, vector<1x16xf32>,
      %swap3A_54 = arith.index_cast %add3A_29 : i32 to index
      %swap3A_55 = arith.constant 80 : index
      %swap3A_56 = tpu.vector_load %arg10[%swap3A_54, %swap3A_55] {strides = array<i32>} : memref<200x128xf32, #tpu.memory_space<vmem>>, vector<1x16xf32>,
      %swap3A_57 = vector.shape_cast %swap3A_56 : vector<1x16xf32> to vector<16xf32>
      %swap3A_58 = vector.shape_cast %broadcast_in_dim3A_1 : vector<16xf32> to vector<1x16xf32>
      tpu.vector_store %arg10[%swap3A_54, %swap3A_55], %swap3A_58 {strides = array<i32>} : memref<200x128xf32, #tpu.memory_space<vmem>>, vector<1x16xf32>,
      %swap3A_59 = arith.index_cast %add3A_29 : i32 to index
      %swap3A_60 = arith.constant 96 : index
      %swap3A_61 = tpu.vector_load %arg10[%swap3A_59, %swap3A_60] {strides = array<i32>} : memref<200x128xf32, #tpu.memory_space<vmem>>, vector<1x16xf32>,
      %swap3A_62 = vector.shape_cast %swap3A_61 : vector<1x16xf32> to vector<16xf32>
      %swap3A_63 = vector.shape_cast %broadcast_in_dim3A_1 : vector<16xf32> to vector<1x16xf32>
      tpu.vector_store %arg10[%swap3A_59, %swap3A_60], %swap3A_63 {strides = array<i32>} : memref<200x128xf32, #tpu.memory_space<vmem>>, vector<1x16xf32>,
      %swap3A_64 = arith.index_cast %add3A_29 : i32 to index
      %swap3A_65 = arith.constant 112 : index
      %swap3A_66 = tpu.vector_load %arg10[%swap3A_64, %swap3A_65] {strides = array<i32>} : memref<200x128xf32, #tpu.memory_space<vmem>>, vector<1x16xf32>,
      %swap3A_67 = vector.shape_cast %swap3A_66 : vector<1x16xf32> to vector<16xf32>
      %swap3A_68 = vector.shape_cast %broadcast_in_dim3A_1 : vector<16xf32> to vector<1x16xf32>
      tpu.vector_store %arg10[%swap3A_64, %swap3A_65], %swap3A_68 {strides = array<i32>} : memref<200x128xf32, #tpu.memory_space<vmem>>, vector<1x16xf32>,
    }
    %scan3A_5 = arith.constant 200 : i32
    %lt3A = arith.constant 5 : i32
    %lt3A_6 = arith.cmpi slt, %arg1, %lt3A : i32
    %convert_element_type3A = arith.extui %lt3A_6 : i1 to i32
    %cond3A = arith.constant 0 : i32
    %cond3A_7 = arith.cmpi ne, %convert_element_type3A, %cond3A : i32
    scf.if %cond3A_7 {
      %scan3A_26 = arith.constant 0 : i32
      %scan3A_27 = arith.constant 5 : i32
      %scan3A_28 = arith.addi %scan3A_26, %scan3A_27 : i32
      %scan3A_29 = arith.constant 1 : i32
      scf.for %scan3A_31 = %scan3A_26 to %scan3A_28 step %scan3A_29  : i32 {
        %mul3A_32 = arith.constant 1 : i32
        %mul3A_33 = arith.muli %scan3A_31, %mul3A_32 : i32
        %add3A = arith.constant 0 : i32
        %add3A_34 = arith.addi %add3A, %mul3A_33 : i32
        %mul3A_35 = arith.constant 1000 : i32
        %mul3A_36 = arith.muli %arg1, %mul3A_35 : i32
        %mul3A_37 = arith.constant 200 : i32
        %mul3A_38 = arith.muli %add3A_34, %mul3A_37 : i32
        %add3A_39 = arith.addi %mul3A_36, %mul3A_38 : i32
        "tpu.region"() ({
          %run_scoped3A = tpu.sem_alloc : memref<!tpu.dma_semaphore, #tpu.memory_space<semaphore_mem>>
          %dma_start3A_40 = arith.constant 0 : i32
          %dma_start3A_41 = tpu.memref_slice %arg11[%add3A_39, %dma_start3A_40] : memref<5008x128xf32, #tpu.memory_space<vmem_shared>> -> memref<200x128xf32, #tpu.memory_space<vmem_shared>>
          %dma_start3A_42 = arith.constant 0 : i32
          %dma_start3A_43 = tpu.memref_slice %arg11[%add3A_39, %dma_start3A_42] : memref<5008x128xf32, #tpu.memory_space<vmem_shared>> -> memref<200x128xf32, #tpu.memory_space<vmem_shared>>
          tpu.enqueue_dma source(%arg10 : memref<200x128xf32, #tpu.memory_space<vmem>>) target(%dma_start3A_43 : memref<200x128xf32, #tpu.memory_space<vmem_shared>>) target_semaphore(%run_scoped3A : memref<!tpu.dma_semaphore, #tpu.memory_space<semaphore_mem>>)
          %dma_wait3A = arith.constant 0 : i32
          %dma_wait3A_44 = tpu.memref_slice %arg11[%add3A_39, %dma_wait3A] : memref<5008x128xf32, #tpu.memory_space<vmem_shared>> -> memref<200x128xf32, #tpu.memory_space<vmem_shared>>
          %dma_wait3A_45 = arith.constant 0 : i32
          %dma_wait3A_46 = tpu.memref_slice %arg11[%add3A_39, %dma_wait3A_45] : memref<5008x128xf32, #tpu.memory_space<vmem_shared>> -> memref<200x128xf32, #tpu.memory_space<vmem_shared>>
          tpu.wait_dma2 semaphore(%run_scoped3A : memref<!tpu.dma_semaphore, #tpu.memory_space<semaphore_mem>>) src(%arg10 : memref<200x128xf32, #tpu.memory_space<vmem>>) dst(%dma_wait3A_46 : memref<200x128xf32, #tpu.memory_space<vmem_shared>>)
          tpu.yield
        }) : () -> ()
      }
      %scan3A_30 = arith.constant 5 : i32
    } else {
    }
    %barrier3A = arith.constant 0 : index
    tpu.barrier barrier_id(%barrier3A)
    %mul3A_8 = arith.constant 128 : i32
    %mul3A_9 = arith.muli %arg1, %mul3A_8 : i32
    %dma_start3A = tpu.memref_slice %arg3[%mul3A_9] : memref<160000xi32, #tpu.memory_space<hbm>> -> memref<128xi32, #tpu.memory_space<hbm>>
    %dma_start3A_10 = tpu.memref_slice %arg3[%mul3A_9] : memref<160000xi32, #tpu.memory_space<hbm>> -> memref<128xi32, #tpu.memory_space<hbm>>
    tpu.enqueue_dma source(%dma_start3A_10 : memref<128xi32, #tpu.memory_space<hbm>>) target(%arg5 : memref<128xi32, #tpu.memory_space<vmem>>) target_semaphore(%arg12 : memref<!tpu.dma_semaphore, #tpu.memory_space<semaphore_mem>>)
    %dma_start3A_11 = arith.constant 0 : i32
    %dma_start3A_12 = tpu.memref_slice %arg2[%mul3A_9, %dma_start3A_11] : memref<160000x128xf32, #tpu.memory_space<hbm>> -> memref<128x128xf32, #tpu.memory_space<hbm>>
    %dma_start3A_13 = arith.constant 0 : i32
    %dma_start3A_14 = tpu.memref_slice %arg2[%mul3A_9, %dma_start3A_13] : memref<160000x128xf32, #tpu.memory_space<hbm>> -> memref<128x128xf32, #tpu.memory_space<hbm>>
    tpu.enqueue_dma source(%dma_start3A_14 : memref<128x128xf32, #tpu.memory_space<hbm>>) target(%arg8 : memref<128x128xf32, #tpu.memory_space<vmem>>) target_semaphore(%arg12 : memref<!tpu.dma_semaphore, #tpu.memory_space<semaphore_mem>>)
    %scan3A_15 = arith.constant 0 : i32
    %scan3A_16 = arith.constant 40 : i32
    %scan3A_17 = arith.addi %scan3A_15, %scan3A_16 : i32
    %scan3A_18 = arith.constant 1 : i32
    scf.for %scan3A_26 = %scan3A_15 to %scan3A_17 step %scan3A_18  : i32 {
      %mul3A_27 = arith.constant 1 : i32
      %mul3A_28 = arith.muli %scan3A_26, %mul3A_27 : i32
      %add3A = arith.constant 0 : i32
      %add3A_29 = arith.addi %add3A, %mul3A_28 : i32
      %mul3A_30 = arith.constant 2 : i32
      %mul3A_31 = arith.muli %mul3A_30, %add3A_29 : i32
      %mul3A_32 = arith.constant 16 : i32
      %mul3A_33 = arith.muli %mul3A_31, %mul3A_32 : i32
      %add3A_34 = arith.addi %mul3A_33, %arg1 : i32
      %add3A_35 = arith.constant 16 : i32
      %add3A_36 = arith.addi %add3A_34, %add3A_35 : i32
      %add3A_37 = arith.constant 16 : i32
      %add3A_38 = arith.addi %add3A_36, %add3A_37 : i32
      %lt3A_39 = arith.constant 1250 : i32
      %lt3A_40 = arith.cmpi slt, %add3A_36, %lt3A_39 : i32
      %convert_element_type3A_41 = arith.extui %lt3A_40 : i1 to i32
      %cond3A_42 = arith.constant 0 : i32
      %cond3A_43 = arith.cmpi ne, %convert_element_type3A_41, %cond3A_42 : i32
      scf.if %cond3A_43 {
        %mul3A_59 = arith.constant 128 : i32
        %mul3A_60 = arith.muli %add3A_36, %mul3A_59 : i32
        %dma_start3A_61 = tpu.memref_slice %arg3[%mul3A_60] : memref<160000xi32, #tpu.memory_space<hbm>> -> memref<128xi32, #tpu.memory_space<hbm>>
        %dma_start3A_62 = tpu.memref_slice %arg3[%mul3A_60] : memref<160000xi32, #tpu.memory_space<hbm>> -> memref<128xi32, #tpu.memory_space<hbm>>
        tpu.enqueue_dma source(%dma_start3A_62 : memref<128xi32, #tpu.memory_space<hbm>>) target(%arg6 : memref<128xi32, #tpu.memory_space<vmem>>) target_semaphore(%arg13 : memref<!tpu.dma_semaphore, #tpu.memory_space<semaphore_mem>>)
        %dma_start3A_63 = arith.constant 0 : i32
        %dma_start3A_64 = tpu.memref_slice %arg2[%mul3A_60, %dma_start3A_63] : memref<160000x128xf32, #tpu.memory_space<hbm>> -> memref<128x128xf32, #tpu.memory_space<hbm>>
        %dma_start3A_65 = arith.constant 0 : i32
        %dma_start3A_66 = tpu.memref_slice %arg2[%mul3A_60, %dma_start3A_65] : memref<160000x128xf32, #tpu.memory_space<hbm>> -> memref<128x128xf32, #tpu.memory_space<hbm>>
        tpu.enqueue_dma source(%dma_start3A_66 : memref<128x128xf32, #tpu.memory_space<hbm>>) target(%arg9 : memref<128x128xf32, #tpu.memory_space<vmem>>) target_semaphore(%arg13 : memref<!tpu.dma_semaphore, #tpu.memory_space<semaphore_mem>>)
      } else {
      }
      %lt3A_44 = arith.constant 1250 : i32
      %lt3A_45 = arith.cmpi slt, %add3A_34, %lt3A_44 : i32
      %convert_element_type3A_46 = arith.extui %lt3A_45 : i1 to i32
      %cond3A_47 = arith.constant 0 : i32
      %cond3A_48 = arith.cmpi ne, %convert_element_type3A_46, %cond3A_47 : i32
      scf.if %cond3A_48 {
        %mul3A_59 = arith.constant 128 : i32
        %mul3A_60 = arith.muli %add3A_34, %mul3A_59 : i32
        %dma_wait3A = tpu.memref_slice %arg3[%mul3A_60] : memref<160000xi32, #tpu.memory_space<hbm>> -> memref<128xi32, #tpu.memory_space<hbm>>
        %dma_wait3A_61 = tpu.memref_slice %arg3[%mul3A_60] : memref<160000xi32, #tpu.memory_space<hbm>> -> memref<128xi32, #tpu.memory_space<hbm>>
        tpu.wait_dma2 semaphore(%arg12 : memref<!tpu.dma_semaphore, #tpu.memory_space<semaphore_mem>>) src(%dma_wait3A_61 : memref<128xi32, #tpu.memory_space<hbm>>) dst(%arg5 : memref<128xi32, #tpu.memory_space<vmem>>)
        %dma_wait3A_62 = arith.constant 0 : i32
        %dma_wait3A_63 = tpu.memref_slice %arg2[%mul3A_60, %dma_wait3A_62] : memref<160000x128xf32, #tpu.memory_space<hbm>> -> memref<128x128xf32, #tpu.memory_space<hbm>>
        %dma_wait3A_64 = arith.constant 0 : i32
        %dma_wait3A_65 = tpu.memref_slice %arg2[%mul3A_60, %dma_wait3A_64] : memref<160000x128xf32, #tpu.memory_space<hbm>> -> memref<128x128xf32, #tpu.memory_space<hbm>>
        tpu.wait_dma2 semaphore(%arg12 : memref<!tpu.dma_semaphore, #tpu.memory_space<semaphore_mem>>) src(%dma_wait3A_65 : memref<128x128xf32, #tpu.memory_space<hbm>>) dst(%arg8 : memref<128x128xf32, #tpu.memory_space<vmem>>)
        %scan3A_66 = arith.constant 0 : i32
        %scan3A_67 = arith.constant 8 : i32
        %scan3A_68 = arith.addi %scan3A_66, %scan3A_67 : i32
        %scan3A_69 = arith.constant 1 : i32
        scf.for %scan3A_71 = %scan3A_66 to %scan3A_68 step %scan3A_69  : i32 {
          %mul3A_72 = arith.constant 16 : i32
          %mul3A_73 = arith.muli %scan3A_71, %mul3A_72 : i32
          %add3A_74 = arith.constant 0 : i32
          %add3A_75 = arith.addi %add3A_74, %mul3A_73 : i32
          %get3A = arith.index_cast %add3A_75 : i32 to index
          %get3A_76 = tpu.vector_load %arg5[%get3A] {strides = array<i32>} : memref<128xi32, #tpu.memory_space<vmem>>, vector<16xi32>,
          %get3A_77 = vector.shape_cast %get3A_76 : vector<16xi32> to vector<16xi32>
          %sub3A = vector.broadcast %mul3A_0 : i32 to vector<16xi32>
          %sub3A_78 = arith.subi %get3A_77, %sub3A : vector<16xi32>
          %ge3A = arith.constant 0 : i32
          %ge3A_79 = vector.broadcast %ge3A : i32 to vector<16xi32>
          %ge3A_80 = arith.cmpi sge, %sub3A_78, %ge3A_79 : vector<16xi32>
          %lt3A_81 = arith.constant 5000 : i32
          %lt3A_82 = vector.broadcast %lt3A_81 : i32 to vector<16xi32>
          %lt3A_83 = arith.cmpi slt, %sub3A_78, %lt3A_82 : vector<16xi32>
          %and3A = arith.andi %ge3A_80, %lt3A_83 : vector<16xi1>
          %jit3A = arith.constant 5000 : i32
          %broadcast_in_dim3A_84 = vector.broadcast %jit3A : i32 to vector<16xi32>
          %select_n3A = arith.select %and3A, %sub3A_78, %broadcast_in_dim3A_84 : vector<16xi1>, vector<16xi32>
          %swap3A = arith.index_cast %add3A_75 : i32 to index
          %swap3A_85 = tpu.vector_load %arg7[%swap3A] {strides = array<i32>} : memref<128xi32, #tpu.memory_space<vmem>>, vector<16xi32>,
          %swap3A_86 = vector.shape_cast %swap3A_85 : vector<16xi32> to vector<16xi32>
          %swap3A_87 = vector.shape_cast %select_n3A : vector<16xi32> to vector<16xi32>
          tpu.vector_store %arg7[%swap3A], %swap3A_87 {strides = array<i32>} : memref<128xi32, #tpu.memory_space<vmem>>, vector<16xi32>,
        }
        %scan3A_70 = arith.constant 8 : i32
        "tpu.region"() ({
          %run_scoped3A = tpu.sem_alloc : memref<!tpu.dma_semaphore, #tpu.memory_space<semaphore_mem>>
          %dma_start3A_71 = arith.constant 0 : i32
          %dma_start3A_72 = arith.constant 0 : i32
          %dma_start3A_73 = tpu.memref_slice %arg11[%dma_start3A_71, %dma_start3A_72] : memref<5008x128xf32, #tpu.memory_space<vmem_shared>> -> memref<5008x128xf32, #tpu.memory_space<vmem_shared>>
          tpu.enqueue_indirect_dma source(%arg8 : memref<128x128xf32, #tpu.memory_space<vmem>>) target(%dma_start3A_73 : memref<5008x128xf32, #tpu.memory_space<vmem_shared>>) offsets(%arg7 : memref<128xi32, #tpu.memory_space<vmem>>) semaphore(%run_scoped3A : memref<!tpu.dma_semaphore, #tpu.memory_space<semaphore_mem>>) {add = true}
          %dma_wait3A_74 = arith.constant 0 : i32
          %dma_wait3A_75 = arith.constant 0 : i32
          %dma_wait3A_76 = tpu.memref_slice %arg11[%dma_wait3A_74, %dma_wait3A_75] : memref<5008x128xf32, #tpu.memory_space<vmem_shared>> -> memref<5008x128xf32, #tpu.memory_space<vmem_shared>>
          tpu.wait_indirect_dma semaphore(%run_scoped3A : memref<!tpu.dma_semaphore, #tpu.memory_space<semaphore_mem>>) src(%arg8 : memref<128x128xf32, #tpu.memory_space<vmem>>) dst(%dma_wait3A_76 : memref<5008x128xf32, #tpu.memory_space<vmem_shared>>)
          tpu.yield
        }) : () -> ()
      } else {
      }
      %lt3A_49 = arith.constant 1250 : i32
      %lt3A_50 = arith.cmpi slt, %add3A_38, %lt3A_49 : i32
      %convert_element_type3A_51 = arith.extui %lt3A_50 : i1 to i32
      %cond3A_52 = arith.constant 0 : i32
      %cond3A_53 = arith.cmpi ne, %convert_element_type3A_51, %cond3A_52 : i32
      scf.if %cond3A_53 {
        %mul3A_59 = arith.constant 128 : i32
        %mul3A_60 = arith.muli %add3A_38, %mul3A_59 : i32
        %dma_start3A_61 = tpu.memref_slice %arg3[%mul3A_60] : memref<160000xi32, #tpu.memory_space<hbm>> -> memref<128xi32, #tpu.memory_space<hbm>>
        %dma_start3A_62 = tpu.memref_slice %arg3[%mul3A_60] : memref<160000xi32, #tpu.memory_space<hbm>> -> memref<128xi32, #tpu.memory_space<hbm>>
        tpu.enqueue_dma source(%dma_start3A_62 : memref<128xi32, #tpu.memory_space<hbm>>) target(%arg5 : memref<128xi32, #tpu.memory_space<vmem>>) target_semaphore(%arg12 : memref<!tpu.dma_semaphore, #tpu.memory_space<semaphore_mem>>)
        %dma_start3A_63 = arith.constant 0 : i32
        %dma_start3A_64 = tpu.memref_slice %arg2[%mul3A_60, %dma_start3A_63] : memref<160000x128xf32, #tpu.memory_space<hbm>> -> memref<128x128xf32, #tpu.memory_space<hbm>>
        %dma_start3A_65 = arith.constant 0 : i32
        %dma_start3A_66 = tpu.memref_slice %arg2[%mul3A_60, %dma_start3A_65] : memref<160000x128xf32, #tpu.memory_space<hbm>> -> memref<128x128xf32, #tpu.memory_space<hbm>>
        tpu.enqueue_dma source(%dma_start3A_66 : memref<128x128xf32, #tpu.memory_space<hbm>>) target(%arg8 : memref<128x128xf32, #tpu.memory_space<vmem>>) target_semaphore(%arg12 : memref<!tpu.dma_semaphore, #tpu.memory_space<semaphore_mem>>)
      } else {
      }
      %lt3A_54 = arith.constant 1250 : i32
      %lt3A_55 = arith.cmpi slt, %add3A_36, %lt3A_54 : i32
      %convert_element_type3A_56 = arith.extui %lt3A_55 : i1 to i32
      %cond3A_57 = arith.constant 0 : i32
      %cond3A_58 = arith.cmpi ne, %convert_element_type3A_56, %cond3A_57 : i32
      scf.if %cond3A_58 {
        %mul3A_59 = arith.constant 128 : i32
        %mul3A_60 = arith.muli %add3A_36, %mul3A_59 : i32
        %dma_wait3A = tpu.memref_slice %arg3[%mul3A_60] : memref<160000xi32, #tpu.memory_space<hbm>> -> memref<128xi32, #tpu.memory_space<hbm>>
        %dma_wait3A_61 = tpu.memref_slice %arg3[%mul3A_60] : memref<160000xi32, #tpu.memory_space<hbm>> -> memref<128xi32, #tpu.memory_space<hbm>>
        tpu.wait_dma2 semaphore(%arg13 : memref<!tpu.dma_semaphore, #tpu.memory_space<semaphore_mem>>) src(%dma_wait3A_61 : memref<128xi32, #tpu.memory_space<hbm>>) dst(%arg6 : memref<128xi32, #tpu.memory_space<vmem>>)
        %dma_wait3A_62 = arith.constant 0 : i32
        %dma_wait3A_63 = tpu.memref_slice %arg2[%mul3A_60, %dma_wait3A_62] : memref<160000x128xf32, #tpu.memory_space<hbm>> -> memref<128x128xf32, #tpu.memory_space<hbm>>
        %dma_wait3A_64 = arith.constant 0 : i32
        %dma_wait3A_65 = tpu.memref_slice %arg2[%mul3A_60, %dma_wait3A_64] : memref<160000x128xf32, #tpu.memory_space<hbm>> -> memref<128x128xf32, #tpu.memory_space<hbm>>
        tpu.wait_dma2 semaphore(%arg13 : memref<!tpu.dma_semaphore, #tpu.memory_space<semaphore_mem>>) src(%dma_wait3A_65 : memref<128x128xf32, #tpu.memory_space<hbm>>) dst(%arg9 : memref<128x128xf32, #tpu.memory_space<vmem>>)
        %scan3A_66 = arith.constant 0 : i32
        %scan3A_67 = arith.constant 8 : i32
        %scan3A_68 = arith.addi %scan3A_66, %scan3A_67 : i32
        %scan3A_69 = arith.constant 1 : i32
        scf.for %scan3A_71 = %scan3A_66 to %scan3A_68 step %scan3A_69  : i32 {
          %mul3A_72 = arith.constant 16 : i32
          %mul3A_73 = arith.muli %scan3A_71, %mul3A_72 : i32
          %add3A_74 = arith.constant 0 : i32
          %add3A_75 = arith.addi %add3A_74, %mul3A_73 : i32
          %get3A = arith.index_cast %add3A_75 : i32 to index
          %get3A_76 = tpu.vector_load %arg6[%get3A] {strides = array<i32>} : memref<128xi32, #tpu.memory_space<vmem>>, vector<16xi32>,
          %get3A_77 = vector.shape_cast %get3A_76 : vector<16xi32> to vector<16xi32>
          %sub3A = vector.broadcast %mul3A_0 : i32 to vector<16xi32>
          %sub3A_78 = arith.subi %get3A_77, %sub3A : vector<16xi32>
          %ge3A = arith.constant 0 : i32
          %ge3A_79 = vector.broadcast %ge3A : i32 to vector<16xi32>
          %ge3A_80 = arith.cmpi sge, %sub3A_78, %ge3A_79 : vector<16xi32>
          %lt3A_81 = arith.constant 5000 : i32
          %lt3A_82 = vector.broadcast %lt3A_81 : i32 to vector<16xi32>
          %lt3A_83 = arith.cmpi slt, %sub3A_78, %lt3A_82 : vector<16xi32>
          %and3A = arith.andi %ge3A_80, %lt3A_83 : vector<16xi1>
          %jit3A = arith.constant 5000 : i32
          %broadcast_in_dim3A_84 = vector.broadcast %jit3A : i32 to vector<16xi32>
          %select_n3A = arith.select %and3A, %sub3A_78, %broadcast_in_dim3A_84 : vector<16xi1>, vector<16xi32>
          %swap3A = arith.index_cast %add3A_75 : i32 to index
          %swap3A_85 = tpu.vector_load %arg7[%swap3A] {strides = array<i32>} : memref<128xi32, #tpu.memory_space<vmem>>, vector<16xi32>,
          %swap3A_86 = vector.shape_cast %swap3A_85 : vector<16xi32> to vector<16xi32>
          %swap3A_87 = vector.shape_cast %select_n3A : vector<16xi32> to vector<16xi32>
          tpu.vector_store %arg7[%swap3A], %swap3A_87 {strides = array<i32>} : memref<128xi32, #tpu.memory_space<vmem>>, vector<16xi32>,
        }
        %scan3A_70 = arith.constant 8 : i32
        "tpu.region"() ({
          %run_scoped3A = tpu.sem_alloc : memref<!tpu.dma_semaphore, #tpu.memory_space<semaphore_mem>>
          %dma_start3A_71 = arith.constant 0 : i32
          %dma_start3A_72 = arith.constant 0 : i32
          %dma_start3A_73 = tpu.memref_slice %arg11[%dma_start3A_71, %dma_start3A_72] : memref<5008x128xf32, #tpu.memory_space<vmem_shared>> -> memref<5008x128xf32, #tpu.memory_space<vmem_shared>>
          tpu.enqueue_indirect_dma source(%arg9 : memref<128x128xf32, #tpu.memory_space<vmem>>) target(%dma_start3A_73 : memref<5008x128xf32, #tpu.memory_space<vmem_shared>>) offsets(%arg7 : memref<128xi32, #tpu.memory_space<vmem>>) semaphore(%run_scoped3A : memref<!tpu.dma_semaphore, #tpu.memory_space<semaphore_mem>>) {add = true}
          %dma_wait3A_74 = arith.constant 0 : i32
          %dma_wait3A_75 = arith.constant 0 : i32
          %dma_wait3A_76 = tpu.memref_slice %arg11[%dma_wait3A_74, %dma_wait3A_75] : memref<5008x128xf32, #tpu.memory_space<vmem_shared>> -> memref<5008x128xf32, #tpu.memory_space<vmem_shared>>
          tpu.wait_indirect_dma semaphore(%run_scoped3A : memref<!tpu.dma_semaphore, #tpu.memory_space<semaphore_mem>>) src(%arg9 : memref<128x128xf32, #tpu.memory_space<vmem>>) dst(%dma_wait3A_76 : memref<5008x128xf32, #tpu.memory_space<vmem_shared>>)
          tpu.yield
        }) : () -> ()
      } else {
      }
    }
    %scan3A_19 = arith.constant 40 : i32
    %barrier3A_20 = arith.constant 0 : index
    tpu.barrier barrier_id(%barrier3A_20)
    %lt3A_21 = arith.constant 5 : i32
    %lt3A_22 = arith.cmpi slt, %arg1, %lt3A_21 : i32
    %convert_element_type3A_23 = arith.extui %lt3A_22 : i1 to i32
    %cond3A_24 = arith.constant 0 : i32
    %cond3A_25 = arith.cmpi ne, %convert_element_type3A_23, %cond3A_24 : i32
    scf.if %cond3A_25 {
      %mul3A_26 = arith.constant 1000 : i32
      %mul3A_27 = arith.muli %arg1, %mul3A_26 : i32
      %add3A = arith.addi %mul3A_0, %mul3A_27 : i32
      "tpu.region"() ({
        %run_scoped3A = tpu.sem_alloc : memref<!tpu.dma_semaphore, #tpu.memory_space<semaphore_mem>>
        %dma_start3A_28 = arith.constant 0 : i32
        %dma_start3A_29 = tpu.memref_slice %arg4[%add3A, %dma_start3A_28] : memref<10000x128xf32, #tpu.memory_space<hbm>> -> memref<1000x128xf32, #tpu.memory_space<hbm>>
        %dma_start3A_30 = arith.constant 0 : i32
        %dma_start3A_31 = tpu.memref_slice %arg11[%mul3A_27, %dma_start3A_30] : memref<5008x128xf32, #tpu.memory_space<vmem_shared>> -> memref<1000x128xf32, #tpu.memory_space<vmem_shared>>
        tpu.enqueue_dma source(%dma_start3A_31 : memref<1000x128xf32, #tpu.memory_space<vmem_shared>>) target(%dma_start3A_29 : memref<1000x128xf32, #tpu.memory_space<hbm>>) target_semaphore(%run_scoped3A : memref<!tpu.dma_semaphore, #tpu.memory_space<semaphore_mem>>)
        %dma_wait3A = arith.constant 0 : i32
        %dma_wait3A_32 = tpu.memref_slice %arg4[%add3A, %dma_wait3A] : memref<10000x128xf32, #tpu.memory_space<hbm>> -> memref<1000x128xf32, #tpu.memory_space<hbm>>
        %dma_wait3A_33 = arith.constant 0 : i32
        %dma_wait3A_34 = tpu.memref_slice %arg11[%mul3A_27, %dma_wait3A_33] : memref<5008x128xf32, #tpu.memory_space<vmem_shared>> -> memref<1000x128xf32, #tpu.memory_space<vmem_shared>>
        tpu.wait_dma2 semaphore(%run_scoped3A : memref<!tpu.dma_semaphore, #tpu.memory_space<semaphore_mem>>) src(%dma_wait3A_34 : memref<1000x128xf32, #tpu.memory_space<vmem_shared>>) dst(%dma_wait3A_32 : memref<1000x128xf32, #tpu.memory_space<hbm>>)
        tpu.yield
      }) : () -> ()
    } else {
    }
    return
  }
}

#map = affine_map<(d0, d1) -> (0, 0)>
#map1 = affine_map<(d0, d1) -> (0)>
module attributes {stable_mosaic.version = 14 : i64} {
  func.func @_kern(%arg0: i32, %arg1: i32, %arg2: memref<160000x128xf32, #tpu.memory_space<hbm>>, %arg3: memref<160000xi32, #tpu.memory_space<hbm>>, %arg4: memref<10000x128xf32, #tpu.memory_space<hbm>>, %arg5: memref<128xi32, #tpu.memory_space<vmem>>, %arg6: memref<128xi32, #tpu.memory_space<vmem>>, %arg7: memref<128xi32, #tpu.memory_space<vmem>>, %arg8: memref<128x128xf32, #tpu.memory_space<vmem>>, %arg9: memref<128x128xf32, #tpu.memory_space<vmem>>, %arg10: memref<200x128xf32, #tpu.memory_space<vmem>>, %arg11: memref<5008x128xf32, #tpu.memory_space<vmem_shared>>, %arg12: memref<!tpu.dma_semaphore, #tpu.memory_space<semaphore_mem>>, %arg13: memref<!tpu.dma_semaphore, #tpu.memory_space<semaphore_mem>>) attributes {dimension_semantics = [#tpu.dimension_semantics<core_parallel>, #tpu.dimension_semantics<subcore_parallel>], iteration_bounds = array<i64: 2, 16>, scalar_prefetch = 0 : i64, scratch_operands = 9 : i64, tpu.core_type = #tpu.core_type<sc_vector_subcore>, window_params = [{transform_indices = #map}, {transform_indices = #map1}, {transform_indices = #map}]} {
    %mul3A = arith.constant 5000 : i32
    %mul3A_0 = arith.muli %arg0, %mul3A : i32
    %broadcast_in_dim3A = arith.constant 0.000000e+00 : f32
    %broadcast_in_dim3A_1 = vector.broadcast %broadcast_in_dim3A : f32 to vector<16xf32>
    %scan3A = arith.constant 0 : i32
    %scan3A_2 = arith.constant 200 : i32
    %scan3A_3 = arith.addi %scan3A, %scan3A_2 : i32
    %scan3A_4 = arith.constant 1 : i32
    scf.for %scan3A_26 = %scan3A to %scan3A_3 step %scan3A_4  : i32 {
      %mul3A_27 = arith.constant 1 : i32
      %mul3A_28 = arith.muli %scan3A_26, %mul3A_27 : i32
      %add3A = arith.constant 0 : i32
      %add3A_29 = arith.addi %add3A, %mul3A_28 : i32
      %swap3A = arith.index_cast %add3A_29 : i32 to index
      %swap3A_30 = arith.constant 0 : index
      %swap3A_31 = tpu.vector_load %arg10[%swap3A, %swap3A_30] {strides = array<i32>} : memref<200x128xf32, #tpu.memory_space<vmem>>, vector<1x16xf32>,
      %swap3A_32 = vector.shape_cast %swap3A_31 : vector<1x16xf32> to vector<16xf32>
      %swap3A_33 = vector.shape_cast %broadcast_in_dim3A_1 : vector<16xf32> to vector<1x16xf32>
      tpu.vector_store %arg10[%swap3A, %swap3A_30], %swap3A_33 {strides = array<i32>} : memref<200x128xf32, #tpu.memory_space<vmem>>, vector<1x16xf32>,
      %swap3A_34 = arith.index_cast %add3A_29 : i32 to index
      %swap3A_35 = arith.constant 16 : index
      %swap3A_36 = tpu.vector_load %arg10[%swap3A_34, %swap3A_35] {strides = array<i32>} : memref<200x128xf32, #tpu.memory_space<vmem>>, vector<1x16xf32>,
      %swap3A_37 = vector.shape_cast %swap3A_36 : vector<1x16xf32> to vector<16xf32>
      %swap3A_38 = vector.shape_cast %broadcast_in_dim3A_1 : vector<16xf32> to vector<1x16xf32>
      tpu.vector_store %arg10[%swap3A_34, %swap3A_35], %swap3A_38 {strides = array<i32>} : memref<200x128xf32, #tpu.memory_space<vmem>>, vector<1x16xf32>,
      %swap3A_39 = arith.index_cast %add3A_29 : i32 to index
      %swap3A_40 = arith.constant 32 : index
      %swap3A_41 = tpu.vector_load %arg10[%swap3A_39, %swap3A_40] {strides = array<i32>} : memref<200x128xf32, #tpu.memory_space<vmem>>, vector<1x16xf32>,
      %swap3A_42 = vector.shape_cast %swap3A_41 : vector<1x16xf32> to vector<16xf32>
      %swap3A_43 = vector.shape_cast %broadcast_in_dim3A_1 : vector<16xf32> to vector<1x16xf32>
      tpu.vector_store %arg10[%swap3A_39, %swap3A_40], %swap3A_43 {strides = array<i32>} : memref<200x128xf32, #tpu.memory_space<vmem>>, vector<1x16xf32>,
      %swap3A_44 = arith.index_cast %add3A_29 : i32 to index
      %swap3A_45 = arith.constant 48 : index
      %swap3A_46 = tpu.vector_load %arg10[%swap3A_44, %swap3A_45] {strides = array<i32>} : memref<200x128xf32, #tpu.memory_space<vmem>>, vector<1x16xf32>,
      %swap3A_47 = vector.shape_cast %swap3A_46 : vector<1x16xf32> to vector<16xf32>
      %swap3A_48 = vector.shape_cast %broadcast_in_dim3A_1 : vector<16xf32> to vector<1x16xf32>
      tpu.vector_store %arg10[%swap3A_44, %swap3A_45], %swap3A_48 {strides = array<i32>} : memref<200x128xf32, #tpu.memory_space<vmem>>, vector<1x16xf32>,
      %swap3A_49 = arith.index_cast %add3A_29 : i32 to index
      %swap3A_50 = arith.constant 64 : index
      %swap3A_51 = tpu.vector_load %arg10[%swap3A_49, %swap3A_50] {strides = array<i32>} : memref<200x128xf32, #tpu.memory_space<vmem>>, vector<1x16xf32>,
      %swap3A_52 = vector.shape_cast %swap3A_51 : vector<1x16xf32> to vector<16xf32>
      %swap3A_53 = vector.shape_cast %broadcast_in_dim3A_1 : vector<16xf32> to vector<1x16xf32>
      tpu.vector_store %arg10[%swap3A_49, %swap3A_50], %swap3A_53 {strides = array<i32>} : memref<200x128xf32, #tpu.memory_space<vmem>>, vector<1x16xf32>,
      %swap3A_54 = arith.index_cast %add3A_29 : i32 to index
      %swap3A_55 = arith.constant 80 : index
      %swap3A_56 = tpu.vector_load %arg10[%swap3A_54, %swap3A_55] {strides = array<i32>} : memref<200x128xf32, #tpu.memory_space<vmem>>, vector<1x16xf32>,
      %swap3A_57 = vector.shape_cast %swap3A_56 : vector<1x16xf32> to vector<16xf32>
      %swap3A_58 = vector.shape_cast %broadcast_in_dim3A_1 : vector<16xf32> to vector<1x16xf32>
      tpu.vector_store %arg10[%swap3A_54, %swap3A_55], %swap3A_58 {strides = array<i32>} : memref<200x128xf32, #tpu.memory_space<vmem>>, vector<1x16xf32>,
      %swap3A_59 = arith.index_cast %add3A_29 : i32 to index
      %swap3A_60 = arith.constant 96 : index
      %swap3A_61 = tpu.vector_load %arg10[%swap3A_59, %swap3A_60] {strides = array<i32>} : memref<200x128xf32, #tpu.memory_space<vmem>>, vector<1x16xf32>,
      %swap3A_62 = vector.shape_cast %swap3A_61 : vector<1x16xf32> to vector<16xf32>
      %swap3A_63 = vector.shape_cast %broadcast_in_dim3A_1 : vector<16xf32> to vector<1x16xf32>
      tpu.vector_store %arg10[%swap3A_59, %swap3A_60], %swap3A_63 {strides = array<i32>} : memref<200x128xf32, #tpu.memory_space<vmem>>, vector<1x16xf32>,
      %swap3A_64 = arith.index_cast %add3A_29 : i32 to index
      %swap3A_65 = arith.constant 112 : index
      %swap3A_66 = tpu.vector_load %arg10[%swap3A_64, %swap3A_65] {strides = array<i32>} : memref<200x128xf32, #tpu.memory_space<vmem>>, vector<1x16xf32>,
      %swap3A_67 = vector.shape_cast %swap3A_66 : vector<1x16xf32> to vector<16xf32>
      %swap3A_68 = vector.shape_cast %broadcast_in_dim3A_1 : vector<16xf32> to vector<1x16xf32>
      tpu.vector_store %arg10[%swap3A_64, %swap3A_65], %swap3A_68 {strides = array<i32>} : memref<200x128xf32, #tpu.memory_space<vmem>>, vector<1x16xf32>,
    }
    %scan3A_5 = arith.constant 200 : i32
    %lt3A = arith.constant 5 : i32
    %lt3A_6 = arith.cmpi slt, %arg1, %lt3A : i32
    %convert_element_type3A = arith.extui %lt3A_6 : i1 to i32
    %cond3A = arith.constant 0 : i32
    %cond3A_7 = arith.cmpi ne, %convert_element_type3A, %cond3A : i32
    scf.if %cond3A_7 {
      %scan3A_26 = arith.constant 0 : i32
      %scan3A_27 = arith.constant 5 : i32
      %scan3A_28 = arith.addi %scan3A_26, %scan3A_27 : i32
      %scan3A_29 = arith.constant 1 : i32
      scf.for %scan3A_31 = %scan3A_26 to %scan3A_28 step %scan3A_29  : i32 {
        %mul3A_32 = arith.constant 1 : i32
        %mul3A_33 = arith.muli %scan3A_31, %mul3A_32 : i32
        %add3A = arith.constant 0 : i32
        %add3A_34 = arith.addi %add3A, %mul3A_33 : i32
        %mul3A_35 = arith.constant 1000 : i32
        %mul3A_36 = arith.muli %arg1, %mul3A_35 : i32
        %mul3A_37 = arith.constant 200 : i32
        %mul3A_38 = arith.muli %add3A_34, %mul3A_37 : i32
        %add3A_39 = arith.addi %mul3A_36, %mul3A_38 : i32
        "tpu.region"() ({
          %run_scoped3A = tpu.sem_alloc : memref<!tpu.dma_semaphore, #tpu.memory_space<semaphore_mem>>
          %dma_start3A_40 = arith.constant 0 : i32
          %dma_start3A_41 = tpu.memref_slice %arg11[%add3A_39, %dma_start3A_40] : memref<5008x128xf32, #tpu.memory_space<vmem_shared>> -> memref<200x128xf32, #tpu.memory_space<vmem_shared>>
          %dma_start3A_42 = arith.constant 0 : i32
          %dma_start3A_43 = tpu.memref_slice %arg11[%add3A_39, %dma_start3A_42] : memref<5008x128xf32, #tpu.memory_space<vmem_shared>> -> memref<200x128xf32, #tpu.memory_space<vmem_shared>>
          tpu.enqueue_dma source(%arg10 : memref<200x128xf32, #tpu.memory_space<vmem>>) target(%dma_start3A_43 : memref<200x128xf32, #tpu.memory_space<vmem_shared>>) target_semaphore(%run_scoped3A : memref<!tpu.dma_semaphore, #tpu.memory_space<semaphore_mem>>)
          %dma_wait3A = arith.constant 0 : i32
          %dma_wait3A_44 = tpu.memref_slice %arg11[%add3A_39, %dma_wait3A] : memref<5008x128xf32, #tpu.memory_space<vmem_shared>> -> memref<200x128xf32, #tpu.memory_space<vmem_shared>>
          %dma_wait3A_45 = arith.constant 0 : i32
          %dma_wait3A_46 = tpu.memref_slice %arg11[%add3A_39, %dma_wait3A_45] : memref<5008x128xf32, #tpu.memory_space<vmem_shared>> -> memref<200x128xf32, #tpu.memory_space<vmem_shared>>
          tpu.wait_dma2 semaphore(%run_scoped3A : memref<!tpu.dma_semaphore, #tpu.memory_space<semaphore_mem>>) src(%arg10 : memref<200x128xf32, #tpu.memory_space<vmem>>) dst(%dma_wait3A_46 : memref<200x128xf32, #tpu.memory_space<vmem_shared>>)
          tpu.yield
        }) : () -> ()
      }
      %scan3A_30 = arith.constant 5 : i32
    } else {
    }
    %barrier3A = arith.constant 0 : index
    tpu.barrier barrier_id(%barrier3A)
    %mul3A_8 = arith.constant 128 : i32
    %mul3A_9 = arith.muli %arg1, %mul3A_8 : i32
    %dma_start3A = tpu.memref_slice %arg3[%mul3A_9] : memref<160000xi32, #tpu.memory_space<hbm>> -> memref<128xi32, #tpu.memory_space<hbm>>
    %dma_start3A_10 = tpu.memref_slice %arg3[%mul3A_9] : memref<160000xi32, #tpu.memory_space<hbm>> -> memref<128xi32, #tpu.memory_space<hbm>>
    tpu.enqueue_dma source(%dma_start3A_10 : memref<128xi32, #tpu.memory_space<hbm>>) target(%arg5 : memref<128xi32, #tpu.memory_space<vmem>>) target_semaphore(%arg12 : memref<!tpu.dma_semaphore, #tpu.memory_space<semaphore_mem>>)
    %dma_start3A_11 = arith.constant 0 : i32
    %dma_start3A_12 = tpu.memref_slice %arg2[%mul3A_9, %dma_start3A_11] : memref<160000x128xf32, #tpu.memory_space<hbm>> -> memref<128x128xf32, #tpu.memory_space<hbm>>
    %dma_start3A_13 = arith.constant 0 : i32
    %dma_start3A_14 = tpu.memref_slice %arg2[%mul3A_9, %dma_start3A_13] : memref<160000x128xf32, #tpu.memory_space<hbm>> -> memref<128x128xf32, #tpu.memory_space<hbm>>
    tpu.enqueue_dma source(%dma_start3A_14 : memref<128x128xf32, #tpu.memory_space<hbm>>) target(%arg8 : memref<128x128xf32, #tpu.memory_space<vmem>>) target_semaphore(%arg12 : memref<!tpu.dma_semaphore, #tpu.memory_space<semaphore_mem>>)
    %scan3A_15 = arith.constant 0 : i32
    %scan3A_16 = arith.constant 40 : i32
    %scan3A_17 = arith.addi %scan3A_15, %scan3A_16 : i32
    %scan3A_18 = arith.constant 1 : i32
    scf.for %scan3A_26 = %scan3A_15 to %scan3A_17 step %scan3A_18  : i32 {
      %mul3A_27 = arith.constant 1 : i32
      %mul3A_28 = arith.muli %scan3A_26, %mul3A_27 : i32
      %add3A = arith.constant 0 : i32
      %add3A_29 = arith.addi %add3A, %mul3A_28 : i32
      %mul3A_30 = arith.constant 2 : i32
      %mul3A_31 = arith.muli %mul3A_30, %add3A_29 : i32
      %mul3A_32 = arith.constant 16 : i32
      %mul3A_33 = arith.muli %mul3A_31, %mul3A_32 : i32
      %add3A_34 = arith.addi %mul3A_33, %arg1 : i32
      %add3A_35 = arith.constant 16 : i32
      %add3A_36 = arith.addi %add3A_34, %add3A_35 : i32
      %add3A_37 = arith.constant 16 : i32
      %add3A_38 = arith.addi %add3A_36, %add3A_37 : i32
      %lt3A_39 = arith.constant 1250 : i32
      %lt3A_40 = arith.cmpi slt, %add3A_36, %lt3A_39 : i32
      %convert_element_type3A_41 = arith.extui %lt3A_40 : i1 to i32
      %cond3A_42 = arith.constant 0 : i32
      %cond3A_43 = arith.cmpi ne, %convert_element_type3A_41, %cond3A_42 : i32
      scf.if %cond3A_43 {
        %mul3A_59 = arith.constant 128 : i32
        %mul3A_60 = arith.muli %add3A_36, %mul3A_59 : i32
        %dma_start3A_61 = tpu.memref_slice %arg3[%mul3A_60] : memref<160000xi32, #tpu.memory_space<hbm>> -> memref<128xi32, #tpu.memory_space<hbm>>
        %dma_start3A_62 = tpu.memref_slice %arg3[%mul3A_60] : memref<160000xi32, #tpu.memory_space<hbm>> -> memref<128xi32, #tpu.memory_space<hbm>>
        tpu.enqueue_dma source(%dma_start3A_62 : memref<128xi32, #tpu.memory_space<hbm>>) target(%arg6 : memref<128xi32, #tpu.memory_space<vmem>>) target_semaphore(%arg13 : memref<!tpu.dma_semaphore, #tpu.memory_space<semaphore_mem>>)
        %dma_start3A_63 = arith.constant 0 : i32
        %dma_start3A_64 = tpu.memref_slice %arg2[%mul3A_60, %dma_start3A_63] : memref<160000x128xf32, #tpu.memory_space<hbm>> -> memref<128x128xf32, #tpu.memory_space<hbm>>
        %dma_start3A_65 = arith.constant 0 : i32
        %dma_start3A_66 = tpu.memref_slice %arg2[%mul3A_60, %dma_start3A_65] : memref<160000x128xf32, #tpu.memory_space<hbm>> -> memref<128x128xf32, #tpu.memory_space<hbm>>
        tpu.enqueue_dma source(%dma_start3A_66 : memref<128x128xf32, #tpu.memory_space<hbm>>) target(%arg9 : memref<128x128xf32, #tpu.memory_space<vmem>>) target_semaphore(%arg13 : memref<!tpu.dma_semaphore, #tpu.memory_space<semaphore_mem>>)
      } else {
      }
      %lt3A_44 = arith.constant 1250 : i32
      %lt3A_45 = arith.cmpi slt, %add3A_34, %lt3A_44 : i32
      %convert_element_type3A_46 = arith.extui %lt3A_45 : i1 to i32
      %cond3A_47 = arith.constant 0 : i32
      %cond3A_48 = arith.cmpi ne, %convert_element_type3A_46, %cond3A_47 : i32
      scf.if %cond3A_48 {
        %mul3A_59 = arith.constant 128 : i32
        %mul3A_60 = arith.muli %add3A_34, %mul3A_59 : i32
        %dma_wait3A = tpu.memref_slice %arg3[%mul3A_60] : memref<160000xi32, #tpu.memory_space<hbm>> -> memref<128xi32, #tpu.memory_space<hbm>>
        %dma_wait3A_61 = tpu.memref_slice %arg3[%mul3A_60] : memref<160000xi32, #tpu.memory_space<hbm>> -> memref<128xi32, #tpu.memory_space<hbm>>
        tpu.wait_dma2 semaphore(%arg12 : memref<!tpu.dma_semaphore, #tpu.memory_space<semaphore_mem>>) src(%dma_wait3A_61 : memref<128xi32, #tpu.memory_space<hbm>>) dst(%arg5 : memref<128xi32, #tpu.memory_space<vmem>>)
        %dma_wait3A_62 = arith.constant 0 : i32
        %dma_wait3A_63 = tpu.memref_slice %arg2[%mul3A_60, %dma_wait3A_62] : memref<160000x128xf32, #tpu.memory_space<hbm>> -> memref<128x128xf32, #tpu.memory_space<hbm>>
        %dma_wait3A_64 = arith.constant 0 : i32
        %dma_wait3A_65 = tpu.memref_slice %arg2[%mul3A_60, %dma_wait3A_64] : memref<160000x128xf32, #tpu.memory_space<hbm>> -> memref<128x128xf32, #tpu.memory_space<hbm>>
        tpu.wait_dma2 semaphore(%arg12 : memref<!tpu.dma_semaphore, #tpu.memory_space<semaphore_mem>>) src(%dma_wait3A_65 : memref<128x128xf32, #tpu.memory_space<hbm>>) dst(%arg8 : memref<128x128xf32, #tpu.memory_space<vmem>>)
        %scan3A_66 = arith.constant 0 : i32
        %scan3A_67 = arith.constant 8 : i32
        %scan3A_68 = arith.addi %scan3A_66, %scan3A_67 : i32
        %scan3A_69 = arith.constant 1 : i32
        scf.for %scan3A_71 = %scan3A_66 to %scan3A_68 step %scan3A_69  : i32 {
          %mul3A_72 = arith.constant 16 : i32
          %mul3A_73 = arith.muli %scan3A_71, %mul3A_72 : i32
          %add3A_74 = arith.constant 0 : i32
          %add3A_75 = arith.addi %add3A_74, %mul3A_73 : i32
          %get3A = arith.index_cast %add3A_75 : i32 to index
          %get3A_76 = tpu.vector_load %arg5[%get3A] {strides = array<i32>} : memref<128xi32, #tpu.memory_space<vmem>>, vector<16xi32>,
          %get3A_77 = vector.shape_cast %get3A_76 : vector<16xi32> to vector<16xi32>
          %sub3A = vector.broadcast %mul3A_0 : i32 to vector<16xi32>
          %sub3A_78 = arith.subi %get3A_77, %sub3A : vector<16xi32>
          %ge3A = arith.constant 0 : i32
          %ge3A_79 = vector.broadcast %ge3A : i32 to vector<16xi32>
          %ge3A_80 = arith.cmpi sge, %sub3A_78, %ge3A_79 : vector<16xi32>
          %lt3A_81 = arith.constant 5000 : i32
          %lt3A_82 = vector.broadcast %lt3A_81 : i32 to vector<16xi32>
          %lt3A_83 = arith.cmpi slt, %sub3A_78, %lt3A_82 : vector<16xi32>
          %and3A = arith.andi %ge3A_80, %lt3A_83 : vector<16xi1>
          %jit3A = arith.constant 5000 : i32
          %broadcast_in_dim3A_84 = vector.broadcast %jit3A : i32 to vector<16xi32>
          %select_n3A = arith.select %and3A, %sub3A_78, %broadcast_in_dim3A_84 : vector<16xi1>, vector<16xi32>
          %swap3A = arith.index_cast %add3A_75 : i32 to index
          %swap3A_85 = tpu.vector_load %arg7[%swap3A] {strides = array<i32>} : memref<128xi32, #tpu.memory_space<vmem>>, vector<16xi32>,
          %swap3A_86 = vector.shape_cast %swap3A_85 : vector<16xi32> to vector<16xi32>
          %swap3A_87 = vector.shape_cast %select_n3A : vector<16xi32> to vector<16xi32>
          tpu.vector_store %arg7[%swap3A], %swap3A_87 {strides = array<i32>} : memref<128xi32, #tpu.memory_space<vmem>>, vector<16xi32>,
        }
        %scan3A_70 = arith.constant 8 : i32
        "tpu.region"() ({
          %run_scoped3A = tpu.sem_alloc : memref<!tpu.dma_semaphore, #tpu.memory_space<semaphore_mem>>
          %dma_start3A_71 = arith.constant 0 : i32
          %dma_start3A_72 = arith.constant 0 : i32
          %dma_start3A_73 = tpu.memref_slice %arg11[%dma_start3A_71, %dma_start3A_72] : memref<5008x128xf32, #tpu.memory_space<vmem_shared>> -> memref<5008x128xf32, #tpu.memory_space<vmem_shared>>
          tpu.enqueue_indirect_dma source(%arg8 : memref<128x128xf32, #tpu.memory_space<vmem>>) target(%dma_start3A_73 : memref<5008x128xf32, #tpu.memory_space<vmem_shared>>) offsets(%arg7 : memref<128xi32, #tpu.memory_space<vmem>>) semaphore(%run_scoped3A : memref<!tpu.dma_semaphore, #tpu.memory_space<semaphore_mem>>) {add = true}
          %dma_wait3A_74 = arith.constant 0 : i32
          %dma_wait3A_75 = arith.constant 0 : i32
          %dma_wait3A_76 = tpu.memref_slice %arg11[%dma_wait3A_74, %dma_wait3A_75] : memref<5008x128xf32, #tpu.memory_space<vmem_shared>> -> memref<5008x128xf32, #tpu.memory_space<vmem_shared>>
          tpu.wait_indirect_dma semaphore(%run_scoped3A : memref<!tpu.dma_semaphore, #tpu.memory_space<semaphore_mem>>) src(%arg8 : memref<128x128xf32, #tpu.memory_space<vmem>>) dst(%dma_wait3A_76 : memref<5008x128xf32, #tpu.memory_space<vmem_shared>>)
          tpu.yield
        }) : () -> ()
      } else {
      }
      %lt3A_49 = arith.constant 1250 : i32
      %lt3A_50 = arith.cmpi slt, %add3A_38, %lt3A_49 : i32
      %convert_element_type3A_51 = arith.extui %lt3A_50 : i1 to i32
      %cond3A_52 = arith.constant 0 : i32
      %cond3A_53 = arith.cmpi ne, %convert_element_type3A_51, %cond3A_52 : i32
      scf.if %cond3A_53 {
        %mul3A_59 = arith.constant 128 : i32
        %mul3A_60 = arith.muli %add3A_38, %mul3A_59 : i32
        %dma_start3A_61 = tpu.memref_slice %arg3[%mul3A_60] : memref<160000xi32, #tpu.memory_space<hbm>> -> memref<128xi32, #tpu.memory_space<hbm>>
        %dma_start3A_62 = tpu.memref_slice %arg3[%mul3A_60] : memref<160000xi32, #tpu.memory_space<hbm>> -> memref<128xi32, #tpu.memory_space<hbm>>
        tpu.enqueue_dma source(%dma_start3A_62 : memref<128xi32, #tpu.memory_space<hbm>>) target(%arg5 : memref<128xi32, #tpu.memory_space<vmem>>) target_semaphore(%arg12 : memref<!tpu.dma_semaphore, #tpu.memory_space<semaphore_mem>>)
        %dma_start3A_63 = arith.constant 0 : i32
        %dma_start3A_64 = tpu.memref_slice %arg2[%mul3A_60, %dma_start3A_63] : memref<160000x128xf32, #tpu.memory_space<hbm>> -> memref<128x128xf32, #tpu.memory_space<hbm>>
        %dma_start3A_65 = arith.constant 0 : i32
        %dma_start3A_66 = tpu.memref_slice %arg2[%mul3A_60, %dma_start3A_65] : memref<160000x128xf32, #tpu.memory_space<hbm>> -> memref<128x128xf32, #tpu.memory_space<hbm>>
        tpu.enqueue_dma source(%dma_start3A_66 : memref<128x128xf32, #tpu.memory_space<hbm>>) target(%arg8 : memref<128x128xf32, #tpu.memory_space<vmem>>) target_semaphore(%arg12 : memref<!tpu.dma_semaphore, #tpu.memory_space<semaphore_mem>>)
      } else {
      }
      %lt3A_54 = arith.constant 1250 : i32
      %lt3A_55 = arith.cmpi slt, %add3A_36, %lt3A_54 : i32
      %convert_element_type3A_56 = arith.extui %lt3A_55 : i1 to i32
      %cond3A_57 = arith.constant 0 : i32
      %cond3A_58 = arith.cmpi ne, %convert_element_type3A_56, %cond3A_57 : i32
      scf.if %cond3A_58 {
        %mul3A_59 = arith.constant 128 : i32
        %mul3A_60 = arith.muli %add3A_36, %mul3A_59 : i32
        %dma_wait3A = tpu.memref_slice %arg3[%mul3A_60] : memref<160000xi32, #tpu.memory_space<hbm>> -> memref<128xi32, #tpu.memory_space<hbm>>
        %dma_wait3A_61 = tpu.memref_slice %arg3[%mul3A_60] : memref<160000xi32, #tpu.memory_space<hbm>> -> memref<128xi32, #tpu.memory_space<hbm>>
        tpu.wait_dma2 semaphore(%arg13 : memref<!tpu.dma_semaphore, #tpu.memory_space<semaphore_mem>>) src(%dma_wait3A_61 : memref<128xi32, #tpu.memory_space<hbm>>) dst(%arg6 : memref<128xi32, #tpu.memory_space<vmem>>)
        %dma_wait3A_62 = arith.constant 0 : i32
        %dma_wait3A_63 = tpu.memref_slice %arg2[%mul3A_60, %dma_wait3A_62] : memref<160000x128xf32, #tpu.memory_space<hbm>> -> memref<128x128xf32, #tpu.memory_space<hbm>>
        %dma_wait3A_64 = arith.constant 0 : i32
        %dma_wait3A_65 = tpu.memref_slice %arg2[%mul3A_60, %dma_wait3A_64] : memref<160000x128xf32, #tpu.memory_space<hbm>> -> memref<128x128xf32, #tpu.memory_space<hbm>>
        tpu.wait_dma2 semaphore(%arg13 : memref<!tpu.dma_semaphore, #tpu.memory_space<semaphore_mem>>) src(%dma_wait3A_65 : memref<128x128xf32, #tpu.memory_space<hbm>>) dst(%arg9 : memref<128x128xf32, #tpu.memory_space<vmem>>)
        %scan3A_66 = arith.constant 0 : i32
        %scan3A_67 = arith.constant 8 : i32
        %scan3A_68 = arith.addi %scan3A_66, %scan3A_67 : i32
        %scan3A_69 = arith.constant 1 : i32
        scf.for %scan3A_71 = %scan3A_66 to %scan3A_68 step %scan3A_69  : i32 {
          %mul3A_72 = arith.constant 16 : i32
          %mul3A_73 = arith.muli %scan3A_71, %mul3A_72 : i32
          %add3A_74 = arith.constant 0 : i32
          %add3A_75 = arith.addi %add3A_74, %mul3A_73 : i32
          %get3A = arith.index_cast %add3A_75 : i32 to index
          %get3A_76 = tpu.vector_load %arg6[%get3A] {strides = array<i32>} : memref<128xi32, #tpu.memory_space<vmem>>, vector<16xi32>,
          %get3A_77 = vector.shape_cast %get3A_76 : vector<16xi32> to vector<16xi32>
          %sub3A = vector.broadcast %mul3A_0 : i32 to vector<16xi32>
          %sub3A_78 = arith.subi %get3A_77, %sub3A : vector<16xi32>
          %ge3A = arith.constant 0 : i32
          %ge3A_79 = vector.broadcast %ge3A : i32 to vector<16xi32>
          %ge3A_80 = arith.cmpi sge, %sub3A_78, %ge3A_79 : vector<16xi32>
          %lt3A_81 = arith.constant 5000 : i32
          %lt3A_82 = vector.broadcast %lt3A_81 : i32 to vector<16xi32>
          %lt3A_83 = arith.cmpi slt, %sub3A_78, %lt3A_82 : vector<16xi32>
          %and3A = arith.andi %ge3A_80, %lt3A_83 : vector<16xi1>
          %jit3A = arith.constant 5000 : i32
          %broadcast_in_dim3A_84 = vector.broadcast %jit3A : i32 to vector<16xi32>
          %select_n3A = arith.select %and3A, %sub3A_78, %broadcast_in_dim3A_84 : vector<16xi1>, vector<16xi32>
          %swap3A = arith.index_cast %add3A_75 : i32 to index
          %swap3A_85 = tpu.vector_load %arg7[%swap3A] {strides = array<i32>} : memref<128xi32, #tpu.memory_space<vmem>>, vector<16xi32>,
          %swap3A_86 = vector.shape_cast %swap3A_85 : vector<16xi32> to vector<16xi32>
          %swap3A_87 = vector.shape_cast %select_n3A : vector<16xi32> to vector<16xi32>
          tpu.vector_store %arg7[%swap3A], %swap3A_87 {strides = array<i32>} : memref<128xi32, #tpu.memory_space<vmem>>, vector<16xi32>,
        }
        %scan3A_70 = arith.constant 8 : i32
        "tpu.region"() ({
          %run_scoped3A = tpu.sem_alloc : memref<!tpu.dma_semaphore, #tpu.memory_space<semaphore_mem>>
          %dma_start3A_71 = arith.constant 0 : i32
          %dma_start3A_72 = arith.constant 0 : i32
          %dma_start3A_73 = tpu.memref_slice %arg11[%dma_start3A_71, %dma_start3A_72] : memref<5008x128xf32, #tpu.memory_space<vmem_shared>> -> memref<5008x128xf32, #tpu.memory_space<vmem_shared>>
          tpu.enqueue_indirect_dma source(%arg9 : memref<128x128xf32, #tpu.memory_space<vmem>>) target(%dma_start3A_73 : memref<5008x128xf32, #tpu.memory_space<vmem_shared>>) offsets(%arg7 : memref<128xi32, #tpu.memory_space<vmem>>) semaphore(%run_scoped3A : memref<!tpu.dma_semaphore, #tpu.memory_space<semaphore_mem>>) {add = true}
          %dma_wait3A_74 = arith.constant 0 : i32
          %dma_wait3A_75 = arith.constant 0 : i32
          %dma_wait3A_76 = tpu.memref_slice %arg11[%dma_wait3A_74, %dma_wait3A_75] : memref<5008x128xf32, #tpu.memory_space<vmem_shared>> -> memref<5008x128xf32, #tpu.memory_space<vmem_shared>>
          tpu.wait_indirect_dma semaphore(%run_scoped3A : memref<!tpu.dma_semaphore, #tpu.memory_space<semaphore_mem>>) src(%arg9 : memref<128x128xf32, #tpu.memory_space<vmem>>) dst(%dma_wait3A_76 : memref<5008x128xf32, #tpu.memory_space<vmem_shared>>)
          tpu.yield
        }) : () -> ()
      } else {
      }
    }
    %scan3A_19 = arith.constant 40 : i32
    %barrier3A_20 = arith.constant 0 : index
    tpu.barrier barrier_id(%barrier3A_20)
    %lt3A_21 = arith.constant 5 : i32
    %lt3A_22 = arith.cmpi slt, %arg1, %lt3A_21 : i32
    %convert_element_type3A_23 = arith.extui %lt3A_22 : i1 to i32
    %cond3A_24 = arith.constant 0 : i32
    %cond3A_25 = arith.cmpi ne, %convert_element_type3A_23, %cond3A_24 : i32
    scf.if %cond3A_25 {
      %mul3A_26 = arith.constant 1000 : i32
      %mul3A_27 = arith.muli %arg1, %mul3A_26 : i32
      %add3A = arith.addi %mul3A_0, %mul3A_27 : i32
      "tpu.region"() ({
        %run_scoped3A = tpu.sem_alloc : memref<!tpu.dma_semaphore, #tpu.memory_space<semaphore_mem>>
        %dma_start3A_28 = arith.constant 0 : i32
        %dma_start3A_29 = tpu.memref_slice %arg4[%add3A, %dma_start3A_28] : memref<10000x128xf32, #tpu.memory_space<hbm>> -> memref<1000x128xf32, #tpu.memory_space<hbm>>
        %dma_start3A_30 = arith.constant 0 : i32
        %dma_start3A_31 = tpu.memref_slice %arg11[%mul3A_27, %dma_start3A_30] : memref<5008x128xf32, #tpu.memory_space<vmem_shared>> -> memref<1000x128xf32, #tpu.memory_space<vmem_shared>>
        tpu.enqueue_dma source(%dma_start3A_31 : memref<1000x128xf32, #tpu.memory_space<vmem_shared>>) target(%dma_start3A_29 : memref<1000x128xf32, #tpu.memory_space<hbm>>) target_semaphore(%run_scoped3A : memref<!tpu.dma_semaphore, #tpu.memory_space<semaphore_mem>>)
        %dma_wait3A = arith.constant 0 : i32
        %dma_wait3A_32 = tpu.memref_slice %arg4[%add3A, %dma_wait3A] : memref<10000x128xf32, #tpu.memory_space<hbm>> -> memref<1000x128xf32, #tpu.memory_space<hbm>>
        %dma_wait3A_33 = arith.constant 0 : i32
        %dma_wait3A_34 = tpu.memref_slice %arg11[%mul3A_27, %dma_wait3A_33] : memref<5008x128xf32, #tpu.memory_space<vmem_shared>> -> memref<1000x128xf32, #tpu.memory_space<vmem_shared>>
        tpu.wait_dma2 semaphore(%run_scoped3A : memref<!tpu.dma_semaphore, #tpu.memory_space<semaphore_mem>>) src(%dma_wait3A_34 : memref<1000x128xf32, #tpu.memory_space<vmem_shared>>) dst(%dma_wait3A_32 : memref<1000x128xf32, #tpu.memory_space<hbm>>)
        tpu.yield
      }) : () -> ()
    } else {
    }
    return
  }
}

module attributes {stable_mosaic.version = 14 : i64} {
  func.func @_proj_body(%arg0: i32, %arg1: memref<1000x128xf32, #tpu.memory_space<vmem>>, %arg2: memref<128x128xf32, #tpu.memory_space<vmem>>, %arg3: memref<128x128xf32, #tpu.memory_space<vmem>>, %arg4: memref<128x128xf32, #tpu.memory_space<vmem>>, %arg5: memref<1x128xf32, #tpu.memory_space<vmem>>, %arg6: memref<1x128xf32, #tpu.memory_space<vmem>>, %arg7: memref<1x128xf32, #tpu.memory_space<vmem>>, %arg8: memref<1000x128xf32, #tpu.memory_space<vmem>>, %arg9: memref<1000x128xf32, #tpu.memory_space<vmem>>, %arg10: memref<1000x128xf32, #tpu.memory_space<vmem>>) attributes {dimension_semantics = [#tpu.dimension_semantics<parallel>], iteration_bounds = array<i64: 10>, scalar_prefetch = 0 : i64, scratch_operands = 0 : i64, tpu.core_type = #tpu.core_type<tc>, window_params = [{transform_indices = @transform_0, window_bounds = array<i64: 1000, 128>}, {pipeline_mode = #tpu.pipeline_mode<synchronous>, transform_indices = @transform_1, window_bounds = array<i64: 128, 128>}, {pipeline_mode = #tpu.pipeline_mode<synchronous>, transform_indices = @transform_2, window_bounds = array<i64: 128, 128>}, {pipeline_mode = #tpu.pipeline_mode<synchronous>, transform_indices = @transform_3, window_bounds = array<i64: 128, 128>}, {pipeline_mode = #tpu.pipeline_mode<synchronous>, transform_indices = @transform_4, window_bounds = array<i64: 1, 128>}, {pipeline_mode = #tpu.pipeline_mode<synchronous>, transform_indices = @transform_5, window_bounds = array<i64: 1, 128>}, {pipeline_mode = #tpu.pipeline_mode<synchronous>, transform_indices = @transform_6, window_bounds = array<i64: 1, 128>}, {transform_indices = @transform_7, window_bounds = array<i64: 1000, 128>}, {transform_indices = @transform_8, window_bounds = array<i64: 1000, 128>}, {transform_indices = @transform_9, window_bounds = array<i64: 1000, 128>}]} {
    %get3A = arith.constant 0 : index
    %get3A_0 = arith.constant 0 : index
    %get3A_1 = vector.load %arg1[%get3A, %get3A_0] : memref<1000x128xf32, #tpu.memory_space<vmem>>, vector<1000x128xf32>
    %get3A_2 = arith.constant 0 : index
    %get3A_3 = arith.constant 0 : index
    %get3A_4 = vector.load %arg2[%get3A_2, %get3A_3] : memref<128x128xf32, #tpu.memory_space<vmem>>, vector<128x128xf32>
    %dot_general3A = arith.constant dense<0.000000e+00> : vector<1000x128xf32>
    %dot_general3A_5 = tpu.matmul %get3A_1, %get3A_4, %dot_general3A {dimension_numbers = #tpu.dot_dimension_numbers<[1], [0], [0], [1], [0, 0, 1, 1], [], []>, precision = #tpu.contract_precision<fp32>, transpose_lhs_hint = false} : vector<1000x128xf32>, vector<128x128xf32>, vector<1000x128xf32> -> vector<1000x128xf32>
    %get3A_6 = arith.constant 0 : index
    %get3A_7 = arith.constant 0 : index
    %get3A_8 = vector.load %arg5[%get3A_6, %get3A_7] : memref<1x128xf32, #tpu.memory_space<vmem>>, vector<1x128xf32>
    %add3A = vector.broadcast %get3A_8 : vector<1x128xf32> to vector<1000x128xf32>
    %add3A_9 = arith.addf %dot_general3A_5, %add3A : vector<1000x128xf32>
    %swap3A = arith.constant 0 : index
    %swap3A_10 = arith.constant 0 : index
    %swap3A_11 = vector.load %arg8[%swap3A, %swap3A_10] : memref<1000x128xf32, #tpu.memory_space<vmem>>, vector<1000x128xf32>
    tpu.vector_store %arg8[%swap3A, %swap3A_10], %add3A_9 {strides = array<i32>} : memref<1000x128xf32, #tpu.memory_space<vmem>>, vector<1000x128xf32>,
    %get3A_12 = arith.constant 0 : index
    %get3A_13 = arith.constant 0 : index
    %get3A_14 = vector.load %arg3[%get3A_12, %get3A_13] : memref<128x128xf32, #tpu.memory_space<vmem>>, vector<128x128xf32>
    %dot_general3A_15 = arith.constant dense<0.000000e+00> : vector<1000x128xf32>
    %dot_general3A_16 = tpu.matmul %get3A_1, %get3A_14, %dot_general3A_15 {dimension_numbers = #tpu.dot_dimension_numbers<[1], [0], [0], [1], [0, 0, 1, 1], [], []>, precision = #tpu.contract_precision<fp32>, transpose_lhs_hint = false} : vector<1000x128xf32>, vector<128x128xf32>, vector<1000x128xf32> -> vector<1000x128xf32>
    %get3A_17 = arith.constant 0 : index
    %get3A_18 = arith.constant 0 : index
    %get3A_19 = vector.load %arg6[%get3A_17, %get3A_18] : memref<1x128xf32, #tpu.memory_space<vmem>>, vector<1x128xf32>
    %add3A_20 = vector.broadcast %get3A_19 : vector<1x128xf32> to vector<1000x128xf32>
    %add3A_21 = arith.addf %dot_general3A_16, %add3A_20 : vector<1000x128xf32>
    %swap3A_22 = arith.constant 0 : index
    %swap3A_23 = arith.constant 0 : index
    %swap3A_24 = vector.load %arg9[%swap3A_22, %swap3A_23] : memref<1000x128xf32, #tpu.memory_space<vmem>>, vector<1000x128xf32>
    tpu.vector_store %arg9[%swap3A_22, %swap3A_23], %add3A_21 {strides = array<i32>} : memref<1000x128xf32, #tpu.memory_space<vmem>>, vector<1000x128xf32>,
    %get3A_25 = arith.constant 0 : index
    %get3A_26 = arith.constant 0 : index
    %get3A_27 = vector.load %arg4[%get3A_25, %get3A_26] : memref<128x128xf32, #tpu.memory_space<vmem>>, vector<128x128xf32>
    %dot_general3A_28 = arith.constant dense<0.000000e+00> : vector<1000x128xf32>
    %dot_general3A_29 = tpu.matmul %get3A_1, %get3A_27, %dot_general3A_28 {dimension_numbers = #tpu.dot_dimension_numbers<[1], [0], [0], [1], [0, 0, 1, 1], [], []>, precision = #tpu.contract_precision<fp32>, transpose_lhs_hint = false} : vector<1000x128xf32>, vector<128x128xf32>, vector<1000x128xf32> -> vector<1000x128xf32>
    %get3A_30 = arith.constant 0 : index
    %get3A_31 = arith.constant 0 : index
    %get3A_32 = vector.load %arg7[%get3A_30, %get3A_31] : memref<1x128xf32, #tpu.memory_space<vmem>>, vector<1x128xf32>
    %add3A_33 = vector.broadcast %get3A_32 : vector<1x128xf32> to vector<1000x128xf32>
    %add3A_34 = arith.addf %dot_general3A_29, %add3A_33 : vector<1000x128xf32>
    %swap3A_35 = arith.constant 0 : index
    %swap3A_36 = arith.constant 0 : index
    %swap3A_37 = vector.load %arg10[%swap3A_35, %swap3A_36] : memref<1000x128xf32, #tpu.memory_space<vmem>>, vector<1000x128xf32>
    tpu.vector_store %arg10[%swap3A_35, %swap3A_36], %add3A_34 {strides = array<i32>} : memref<1000x128xf32, #tpu.memory_space<vmem>>, vector<1000x128xf32>,
    return
  }
  func.func @transform_0(%arg0: i32) -> (i32, i32) {
    %c0_i32 = arith.constant 0 : i32
    %c0_i32_0 = arith.constant 0 : i32
    return %arg0, %c0_i32 : i32, i32
  }
  func.func @transform_1(%arg0: i32) -> (i32, i32) {
    %c0_i32 = arith.constant 0 : i32
    %c0_i32_0 = arith.constant 0 : i32
    %c0_i32_1 = arith.constant 0 : i32
    return %c0_i32, %c0_i32_0 : i32, i32
  }
  func.func @transform_2(%arg0: i32) -> (i32, i32) {
    %c0_i32 = arith.constant 0 : i32
    %c0_i32_0 = arith.constant 0 : i32
    %c0_i32_1 = arith.constant 0 : i32
    return %c0_i32, %c0_i32_0 : i32, i32
  }
  func.func @transform_3(%arg0: i32) -> (i32, i32) {
    %c0_i32 = arith.constant 0 : i32
    %c0_i32_0 = arith.constant 0 : i32
    %c0_i32_1 = arith.constant 0 : i32
    return %c0_i32, %c0_i32_0 : i32, i32
  }
  func.func @transform_4(%arg0: i32) -> (i32, i32) {
    %c0_i32 = arith.constant 0 : i32
    %c0_i32_0 = arith.constant 0 : i32
    %c0_i32_1 = arith.constant 0 : i32
    return %c0_i32, %c0_i32_0 : i32, i32
  }
  func.func @transform_5(%arg0: i32) -> (i32, i32) {
    %c0_i32 = arith.constant 0 : i32
    %c0_i32_0 = arith.constant 0 : i32
    %c0_i32_1 = arith.constant 0 : i32
    return %c0_i32, %c0_i32_0 : i32, i32
  }
  func.func @transform_6(%arg0: i32) -> (i32, i32) {
    %c0_i32 = arith.constant 0 : i32
    %c0_i32_0 = arith.constant 0 : i32
    %c0_i32_1 = arith.constant 0 : i32
    return %c0_i32, %c0_i32_0 : i32, i32
  }
  func.func @transform_7(%arg0: i32) -> (i32, i32) {
    %c0_i32 = arith.constant 0 : i32
    %c0_i32_0 = arith.constant 0 : i32
    return %arg0, %c0_i32 : i32, i32
  }
  func.func @transform_8(%arg0: i32) -> (i32, i32) {
    %c0_i32 = arith.constant 0 : i32
    %c0_i32_0 = arith.constant 0 : i32
    return %arg0, %c0_i32 : i32, i32
  }
  func.func @transform_9(%arg0: i32) -> (i32, i32) {
    %c0_i32 = arith.constant 0 : i32
    %c0_i32_0 = arith.constant 0 : i32
    return %arg0, %c0_i32 : i32, i32
  }
}

module attributes {stable_mosaic.version = 14 : i64} {
  func.func @_edge_body(%arg0: i32, %arg1: memref<2000x128xf32, #tpu.memory_space<vmem>>, %arg2: memref<2000x128xf32, #tpu.memory_space<vmem>>, %arg3: memref<2000x128xf32, #tpu.memory_space<vmem>>, %arg4: memref<128x128xf32, #tpu.memory_space<vmem>>, %arg5: memref<128x128xf32, #tpu.memory_space<vmem>>, %arg6: memref<1x128xf32, #tpu.memory_space<vmem>>, %arg7: memref<1x128xf32, #tpu.memory_space<vmem>>, %arg8: memref<128x16xf32, #tpu.memory_space<vmem>>, %arg9: memref<16x128xf32, #tpu.memory_space<vmem>>, %arg10: memref<2000x128xf32, #tpu.memory_space<vmem>>, %arg11: memref<2000x128xf32, #tpu.memory_space<vmem>>, %arg12: memref<2000x128xf32, #tpu.memory_space<vmem>>, %arg13: memref<2000x128xf32, #tpu.memory_space<vmem>>) attributes {dimension_semantics = [#tpu.dimension_semantics<parallel>], iteration_bounds = array<i64: 80>, scalar_prefetch = 0 : i64, scratch_operands = 0 : i64, tpu.core_type = #tpu.core_type<tc>, window_params = [{transform_indices = @transform_0, window_bounds = array<i64: 2000, 128>}, {transform_indices = @transform_1, window_bounds = array<i64: 2000, 128>}, {transform_indices = @transform_2, window_bounds = array<i64: 2000, 128>}, {pipeline_mode = #tpu.pipeline_mode<synchronous>, transform_indices = @transform_3, window_bounds = array<i64: 128, 128>}, {pipeline_mode = #tpu.pipeline_mode<synchronous>, transform_indices = @transform_4, window_bounds = array<i64: 128, 128>}, {pipeline_mode = #tpu.pipeline_mode<synchronous>, transform_indices = @transform_5, window_bounds = array<i64: 1, 128>}, {pipeline_mode = #tpu.pipeline_mode<synchronous>, transform_indices = @transform_6, window_bounds = array<i64: 1, 128>}, {pipeline_mode = #tpu.pipeline_mode<synchronous>, transform_indices = @transform_7, window_bounds = array<i64: 128, 16>}, {pipeline_mode = #tpu.pipeline_mode<synchronous>, transform_indices = @transform_8, window_bounds = array<i64: 16, 128>}, {transform_indices = @transform_9, window_bounds = array<i64: 2000, 128>}, {transform_indices = @transform_10, window_bounds = array<i64: 2000, 128>}, {transform_indices = @transform_11, window_bounds = array<i64: 2000, 128>}, {transform_indices = @transform_12, window_bounds = array<i64: 2000, 128>}]} {
    %get3A = arith.constant 0 : index
    %get3A_0 = arith.constant 0 : index
    %get3A_1 = vector.load %arg1[%get3A, %get3A_0] : memref<2000x128xf32, #tpu.memory_space<vmem>>, vector<2000x128xf32>
    %get3A_2 = arith.constant 0 : index
    %get3A_3 = arith.constant 0 : index
    %get3A_4 = vector.load %arg4[%get3A_2, %get3A_3] : memref<128x128xf32, #tpu.memory_space<vmem>>, vector<128x128xf32>
    %dot_general3A = arith.constant dense<0.000000e+00> : vector<2000x128xf32>
    %dot_general3A_5 = tpu.matmul %get3A_1, %get3A_4, %dot_general3A {dimension_numbers = #tpu.dot_dimension_numbers<[1], [0], [0], [1], [0, 0, 1, 1], [], []>, transpose_lhs_hint = false} : vector<2000x128xf32>, vector<128x128xf32>, vector<2000x128xf32> -> vector<2000x128xf32>
    %get3A_6 = arith.constant 0 : index
    %get3A_7 = arith.constant 0 : index
    %get3A_8 = vector.load %arg6[%get3A_6, %get3A_7] : memref<1x128xf32, #tpu.memory_space<vmem>>, vector<1x128xf32>
    %add3A = vector.broadcast %get3A_8 : vector<1x128xf32> to vector<2000x128xf32>
    %add3A_9 = arith.addf %dot_general3A_5, %add3A : vector<2000x128xf32>
    %get3A_10 = arith.constant 0 : index
    %get3A_11 = arith.constant 0 : index
    %get3A_12 = vector.load %arg5[%get3A_10, %get3A_11] : memref<128x128xf32, #tpu.memory_space<vmem>>, vector<128x128xf32>
    %dot_general3A_13 = arith.constant dense<0.000000e+00> : vector<2000x128xf32>
    %dot_general3A_14 = tpu.matmul %get3A_1, %get3A_12, %dot_general3A_13 {dimension_numbers = #tpu.dot_dimension_numbers<[1], [0], [0], [1], [0, 0, 1, 1], [], []>, transpose_lhs_hint = false} : vector<2000x128xf32>, vector<128x128xf32>, vector<2000x128xf32> -> vector<2000x128xf32>
    %get3A_15 = arith.constant 0 : index
    %get3A_16 = arith.constant 0 : index
    %get3A_17 = vector.load %arg7[%get3A_15, %get3A_16] : memref<1x128xf32, #tpu.memory_space<vmem>>, vector<1x128xf32>
    %add3A_18 = vector.broadcast %get3A_17 : vector<1x128xf32> to vector<2000x128xf32>
    %add3A_19 = arith.addf %dot_general3A_14, %add3A_18 : vector<2000x128xf32>
    %get3A_20 = arith.constant 0 : index
    %get3A_21 = arith.constant 0 : index
    %get3A_22 = vector.load %arg2[%get3A_20, %get3A_21] : memref<2000x128xf32, #tpu.memory_space<vmem>>, vector<2000x128xf32>
    %mul3A = arith.mulf %get3A_22, %add3A_9 : vector<2000x128xf32>
    %gt3A = arith.constant 0.000000e+00 : f32
    %gt3A_23 = vector.broadcast %gt3A : f32 to vector<2000x128xf32>
    %gt3A_24 = arith.cmpf ogt, %mul3A, %gt3A_23 : vector<2000x128xf32>
    %jit3A = arith.constant 1.000000e+00 : f32
    %broadcast_in_dim3A = vector.broadcast %jit3A : f32 to vector<2000x128xf32>
    %select_n3A = arith.select %gt3A_24, %mul3A, %broadcast_in_dim3A : vector<2000x128xi1>, vector<2000x128xf32>
    %lt3A = arith.constant 0.000000e+00 : f32
    %lt3A_25 = vector.broadcast %lt3A : f32 to vector<2000x128xf32>
    %lt3A_26 = arith.cmpf olt, %mul3A, %lt3A_25 : vector<2000x128xf32>
    %neg3A = arith.constant 0.000000e+00 : f32
    %neg3A_27 = vector.broadcast %neg3A : f32 to vector<2000x128xf32>
    %neg3A_28 = arith.subf %neg3A_27, %mul3A : vector<2000x128xf32>
    %jit3A_29 = arith.constant 1.000000e+00 : f32
    %broadcast_in_dim3A_30 = vector.broadcast %jit3A_29 : f32 to vector<2000x128xf32>
    %select_n3A_31 = arith.select %lt3A_26, %neg3A_28, %broadcast_in_dim3A_30 : vector<2000x128xi1>, vector<2000x128xf32>
    %gt3A_32 = arith.constant 0.000000e+00 : f32
    %gt3A_33 = vector.broadcast %gt3A_32 : f32 to vector<2000x128xf32>
    %gt3A_34 = arith.cmpf ogt, %mul3A, %gt3A_33 : vector<2000x128xf32>
    %sqrt3A = math.sqrt %select_n3A : vector<2000x128xf32>
    %jit3A_35 = arith.constant 0.000000e+00 : f32
    %broadcast_in_dim3A_36 = vector.broadcast %jit3A_35 : f32 to vector<2000x128xf32>
    %select_n3A_37 = arith.select %gt3A_34, %sqrt3A, %broadcast_in_dim3A_36 : vector<2000x128xi1>, vector<2000x128xf32>
    %lt3A_38 = arith.constant 0.000000e+00 : f32
    %lt3A_39 = vector.broadcast %lt3A_38 : f32 to vector<2000x128xf32>
    %lt3A_40 = arith.cmpf olt, %mul3A, %lt3A_39 : vector<2000x128xf32>
    %sqrt3A_41 = math.sqrt %select_n3A_31 : vector<2000x128xf32>
    %jit3A_42 = arith.constant 0.000000e+00 : f32
    %broadcast_in_dim3A_43 = vector.broadcast %jit3A_42 : f32 to vector<2000x128xf32>
    %select_n3A_44 = arith.select %lt3A_40, %sqrt3A_41, %broadcast_in_dim3A_43 : vector<2000x128xi1>, vector<2000x128xf32>
    %sub3A = arith.subf %select_n3A_37, %select_n3A_44 : vector<2000x128xf32>
    %add3A_45 = arith.addf %sub3A, %add3A_19 : vector<2000x128xf32>
    %swap3A = arith.constant 0 : index
    %swap3A_46 = arith.constant 0 : index
    %swap3A_47 = vector.load %arg10[%swap3A, %swap3A_46] : memref<2000x128xf32, #tpu.memory_space<vmem>>, vector<2000x128xf32>
    tpu.vector_store %arg10[%swap3A, %swap3A_46], %add3A_45 {strides = array<i32>} : memref<2000x128xf32, #tpu.memory_space<vmem>>, vector<2000x128xf32>,
    %get3A_48 = arith.constant 0 : index
    %get3A_49 = arith.constant 0 : index
    %get3A_50 = vector.load %arg8[%get3A_48, %get3A_49] : memref<128x16xf32, #tpu.memory_space<vmem>>, vector<128x16xf32>
    %dot_general3A_51 = arith.constant dense<0.000000e+00> : vector<2000x16xf32>
    %dot_general3A_52 = tpu.matmul %add3A_45, %get3A_50, %dot_general3A_51 {dimension_numbers = #tpu.dot_dimension_numbers<[1], [0], [0], [1], [0, 0, 1, 1], [], []>, precision = #tpu.contract_precision<fp32>, transpose_lhs_hint = false} : vector<2000x128xf32>, vector<128x16xf32>, vector<2000x16xf32> -> vector<2000x16xf32>
    %jit3A_53 = arith.constant -5.000000e+00 : f32
    %jit3A_54 = arith.constant 5.000000e+00 : f32
    %max3A = vector.broadcast %jit3A_53 : f32 to vector<2000x16xf32>
    %max3A_55 = arith.maximumf %max3A, %dot_general3A_52 : vector<2000x16xf32>
    %min3A = vector.broadcast %jit3A_54 : f32 to vector<2000x16xf32>
    %min3A_56 = arith.minimumf %min3A, %max3A_55 : vector<2000x16xf32>
    %exp3A = math.exp %min3A_56 : vector<2000x16xf32>
    %get3A_57 = arith.constant 0 : index
    %get3A_58 = arith.constant 0 : index
    %get3A_59 = vector.load %arg9[%get3A_57, %get3A_58] : memref<16x128xf32, #tpu.memory_space<vmem>>, vector<16x128xf32>
    %dot_general3A_60 = arith.constant dense<0.000000e+00> : vector<2000x128xf32>
    %dot_general3A_61 = tpu.matmul %exp3A, %get3A_59, %dot_general3A_60 {dimension_numbers = #tpu.dot_dimension_numbers<[1], [0], [0], [1], [0, 0, 1, 1], [], []>, precision = #tpu.contract_precision<fp32>, transpose_lhs_hint = false} : vector<2000x16xf32>, vector<16x128xf32>, vector<2000x128xf32> -> vector<2000x128xf32>
    %swap3A_62 = arith.constant 0 : index
    %swap3A_63 = arith.constant 0 : index
    %swap3A_64 = vector.load %arg13[%swap3A_62, %swap3A_63] : memref<2000x128xf32, #tpu.memory_space<vmem>>, vector<2000x128xf32>
    tpu.vector_store %arg13[%swap3A_62, %swap3A_63], %dot_general3A_61 {strides = array<i32>} : memref<2000x128xf32, #tpu.memory_space<vmem>>, vector<2000x128xf32>,
    %get3A_65 = arith.constant 0 : index
    %get3A_66 = arith.constant 0 : index
    %get3A_67 = vector.load %arg3[%get3A_65, %get3A_66] : memref<2000x128xf32, #tpu.memory_space<vmem>>, vector<2000x128xf32>
    %mul3A_68 = arith.mulf %get3A_67, %dot_general3A_61 : vector<2000x128xf32>
    %swap3A_69 = arith.constant 0 : index
    %swap3A_70 = arith.constant 0 : index
    %swap3A_71 = vector.load %arg11[%swap3A_69, %swap3A_70] : memref<2000x128xf32, #tpu.memory_space<vmem>>, vector<2000x128xf32>
    tpu.vector_store %arg11[%swap3A_69, %swap3A_70], %mul3A_68 {strides = array<i32>} : memref<2000x128xf32, #tpu.memory_space<vmem>>, vector<2000x128xf32>,
    %mul3A_72 = arith.mulf %add3A_45, %dot_general3A_61 : vector<2000x128xf32>
    %swap3A_73 = arith.constant 0 : index
    %swap3A_74 = arith.constant 0 : index
    %swap3A_75 = vector.load %arg12[%swap3A_73, %swap3A_74] : memref<2000x128xf32, #tpu.memory_space<vmem>>, vector<2000x128xf32>
    tpu.vector_store %arg12[%swap3A_73, %swap3A_74], %mul3A_72 {strides = array<i32>} : memref<2000x128xf32, #tpu.memory_space<vmem>>, vector<2000x128xf32>,
    return
  }
  func.func @transform_0(%arg0: i32) -> (i32, i32) {
    %add3A = arith.constant 80 : i32
    %add3A_0 = arith.addi %arg0, %add3A : i32
    %c0_i32 = arith.constant 0 : i32
    %c0_i32_1 = arith.constant 0 : i32
    return %add3A_0, %c0_i32 : i32, i32
  }
  func.func @transform_1(%arg0: i32) -> (i32, i32) {
    %c0_i32 = arith.constant 0 : i32
    %c0_i32_0 = arith.constant 0 : i32
    return %arg0, %c0_i32 : i32, i32
  }
  func.func @transform_2(%arg0: i32) -> (i32, i32) {
    %c0_i32 = arith.constant 0 : i32
    %c0_i32_0 = arith.constant 0 : i32
    return %arg0, %c0_i32 : i32, i32
  }
  func.func @transform_3(%arg0: i32) -> (i32, i32) {
    %c0_i32 = arith.constant 0 : i32
    %c0_i32_0 = arith.constant 0 : i32
    %c0_i32_1 = arith.constant 0 : i32
    return %c0_i32, %c0_i32_0 : i32, i32
  }
  func.func @transform_4(%arg0: i32) -> (i32, i32) {
    %c0_i32 = arith.constant 0 : i32
    %c0_i32_0 = arith.constant 0 : i32
    %c0_i32_1 = arith.constant 0 : i32
    return %c0_i32, %c0_i32_0 : i32, i32
  }
  func.func @transform_5(%arg0: i32) -> (i32, i32) {
    %c0_i32 = arith.constant 0 : i32
    %c0_i32_0 = arith.constant 0 : i32
    %c0_i32_1 = arith.constant 0 : i32
    return %c0_i32, %c0_i32_0 : i32, i32
  }
  func.func @transform_6(%arg0: i32) -> (i32, i32) {
    %c0_i32 = arith.constant 0 : i32
    %c0_i32_0 = arith.constant 0 : i32
    %c0_i32_1 = arith.constant 0 : i32
    return %c0_i32, %c0_i32_0 : i32, i32
  }
  func.func @transform_7(%arg0: i32) -> (i32, i32) {
    %c0_i32 = arith.constant 0 : i32
    %c0_i32_0 = arith.constant 0 : i32
    %c0_i32_1 = arith.constant 0 : i32
    return %c0_i32, %c0_i32_0 : i32, i32
  }
  func.func @transform_8(%arg0: i32) -> (i32, i32) {
    %c0_i32 = arith.constant 0 : i32
    %c0_i32_0 = arith.constant 0 : i32
    %c0_i32_1 = arith.constant 0 : i32
    return %c0_i32, %c0_i32_0 : i32, i32
  }
  func.func @transform_9(%arg0: i32) -> (i32, i32) {
    %c0_i32 = arith.constant 0 : i32
    %c0_i32_0 = arith.constant 0 : i32
    return %arg0, %c0_i32 : i32, i32
  }
  func.func @transform_10(%arg0: i32) -> (i32, i32) {
    %c0_i32 = arith.constant 0 : i32
    %c0_i32_0 = arith.constant 0 : i32
    return %arg0, %c0_i32 : i32, i32
  }
  func.func @transform_11(%arg0: i32) -> (i32, i32) {
    %c0_i32 = arith.constant 0 : i32
    %c0_i32_0 = arith.constant 0 : i32
    return %arg0, %c0_i32 : i32, i32
  }
  func.func @transform_12(%arg0: i32) -> (i32, i32) {
    %c0_i32 = arith.constant 0 : i32
    %c0_i32_0 = arith.constant 0 : i32
    return %arg0, %c0_i32 : i32, i32
  }
}

module attributes {stable_mosaic.version = 14 : i64} {
  func.func @_edge_body(%arg0: i32, %arg1: memref<2000x128xf32, #tpu.memory_space<vmem>>, %arg2: memref<2000x128xf32, #tpu.memory_space<vmem>>, %arg3: memref<2000x128xf32, #tpu.memory_space<vmem>>, %arg4: memref<128x128xf32, #tpu.memory_space<vmem>>, %arg5: memref<128x128xf32, #tpu.memory_space<vmem>>, %arg6: memref<1x128xf32, #tpu.memory_space<vmem>>, %arg7: memref<1x128xf32, #tpu.memory_space<vmem>>, %arg8: memref<128x16xf32, #tpu.memory_space<vmem>>, %arg9: memref<16x128xf32, #tpu.memory_space<vmem>>, %arg10: memref<2000x128xf32, #tpu.memory_space<vmem>>, %arg11: memref<2000x128xf32, #tpu.memory_space<vmem>>, %arg12: memref<2000x128xf32, #tpu.memory_space<vmem>>, %arg13: memref<2000x128xf32, #tpu.memory_space<vmem>>) attributes {dimension_semantics = [#tpu.dimension_semantics<parallel>], iteration_bounds = array<i64: 80>, scalar_prefetch = 0 : i64, scratch_operands = 0 : i64, tpu.core_type = #tpu.core_type<tc>, window_params = [{transform_indices = @transform_0, window_bounds = array<i64: 2000, 128>}, {transform_indices = @transform_1, window_bounds = array<i64: 2000, 128>}, {transform_indices = @transform_2, window_bounds = array<i64: 2000, 128>}, {pipeline_mode = #tpu.pipeline_mode<synchronous>, transform_indices = @transform_3, window_bounds = array<i64: 128, 128>}, {pipeline_mode = #tpu.pipeline_mode<synchronous>, transform_indices = @transform_4, window_bounds = array<i64: 128, 128>}, {pipeline_mode = #tpu.pipeline_mode<synchronous>, transform_indices = @transform_5, window_bounds = array<i64: 1, 128>}, {pipeline_mode = #tpu.pipeline_mode<synchronous>, transform_indices = @transform_6, window_bounds = array<i64: 1, 128>}, {pipeline_mode = #tpu.pipeline_mode<synchronous>, transform_indices = @transform_7, window_bounds = array<i64: 128, 16>}, {pipeline_mode = #tpu.pipeline_mode<synchronous>, transform_indices = @transform_8, window_bounds = array<i64: 16, 128>}, {transform_indices = @transform_9, window_bounds = array<i64: 2000, 128>}, {transform_indices = @transform_10, window_bounds = array<i64: 2000, 128>}, {transform_indices = @transform_11, window_bounds = array<i64: 2000, 128>}, {transform_indices = @transform_12, window_bounds = array<i64: 2000, 128>}]} {
    %get3A = arith.constant 0 : index
    %get3A_0 = arith.constant 0 : index
    %get3A_1 = vector.load %arg1[%get3A, %get3A_0] : memref<2000x128xf32, #tpu.memory_space<vmem>>, vector<2000x128xf32>
    %get3A_2 = arith.constant 0 : index
    %get3A_3 = arith.constant 0 : index
    %get3A_4 = vector.load %arg4[%get3A_2, %get3A_3] : memref<128x128xf32, #tpu.memory_space<vmem>>, vector<128x128xf32>
    %dot_general3A = arith.constant dense<0.000000e+00> : vector<2000x128xf32>
    %dot_general3A_5 = tpu.matmul %get3A_1, %get3A_4, %dot_general3A {dimension_numbers = #tpu.dot_dimension_numbers<[1], [0], [0], [1], [0, 0, 1, 1], [], []>, transpose_lhs_hint = false} : vector<2000x128xf32>, vector<128x128xf32>, vector<2000x128xf32> -> vector<2000x128xf32>
    %get3A_6 = arith.constant 0 : index
    %get3A_7 = arith.constant 0 : index
    %get3A_8 = vector.load %arg6[%get3A_6, %get3A_7] : memref<1x128xf32, #tpu.memory_space<vmem>>, vector<1x128xf32>
    %add3A = vector.broadcast %get3A_8 : vector<1x128xf32> to vector<2000x128xf32>
    %add3A_9 = arith.addf %dot_general3A_5, %add3A : vector<2000x128xf32>
    %get3A_10 = arith.constant 0 : index
    %get3A_11 = arith.constant 0 : index
    %get3A_12 = vector.load %arg5[%get3A_10, %get3A_11] : memref<128x128xf32, #tpu.memory_space<vmem>>, vector<128x128xf32>
    %dot_general3A_13 = arith.constant dense<0.000000e+00> : vector<2000x128xf32>
    %dot_general3A_14 = tpu.matmul %get3A_1, %get3A_12, %dot_general3A_13 {dimension_numbers = #tpu.dot_dimension_numbers<[1], [0], [0], [1], [0, 0, 1, 1], [], []>, transpose_lhs_hint = false} : vector<2000x128xf32>, vector<128x128xf32>, vector<2000x128xf32> -> vector<2000x128xf32>
    %get3A_15 = arith.constant 0 : index
    %get3A_16 = arith.constant 0 : index
    %get3A_17 = vector.load %arg7[%get3A_15, %get3A_16] : memref<1x128xf32, #tpu.memory_space<vmem>>, vector<1x128xf32>
    %add3A_18 = vector.broadcast %get3A_17 : vector<1x128xf32> to vector<2000x128xf32>
    %add3A_19 = arith.addf %dot_general3A_14, %add3A_18 : vector<2000x128xf32>
    %get3A_20 = arith.constant 0 : index
    %get3A_21 = arith.constant 0 : index
    %get3A_22 = vector.load %arg2[%get3A_20, %get3A_21] : memref<2000x128xf32, #tpu.memory_space<vmem>>, vector<2000x128xf32>
    %mul3A = arith.mulf %get3A_22, %add3A_9 : vector<2000x128xf32>
    %gt3A = arith.constant 0.000000e+00 : f32
    %gt3A_23 = vector.broadcast %gt3A : f32 to vector<2000x128xf32>
    %gt3A_24 = arith.cmpf ogt, %mul3A, %gt3A_23 : vector<2000x128xf32>
    %jit3A = arith.constant 1.000000e+00 : f32
    %broadcast_in_dim3A = vector.broadcast %jit3A : f32 to vector<2000x128xf32>
    %select_n3A = arith.select %gt3A_24, %mul3A, %broadcast_in_dim3A : vector<2000x128xi1>, vector<2000x128xf32>
    %lt3A = arith.constant 0.000000e+00 : f32
    %lt3A_25 = vector.broadcast %lt3A : f32 to vector<2000x128xf32>
    %lt3A_26 = arith.cmpf olt, %mul3A, %lt3A_25 : vector<2000x128xf32>
    %neg3A = arith.constant 0.000000e+00 : f32
    %neg3A_27 = vector.broadcast %neg3A : f32 to vector<2000x128xf32>
    %neg3A_28 = arith.subf %neg3A_27, %mul3A : vector<2000x128xf32>
    %jit3A_29 = arith.constant 1.000000e+00 : f32
    %broadcast_in_dim3A_30 = vector.broadcast %jit3A_29 : f32 to vector<2000x128xf32>
    %select_n3A_31 = arith.select %lt3A_26, %neg3A_28, %broadcast_in_dim3A_30 : vector<2000x128xi1>, vector<2000x128xf32>
    %gt3A_32 = arith.constant 0.000000e+00 : f32
    %gt3A_33 = vector.broadcast %gt3A_32 : f32 to vector<2000x128xf32>
    %gt3A_34 = arith.cmpf ogt, %mul3A, %gt3A_33 : vector<2000x128xf32>
    %sqrt3A = math.sqrt %select_n3A : vector<2000x128xf32>
    %jit3A_35 = arith.constant 0.000000e+00 : f32
    %broadcast_in_dim3A_36 = vector.broadcast %jit3A_35 : f32 to vector<2000x128xf32>
    %select_n3A_37 = arith.select %gt3A_34, %sqrt3A, %broadcast_in_dim3A_36 : vector<2000x128xi1>, vector<2000x128xf32>
    %lt3A_38 = arith.constant 0.000000e+00 : f32
    %lt3A_39 = vector.broadcast %lt3A_38 : f32 to vector<2000x128xf32>
    %lt3A_40 = arith.cmpf olt, %mul3A, %lt3A_39 : vector<2000x128xf32>
    %sqrt3A_41 = math.sqrt %select_n3A_31 : vector<2000x128xf32>
    %jit3A_42 = arith.constant 0.000000e+00 : f32
    %broadcast_in_dim3A_43 = vector.broadcast %jit3A_42 : f32 to vector<2000x128xf32>
    %select_n3A_44 = arith.select %lt3A_40, %sqrt3A_41, %broadcast_in_dim3A_43 : vector<2000x128xi1>, vector<2000x128xf32>
    %sub3A = arith.subf %select_n3A_37, %select_n3A_44 : vector<2000x128xf32>
    %add3A_45 = arith.addf %sub3A, %add3A_19 : vector<2000x128xf32>
    %swap3A = arith.constant 0 : index
    %swap3A_46 = arith.constant 0 : index
    %swap3A_47 = vector.load %arg10[%swap3A, %swap3A_46] : memref<2000x128xf32, #tpu.memory_space<vmem>>, vector<2000x128xf32>
    tpu.vector_store %arg10[%swap3A, %swap3A_46], %add3A_45 {strides = array<i32>} : memref<2000x128xf32, #tpu.memory_space<vmem>>, vector<2000x128xf32>,
    %get3A_48 = arith.constant 0 : index
    %get3A_49 = arith.constant 0 : index
    %get3A_50 = vector.load %arg8[%get3A_48, %get3A_49] : memref<128x16xf32, #tpu.memory_space<vmem>>, vector<128x16xf32>
    %dot_general3A_51 = arith.constant dense<0.000000e+00> : vector<2000x16xf32>
    %dot_general3A_52 = tpu.matmul %add3A_45, %get3A_50, %dot_general3A_51 {dimension_numbers = #tpu.dot_dimension_numbers<[1], [0], [0], [1], [0, 0, 1, 1], [], []>, precision = #tpu.contract_precision<fp32>, transpose_lhs_hint = false} : vector<2000x128xf32>, vector<128x16xf32>, vector<2000x16xf32> -> vector<2000x16xf32>
    %jit3A_53 = arith.constant -5.000000e+00 : f32
    %jit3A_54 = arith.constant 5.000000e+00 : f32
    %max3A = vector.broadcast %jit3A_53 : f32 to vector<2000x16xf32>
    %max3A_55 = arith.maximumf %max3A, %dot_general3A_52 : vector<2000x16xf32>
    %min3A = vector.broadcast %jit3A_54 : f32 to vector<2000x16xf32>
    %min3A_56 = arith.minimumf %min3A, %max3A_55 : vector<2000x16xf32>
    %exp3A = math.exp %min3A_56 : vector<2000x16xf32>
    %get3A_57 = arith.constant 0 : index
    %get3A_58 = arith.constant 0 : index
    %get3A_59 = vector.load %arg9[%get3A_57, %get3A_58] : memref<16x128xf32, #tpu.memory_space<vmem>>, vector<16x128xf32>
    %dot_general3A_60 = arith.constant dense<0.000000e+00> : vector<2000x128xf32>
    %dot_general3A_61 = tpu.matmul %exp3A, %get3A_59, %dot_general3A_60 {dimension_numbers = #tpu.dot_dimension_numbers<[1], [0], [0], [1], [0, 0, 1, 1], [], []>, precision = #tpu.contract_precision<fp32>, transpose_lhs_hint = false} : vector<2000x16xf32>, vector<16x128xf32>, vector<2000x128xf32> -> vector<2000x128xf32>
    %swap3A_62 = arith.constant 0 : index
    %swap3A_63 = arith.constant 0 : index
    %swap3A_64 = vector.load %arg13[%swap3A_62, %swap3A_63] : memref<2000x128xf32, #tpu.memory_space<vmem>>, vector<2000x128xf32>
    tpu.vector_store %arg13[%swap3A_62, %swap3A_63], %dot_general3A_61 {strides = array<i32>} : memref<2000x128xf32, #tpu.memory_space<vmem>>, vector<2000x128xf32>,
    %get3A_65 = arith.constant 0 : index
    %get3A_66 = arith.constant 0 : index
    %get3A_67 = vector.load %arg3[%get3A_65, %get3A_66] : memref<2000x128xf32, #tpu.memory_space<vmem>>, vector<2000x128xf32>
    %mul3A_68 = arith.mulf %get3A_67, %dot_general3A_61 : vector<2000x128xf32>
    %swap3A_69 = arith.constant 0 : index
    %swap3A_70 = arith.constant 0 : index
    %swap3A_71 = vector.load %arg11[%swap3A_69, %swap3A_70] : memref<2000x128xf32, #tpu.memory_space<vmem>>, vector<2000x128xf32>
    tpu.vector_store %arg11[%swap3A_69, %swap3A_70], %mul3A_68 {strides = array<i32>} : memref<2000x128xf32, #tpu.memory_space<vmem>>, vector<2000x128xf32>,
    %mul3A_72 = arith.mulf %add3A_45, %dot_general3A_61 : vector<2000x128xf32>
    %swap3A_73 = arith.constant 0 : index
    %swap3A_74 = arith.constant 0 : index
    %swap3A_75 = vector.load %arg12[%swap3A_73, %swap3A_74] : memref<2000x128xf32, #tpu.memory_space<vmem>>, vector<2000x128xf32>
    tpu.vector_store %arg12[%swap3A_73, %swap3A_74], %mul3A_72 {strides = array<i32>} : memref<2000x128xf32, #tpu.memory_space<vmem>>, vector<2000x128xf32>,
    return
  }
  func.func @transform_0(%arg0: i32) -> (i32, i32) {
    %add3A = arith.constant 0 : i32
    %add3A_0 = arith.addi %arg0, %add3A : i32
    %c0_i32 = arith.constant 0 : i32
    %c0_i32_1 = arith.constant 0 : i32
    return %add3A_0, %c0_i32 : i32, i32
  }
  func.func @transform_1(%arg0: i32) -> (i32, i32) {
    %c0_i32 = arith.constant 0 : i32
    %c0_i32_0 = arith.constant 0 : i32
    return %arg0, %c0_i32 : i32, i32
  }
  func.func @transform_2(%arg0: i32) -> (i32, i32) {
    %c0_i32 = arith.constant 0 : i32
    %c0_i32_0 = arith.constant 0 : i32
    return %arg0, %c0_i32 : i32, i32
  }
  func.func @transform_3(%arg0: i32) -> (i32, i32) {
    %c0_i32 = arith.constant 0 : i32
    %c0_i32_0 = arith.constant 0 : i32
    %c0_i32_1 = arith.constant 0 : i32
    return %c0_i32, %c0_i32_0 : i32, i32
  }
  func.func @transform_4(%arg0: i32) -> (i32, i32) {
    %c0_i32 = arith.constant 0 : i32
    %c0_i32_0 = arith.constant 0 : i32
    %c0_i32_1 = arith.constant 0 : i32
    return %c0_i32, %c0_i32_0 : i32, i32
  }
  func.func @transform_5(%arg0: i32) -> (i32, i32) {
    %c0_i32 = arith.constant 0 : i32
    %c0_i32_0 = arith.constant 0 : i32
    %c0_i32_1 = arith.constant 0 : i32
    return %c0_i32, %c0_i32_0 : i32, i32
  }
  func.func @transform_6(%arg0: i32) -> (i32, i32) {
    %c0_i32 = arith.constant 0 : i32
    %c0_i32_0 = arith.constant 0 : i32
    %c0_i32_1 = arith.constant 0 : i32
    return %c0_i32, %c0_i32_0 : i32, i32
  }
  func.func @transform_7(%arg0: i32) -> (i32, i32) {
    %c0_i32 = arith.constant 0 : i32
    %c0_i32_0 = arith.constant 0 : i32
    %c0_i32_1 = arith.constant 0 : i32
    return %c0_i32, %c0_i32_0 : i32, i32
  }
  func.func @transform_8(%arg0: i32) -> (i32, i32) {
    %c0_i32 = arith.constant 0 : i32
    %c0_i32_0 = arith.constant 0 : i32
    %c0_i32_1 = arith.constant 0 : i32
    return %c0_i32, %c0_i32_0 : i32, i32
  }
  func.func @transform_9(%arg0: i32) -> (i32, i32) {
    %c0_i32 = arith.constant 0 : i32
    %c0_i32_0 = arith.constant 0 : i32
    return %arg0, %c0_i32 : i32, i32
  }
  func.func @transform_10(%arg0: i32) -> (i32, i32) {
    %c0_i32 = arith.constant 0 : i32
    %c0_i32_0 = arith.constant 0 : i32
    return %arg0, %c0_i32 : i32, i32
  }
  func.func @transform_11(%arg0: i32) -> (i32, i32) {
    %c0_i32 = arith.constant 0 : i32
    %c0_i32_0 = arith.constant 0 : i32
    return %arg0, %c0_i32 : i32, i32
  }
  func.func @transform_12(%arg0: i32) -> (i32, i32) {
    %c0_i32 = arith.constant 0 : i32
    %c0_i32_0 = arith.constant 0 : i32
    return %arg0, %c0_i32 : i32, i32
  }
}

module attributes {stable_mosaic.version = 14 : i64} {
  func.func @_final_body(%arg0: i32, %arg1: memref<1000x128xf32, #tpu.memory_space<vmem>>, %arg2: memref<1000x128xf32, #tpu.memory_space<vmem>>, %arg3: memref<1000x128xf32, #tpu.memory_space<vmem>>, %arg4: memref<1000x128xf32, #tpu.memory_space<vmem>>, %arg5: memref<1000x128xf32, #tpu.memory_space<vmem>>, %arg6: memref<1000x128xf32, #tpu.memory_space<vmem>>, %arg7: memref<128x128xf32, #tpu.memory_space<vmem>>, %arg8: memref<1000x128xf32, #tpu.memory_space<vmem>>) attributes {dimension_semantics = [#tpu.dimension_semantics<parallel>], iteration_bounds = array<i64: 10>, scalar_prefetch = 0 : i64, scratch_operands = 0 : i64, tpu.core_type = #tpu.core_type<tc>, window_params = [{transform_indices = @transform_0, window_bounds = array<i64: 1000, 128>}, {transform_indices = @transform_1, window_bounds = array<i64: 1000, 128>}, {transform_indices = @transform_2, window_bounds = array<i64: 1000, 128>}, {transform_indices = @transform_3, window_bounds = array<i64: 1000, 128>}, {transform_indices = @transform_4, window_bounds = array<i64: 1000, 128>}, {transform_indices = @transform_5, window_bounds = array<i64: 1000, 128>}, {pipeline_mode = #tpu.pipeline_mode<synchronous>, transform_indices = @transform_6, window_bounds = array<i64: 128, 128>}, {transform_indices = @transform_7, window_bounds = array<i64: 1000, 128>}]} {
    %get3A = arith.constant 0 : index
    %get3A_0 = arith.constant 0 : index
    %get3A_1 = vector.load %arg2[%get3A, %get3A_0] : memref<1000x128xf32, #tpu.memory_space<vmem>>, vector<1000x128xf32>
    %get3A_2 = arith.constant 0 : index
    %get3A_3 = arith.constant 0 : index
    %get3A_4 = vector.load %arg5[%get3A_2, %get3A_3] : memref<1000x128xf32, #tpu.memory_space<vmem>>, vector<1000x128xf32>
    %add3A = arith.addf %get3A_1, %get3A_4 : vector<1000x128xf32>
    %add3A_5 = arith.constant 1.000000e-16 : f32
    %add3A_6 = vector.broadcast %add3A_5 : f32 to vector<1000x128xf32>
    %add3A_7 = arith.addf %add3A, %add3A_6 : vector<1000x128xf32>
    %get3A_8 = arith.constant 0 : index
    %get3A_9 = arith.constant 0 : index
    %get3A_10 = vector.load %arg3[%get3A_8, %get3A_9] : memref<1000x128xf32, #tpu.memory_space<vmem>>, vector<1000x128xf32>
    %get3A_11 = arith.constant 0 : index
    %get3A_12 = arith.constant 0 : index
    %get3A_13 = vector.load %arg6[%get3A_11, %get3A_12] : memref<1000x128xf32, #tpu.memory_space<vmem>>, vector<1000x128xf32>
    %add3A_14 = arith.addf %get3A_10, %get3A_13 : vector<1000x128xf32>
    %div3A = arith.divf %add3A_14, %add3A_7 : vector<1000x128xf32>
    %get3A_15 = arith.constant 0 : index
    %get3A_16 = arith.constant 0 : index
    %get3A_17 = vector.load %arg1[%get3A_15, %get3A_16] : memref<1000x128xf32, #tpu.memory_space<vmem>>, vector<1000x128xf32>
    %get3A_18 = arith.constant 0 : index
    %get3A_19 = arith.constant 0 : index
    %get3A_20 = vector.load %arg4[%get3A_18, %get3A_19] : memref<1000x128xf32, #tpu.memory_space<vmem>>, vector<1000x128xf32>
    %add3A_21 = arith.addf %get3A_17, %get3A_20 : vector<1000x128xf32>
    %div3A_22 = arith.divf %add3A_21, %add3A_7 : vector<1000x128xf32>
    %get3A_23 = arith.constant 0 : index
    %get3A_24 = arith.constant 0 : index
    %get3A_25 = vector.load %arg7[%get3A_23, %get3A_24] : memref<128x128xf32, #tpu.memory_space<vmem>>, vector<128x128xf32>
    %dot_general3A = arith.constant dense<0.000000e+00> : vector<1000x128xf32>
    %dot_general3A_26 = tpu.matmul %div3A, %get3A_25, %dot_general3A {dimension_numbers = #tpu.dot_dimension_numbers<[1], [0], [0], [1], [0, 0, 1, 1], [], []>, precision = #tpu.contract_precision<fp32>, transpose_lhs_hint = false} : vector<1000x128xf32>, vector<128x128xf32>, vector<1000x128xf32> -> vector<1000x128xf32>
    %add3A_27 = arith.addf %div3A_22, %dot_general3A_26 : vector<1000x128xf32>
    %swap3A = arith.constant 0 : index
    %swap3A_28 = arith.constant 0 : index
    %swap3A_29 = vector.load %arg8[%swap3A, %swap3A_28] : memref<1000x128xf32, #tpu.memory_space<vmem>>, vector<1000x128xf32>
    tpu.vector_store %arg8[%swap3A, %swap3A_28], %add3A_27 {strides = array<i32>} : memref<1000x128xf32, #tpu.memory_space<vmem>>, vector<1000x128xf32>,
    return
  }
  func.func @transform_0(%arg0: i32) -> (i32, i32) {
    %c0_i32 = arith.constant 0 : i32
    %c0_i32_0 = arith.constant 0 : i32
    return %arg0, %c0_i32 : i32, i32
  }
  func.func @transform_1(%arg0: i32) -> (i32, i32) {
    %c0_i32 = arith.constant 0 : i32
    %c0_i32_0 = arith.constant 0 : i32
    return %arg0, %c0_i32 : i32, i32
  }
  func.func @transform_2(%arg0: i32) -> (i32, i32) {
    %c0_i32 = arith.constant 0 : i32
    %c0_i32_0 = arith.constant 0 : i32
    return %arg0, %c0_i32 : i32, i32
  }
  func.func @transform_3(%arg0: i32) -> (i32, i32) {
    %c0_i32 = arith.constant 0 : i32
    %c0_i32_0 = arith.constant 0 : i32
    return %arg0, %c0_i32 : i32, i32
  }
  func.func @transform_4(%arg0: i32) -> (i32, i32) {
    %c0_i32 = arith.constant 0 : i32
    %c0_i32_0 = arith.constant 0 : i32
    return %arg0, %c0_i32 : i32, i32
  }
  func.func @transform_5(%arg0: i32) -> (i32, i32) {
    %c0_i32 = arith.constant 0 : i32
    %c0_i32_0 = arith.constant 0 : i32
    return %arg0, %c0_i32 : i32, i32
  }
  func.func @transform_6(%arg0: i32) -> (i32, i32) {
    %c0_i32 = arith.constant 0 : i32
    %c0_i32_0 = arith.constant 0 : i32
    %c0_i32_1 = arith.constant 0 : i32
    return %c0_i32, %c0_i32_0 : i32, i32
  }
  func.func @transform_7(%arg0: i32) -> (i32, i32) {
    %c0_i32 = arith.constant 0 : i32
    %c0_i32_0 = arith.constant 0 : i32
    return %arg0, %c0_i32 : i32, i32
  }
}

</mosaic_0001>

<sc_bundles>
// kernel: kernel.14.cloned.1.call-start
scs
__scs_entry_jumppad:
0x0: {  	(pc) =	sbr.rel $0x88, $3  }
0x1: {  	(tag) =	ssettag $0x0;
	lr =	simm.s32 $0x1  }
0x2: {  	[smem:$0x3F94] =	sst lr;
	_ =	strace $0xD0000000  }
0x3: {  	_ = 	snop  }
0x4: {  	_ = 	snop  }
0x5: {  	_ = 	snop  }
0x6: {  	_ = 	snop  }
0x7: {  	_ = 	snop  }
__scs_overlays_trampoline_lowered:
0x8: {  	[smem:$0x3FA3] =	sst s0  }
0x9: {  	[smem:$0x3FA4] =	sst s1  }
0xa: {  	[smem:$0x3FA5] =	sst s2  }
0xb: {  	[smem:$0x3FA6] =	sst s3  }
0xc: {  	[smem:$0x3FA7] =	sst s4  }
0xd: {  	[smem:$0x3FA8] =	sst s5  }
0xe: {  	[smem:$0x3FA9] =	sst s6  }
0xf: {  	[smem:$0x3FAA] =	sst s7  }
0x10: {  	[smem:$0x3FAB] =	sst s8  }
0x11: {  	[smem:$0x3FAC] =	sst s9;
	s0 =	simm.s32 @!p0 $0x0  }
0x12: {  	s1 =	sld [smem:$0x3F92];
	s0 =	simm.s32 @p0 $0x1  }
0x13: {  	[smem:$0x3FAD] =	sst s0;
	s0 =	simm.s32 @!p1 $0x0  }
0x14: {  	s2 =	sld [smem:$0x3F91];
	s0 =	simm.s32 @p1 $0x1  }
0x15: {  	[smem:$0x3FAE] =	sst s0;
	s0 =	simm.s32 @!p2 $0x0  }
0x16: {  	s3 =	sld [smem:$0x3FDB];
	s0 =	simm.s32 @p2 $0x1  }
0x17: {  	s4 =	simm.s32 $0x1BF5;
	[smem:$0x3FB0] =	sst s0  }
0x18: {  	s0 =	sld [smem:$0x3F93];
	_ =	swait.ge [sflag:s4], $0x0  }
0x19: {  	s7 =	sld [smem:$0x3F94]  }
0x1a: {  	s8 =	sadd.s32 $0xFFFFE003, lr  }
0x1b: {  	s9 =	sadd.s32 $0xFFFFFEF7, lr;
	s5 =	simm.s32 $0xFFFFFFFF;
	p2 =	slt.u32 s8, $0xFFFFF086  }
0x1c: {  	p1 =	slt.u32 s9, $0xF7A;
	s5 =	simm.s32 @!p2 $0x0  }
0x1d: {  	s5 =	simm.s32 @p1 $0x1;
	p0 =	seq.s32 s7, s2  }
0x1e: {  	s7 =	smul.u32 @!p0 $0xF7A, s2;
	p2 =	seq.s32 @!p0 s5, $0x0  }
0x1f: {  	s9 =	smul.u32 $0xF7A, s1;
	s8 =	simm.s32 @!p0 $0x1BF5;
	p2 =	por !p2, p0  }
0x20: {  	[sflag:s8] =	ssyncset.s32 @!p0 $0xFFFFF086;
	s6 =	sadd.s32 @!p0 s3, s7;
	s7 =	simm.s32 @!p0 $0x108  }
0x21: {  	s3 =	sadd.s32 s3, s9;
	s6 =	sadd.s32 @!p0 $0x88, s6;
	s7 =	simm.s32 @p2 $0x1082  }
0x22: {  	[simem:s7], [sflag:s8] =	dma.local @!p0 [hbm:s6], $0xF7A  }
0x23: {  	s9 =	sor.u32 $0xD0000000, s2;
	s6 =	simm.s32 $0x108;
	_ =	swait.ge @!p0 [sflag:s8], $0x0  }
0x24: {  	s3 =	sadd.s32 $0x88, s3;
	s6 =	simm.s32 @!p1 $0x1082;
	[sflag:s4] =	ssyncset.s32 $0xFFFFF086  }
0x25: {  	[simem:s6], [sflag:s4] =	dma.local [hbm:s3], $0xF7A  }
0x26: {  	[smem:$0x3F94] =	sst s1;
	(tag) =	ssettag s2;
	_ =	strace s9  }
0x27: {  	s1 =	sld [smem:$0x3FA4]  }
0x28: {  	s2 =	sld [smem:$0x3FA5]  }
0x29: {  	s4 =	sld [smem:$0x3FA7]  }
0x2a: {  	p0 =	seq.s32 s5, $0x0;
	s5 =	sld [smem:$0x3FA8]  }
0x2b: {  	s6 =	sld [smem:$0x3FA9]  }
0x2c: {  	s7 =	sld [smem:$0x3FAA]  }
0x2d: {  	s3 =	simm.s32 $0x108;
	s8 =	sld [smem:$0x3FAB]  }
0x2e: {  	s3 =	simm.s32 @!p0 $0x1082;
	s9 =	sld [smem:$0x3FAC]  }
0x2f: {  	lr =	sadd.s32 s0, s3;
	s0 =	sld [smem:$0x3FA3]  }
0x30: {  	s3 =	sld [smem:$0x3FA6]  }
0x31: {  	[smem:$0x3FAF] =	sst s10  }
0x32: {  	s10 =	sld [smem:$0x3FAD];
	_ =	sdelay $0x3  }
0x33: {  	p0 =	seq.s32 s10, $0x1;
	s10 =	sld [smem:$0x3FAF];
	_ =	sdelay $0x3  }
0x34: {  	[smem:$0x3FAF] =	sst s10  }
0x35: {  	s10 =	sld [smem:$0x3FAE];
	_ =	sdelay $0x3  }
0x36: {  	p1 =	seq.s32 s10, $0x1;
	s10 =	sld [smem:$0x3FAF];
	_ =	sdelay $0x3  }
0x37: {  	[smem:$0x3FAF] =	sst s10  }
0x38: {  	s10 =	sld [smem:$0x3FB0]  }
0x39: {  	_ = 	snop;
	(pc) =	sbr.ind lr, $3  }
0x3a: {  	_ = 	snop  }
0x3b: {  	_ = 	snop  }
0x3c: {  	p2 =	seq.s32 s10, $0x1;
	s10 =	sld [smem:$0x3FAF]  }
0x3d: {  	_ =	shalt  }
0x3e: {  	_ =	shalt  }
0x3f: {  	_ =	shalt  }
0x40: {  	_ =	shalt  }
0x41: {  	_ =	shalt  }
0x42: {  	_ =	shalt  }
0x43: {  	_ =	shalt  }
0x44: {  	_ =	shalt  }
0x45: {  	_ =	shalt  }
0x46: {  	_ =	shalt  }
0x47: {  	_ =	shalt  }
0x48: {  	_ =	shalt  }
0x49: {  	_ =	shalt  }
0x4a: {  	_ =	shalt  }
0x4b: {  	_ =	shalt  }
0x4c: {  	_ =	shalt  }
0x4d: {  	_ =	shalt  }
0x4e: {  	_ =	shalt  }
0x4f: {  	_ =	shalt  }
0x50: {  	_ =	shalt  }
0x51: {  	_ =	shalt  }
0x52: {  	_ =	shalt  }
0x53: {  	_ =	shalt  }
0x54: {  	_ =	shalt  }
0x55: {  	_ =	shalt  }
0x56: {  	_ =	shalt  }
0x57: {  	_ =	shalt  }
0x58: {  	_ =	shalt  }
0x59: {  	_ =	shalt  }
0x5a: {  	_ =	shalt  }
0x5b: {  	_ =	shalt  }
0x5c: {  	_ =	shalt  }
0x5d: {  	_ =	shalt  }
0x5e: {  	_ =	shalt  }
0x5f: {  	_ =	shalt  }
0x60: {  	_ =	shalt  }
0x61: {  	_ =	shalt  }
0x62: {  	_ =	shalt  }
0x63: {  	_ =	shalt  }
0x64: {  	_ =	shalt  }
0x65: {  	_ =	shalt  }
0x66: {  	_ =	shalt  }
0x67: {  	_ =	shalt  }
0x68: {  	_ =	shalt  }
0x69: {  	_ =	shalt  }
0x6a: {  	_ =	shalt  }
0x6b: {  	_ =	shalt  }
0x6c: {  	_ =	shalt  }
0x6d: {  	_ =	shalt  }
0x6e: {  	_ =	shalt  }
0x6f: {  	_ =	shalt  }
0x70: {  	_ =	shalt  }
0x71: {  	_ =	shalt  }
0x72: {  	_ =	shalt  }
0x73: {  	_ =	shalt  }
0x74: {  	_ =	shalt  }
0x75: {  	_ =	shalt  }
0x76: {  	_ =	shalt  }
0x77: {  	_ =	shalt  }
0x78: {  	_ =	shalt  }
0x79: {  	_ =	shalt  }
0x7a: {  	_ =	shalt  }
0x7b: {  	_ =	shalt  }
0x7c: {  	_ =	shalt  }
0x7d: {  	_ =	shalt  }
0x7e: {  	_ =	shalt  }
0x7f: {  	_ =	shalt  }
0x80: {  	_ =	shalt  }
0x81: {  	_ =	shalt  }
0x82: {  	_ =	shalt  }
0x83: {  	_ =	shalt  }
0x84: {  	_ =	shalt  }
0x85: {  	_ =	shalt  }
0x86: {  	_ =	shalt  }
0x87: {  	_ =	shalt  }
.Lfunc_end0:
.L_simem_size_0:
called_computation_lowered:
.L_overlay_start_0:
0x88: {  	s2 =	sld [smem:$0x3FD9]  }
0x89: {  	s3 =	sld [smem:$0x3FFE];
	_ =	sdelay $0x1  }
0x8a: {  	s1 =	srdreg.scid  }
0x8b: {  	s0 =	sand.u32 $0x1, s1  }
0x8c: {  	s15 =	sshll.u32 s0, $0xA;
	s2 =	sadd.s32 s3, s2  }
0x8d: {  	s2 =	sadd.s32 s2, s15  }
0x8e: {  	[smem:$0x3FBB] =	sst s2  }
0x8f: {  	_ = 	snop  }
0x90: {  	s2 =	sld [smem:$0x3FD0];
	_ =	sdelay $0x2  }
0x91: {  	s16 =	simm.s32 $0xF;
	s4 =	simm.s32 $0x10  }
0x92: {  	[smem:s4], [sflag:s16] =	dma.local [hbm:s2], $0x1  }
0x93: {  	_ =	swait.eq [sflag:s16], $0x1  }
0x94: {  	[sflag:s16] =	ssyncset.done $0x0  }
0x95: {  	s17 =	sld [smem:$0x10];
	[sflag:s16] =	ssyncadd.s32 $0xFFFFFFFF  }
0x96: {  	s18 =	sld [smem:$0x11];
	(tm) =	ssettm $0x1  }
0x97: {  	s19 =	sld [smem:$0x3FFB];
	_ =	sdelay $0x3  }
0x98: {  	_ =	strace s19  }
0x99: {  	s2 =	sld [smem:$0x3FFC];
	_ =	sdelay $0x3  }
0x9a: {  	_ =	strace s2  }
0x9b: {  	s2 =	sld [smem:$0x3FFD];
	_ =	sdelay $0x3  }
0x9c: {  	_ =	strace s2  }
0x9d: {  	_ =	strace $0x8FFFFFFF  }
0x9e: {  	s20 =	sld [smem:$0x3FDB];
	_ =	sdelay $0x1  }
0x9f: {  	s5 =	simm.s32 $_scs_section_size  }
0xa0: {  	s6 =	simm.s32 $_size__tile_overlayer_lowered;
	s7 =	simm.s32 $_tile_overlayer_lowered  }
0xa1: {  	s8 =	simm.s32 $0x1BFF;
	s21 =	sshll.u32 s7, $0x1;
	s5 =	sadd.s32 s5, s20  }
0xa2: {  	s22 =	simm.s32 $0x0;
	s6 =	sshll.u32 s6, $0x1;
	s7 =	sadd.s32 s21, s5  }
0xa3: {  	[timem:s22], [sflag:s8] =	dma.local [hbm:s7], s6  }
0xa4: {  	_ =	swait.ge [sflag:s8], s6  }
0xa5: {  	s6 =	ssub.s32 $0x0, s6;
	[sflag:s8] =	ssyncset.done $0x0  }
0xa6: {  	[sflag:s8] =	ssyncadd.s32 s6;
	_ =	sdelay $0x1  }
0xa7: {  	s23 =	simm.s32 $0x1B8B  }
0xa8: {  	_ =	swait.ge [sflag:s23], $0x1  }
0xa9: {  	[sflag:s23] =	ssyncset.done $0x0  }
0xaa: {  	[sflag:s23] =	ssyncadd.s32 $0xFFFFFFFF  }
0xab: {  	s6 =	sld [smem:$0x0]  }
0xac: {  	s7 =	sand.u32 $0xFFFFFFFE, s1  }
0xad: {  	p0 =	sne.s32 s1, s7  }
0xae: {  	s7 =	sshll.u32 @p0 s7, $0xE  }
0xaf: {  	s7 =	sadd.s32 @p0 $0x11B8D, s7;
	s8 =	sshll.u32 @p0 s6, $0x11  }
0xb0: {  	s7 =	sor.u32 @p0 s8, s7  }
0xb1: {  	[sflag:s7] =	ssyncadd.remote.s32 @p0 $0x1;
	_ =	sdelay $0x1  }
0xb2: {  	s7 =	simm.s32 @p0 $0x1B8D  }
0xb3: {  	_ =	swait.eq @p0 [sflag:s7], $0x1  }
0xb4: {  	[sflag:s7] =	ssyncadd.s32 @p0 $0xFFFFFFFF  }
0xb5: {  	s8 =	sshll.u32 @!p0 s1, $0xE  }
0xb6: {  	s8 =	sor.u32 @!p0 $0x4000, s8;
	s7 =	simm.s32 @!p0 $0x1B8D  }
0xb7: {  	s6 =	sshll.u32 @!p0 s6, $0x11;
	s8 =	sadd.s32 @!p0 $0x11B8D, s8;
	_ =	swait.eq @!p0 [sflag:s7], $0x1  }
0xb8: {  	s6 =	sor.u32 @!p0 s6, s8;
	[sflag:s7] =	ssyncadd.s32 @!p0 $0xFFFFFFFF  }
0xb9: {  	s25 =	simm.s32 $0x1B8E;
	s24 =	sld [smem:$0x3FFE];
	[sflag:s6] =	ssyncadd.remote.s32 @!p0 $0x1  }
0xba: {  	s26 =	simm.s32 $execute0_lowered;
	[smem:$0x3FD2] =	sst s25  }
0xbb: {  	s7 =	sshll.u32 s26, $0x1;
	_ =	strace $0x80000049;
	[dreg:$0x1] =	wrdreg $0xFFFFFFFF  }
0xbc: {  	s28 =	simm.s32 $_size_execute0_lowered;
	s5 =	sadd.s32 s5, s7;
	[dreg:$0x0] =	wrdreg $0x0  }
0xbd: {  	s7 =	sshll.u32 s28, $0x1;
	[dreg:$0x2] =	wrdreg s5  }
0xbe: {  	[dreg:$0x3] =	wrdreg s7  }
0xbf: {  	[dreg:$0x4] =	wrdreg $0xC0  }
0xc0: {  	_ =	task [dreg:s22], $0x5FFFF  }
0xc1: {  	[dreg:$0x1] =	wrdreg $0xFFFFFFFF  }
0xc2: {  	[dreg:$0x0] =	wrdreg $0x60  }
0xc3: {  	[dreg:$0x2] =	wrdreg s17  }
0xc4: {  	[dreg:$0x3] =	wrdreg s24  }
0xc5: {  	[dreg:$0x4] =	wrdreg s18  }
0xc6: {  	[dreg:$0x5] =	wrdreg $0xC  }
0xc7: {  	_ =	task.clear_ibuf [dreg:s22], $0x6FFFF;
	_ =	strace $0x90000049  }
0xc8: {  	s29 =	simm.s32 $0xC;
	_ =	strace $0x8000004B  }
0xc9: {  	_ =	swait.ge [sflag:s29], $0x1  }
0xca: {  	[sflag:s29] =	ssyncadd.s32 $0xFFFFFFFF  }
0xcb: {  	_ =	strace $0x9000004B  }
0xcc: {  	_ =	sfence  }
0xcd: {  	s30 =	sld [smem:$0x0];
	_ =	sdelay $0x2  }
0xce: {  	s31 =	sshll.u32 s1, $0xD;
	s1 =	sshrl.u32 s1, $0x2  }
0xcf: {  	s4 =	sand.u32 $0x4000, s31;
	s1 =	sadd.s32 s1, s30  }
0xd0: {  	s0 =	sor.u32 s4, s0;
	s1 =	sshll.u32 s1, $0x11  }
0xd1: {  	s0 =	sor.u32 s1, s0  }
0xd2: {  	s0 =	sadd.s32 $0x8F2B, s0  }
0xd3: {  	[sflag:s0] =	ssyncadd.remote.s32 $0x1  }
0xd4: {  	_ =	sfence.sel $0xFFFF  }
0xd5: {  	[dreg:$0x0] =	wrdreg $0xFFFFFFFF;
	(pc) =	sbr.abs _section_cstart, $3  }
0xd6: {  	[dreg:$0x1] =	wrdreg $0xFFFFFFFF  }
0xd7: {  	_ =	task.clear_ibuf [dreg:s22], $0x2FFFF;
	_ =	strace $0x9FFFFFFF  }
0xd8: {  	(tm) =	ssettm $0x7FFFFFFF  }
0xd9: {  	_ =	shalt  }
tec
execute0_lowered:
.L_overlay_start_1:
0x0: {  	(tag) =	ssettag $0x1  }
0x1: {  	s1 =	rddreg [dreg:$0x0]  }
0x2: {  	s10 =	rddreg [dreg:$0x1]  }
0x3: {  	s2 =	rddreg [dreg:$0x2];
	s3 =	simm.s32 $0x0;
	s8 =	srdreg.scid  }
0x4: {  	s0 =	stileid.u32;
	s15 =	simm.s32 $0x80;
	s16 =	simm.s32 $0x200  }
0x5: {  	s17 =	simm.s32 $0x4200;
	s18 =	simm.s32 $0x8200;
	s19 =	simm.s32 $0x1  }
0x6: {  	s20 =	simm.s32 $0x3;
	s21 =	simm.s32 $0x2;
	s22 =	simm.s32 $0xC200  }
0x7: {  	s23 =	simm.s32 $0x14200;
	s24 =	simm.s32 $0x0;
	[smem:$0x7FF] =	sst s3  }
0x8: {  	s5 =	sadd.s32 $0xF000, s10;
	s6 =	sadd.s32 $0x36200, s10;
	s7 =	sadd.s32 $0x53F400, s10  }
.Ltmp0:
0x9: {  	s9 =	sand.u32 $0x1, s8;
	s11 =	sshll.u32 s0, $0x1;
	(pc) =	sbr.rel .LBB2_1-.Ltmp0, $4  }
0xa: {  	s8 =	sadd.s32 $0x544400, s10;
	s12 =	ssub.s32 $0x2, s9;
	s9 =	sor.u32 s9, s11  }
0xb: {  	s10 =	sadd.s32 $0x549400, s10;
	s31 =	sshrl.u32 s12, $0x1;
	s13 =	sshll.u32 s9, $0x4  }
0xc: {  	_ =	strace $0x8000004A;
	s14 =	ssub.s32 s12, s31;
	s11 =	sadd.s32 s7, s13  }
0xd: {  	s12 =	sadd.s32 s8, s13;
	s13 =	smax.u32 s14, $0x1;
	s14 =	simm.s32 $0x4  }
.LBB2_11:
0xe: {  	s24 =	sadd.s32 $0x1, s24  }
0xf: {  	p0 =	sne.s32 s24, s13  }
.Ltmp1:
0x10: {  	_ = 	snop;
	(pc) =	sbr.rel @!p0 .LBB2_12-.Ltmp1, $1  }
0x11: {  	_ =	sdelay $0x3  }
.LBB2_1:
0x12: {  	[tilespmem:s3], [sflag:$0x4] =	stream.linear.gather [hbm4b:s11+s3], $0x80, $0x38;
	[tilespmem:$0x18200] =	vst v63  }
0x13: {  	_ =	swait.ge [sflag:s14], $0x80  }
0x14: {  	[sflag:s14] =	ssyncset.done $0x0  }
0x15: {  	[sflag:s14] =	ssyncadd.s32 $0xFFFFFF80  }
0x16: {  	[tilespmem:s15], [sflag:$0x4] =	stream.linear.gather [hbm4b:s12+s3], $0x80, $0x38;
	[tilespmem:$0x18200] =	vst v63  }
0x17: {  	_ =	swait.ge [sflag:s14], $0x80  }
0x18: {  	[sflag:s14] =	ssyncset.done $0x0  }
0x19: {  	[sflag:s14] =	ssyncadd.s32 $0xFFFFFF80  }
0x1a: {  	[tilespmem:s16], [sflag:$0x1] =	stream.indirect.gather [hbm4b:s5+s15], $0x80, s3, s15, $0xb8;
	[tilespmem:$0x18200] =	vst v63  }
.Ltmp2:
0x1b: {  	_ = 	snop;
	(pc) =	sbr.rel .LBB2_2-.Ltmp2, $4  }
0x1c: {  	_ = 	snop  }
0x1d: {  	[tilespmem:s17], [sflag:$0x1] =	stream.indirect.gather [hbm4b:s1+s15], $0x80, s15, s15, $0xb8;
	[tilespmem:$0x18200] =	vst v63  }
0x1e: {  	s25 =	simm.s32 $0x0  }
0x1f: {  	[tilespmem:s18], [sflag:$0x1] =	stream.indirect.gather [hbm4b:s6+s15], $0x80, s3, s15, $0xb8;
	[tilespmem:$0x18200] =	vst v63  }
.LBB2_10:
0x20: {  	s25 =	sadd.s32 $0x1, s25  }
0x21: {  	p0 =	sne.s32 s25, $0x14  }
.Ltmp3:
0x22: {  	_ = 	snop;
	(pc) =	sbr.rel @!p0 .LBB2_11-.Ltmp3, $1  }
0x23: {  	_ =	sdelay $0x3  }
.LBB2_2:
0x24: {  	s26 =	sshll.u32 s25, $0x6  }
0x25: {  	s28 =	sor.u32 s9, s26  }
0x26: {  	s26 =	sor.u32 $0x20, s28  }
0x27: {  	p0 =	sgt.u32 s26, $0x4E1  }
0x28: {  	s29 =	sshll.u32 @!p0 s26, $0x4  }
0x29: {  	s31 =	simm.s32 @!p0 $0x0;
	s0 =	simm.s32 @!p0 $0x100;
	s30 =	sadd.s32 @!p0 s7, s29  }
0x2a: {  	[tilespmem:s0], [sflag:$0x4] =	stream.linear.gather @!p0 [hbm4b:s30+s31], $0x80, $0x38;
	[tilespmem:$0x18200] =	vst v63  }
0x2b: {  	s30 =	simm.s32 @!p0 $0x4  }
0x2c: {  	_ =	swait.ge @!p0 [sflag:s30], $0x80  }
0x2d: {  	[sflag:s30] =	ssyncset.done @!p0 $0x0  }
0x2e: {  	s4 =	simm.s32 @!p0 $0x180;
	s29 =	sadd.s32 @!p0 s8, s29;
	[sflag:s30] =	ssyncadd.s32 @!p0 $0xFFFFFF80  }
0x2f: {  	[tilespmem:s4], [sflag:$0x4] =	stream.linear.gather @!p0 [hbm4b:s29+s31], $0x80, $0x38;
	[tilespmem:$0x18200] =	vst v63  }
0x30: {  	_ =	swait.ge @!p0 [sflag:s30], $0x80  }
0x31: {  	[sflag:s30] =	ssyncset.done @!p0 $0x0  }
0x32: {  	s29 =	simm.s32 @!p0 $0x80;
	[sflag:s30] =	ssyncadd.s32 @!p0 $0xFFFFFF80;
	s30 =	simm.s32 @!p0 $0xC200  }
0x33: {  	[tilespmem:s30], [sflag:$0x2] =	stream.indirect.gather @!p0 [hbm4b:s5+s29], $0x80, s0, s29, $0xb8;
	[tilespmem:$0x18200] =	vst v63  }
0x34: {  	s30 =	simm.s32 @!p0 $0x10200  }
0x35: {  	[tilespmem:s30], [sflag:$0x2] =	stream.indirect.gather @!p0 [hbm4b:s1+s29], $0x80, s4, s29, $0xb8;
	[tilespmem:$0x18200] =	vst v63  }
0x36: {  	s4 =	simm.s32 @!p0 $0x14200  }
0x37: {  	[tilespmem:s4], [sflag:$0x2] =	stream.indirect.gather @!p0 [hbm4b:s6+s29], $0x80, s0, s29, $0xb8;
	[tilespmem:$0x18200] =	vst v63  }
0x38: {  	_ =	swait.ge [sflag:s19], $0x4000  }
0x39: {  	[sflag:s19] =	ssyncset.done $0x0  }
0x3a: {  	[sflag:s19] =	ssyncadd.s32 $0xFFFFC000  }
0x3b: {  	_ =	swait.ge [sflag:s19], $0x4000  }
0x3c: {  	[sflag:s19] =	ssyncset.done $0x0  }
0x3d: {  	[sflag:s19] =	ssyncadd.s32 $0xFFFFC000  }
0x3e: {  	_ =	swait.ge [sflag:s19], $0x4000  }
0x3f: {  	[sflag:s19] =	ssyncset.done $0x0  }
0x40: {  	s29 =	simm.s32 $0x0;
	[sflag:s19] =	ssyncadd.s32 $0xFFFFC000  }
0x41: {  	v7 =	vld [tilespmem:s29+$0x4200]  }
0x42: {  	v11 =	vld [tilespmem:s29+$0x4210]  }
0x43: {  	v5 =	vld [tilespmem:s29+$0x4220]  }
0x44: {  	v4 =	vld [tilespmem:s29+$0x4230]  }
0x45: {  	v3 =	vld [tilespmem:s29+$0x4240]  }
0x46: {  	v2 =	vld [tilespmem:s29+$0x4250]  }
0x47: {  	v1 =	vld [tilespmem:s29+$0x4260]  }
0x48: {  	v0 =	vld [tilespmem:s29+$0x4270]  }
0x49: {  	v12 =	vld [tilespmem:s29+$0x200]  }
0x4a: {  	v13 =	vld [tilespmem:s29+$0x210]  }
0x4b: {  	v10 =	vld [tilespmem:s29+$0x220]  }
0x4c: {  	v9 =	vld [tilespmem:s29+$0x230]  }
0x4d: {  	v8 =	vld [tilespmem:s29+$0x240]  }
0x4e: {  	v6 =	vld [tilespmem:s29+$0x250];
	v12 =	vadd.f32 v7, v12  }
0x4f: {  	s30 =	simm.s32 $0x200;
	v11 =	vadd.f32 v11, v13;
	v7 =	vld [tilespmem:s29+$0x260]  }
.LBB2_3:
0x50: {  	s0 =	sshra.s32 s30, $0x2;
	p1 =	sne.s32 s30, $0xFE00;
	[tilespmem:s29+$0x200] =	vst v12;
	v5 =	vadd.f32 v5, v10;
	v10 =	vld [tilespmem:s29+$0x270]  }
0x51: {  	v12 =	vld [tilespmem:s0+$0x4200];
	[tilespmem:s29+$0x210] =	vst v11;
	v4 =	vadd.f32 v4, v9  }
0x52: {  	v11 =	vld [tilespmem:s0+$0x4210];
	[tilespmem:s29+$0x220] =	vst v5;
	v3 =	vadd.f32 v3, v8  }
0x53: {  	v5 =	vld [tilespmem:s0+$0x4220];
	[tilespmem:s29+$0x230] =	vst v4;
	v2 =	vadd.f32 v2, v6  }
0x54: {  	v4 =	vld [tilespmem:s0+$0x4230];
	[tilespmem:s29+$0x240] =	vst v3;
	v1 =	vadd.f32 v1, v7  }
0x55: {  	v3 =	vld [tilespmem:s0+$0x4240];
	[tilespmem:s29+$0x250] =	vst v2;
	v0 =	vadd.f32 v0, v10  }
0x56: {  	v2 =	vld [tilespmem:s0+$0x4250];
	[tilespmem:s29+$0x260] =	vst v1  }
0x57: {  	v1 =	vld [tilespmem:s0+$0x4260];
	[tilespmem:s29+$0x270] =	vst v0;
	s29 =	smov.u32 s0  }
0x58: {  	v0 =	vld [tilespmem:s29+$0x4270]  }
0x59: {  	v6 =	vld [tilespmem:s29+$0x200]  }
0x5a: {  	v7 =	vld [tilespmem:s29+$0x210]  }
.Ltmp4:
0x5b: {  	v10 =	vld [tilespmem:s29+$0x220];
	(pc) =	sbr.rel @p1 .LBB2_3-.Ltmp4, $4  }
0x5c: {  	v9 =	vld [tilespmem:s29+$0x230]  }
0x5d: {  	v8 =	vld [tilespmem:s29+$0x240]  }
0x5e: {  	v12 =	vadd.f32 v12, v6;
	v6 =	vld [tilespmem:s29+$0x250]  }
0x5f: {  	s30 =	sadd.s32 $0x200, s30;
	v11 =	vadd.f32 v11, v7;
	v7 =	vld [tilespmem:s29+$0x260]  }
0x60: {  	[tilespmem:s29+$0x200] =	vst v12;
	v5 =	vadd.f32 v5, v10;
	v63 =	vld [tilespmem:s29+$0x270]  }
0x61: {  	[tilespmem:s29+$0x210] =	vst v11;
	v4 =	vadd.f32 v4, v9  }
0x62: {  	[tilespmem:s29+$0x220] =	vst v5;
	v3 =	vadd.f32 v3, v8  }
0x63: {  	[tilespmem:s29+$0x230] =	vst v4;
	v2 =	vadd.f32 v2, v6  }
0x64: {  	[tilespmem:s29+$0x240] =	vst v3;
	v1 =	vadd.f32 v1, v7  }
0x65: {  	[tilespmem:s29+$0x250] =	vst v2;
	v0 =	vadd.f32 v0, v63  }
0x66: {  	s0 =	sshll.u32 s28, $0xB;
	[tilespmem:s29+$0x260] =	vst v1  }
0x67: {  	s4 =	sadd.s32 s2, s0;
	[tilespmem:s29+$0x270] =	vst v0  }
0x68: {  	[hbm4b:s4+s3] =	stream.linear.scatter [tilespmem:s16], [sflag:$0x3], $0x4000, $0x38;
	[tilespmem:$0x18200] =	vst v63  }
0x69: {  	s0 =	sadd.s32 s10, s0  }
0x6a: {  	[hbm4b:s0+s3] =	stream.linear.scatter [tilespmem:s18], [sflag:$0x3], $0x4000, $0x38;
	[tilespmem:$0x18200] =	vst v63  }
0x6b: {  	p1 =	sgt.u32 s28, $0x4A1;
	_ =	swait.ge [sflag:s20], $0x4000  }
.Ltmp5:
0x6c: {  	[sflag:s20] =	ssyncset.done $0x0;
	(pc) =	sbr.rel @p1 .LBB2_6-.Ltmp5, $4  }
0x6d: {  	[sflag:s20] =	ssyncadd.s32 $0xFFFFC000  }
0x6e: {  	_ =	swait.ge [sflag:s20], $0x4000  }
0x6f: {  	[sflag:s20] =	ssyncset.done $0x0  }
0x70: {  	[sflag:s20] =	ssyncadd.s32 $0xFFFFC000  }
0x71: {  	s0 =	sshll.u32 s28, $0x4  }
0x72: {  	s0 =	sadd.s32 $0x400, s0  }
0x73: {  	s4 =	sadd.s32 s7, s0  }
0x74: {  	[tilespmem:s3], [sflag:$0x4] =	stream.linear.gather [hbm4b:s4+s3], $0x80, $0x38;
	[tilespmem:$0x18200] =	vst v63  }
0x75: {  	_ =	swait.ge [sflag:s14], $0x80  }
0x76: {  	[sflag:s14] =	ssyncset.done $0x0  }
0x77: {  	s0 =	sadd.s32 s8, s0;
	[sflag:s14] =	ssyncadd.s32 $0xFFFFFF80  }
0x78: {  	[tilespmem:s15], [sflag:$0x4] =	stream.linear.gather [hbm4b:s0+s3], $0x80, $0x38;
	[tilespmem:$0x18200] =	vst v63  }
0x79: {  	_ =	swait.ge [sflag:s14], $0x80  }
0x7a: {  	[sflag:s14] =	ssyncset.done $0x0  }
0x7b: {  	[sflag:s14] =	ssyncadd.s32 $0xFFFFFF80  }
0x7c: {  	[tilespmem:s16], [sflag:$0x1] =	stream.indirect.gather [hbm4b:s5+s15], $0x80, s3, s15, $0xb8;
	[tilespmem:$0x18200] =	vst v63  }
.Ltmp6:
0x7d: {  	_ = 	snop;
	(pc) =	sbr.rel .LBB2_7-.Ltmp6, $4  }
0x7e: {  	_ = 	snop  }
0x7f: {  	[tilespmem:s17], [sflag:$0x1] =	stream.indirect.gather [hbm4b:s1+s15], $0x80, s15, s15, $0xb8;
	[tilespmem:$0x18200] =	vst v63  }
0x80: {  	_ = 	snop  }
0x81: {  	[tilespmem:s18], [sflag:$0x1] =	stream.indirect.gather [hbm4b:s6+s15], $0x80, s3, s15, $0xb8;
	[tilespmem:$0x18200] =	vst v63  }
.LBB2_6:
.Ltmp7:
0x82: {  	(pc) =	sbr.rel @p0 .LBB2_10-.Ltmp7, $1  }
0x83: {  	_ =	sdelay $0x3  }
.LBB2_7:
0x84: {  	_ =	swait.ge [sflag:s21], $0x4000  }
0x85: {  	[sflag:s21] =	ssyncset.done $0x0  }
0x86: {  	[sflag:s21] =	ssyncadd.s32 $0xFFFFC000  }
0x87: {  	_ =	swait.ge [sflag:s21], $0x4000  }
0x88: {  	[sflag:s21] =	ssyncset.done $0x0  }
0x89: {  	[sflag:s21] =	ssyncadd.s32 $0xFFFFC000  }
0x8a: {  	_ =	swait.ge [sflag:s21], $0x4000  }
0x8b: {  	[sflag:s21] =	ssyncset.done $0x0  }
0x8c: {  	s28 =	simm.s32 $0x0;
	[sflag:s21] =	ssyncadd.s32 $0xFFFFC000  }
0x8d: {  	v7 =	vld [tilespmem:s28+$0x10200]  }
0x8e: {  	v11 =	vld [tilespmem:s28+$0x10210]  }
0x8f: {  	v5 =	vld [tilespmem:s28+$0x10220]  }
0x90: {  	v4 =	vld [tilespmem:s28+$0x10230]  }
0x91: {  	v3 =	vld [tilespmem:s28+$0x10240]  }
0x92: {  	v2 =	vld [tilespmem:s28+$0x10250]  }
0x93: {  	v1 =	vld [tilespmem:s28+$0x10260]  }
0x94: {  	v0 =	vld [tilespmem:s28+$0x10270]  }
0x95: {  	v12 =	vld [tilespmem:s28+$0xC200]  }
0x96: {  	v13 =	vld [tilespmem:s28+$0xC210]  }
0x97: {  	v10 =	vld [tilespmem:s28+$0xC220]  }
0x98: {  	v9 =	vld [tilespmem:s28+$0xC230]  }
0x99: {  	v8 =	vld [tilespmem:s28+$0xC240]  }
0x9a: {  	v6 =	vld [tilespmem:s28+$0xC250];
	v12 =	vadd.f32 v7, v12  }
0x9b: {  	s29 =	simm.s32 $0x200;
	v11 =	vadd.f32 v11, v13;
	v7 =	vld [tilespmem:s28+$0xC260]  }
.LBB2_8:
0x9c: {  	s0 =	sshra.s32 s29, $0x2;
	p0 =	sne.s32 s29, $0xFE00;
	[tilespmem:s28+$0xC200] =	vst v12;
	v5 =	vadd.f32 v5, v10;
	v10 =	vld [tilespmem:s28+$0xC270]  }
0x9d: {  	v12 =	vld [tilespmem:s0+$0x10200];
	[tilespmem:s28+$0xC210] =	vst v11;
	v4 =	vadd.f32 v4, v9  }
0x9e: {  	v11 =	vld [tilespmem:s0+$0x10210];
	[tilespmem:s28+$0xC220] =	vst v5;
	v3 =	vadd.f32 v3, v8  }
0x9f: {  	v5 =	vld [tilespmem:s0+$0x10220];
	[tilespmem:s28+$0xC230] =	vst v4;
	v2 =	vadd.f32 v2, v6  }
0xa0: {  	v4 =	vld [tilespmem:s0+$0x10230];
	[tilespmem:s28+$0xC240] =	vst v3;
	v1 =	vadd.f32 v1, v7  }
0xa1: {  	v3 =	vld [tilespmem:s0+$0x10240];
	[tilespmem:s28+$0xC250] =	vst v2;
	v0 =	vadd.f32 v0, v10  }
0xa2: {  	v2 =	vld [tilespmem:s0+$0x10250];
	[tilespmem:s28+$0xC260] =	vst v1  }
0xa3: {  	v1 =	vld [tilespmem:s0+$0x10260];
	[tilespmem:s28+$0xC270] =	vst v0;
	s28 =	smov.u32 s0  }
0xa4: {  	v0 =	vld [tilespmem:s28+$0x10270]  }
0xa5: {  	v6 =	vld [tilespmem:s28+$0xC200]  }
0xa6: {  	v7 =	vld [tilespmem:s28+$0xC210]  }
.Ltmp8:
0xa7: {  	v10 =	vld [tilespmem:s28+$0xC220];
	(pc) =	sbr.rel @p0 .LBB2_8-.Ltmp8, $4  }
0xa8: {  	v9 =	vld [tilespmem:s28+$0xC230]  }
0xa9: {  	v8 =	vld [tilespmem:s28+$0xC240]  }
0xaa: {  	v12 =	vadd.f32 v12, v6;
	v6 =	vld [tilespmem:s28+$0xC250]  }
0xab: {  	s29 =	sadd.s32 $0x200, s29;
	v11 =	vadd.f32 v11, v7;
	v7 =	vld [tilespmem:s28+$0xC260]  }
0xac: {  	[tilespmem:s28+$0xC200] =	vst v12;
	v5 =	vadd.f32 v5, v10;
	v63 =	vld [tilespmem:s28+$0xC270]  }
0xad: {  	[tilespmem:s28+$0xC210] =	vst v11;
	v4 =	vadd.f32 v4, v9  }
0xae: {  	[tilespmem:s28+$0xC220] =	vst v5;
	v3 =	vadd.f32 v3, v8  }
0xaf: {  	[tilespmem:s28+$0xC230] =	vst v4;
	v2 =	vadd.f32 v2, v6  }
0xb0: {  	[tilespmem:s28+$0xC240] =	vst v3;
	v1 =	vadd.f32 v1, v7  }
0xb1: {  	[tilespmem:s28+$0xC250] =	vst v2;
	v0 =	vadd.f32 v0, v63  }
0xb2: {  	s0 =	sshll.u32 s26, $0xB;
	[tilespmem:s28+$0xC260] =	vst v1  }
0xb3: {  	s4 =	sadd.s32 s2, s0;
	[tilespmem:s28+$0xC270] =	vst v0  }
0xb4: {  	[hbm4b:s4+s3] =	stream.linear.scatter [tilespmem:s22], [sflag:$0x3], $0x4000, $0x38;
	[tilespmem:$0x18200] =	vst v63  }
0xb5: {  	s0 =	sadd.s32 s10, s0  }
0xb6: {  	[hbm4b:s0+s3] =	stream.linear.scatter [tilespmem:s23], [sflag:$0x3], $0x4000, $0x38;
	[tilespmem:$0x18200] =	vst v63  }
0xb7: {  	_ =	swait.ge [sflag:s20], $0x4000  }
.Ltmp9:
0xb8: {  	[sflag:s20] =	ssyncset.done $0x0;
	(pc) =	sbr.rel .LBB2_10-.Ltmp9, $4  }
0xb9: {  	[sflag:s20] =	ssyncadd.s32 $0xFFFFC000  }
0xba: {  	_ =	swait.ge [sflag:s20], $0x4000  }
0xbb: {  	[sflag:s20] =	ssyncset.done $0x0  }
0xbc: {  	[sflag:s20] =	ssyncadd.s32 $0xFFFFC000  }
.LBB2_12:
0xbd: {  	_ =	sfence.sel $0x180000  }
0xbe: {  	[bflag:$0x0] =	sbarrier.arrive $0xFFFF  }
0xbf: {  	_ =	strace $0x9000004A  }
0xc0: {  	s0 =	stileid.u32;
	[bflag:$0x2] =	sbarrier.arrive $0xFFFF  }
0xc1: {  	p0 =	sne.s32 s0, $0x0;
	s0 =	rddreg [dreg:$0x3]  }
0xc2: {  	s0 =	sadd.s32 @!p0 $0x100000, s0  }
0xc3: {  	[sflag:s0] =	ssyncadd.tile.s32 @!p0 $0x1;
	_ =	shalt  }
.Lfunc_end2:
_tile_overlayer_lowered:
.L_overlay_start_2:
0xc4: {  	(tag) =	ssettag $0x2  }
0xc5: {  	s0 =	rddreg [dreg:$0x0];
	s2 =	stileid.u32  }
0xc6: {  	s1 =	rddreg [dreg:$0x1];
	p0 =	sne.s32 s2, $0x0  }
0xc7: {  	s3 =	rddreg [dreg:$0x2];
	[bflag:$0x3] =	sbarrier.arrive $0xFFFF;
	s2 =	simm.s32 @!p0 $0x1C04  }
0xc8: {  	[timem:s3], [sflag:s2] =	dma.local @!p0 [hbm:s0], s1  }
0xc9: {  	s0 =	simm.s32 @!p0 $0x4  }
0xca: {  	_ =	swait.ge @!p0 [sflag:s0], s1  }
0xcb: {  	s1 =	ssub.s32 @!p0 $0x0, s1;
	[sflag:s0] =	ssyncset.done @!p0 $0x0  }
0xcc: {  	[sflag:s0] =	ssyncadd.s32 @!p0 s1  }
0xcd: {  	[bflag:$0x3] =	sbarrier.arrive $0xFFFF  }
0xce: {  	_ =	shalt  }

// kernel: kernel.17.cloned.1.call-start
scs
__scs_entry_jumppad:
0x0: {  	(pc) =	sbr.rel $0x88, $3  }
0x1: {  	(tag) =	ssettag $0x0;
	lr =	simm.s32 $0x1  }
0x2: {  	[smem:$0x3F94] =	sst lr;
	_ =	strace $0xD0000000  }
0x3: {  	_ = 	snop  }
0x4: {  	_ = 	snop  }
0x5: {  	_ = 	snop  }
0x6: {  	_ = 	snop  }
0x7: {  	_ = 	snop  }
__scs_overlays_trampoline_lowered:
0x8: {  	[smem:$0x3FA3] =	sst s0  }
0x9: {  	[smem:$0x3FA4] =	sst s1  }
0xa: {  	[smem:$0x3FA5] =	sst s2  }
0xb: {  	[smem:$0x3FA6] =	sst s3  }
0xc: {  	[smem:$0x3FA7] =	sst s4  }
0xd: {  	[smem:$0x3FA8] =	sst s5  }
0xe: {  	[smem:$0x3FA9] =	sst s6  }
0xf: {  	[smem:$0x3FAA] =	sst s7  }
0x10: {  	[smem:$0x3FAB] =	sst s8  }
0x11: {  	[smem:$0x3FAC] =	sst s9;
	s0 =	simm.s32 @!p0 $0x0  }
0x12: {  	s1 =	sld [smem:$0x3F92];
	s0 =	simm.s32 @p0 $0x1  }
0x13: {  	[smem:$0x3FAD] =	sst s0;
	s0 =	simm.s32 @!p1 $0x0  }
0x14: {  	s2 =	sld [smem:$0x3F91];
	s0 =	simm.s32 @p1 $0x1  }
0x15: {  	[smem:$0x3FAE] =	sst s0;
	s0 =	simm.s32 @!p2 $0x0  }
0x16: {  	s3 =	sld [smem:$0x3FDB];
	s0 =	simm.s32 @p2 $0x1  }
0x17: {  	s4 =	simm.s32 $0x1BF5;
	[smem:$0x3FB0] =	sst s0  }
0x18: {  	s0 =	sld [smem:$0x3F93];
	_ =	swait.ge [sflag:s4], $0x0  }
0x19: {  	s7 =	sld [smem:$0x3F94]  }
0x1a: {  	s8 =	sadd.s32 $0xFFFFE003, lr  }
0x1b: {  	s9 =	sadd.s32 $0xFFFFFEF7, lr;
	s5 =	simm.s32 $0xFFFFFFFF;
	p2 =	slt.u32 s8, $0xFFFFF086  }
0x1c: {  	p1 =	slt.u32 s9, $0xF7A;
	s5 =	simm.s32 @!p2 $0x0  }
0x1d: {  	s5 =	simm.s32 @p1 $0x1;
	p0 =	seq.s32 s7, s2  }
0x1e: {  	s7 =	smul.u32 @!p0 $0xF7A, s2;
	p2 =	seq.s32 @!p0 s5, $0x0  }
0x1f: {  	s9 =	smul.u32 $0xF7A, s1;
	s8 =	simm.s32 @!p0 $0x1BF5;
	p2 =	por !p2, p0  }
0x20: {  	[sflag:s8] =	ssyncset.s32 @!p0 $0xFFFFF086;
	s6 =	sadd.s32 @!p0 s3, s7;
	s7 =	simm.s32 @!p0 $0x108  }
0x21: {  	s3 =	sadd.s32 s3, s9;
	s6 =	sadd.s32 @!p0 $0x88, s6;
	s7 =	simm.s32 @p2 $0x1082  }
0x22: {  	[simem:s7], [sflag:s8] =	dma.local @!p0 [hbm:s6], $0xF7A  }
0x23: {  	s9 =	sor.u32 $0xD0000000, s2;
	s6 =	simm.s32 $0x108;
	_ =	swait.ge @!p0 [sflag:s8], $0x0  }
0x24: {  	s3 =	sadd.s32 $0x88, s3;
	s6 =	simm.s32 @!p1 $0x1082;
	[sflag:s4] =	ssyncset.s32 $0xFFFFF086  }
0x25: {  	[simem:s6], [sflag:s4] =	dma.local [hbm:s3], $0xF7A  }
0x26: {  	[smem:$0x3F94] =	sst s1;
	(tag) =	ssettag s2;
	_ =	strace s9  }
0x27: {  	s1 =	sld [smem:$0x3FA4]  }
0x28: {  	s2 =	sld [smem:$0x3FA5]  }
0x29: {  	s4 =	sld [smem:$0x3FA7]  }
0x2a: {  	p0 =	seq.s32 s5, $0x0;
	s5 =	sld [smem:$0x3FA8]  }
0x2b: {  	s6 =	sld [smem:$0x3FA9]  }
0x2c: {  	s7 =	sld [smem:$0x3FAA]  }
0x2d: {  	s3 =	simm.s32 $0x108;
	s8 =	sld [smem:$0x3FAB]  }
0x2e: {  	s3 =	simm.s32 @!p0 $0x1082;
	s9 =	sld [smem:$0x3FAC]  }
0x2f: {  	lr =	sadd.s32 s0, s3;
	s0 =	sld [smem:$0x3FA3]  }
0x30: {  	s3 =	sld [smem:$0x3FA6]  }
0x31: {  	[smem:$0x3FAF] =	sst s10  }
0x32: {  	s10 =	sld [smem:$0x3FAD];
	_ =	sdelay $0x3  }
0x33: {  	p0 =	seq.s32 s10, $0x1;
	s10 =	sld [smem:$0x3FAF];
	_ =	sdelay $0x3  }
0x34: {  	[smem:$0x3FAF] =	sst s10  }
0x35: {  	s10 =	sld [smem:$0x3FAE];
	_ =	sdelay $0x3  }
0x36: {  	p1 =	seq.s32 s10, $0x1;
	s10 =	sld [smem:$0x3FAF];
	_ =	sdelay $0x3  }
0x37: {  	[smem:$0x3FAF] =	sst s10  }
0x38: {  	s10 =	sld [smem:$0x3FB0]  }
0x39: {  	_ = 	snop;
	(pc) =	sbr.ind lr, $3  }
0x3a: {  	_ = 	snop  }
0x3b: {  	_ = 	snop  }
0x3c: {  	p2 =	seq.s32 s10, $0x1;
	s10 =	sld [smem:$0x3FAF]  }
0x3d: {  	_ =	shalt  }
0x3e: {  	_ =	shalt  }
0x3f: {  	_ =	shalt  }
0x40: {  	_ =	shalt  }
0x41: {  	_ =	shalt  }
0x42: {  	_ =	shalt  }
0x43: {  	_ =	shalt  }
0x44: {  	_ =	shalt  }
0x45: {  	_ =	shalt  }
0x46: {  	_ =	shalt  }
0x47: {  	_ =	shalt  }
0x48: {  	_ =	shalt  }
0x49: {  	_ =	shalt  }
0x4a: {  	_ =	shalt  }
0x4b: {  	_ =	shalt  }
0x4c: {  	_ =	shalt  }
0x4d: {  	_ =	shalt  }
0x4e: {  	_ =	shalt  }
0x4f: {  	_ =	shalt  }
0x50: {  	_ =	shalt  }
0x51: {  	_ =	shalt  }
0x52: {  	_ =	shalt  }
0x53: {  	_ =	shalt  }
0x54: {  	_ =	shalt  }
0x55: {  	_ =	shalt  }
0x56: {  	_ =	shalt  }
0x57: {  	_ =	shalt  }
0x58: {  	_ =	shalt  }
0x59: {  	_ =	shalt  }
0x5a: {  	_ =	shalt  }
0x5b: {  	_ =	shalt  }
0x5c: {  	_ =	shalt  }
0x5d: {  	_ =	shalt  }
0x5e: {  	_ =	shalt  }
0x5f: {  	_ =	shalt  }
0x60: {  	_ =	shalt  }
0x61: {  	_ =	shalt  }
0x62: {  	_ =	shalt  }
0x63: {  	_ =	shalt  }
0x64: {  	_ =	shalt  }
0x65: {  	_ =	shalt  }
0x66: {  	_ =	shalt  }
0x67: {  	_ =	shalt  }
0x68: {  	_ =	shalt  }
0x69: {  	_ =	shalt  }
0x6a: {  	_ =	shalt  }
0x6b: {  	_ =	shalt  }
0x6c: {  	_ =	shalt  }
0x6d: {  	_ =	shalt  }
0x6e: {  	_ =	shalt  }
0x6f: {  	_ =	shalt  }
0x70: {  	_ =	shalt  }
0x71: {  	_ =	shalt  }
0x72: {  	_ =	shalt  }
0x73: {  	_ =	shalt  }
0x74: {  	_ =	shalt  }
0x75: {  	_ =	shalt  }
0x76: {  	_ =	shalt  }
0x77: {  	_ =	shalt  }
0x78: {  	_ =	shalt  }
0x79: {  	_ =	shalt  }
0x7a: {  	_ =	shalt  }
0x7b: {  	_ =	shalt  }
0x7c: {  	_ =	shalt  }
0x7d: {  	_ =	shalt  }
0x7e: {  	_ =	shalt  }
0x7f: {  	_ =	shalt  }
0x80: {  	_ =	shalt  }
0x81: {  	_ =	shalt  }
0x82: {  	_ =	shalt  }
0x83: {  	_ =	shalt  }
0x84: {  	_ =	shalt  }
0x85: {  	_ =	shalt  }
0x86: {  	_ =	shalt  }
0x87: {  	_ =	shalt  }
.Lfunc_end0:
.L_simem_size_0:
called_computation.1_lowered:
.L_overlay_start_0:
0x88: {  	s2 =	sld [smem:$0x3FD9]  }
0x89: {  	s3 =	sld [smem:$0x3FFE];
	_ =	sdelay $0x1  }
0x8a: {  	s1 =	srdreg.scid  }
0x8b: {  	s0 =	sand.u32 $0x1, s1  }
0x8c: {  	s15 =	sshll.u32 s0, $0xA;
	s2 =	sadd.s32 s3, s2  }
0x8d: {  	s2 =	sadd.s32 s2, s15  }
0x8e: {  	[smem:$0x3FBB] =	sst s2  }
0x8f: {  	_ = 	snop  }
0x90: {  	s2 =	sld [smem:$0x3FD0];
	_ =	sdelay $0x2  }
0x91: {  	s16 =	simm.s32 $0xF;
	s4 =	simm.s32 $0x10  }
0x92: {  	[smem:s4], [sflag:s16] =	dma.local [hbm:s2], $0x1  }
0x93: {  	_ =	swait.eq [sflag:s16], $0x1  }
0x94: {  	[sflag:s16] =	ssyncset.done $0x0  }
0x95: {  	[sflag:s16] =	ssyncadd.s32 $0xFFFFFFFF  }
0x96: {  	s17 =	sld [smem:$0x10];
	(tm) =	ssettm $0x1  }
0x97: {  	s18 =	sld [smem:$0x3FFB];
	_ =	sdelay $0x3  }
0x98: {  	_ =	strace s18  }
0x99: {  	s2 =	sld [smem:$0x3FFC];
	_ =	sdelay $0x3  }
0x9a: {  	_ =	strace s2  }
0x9b: {  	s2 =	sld [smem:$0x3FFD];
	_ =	sdelay $0x3  }
0x9c: {  	_ =	strace s2  }
0x9d: {  	_ =	strace $0x8FFFFFFF  }
0x9e: {  	s19 =	sld [smem:$0x3FDB];
	_ =	sdelay $0x1  }
0x9f: {  	s20 =	simm.s32 $_scs_section_size  }
0xa0: {  	s5 =	simm.s32 $_size__tile_overlayer_lowered;
	s6 =	simm.s32 $_tile_overlayer_lowered  }
0xa1: {  	s7 =	simm.s32 $0x1BFF;
	s21 =	sshll.u32 s6, $0x1;
	s4 =	sadd.s32 s20, s19  }
0xa2: {  	s22 =	simm.s32 $0x0;
	s5 =	sshll.u32 s5, $0x1;
	s6 =	sadd.s32 s21, s4  }
0xa3: {  	[timem:s22], [sflag:s7] =	dma.local [hbm:s6], s5  }
0xa4: {  	_ =	swait.ge [sflag:s7], s5  }
0xa5: {  	s5 =	ssub.s32 $0x0, s5;
	[sflag:s7] =	ssyncset.done $0x0  }
0xa6: {  	[sflag:s7] =	ssyncadd.s32 s5;
	_ =	sdelay $0x1  }
0xa7: {  	s23 =	simm.s32 $0x1B8B  }
0xa8: {  	_ =	swait.ge [sflag:s23], $0x1  }
0xa9: {  	[sflag:s23] =	ssyncset.done $0x0  }
0xaa: {  	[sflag:s23] =	ssyncadd.s32 $0xFFFFFFFF  }
0xab: {  	s5 =	sld [smem:$0x0]  }
0xac: {  	s6 =	sand.u32 $0xFFFFFFFE, s1  }
0xad: {  	p0 =	sne.s32 s1, s6  }
0xae: {  	s6 =	sshll.u32 @p0 s6, $0xE  }
0xaf: {  	s6 =	sadd.s32 @p0 $0x11B8D, s6;
	s7 =	sshll.u32 @p0 s5, $0x11  }
0xb0: {  	s6 =	sor.u32 @p0 s7, s6  }
0xb1: {  	[sflag:s6] =	ssyncadd.remote.s32 @p0 $0x1;
	_ =	sdelay $0x1  }
0xb2: {  	s6 =	simm.s32 @p0 $0x1B8D  }
0xb3: {  	_ =	swait.eq @p0 [sflag:s6], $0x1  }
0xb4: {  	[sflag:s6] =	ssyncadd.s32 @p0 $0xFFFFFFFF  }
0xb5: {  	s7 =	sshll.u32 @!p0 s1, $0xE  }
0xb6: {  	s7 =	sor.u32 @!p0 $0x4000, s7;
	s6 =	simm.s32 @!p0 $0x1B8D  }
0xb7: {  	s5 =	sshll.u32 @!p0 s5, $0x11;
	s7 =	sadd.s32 @!p0 $0x11B8D, s7;
	_ =	swait.eq @!p0 [sflag:s6], $0x1  }
0xb8: {  	s5 =	sor.u32 @!p0 s5, s7;
	[sflag:s6] =	ssyncadd.s32 @!p0 $0xFFFFFFFF  }
0xb9: {  	s25 =	simm.s32 $0x1B8E;
	s24 =	sld [smem:$0x3FFE];
	[sflag:s5] =	ssyncadd.remote.s32 @!p0 $0x1  }
0xba: {  	s26 =	simm.s32 $execute0_lowered;
	[smem:$0x3FD2] =	sst s25  }
0xbb: {  	s6 =	sshll.u32 s26, $0x1;
	_ =	strace $0x8000005B;
	[dreg:$0x1] =	wrdreg $0xFFFFFFFF  }
0xbc: {  	s28 =	simm.s32 $_size_execute0_lowered;
	s4 =	sadd.s32 s4, s6;
	[dreg:$0x0] =	wrdreg $0x0  }
0xbd: {  	s6 =	sshll.u32 s28, $0x1;
	[dreg:$0x2] =	wrdreg s4  }
0xbe: {  	[dreg:$0x3] =	wrdreg s6  }
0xbf: {  	[dreg:$0x4] =	wrdreg $0xC0  }
0xc0: {  	_ =	task [dreg:s22], $0x5FFFF  }
0xc1: {  	[dreg:$0x1] =	wrdreg $0xFFFFFFFF  }
0xc2: {  	[dreg:$0x0] =	wrdreg $0x60  }
0xc3: {  	[dreg:$0x2] =	wrdreg s24  }
0xc4: {  	[dreg:$0x3] =	wrdreg s17  }
0xc5: {  	[dreg:$0x4] =	wrdreg $0xE5800  }
0xc6: {  	[dreg:$0x5] =	wrdreg $0xC  }
0xc7: {  	_ =	task.clear_ibuf [dreg:s22], $0x6FFFF;
	_ =	strace $0x9000005B  }
0xc8: {  	s29 =	simm.s32 $0xC;
	_ =	strace $0x8000005D  }
0xc9: {  	_ =	swait.ge [sflag:s29], $0x1  }
0xca: {  	[sflag:s29] =	ssyncadd.s32 $0xFFFFFFFF  }
0xcb: {  	_ =	strace $0x9000005D  }
0xcc: {  	_ =	sfence  }
0xcd: {  	s30 =	sld [smem:$0x0];
	_ =	sdelay $0x2  }
0xce: {  	s31 =	sshll.u32 s1, $0xD;
	s1 =	sshrl.u32 s1, $0x2  }
0xcf: {  	s4 =	sand.u32 $0x4000, s31;
	s1 =	sadd.s32 s1, s30  }
0xd0: {  	s0 =	sor.u32 s4, s0;
	s1 =	sshll.u32 s1, $0x11  }
0xd1: {  	s0 =	sor.u32 s1, s0  }
0xd2: {  	s0 =	sadd.s32 $0x8F2B, s0  }
0xd3: {  	[sflag:s0] =	ssyncadd.remote.s32 $0x1  }
0xd4: {  	_ =	sfence.sel $0xFFFF  }
0xd5: {  	[dreg:$0x0] =	wrdreg $0xFFFFFFFF;
	(pc) =	sbr.abs _section_cstart, $3  }
0xd6: {  	[dreg:$0x1] =	wrdreg $0xFFFFFFFF  }
0xd7: {  	_ =	task.clear_ibuf [dreg:s22], $0x2FFFF;
	_ =	strace $0x9FFFFFFF  }
0xd8: {  	(tm) =	ssettm $0x7FFFFFFF  }
0xd9: {  	_ =	shalt  }
tec
execute0_lowered:
.L_overlay_start_1:
0x0: {  	(tag) =	ssettag $0x1  }
0x1: {  	s4 =	rddreg [dreg:$0x0]  }
0x2: {  	s7 =	rddreg [dreg:$0x1]  }
0x3: {  	s1 =	rddreg [dreg:$0x2]  }
0x4: {  	s0 =	rddreg [dreg:$0x3];
	s2 =	simm.s32 $0x0;
	s3 =	srdreg.scid  }
0x5: {  	s15 =	simm.s32 $0x180;
	s16 =	simm.s32 $0x1;
	s17 =	simm.s32 $0x80  }
0x6: {  	s18 =	simm.s32 $0x100;
	s19 =	simm.s32 $0x4;
	s20 =	simm.s32 $0x2  }
0x7: {  	s22 =	simm.s32 $0x3;
	[smem:$0x7FF] =	sst s2;
	s5 =	sand.u32 $0x1, s3  }
0x8: {  	s23 =	simm.s32 $0x0;
	s3 =	stileid.u32;
	s21 =	smul.u32 $0x1388, s5  }
0x9: {  	_ =	strace $0x8000005C;
	s6 =	sshll.u32 s3, $0xB;
	s8 =	smul.u32 $0x3E8, s3  }
0xa: {  	s5 =	ssub.s32 $0x2, s5;
	s9 =	sshll.u32 s3, $0x4;
	s11 =	smul.u32 $0x7D000, s3  }
0xb: {  	p0 =	sgt.u32 s3, $0x4;
	s10 =	sshrl.u32 s5, $0x1;
	s13 =	sadd.s32 s9, s4  }
0xc: {  	s14 =	sadd.s32 s6, s4;
	s30 =	ssub.s32 s5, s10;
	s4 =	sadd.s32 $0x544400, s13  }
.Ltmp0:
0xd: {  	s31 =	sshrl.u32 s11, $0x2;
	s5 =	sadd.s32 $0x1662600, s14;
	(pc) =	sbr.rel .LBB2_1-.Ltmp0, $4  }
0xe: {  	s8 =	sadd.s32 s8, s21;
	s13 =	sadd.s32 $0x544500, s13;
	s14 =	sadd.s32 $0x166A600, s14  }
0xf: {  	v0 =	vmov s21;
	s21 =	simm.s32 $0x4180;
	s6 =	sadd.s32 s31, s1;
	s8 =	sshll.u32 s8, $0x4  }
0x10: {  	s7 =	sadd.s32 s7, s8;
	s8 =	smax.u32 s30, $0x1;
	s9 =	sadd.s32 $0x6400, s6  }
0x11: {  	v1 =	vimm.f32 $0.0e+00;
	s10 =	sadd.s32 $0xC800, s6;
	s11 =	sadd.s32 $0x12C00, s6;
	s12 =	sadd.s32 $0x19000, s6  }
.LBB2_10:
0x12: {  	s24 =	sshll.u32 @!p0 s3, $0x6;
	[bflag:$0x0] =	sbarrier.arrive $0xFFFF;
	s23 =	sadd.s32 $0x1, s23  }
0x13: {  	s25 =	sshrl.u32 @!p0 s6, $0x3;
	s24 =	sor.u32 @!p0 $0x1C03, s24;
	p1 =	sne.s32 s23, s8  }
0x14: {  	[hbm:s7], [sflag:s24] =	dma.local @!p0 [spmem:s25], $0x3E80  }
.Ltmp1:
0x15: {  	_ = 	snop;
	(pc) =	sbr.rel @!p1 .LBB2_11-.Ltmp1, $4  }
0x16: {  	s24 =	simm.s32 @!p0 $0x3  }
0x17: {  	_ =	swait.ge @!p0 [sflag:s24], $0x3E80  }
0x18: {  	[sflag:s24] =	ssyncset.done @!p0 $0x0  }
0x19: {  	[sflag:s24] =	ssyncadd.s32 @!p0 $0xFFFFC180  }
.LBB2_1:
0x1a: {  	s24 =	simm.s32 $0x0;
	s25 =	simm.s32 $0x200  }
.LBB2_2:
0x1b: {  	p1 =	sne.s32 s25, $0x18E00;
	[tilespmem:s24+$0x81F0] =	vst v1  }
0x1c: {  	[tilespmem:s24+$0x8180] =	vst v1  }
0x1d: {  	[tilespmem:s24+$0x8190] =	vst v1  }
.Ltmp2:
0x1e: {  	[tilespmem:s24+$0x81A0] =	vst v1;
	(pc) =	sbr.rel @p1 .LBB2_2-.Ltmp2, $4  }
0x1f: {  	[tilespmem:s24+$0x81B0] =	vst v1  }
0x20: {  	[tilespmem:s24+$0x81C0] =	vst v1  }
0x21: {  	[tilespmem:s24+$0x81D0] =	vst v1  }
0x22: {  	[tilespmem:s24+$0x81E0] =	vst v1;
	s24 =	sshra.s32 s25, $0x2;
	s25 =	sadd.s32 $0x200, s25  }
0x23: {  	[tilespmem:s24+$0x81F0] =	vst v1  }
0x24: {  	[tilespmem:s24+$0x8180] =	vst v1  }
0x25: {  	[tilespmem:s24+$0x8190] =	vst v1  }
0x26: {  	[tilespmem:s24+$0x81A0] =	vst v1  }
0x27: {  	[tilespmem:s24+$0x81B0] =	vst v1  }
0x28: {  	[tilespmem:s24+$0x81C0] =	vst v1  }
0x29: {  	[tilespmem:s24+$0x81D0] =	vst v1  }
0x2a: {  	[tilespmem:s24+$0x81E0] =	vst v1;
	s24 =	simm.s32 @!p0 $0x8180;
	s25 =	simm.s32 @!p0 $0x3  }
0x2b: {  	[spmem:s6] =	stream.linear.scatter @!p0 [tilespmem:s24], [sflag:$0x3], $0x6400, $0x38;
	[tilespmem:$0x18200] =	vst v63  }
0x2c: {  	_ =	swait.ge @!p0 [sflag:s25], $0x6400  }
0x2d: {  	[sflag:s25] =	ssyncset.done @!p0 $0x0  }
0x2e: {  	[sflag:s25] =	ssyncadd.s32 @!p0 $0xFFFF9C00  }
0x2f: {  	[spmem:s9] =	stream.linear.scatter @!p0 [tilespmem:s24], [sflag:$0x3], $0x6400, $0x38;
	[tilespmem:$0x18200] =	vst v63  }
0x30: {  	_ =	swait.ge @!p0 [sflag:s25], $0x6400  }
0x31: {  	[sflag:s25] =	ssyncset.done @!p0 $0x0  }
0x32: {  	[sflag:s25] =	ssyncadd.s32 @!p0 $0xFFFF9C00  }
0x33: {  	[spmem:s10] =	stream.linear.scatter @!p0 [tilespmem:s24], [sflag:$0x3], $0x6400, $0x38;
	[tilespmem:$0x18200] =	vst v63  }
0x34: {  	_ =	swait.ge @!p0 [sflag:s25], $0x6400  }
0x35: {  	[sflag:s25] =	ssyncset.done @!p0 $0x0  }
0x36: {  	[sflag:s25] =	ssyncadd.s32 @!p0 $0xFFFF9C00  }
0x37: {  	[spmem:s11] =	stream.linear.scatter @!p0 [tilespmem:s24], [sflag:$0x3], $0x6400, $0x38;
	[tilespmem:$0x18200] =	vst v63  }
0x38: {  	_ =	swait.ge @!p0 [sflag:s25], $0x6400  }
0x39: {  	[sflag:s25] =	ssyncset.done @!p0 $0x0  }
0x3a: {  	[sflag:s25] =	ssyncadd.s32 @!p0 $0xFFFF9C00  }
0x3b: {  	[spmem:s12] =	stream.linear.scatter @!p0 [tilespmem:s24], [sflag:$0x3], $0x6400, $0x38;
	[tilespmem:$0x18200] =	vst v63  }
0x3c: {  	_ =	swait.ge @!p0 [sflag:s25], $0x6400  }
0x3d: {  	[sflag:s25] =	ssyncset.done @!p0 $0x0  }
.Ltmp3:
0x3e: {  	[sflag:s25] =	ssyncadd.s32 @!p0 $0xFFFF9C00;
	(pc) =	sbr.rel .LBB2_4-.Ltmp3, $4  }
0x3f: {  	s24 =	simm.s32 $0x0;
	[bflag:$0x0] =	sbarrier.arrive $0xFFFF  }
0x40: {  	[tilespmem:s24], [sflag:$0x1] =	stream.linear.gather [hbm4b:s4+s24], $0x80, $0x38;
	[tilespmem:$0x18200] =	vst v63  }
0x41: {  	s26 =	smov.u32 s13;
	s25 =	smov.u32 s14  }
0x42: {  	[tilespmem:s15], [sflag:$0x1] =	stream.linear.gather [hbm4b:s5+s24], $0x4000, $0x38;
	[tilespmem:$0x18200] =	vst v63  }
.LBB2_6:
0x43: {  	s28 =	sadd.s32 $0x100, s26  }
0x44: {  	[tilespmem:s2], [sflag:$0x1] =	stream.linear.gather [hbm4b:s28+s2], $0x80, $0x38;
	[tilespmem:$0x18200] =	vst v63  }
0x45: {  	s31 =	sadd.s32 $0x8000, s25  }
0x46: {  	[tilespmem:s15], [sflag:$0x1] =	stream.linear.gather [hbm4b:s31+s2], $0x4000, $0x38;
	[tilespmem:$0x18200] =	vst v63  }
.LBB2_8:
0x47: {  	_ =	swait.ge [sflag:s20], $0x80  }
0x48: {  	[sflag:s20] =	ssyncset.done $0x0  }
0x49: {  	[sflag:s20] =	ssyncadd.s32 $0xFFFFFF80  }
0x4a: {  	_ =	swait.ge [sflag:s20], $0x4000  }
0x4b: {  	[sflag:s20] =	ssyncset.done $0x0  }
0x4c: {  	[sflag:s20] =	ssyncadd.s32 $0xFFFFC000  }
0x4d: {  	v2 =	vld [tilespmem:$0x80]  }
0x4e: {  	v3 =	vld [tilespmem:$0x90]  }
0x4f: {  	v4 =	vld [tilespmem:$0xA0]  }
0x50: {  	v5 =	vld [tilespmem:$0xB0]  }
0x51: {  	v6 =	vld [tilespmem:$0xC0]  }
0x52: {  	v7 =	vld [tilespmem:$0xD0];
	v2 =	vsub.s32 v2, v0  }
0x53: {  	v8 =	vld [tilespmem:$0xE0];
	v3 =	vsub.s32 v3, v0;
	v2 =	vmin.u32 v2, $0x1388  }
0x54: {  	v63 =	vld [tilespmem:$0xF0];
	[tilespmem:$0x100] =	vst v2;
	v2 =	vmin.u32 v3, $0x1388;
	v3 =	vsub.s32 v4, v0  }
0x55: {  	[tilespmem:$0x110] =	vst v2;
	v2 =	vmin.u32 v3, $0x1388;
	v3 =	vsub.s32 v5, v0  }
0x56: {  	[tilespmem:$0x120] =	vst v2;
	v2 =	vmin.u32 v3, $0x1388;
	v3 =	vsub.s32 v6, v0  }
0x57: {  	[tilespmem:$0x130] =	vst v2;
	v2 =	vmin.u32 v3, $0x1388;
	v3 =	vsub.s32 v7, v0  }
0x58: {  	[tilespmem:$0x140] =	vst v2;
	v2 =	vmin.u32 v3, $0x1388;
	v3 =	vsub.s32 v8, v0  }
0x59: {  	[tilespmem:$0x150] =	vst v2;
	v2 =	vmin.u32 v3, $0x1388;
	v3 =	vsub.s32 v63, v0  }
0x5a: {  	[tilespmem:$0x160] =	vst v2;
	v2 =	vmin.u32 v3, $0x1388  }
0x5b: {  	[tilespmem:$0x170] =	vst v2  }
0x5c: {  	[spmem:s1] =	stream.indirect.scatter.add.f32 [tilespmem:s21], [sflag:$0x3], $0x80, s18, s17, $0xb8;
	[tilespmem:$0x18200] =	vst v63  }
0x5d: {  	_ =	swait.ge [sflag:s22], $0x4000  }
0x5e: {  	[sflag:s22] =	ssyncset.done $0x0  }
0x5f: {  	[sflag:s22] =	ssyncadd.s32 $0xFFFFC000  }
.LBB2_9:
0x60: {  	s24 =	sadd.s32 $0x20, s24  }
0x61: {  	p1 =	sne.s32 s24, $0x500  }
.Ltmp4:
0x62: {  	_ = 	snop;
	(pc) =	sbr.rel @!p1 .LBB2_10-.Ltmp4, $2  }
0x63: {  	_ =	sdelay $0x2  }
0x64: {  	s26 =	sadd.s32 $0x200, s26;
	s25 =	sadd.s32 $0x10000, s25  }
.LBB2_4:
0x65: {  	s28 =	sadd.s32 s24, s3  }
0x66: {  	s29 =	sadd.s32 $0x10, s28;
	p2 =	slt.u32 s28, $0x4E2  }
.Ltmp5:
0x67: {  	p1 =	sgt.u32 s29, $0x4E1;
	(pc) =	sbr.rel @!p2 .LBB2_9-.Ltmp5, $4  }
0x68: {  	s29 =	simm.s32 @!p1 $0x0;
	s30 =	simm.s32 @!p1 $0x80  }
0x69: {  	[tilespmem:s30], [sflag:$0x2] =	stream.linear.gather @!p1 [hbm4b:s26+s29], $0x80, $0x38;
	[tilespmem:$0x18200] =	vst v63  }
0x6a: {  	s30 =	simm.s32 @!p1 $0x4180  }
0x6b: {  	[tilespmem:s30], [sflag:$0x2] =	stream.linear.gather @!p1 [hbm4b:s25+s29], $0x4000, $0x38;
	[tilespmem:$0x18200] =	vst v63  }
0x6c: {  	_ =	swait.ge [sflag:s16], $0x80  }
0x6d: {  	[sflag:s16] =	ssyncset.done $0x0  }
0x6e: {  	[sflag:s16] =	ssyncadd.s32 $0xFFFFFF80  }
0x6f: {  	_ =	swait.ge [sflag:s16], $0x4000  }
0x70: {  	[sflag:s16] =	ssyncset.done $0x0  }
0x71: {  	[sflag:s16] =	ssyncadd.s32 $0xFFFFC000  }
0x72: {  	v2 =	vld [tilespmem:$0x0]  }
0x73: {  	v3 =	vld [tilespmem:$0x10]  }
0x74: {  	v4 =	vld [tilespmem:$0x20]  }
0x75: {  	v5 =	vld [tilespmem:$0x30]  }
0x76: {  	v6 =	vld [tilespmem:$0x40]  }
0x77: {  	v7 =	vld [tilespmem:$0x50];
	v2 =	vsub.s32 v2, v0  }
0x78: {  	v8 =	vld [tilespmem:$0x60];
	v3 =	vsub.s32 v3, v0;
	v2 =	vmin.u32 v2, $0x1388  }
0x79: {  	v63 =	vld [tilespmem:$0x70];
	[tilespmem:$0x100] =	vst v2;
	v2 =	vmin.u32 v3, $0x1388;
	v3 =	vsub.s32 v4, v0  }
0x7a: {  	[tilespmem:$0x110] =	vst v2;
	v2 =	vmin.u32 v3, $0x1388;
	v3 =	vsub.s32 v5, v0  }
0x7b: {  	[tilespmem:$0x120] =	vst v2;
	v2 =	vmin.u32 v3, $0x1388;
	v3 =	vsub.s32 v6, v0  }
0x7c: {  	[tilespmem:$0x130] =	vst v2;
	v2 =	vmin.u32 v3, $0x1388;
	v3 =	vsub.s32 v7, v0  }
0x7d: {  	[tilespmem:$0x140] =	vst v2;
	v2 =	vmin.u32 v3, $0x1388;
	v3 =	vsub.s32 v8, v0  }
0x7e: {  	[tilespmem:$0x150] =	vst v2;
	v2 =	vmin.u32 v3, $0x1388;
	v3 =	vsub.s32 v63, v0  }
0x7f: {  	p2 =	sgt.u32 s28, $0x4C1;
	[tilespmem:$0x160] =	vst v2;
	v2 =	vmin.u32 v3, $0x1388  }
.Ltmp6:
0x80: {  	[tilespmem:$0x170] =	vst v2;
	(pc) =	sbr.rel @!p2 .LBB2_6-.Ltmp6, $4  }
0x81: {  	[spmem:s1] =	stream.indirect.scatter.add.f32 [tilespmem:s15], [sflag:$0x4], $0x80, s18, s17, $0xb8;
	[tilespmem:$0x18200] =	vst v63  }
0x82: {  	_ =	swait.ge [sflag:s19], $0x4000  }
0x83: {  	[sflag:s19] =	ssyncset.done $0x0  }
0x84: {  	[sflag:s19] =	ssyncadd.s32 $0xFFFFC000  }
.Ltmp7:
0x85: {  	(pc) =	sbr.rel @p1 .LBB2_9-.Ltmp7, $4  }
.Ltmp8:
0x86: {  	(pc) =	sbr.rel @!p1 .LBB2_8-.Ltmp8, $4  }
0x87: {  	_ = 	snop  }
0x88: {  	_ = 	snop  }
0x89: {  	_ = 	snop  }
0x8a: {  	_ = 	snop  }
.LBB2_11:
0x8b: {  	_ =	sfence.sel $0x180000  }
0x8c: {  	[bflag:$0x0] =	sbarrier.arrive $0xFFFF  }
0x8d: {  	p0 =	sne.s32 s3, $0x0;
	_ =	strace $0x9000005C  }
0x8e: {  	s0 =	sadd.s32 @!p0 $0x100000, s0;
	[bflag:$0x2] =	sbarrier.arrive $0xFFFF  }
0x8f: {  	[sflag:s0] =	ssyncadd.tile.s32 @!p0 $0x1;
	_ =	shalt  }
.Lfunc_end2:
_tile_overlayer_lowered:
.L_overlay_start_2:
0x90: {  	(tag) =	ssettag $0x2  }
0x91: {  	s0 =	rddreg [dreg:$0x0];
	s2 =	stileid.u32  }
0x92: {  	s1 =	rddreg [dreg:$0x1];
	p0 =	sne.s32 s2, $0x0  }
0x93: {  	s3 =	rddreg [dreg:$0x2];
	[bflag:$0x3] =	sbarrier.arrive $0xFFFF;
	s2 =	simm.s32 @!p0 $0x1C03  }
0x94: {  	[timem:s3], [sflag:s2] =	dma.local @!p0 [hbm:s0], s1  }
0x95: {  	s0 =	simm.s32 @!p0 $0x3  }
0x96: {  	_ =	swait.ge @!p0 [sflag:s0], s1  }
0x97: {  	s1 =	ssub.s32 @!p0 $0x0, s1;
	[sflag:s0] =	ssyncset.done @!p0 $0x0  }
0x98: {  	[sflag:s0] =	ssyncadd.s32 @!p0 s1  }
0x99: {  	[bflag:$0x3] =	sbarrier.arrive $0xFFFF  }
0x9a: {  	_ =	shalt  }

// kernel: kernel.20.cloned.1.call-start
scs
__scs_entry_jumppad:
0x0: {  	(pc) =	sbr.rel $0x88, $3  }
0x1: {  	(tag) =	ssettag $0x0;
	lr =	simm.s32 $0x1  }
0x2: {  	[smem:$0x3F94] =	sst lr;
	_ =	strace $0xD0000000  }
0x3: {  	_ = 	snop  }
0x4: {  	_ = 	snop  }
0x5: {  	_ = 	snop  }
0x6: {  	_ = 	snop  }
0x7: {  	_ = 	snop  }
__scs_overlays_trampoline_lowered:
0x8: {  	[smem:$0x3FA3] =	sst s0  }
0x9: {  	[smem:$0x3FA4] =	sst s1  }
0xa: {  	[smem:$0x3FA5] =	sst s2  }
0xb: {  	[smem:$0x3FA6] =	sst s3  }
0xc: {  	[smem:$0x3FA7] =	sst s4  }
0xd: {  	[smem:$0x3FA8] =	sst s5  }
0xe: {  	[smem:$0x3FA9] =	sst s6  }
0xf: {  	[smem:$0x3FAA] =	sst s7  }
0x10: {  	[smem:$0x3FAB] =	sst s8  }
0x11: {  	[smem:$0x3FAC] =	sst s9;
	s0 =	simm.s32 @!p0 $0x0  }
0x12: {  	s1 =	sld [smem:$0x3F92];
	s0 =	simm.s32 @p0 $0x1  }
0x13: {  	[smem:$0x3FAD] =	sst s0;
	s0 =	simm.s32 @!p1 $0x0  }
0x14: {  	s2 =	sld [smem:$0x3F91];
	s0 =	simm.s32 @p1 $0x1  }
0x15: {  	[smem:$0x3FAE] =	sst s0;
	s0 =	simm.s32 @!p2 $0x0  }
0x16: {  	s3 =	sld [smem:$0x3FDB];
	s0 =	simm.s32 @p2 $0x1  }
0x17: {  	s4 =	simm.s32 $0x1BF5;
	[smem:$0x3FB0] =	sst s0  }
0x18: {  	s0 =	sld [smem:$0x3F93];
	_ =	swait.ge [sflag:s4], $0x0  }
0x19: {  	s7 =	sld [smem:$0x3F94]  }
0x1a: {  	s8 =	sadd.s32 $0xFFFFE003, lr  }
0x1b: {  	s9 =	sadd.s32 $0xFFFFFEF7, lr;
	s5 =	simm.s32 $0xFFFFFFFF;
	p2 =	slt.u32 s8, $0xFFFFF086  }
0x1c: {  	p1 =	slt.u32 s9, $0xF7A;
	s5 =	simm.s32 @!p2 $0x0  }
0x1d: {  	s5 =	simm.s32 @p1 $0x1;
	p0 =	seq.s32 s7, s2  }
0x1e: {  	s7 =	smul.u32 @!p0 $0xF7A, s2;
	p2 =	seq.s32 @!p0 s5, $0x0  }
0x1f: {  	s9 =	smul.u32 $0xF7A, s1;
	s8 =	simm.s32 @!p0 $0x1BF5;
	p2 =	por !p2, p0  }
0x20: {  	[sflag:s8] =	ssyncset.s32 @!p0 $0xFFFFF086;
	s6 =	sadd.s32 @!p0 s3, s7;
	s7 =	simm.s32 @!p0 $0x108  }
0x21: {  	s3 =	sadd.s32 s3, s9;
	s6 =	sadd.s32 @!p0 $0x88, s6;
	s7 =	simm.s32 @p2 $0x1082  }
0x22: {  	[simem:s7], [sflag:s8] =	dma.local @!p0 [hbm:s6], $0xF7A  }
0x23: {  	s9 =	sor.u32 $0xD0000000, s2;
	s6 =	simm.s32 $0x108;
	_ =	swait.ge @!p0 [sflag:s8], $0x0  }
0x24: {  	s3 =	sadd.s32 $0x88, s3;
	s6 =	simm.s32 @!p1 $0x1082;
	[sflag:s4] =	ssyncset.s32 $0xFFFFF086  }
0x25: {  	[simem:s6], [sflag:s4] =	dma.local [hbm:s3], $0xF7A  }
0x26: {  	[smem:$0x3F94] =	sst s1;
	(tag) =	ssettag s2;
	_ =	strace s9  }
0x27: {  	s1 =	sld [smem:$0x3FA4]  }
0x28: {  	s2 =	sld [smem:$0x3FA5]  }
0x29: {  	s4 =	sld [smem:$0x3FA7]  }
0x2a: {  	p0 =	seq.s32 s5, $0x0;
	s5 =	sld [smem:$0x3FA8]  }
0x2b: {  	s6 =	sld [smem:$0x3FA9]  }
0x2c: {  	s7 =	sld [smem:$0x3FAA]  }
0x2d: {  	s3 =	simm.s32 $0x108;
	s8 =	sld [smem:$0x3FAB]  }
0x2e: {  	s3 =	simm.s32 @!p0 $0x1082;
	s9 =	sld [smem:$0x3FAC]  }
0x2f: {  	lr =	sadd.s32 s0, s3;
	s0 =	sld [smem:$0x3FA3]  }
0x30: {  	s3 =	sld [smem:$0x3FA6]  }
0x31: {  	[smem:$0x3FAF] =	sst s10  }
0x32: {  	s10 =	sld [smem:$0x3FAD];
	_ =	sdelay $0x3  }
0x33: {  	p0 =	seq.s32 s10, $0x1;
	s10 =	sld [smem:$0x3FAF];
	_ =	sdelay $0x3  }
0x34: {  	[smem:$0x3FAF] =	sst s10  }
0x35: {  	s10 =	sld [smem:$0x3FAE];
	_ =	sdelay $0x3  }
0x36: {  	p1 =	seq.s32 s10, $0x1;
	s10 =	sld [smem:$0x3FAF];
	_ =	sdelay $0x3  }
0x37: {  	[smem:$0x3FAF] =	sst s10  }
0x38: {  	s10 =	sld [smem:$0x3FB0]  }
0x39: {  	_ = 	snop;
	(pc) =	sbr.ind lr, $3  }
0x3a: {  	_ = 	snop  }
0x3b: {  	_ = 	snop  }
0x3c: {  	p2 =	seq.s32 s10, $0x1;
	s10 =	sld [smem:$0x3FAF]  }
0x3d: {  	_ =	shalt  }
0x3e: {  	_ =	shalt  }
0x3f: {  	_ =	shalt  }
0x40: {  	_ =	shalt  }
0x41: {  	_ =	shalt  }
0x42: {  	_ =	shalt  }
0x43: {  	_ =	shalt  }
0x44: {  	_ =	shalt  }
0x45: {  	_ =	shalt  }
0x46: {  	_ =	shalt  }
0x47: {  	_ =	shalt  }
0x48: {  	_ =	shalt  }
0x49: {  	_ =	shalt  }
0x4a: {  	_ =	shalt  }
0x4b: {  	_ =	shalt  }
0x4c: {  	_ =	shalt  }
0x4d: {  	_ =	shalt  }
0x4e: {  	_ =	shalt  }
0x4f: {  	_ =	shalt  }
0x50: {  	_ =	shalt  }
0x51: {  	_ =	shalt  }
0x52: {  	_ =	shalt  }
0x53: {  	_ =	shalt  }
0x54: {  	_ =	shalt  }
0x55: {  	_ =	shalt  }
0x56: {  	_ =	shalt  }
0x57: {  	_ =	shalt  }
0x58: {  	_ =	shalt  }
0x59: {  	_ =	shalt  }
0x5a: {  	_ =	shalt  }
0x5b: {  	_ =	shalt  }
0x5c: {  	_ =	shalt  }
0x5d: {  	_ =	shalt  }
0x5e: {  	_ =	shalt  }
0x5f: {  	_ =	shalt  }
0x60: {  	_ =	shalt  }
0x61: {  	_ =	shalt  }
0x62: {  	_ =	shalt  }
0x63: {  	_ =	shalt  }
0x64: {  	_ =	shalt  }
0x65: {  	_ =	shalt  }
0x66: {  	_ =	shalt  }
0x67: {  	_ =	shalt  }
0x68: {  	_ =	shalt  }
0x69: {  	_ =	shalt  }
0x6a: {  	_ =	shalt  }
0x6b: {  	_ =	shalt  }
0x6c: {  	_ =	shalt  }
0x6d: {  	_ =	shalt  }
0x6e: {  	_ =	shalt  }
0x6f: {  	_ =	shalt  }
0x70: {  	_ =	shalt  }
0x71: {  	_ =	shalt  }
0x72: {  	_ =	shalt  }
0x73: {  	_ =	shalt  }
0x74: {  	_ =	shalt  }
0x75: {  	_ =	shalt  }
0x76: {  	_ =	shalt  }
0x77: {  	_ =	shalt  }
0x78: {  	_ =	shalt  }
0x79: {  	_ =	shalt  }
0x7a: {  	_ =	shalt  }
0x7b: {  	_ =	shalt  }
0x7c: {  	_ =	shalt  }
0x7d: {  	_ =	shalt  }
0x7e: {  	_ =	shalt  }
0x7f: {  	_ =	shalt  }
0x80: {  	_ =	shalt  }
0x81: {  	_ =	shalt  }
0x82: {  	_ =	shalt  }
0x83: {  	_ =	shalt  }
0x84: {  	_ =	shalt  }
0x85: {  	_ =	shalt  }
0x86: {  	_ =	shalt  }
0x87: {  	_ =	shalt  }
.Lfunc_end0:
.L_simem_size_0:
called_computation.2_lowered:
.L_overlay_start_0:
0x88: {  	s2 =	sld [smem:$0x3FD9]  }
0x89: {  	s3 =	sld [smem:$0x3FFE];
	_ =	sdelay $0x1  }
0x8a: {  	s1 =	srdreg.scid  }
0x8b: {  	s0 =	sand.u32 $0x1, s1  }
0x8c: {  	s17 =	sshll.u32 s0, $0xA;
	s2 =	sadd.s32 s3, s2  }
0x8d: {  	s2 =	sadd.s32 s2, s17  }
0x8e: {  	[smem:$0x3FBB] =	sst s2  }
0x8f: {  	_ = 	snop  }
0x90: {  	(tm) =	ssettm $0x1  }
0x91: {  	s18 =	sld [smem:$0x3FFB];
	_ =	sdelay $0x3  }
0x92: {  	_ =	strace s18  }
0x93: {  	s2 =	sld [smem:$0x3FFC];
	_ =	sdelay $0x3  }
0x94: {  	_ =	strace s2  }
0x95: {  	s2 =	sld [smem:$0x3FFD];
	_ =	sdelay $0x3  }
0x96: {  	_ =	strace s2  }
0x97: {  	_ =	strace $0x8FFFFFFF  }
0x98: {  	s19 =	sld [smem:$0x3FDB];
	_ =	sdelay $0x1  }
0x99: {  	s20 =	simm.s32 $_scs_section_size  }
0x9a: {  	s4 =	simm.s32 $_size__tile_overlayer_lowered;
	s5 =	simm.s32 $_tile_overlayer_lowered  }
0x9b: {  	s6 =	simm.s32 $0x1BFF;
	s21 =	sshll.u32 s5, $0x1;
	s3 =	sadd.s32 s20, s19  }
0x9c: {  	s22 =	simm.s32 $0x0;
	s4 =	sshll.u32 s4, $0x1;
	s5 =	sadd.s32 s21, s3  }
0x9d: {  	[timem:s22], [sflag:s6] =	dma.local [hbm:s5], s4  }
0x9e: {  	_ =	swait.ge [sflag:s6], s4  }
0x9f: {  	s4 =	ssub.s32 $0x0, s4;
	[sflag:s6] =	ssyncset.done $0x0  }
0xa0: {  	[sflag:s6] =	ssyncadd.s32 s4;
	_ =	sdelay $0x1  }
0xa1: {  	s23 =	simm.s32 $0x1B8B  }
0xa2: {  	_ =	swait.ge [sflag:s23], $0x1  }
0xa3: {  	[sflag:s23] =	ssyncset.done $0x0  }
0xa4: {  	[sflag:s23] =	ssyncadd.s32 $0xFFFFFFFF  }
0xa5: {  	s4 =	sld [smem:$0x0]  }
0xa6: {  	s5 =	sand.u32 $0xFFFFFFFE, s1  }
0xa7: {  	p0 =	sne.s32 s1, s5  }
0xa8: {  	s5 =	sshll.u32 @p0 s5, $0xE  }
0xa9: {  	s5 =	sadd.s32 @p0 $0x11B8D, s5;
	s6 =	sshll.u32 @p0 s4, $0x11  }
0xaa: {  	s5 =	sor.u32 @p0 s6, s5  }
0xab: {  	[sflag:s5] =	ssyncadd.remote.s32 @p0 $0x1;
	_ =	sdelay $0x1  }
0xac: {  	s5 =	simm.s32 @p0 $0x1B8D  }
0xad: {  	_ =	swait.eq @p0 [sflag:s5], $0x1  }
0xae: {  	[sflag:s5] =	ssyncadd.s32 @p0 $0xFFFFFFFF  }
0xaf: {  	s6 =	sshll.u32 @!p0 s1, $0xE  }
0xb0: {  	s6 =	sor.u32 @!p0 $0x4000, s6;
	s5 =	simm.s32 @!p0 $0x1B8D  }
0xb1: {  	s4 =	sshll.u32 @!p0 s4, $0x11;
	s6 =	sadd.s32 @!p0 $0x11B8D, s6;
	_ =	swait.eq @!p0 [sflag:s5], $0x1  }
0xb2: {  	s4 =	sor.u32 @!p0 s4, s6;
	[sflag:s5] =	ssyncadd.s32 @!p0 $0xFFFFFFFF  }
0xb3: {  	s25 =	simm.s32 $0x1B8E;
	s24 =	sld [smem:$0x3FFE];
	[sflag:s4] =	ssyncadd.remote.s32 @!p0 $0x1  }
0xb4: {  	s26 =	simm.s32 $execute0_lowered;
	[smem:$0x3FD2] =	sst s25  }
0xb5: {  	s5 =	sshll.u32 s26, $0x1;
	_ =	strace $0x80000058;
	[dreg:$0x1] =	wrdreg $0xFFFFFFFF  }
0xb6: {  	s28 =	simm.s32 $_size_execute0_lowered;
	s3 =	sadd.s32 s3, s5;
	[dreg:$0x0] =	wrdreg $0x0  }
0xb7: {  	s5 =	sshll.u32 s28, $0x1;
	[dreg:$0x2] =	wrdreg s3  }
0xb8: {  	[dreg:$0x3] =	wrdreg s5  }
0xb9: {  	[dreg:$0x4] =	wrdreg $0xC0  }
0xba: {  	_ =	task [dreg:s22], $0x5FFFF  }
0xbb: {  	[dreg:$0x1] =	wrdreg $0xFFFFFFFF  }
0xbc: {  	[dreg:$0x0] =	wrdreg $0x60  }
0xbd: {  	[dreg:$0x2] =	wrdreg s24  }
0xbe: {  	[dreg:$0x3] =	wrdreg $0xE5800  }
0xbf: {  	[dreg:$0x4] =	wrdreg $0xD  }
0xc0: {  	_ =	task.clear_ibuf [dreg:s22], $0x5FFFF;
	_ =	strace $0x90000058  }
0xc1: {  	s29 =	simm.s32 $0xD;
	_ =	strace $0x8000005A  }
0xc2: {  	_ =	swait.ge [sflag:s29], $0x1  }
0xc3: {  	[sflag:s29] =	ssyncadd.s32 $0xFFFFFFFF  }
0xc4: {  	_ =	strace $0x9000005A  }
0xc5: {  	_ =	sfence  }
0xc6: {  	s30 =	sld [smem:$0x0];
	_ =	sdelay $0x2  }
0xc7: {  	s31 =	sshll.u32 s1, $0xD;
	s1 =	sshrl.u32 s1, $0x2  }
0xc8: {  	s4 =	sand.u32 $0x4000, s31;
	s1 =	sadd.s32 s1, s30  }
0xc9: {  	s0 =	sor.u32 s4, s0;
	s1 =	sshll.u32 s1, $0x11  }
0xca: {  	s0 =	sor.u32 s1, s0  }
0xcb: {  	s0 =	sadd.s32 $0x8F2B, s0  }
0xcc: {  	[sflag:s0] =	ssyncadd.remote.s32 $0x1  }
0xcd: {  	_ =	sfence.sel $0xFFFF  }
0xce: {  	[dreg:$0x0] =	wrdreg $0xFFFFFFFF;
	(pc) =	sbr.abs _section_cstart, $3  }
0xcf: {  	[dreg:$0x1] =	wrdreg $0xFFFFFFFF  }
0xd0: {  	_ =	task.clear_ibuf [dreg:s22], $0x2FFFF;
	_ =	strace $0x9FFFFFFF  }
0xd1: {  	(tm) =	ssettm $0x7FFFFFFF  }
tec
execute0_lowered:
.L_overlay_start_1:
0x0: {  	(tag) =	ssettag $0x1  }
0x1: {  	s4 =	rddreg [dreg:$0x0]  }
0x2: {  	s1 =	rddreg [dreg:$0x1];
	s2 =	srdreg.scid  }
0x3: {  	s0 =	rddreg [dreg:$0x2];
	s3 =	simm.s32 $0x0;
	s15 =	simm.s32 $0x180  }
0x4: {  	s16 =	simm.s32 $0x1;
	s17 =	simm.s32 $0x80;
	s18 =	simm.s32 $0x100  }
0x5: {  	s19 =	simm.s32 $0x4;
	s20 =	simm.s32 $0x2;
	s22 =	simm.s32 $0x3  }
0x6: {  	s23 =	simm.s32 $0x0;
	s5 =	sand.u32 $0x1, s2;
	s2 =	stileid.u32  }
0x7: {  	[smem:$0x7FF] =	sst s3;
	s21 =	smul.u32 $0x1388, s5;
	s6 =	sshll.u32 s2, $0xB  }
0x8: {  	s7 =	smul.u32 $0x3E8, s2;
	_ =	strace $0x80000059;
	s28 =	sshll.u32 s2, $0x4  }
0x9: {  	s5 =	ssub.s32 $0x2, s5;
	s8 =	smul.u32 $0x7D000, s2;
	p0 =	sgt.u32 s2, $0x4  }
0xa: {  	s14 =	sadd.s32 s6, s4;
	s13 =	sadd.s32 s28, s4;
	s30 =	sshrl.u32 s5, $0x1  }
0xb: {  	s7 =	sadd.s32 s7, s21;
	s10 =	ssub.s32 s5, s30;
	s5 =	sadd.s32 $0x13F1600, s14  }
.Ltmp0:
0xc: {  	s31 =	sshrl.u32 s8, $0x2;
	s14 =	sadd.s32 $0x13F9600, s14;
	(pc) =	sbr.rel .LBB2_1-.Ltmp0, $4  }
0xd: {  	v0 =	vmov s21;
	s21 =	simm.s32 $0x4180;
	s29 =	sshll.u32 s7, $0x4;
	s6 =	sadd.s32 s31, s1  }
0xe: {  	s8 =	smax.u32 s10, $0x1;
	s9 =	sadd.s32 s29, s4;
	s4 =	sadd.s32 $0x544400, s13  }
0xf: {  	s10 =	sadd.s32 $0xC800, s6;
	s11 =	sadd.s32 $0x12C00, s6;
	s12 =	sadd.s32 $0x19000, s6  }
0x10: {  	v1 =	vimm.f32 $0.0e+00;
	s13 =	sadd.s32 $0x544500, s13;
	s7 =	sadd.s32 $0x31200, s9;
	s9 =	sadd.s32 $0x6400, s6  }
.LBB2_10:
0x11: {  	s24 =	sshll.u32 @!p0 s2, $0x6;
	[bflag:$0x0] =	sbarrier.arrive $0xFFFF;
	s23 =	sadd.s32 $0x1, s23  }
0x12: {  	s25 =	sshrl.u32 @!p0 s6, $0x3;
	s24 =	sor.u32 @!p0 $0x1C03, s24;
	p1 =	sne.s32 s23, s8  }
0x13: {  	[hbm:s7], [sflag:s24] =	dma.local @!p0 [spmem:s25], $0x3E80  }
.Ltmp1:
0x14: {  	_ = 	snop;
	(pc) =	sbr.rel @!p1 .LBB2_11-.Ltmp1, $4  }
0x15: {  	s24 =	simm.s32 @!p0 $0x3  }
0x16: {  	_ =	swait.ge @!p0 [sflag:s24], $0x3E80  }
0x17: {  	[sflag:s24] =	ssyncset.done @!p0 $0x0  }
0x18: {  	[sflag:s24] =	ssyncadd.s32 @!p0 $0xFFFFC180  }
.LBB2_1:
0x19: {  	s24 =	simm.s32 $0x0;
	s25 =	simm.s32 $0x200  }
.LBB2_2:
0x1a: {  	p1 =	sne.s32 s25, $0x18E00;
	[tilespmem:s24+$0x81F0] =	vst v1  }
0x1b: {  	[tilespmem:s24+$0x8180] =	vst v1  }
0x1c: {  	[tilespmem:s24+$0x8190] =	vst v1  }
.Ltmp2:
0x1d: {  	[tilespmem:s24+$0x81A0] =	vst v1;
	(pc) =	sbr.rel @p1 .LBB2_2-.Ltmp2, $4  }
0x1e: {  	[tilespmem:s24+$0x81B0] =	vst v1  }
0x1f: {  	[tilespmem:s24+$0x81C0] =	vst v1  }
0x20: {  	[tilespmem:s24+$0x81D0] =	vst v1  }
0x21: {  	[tilespmem:s24+$0x81E0] =	vst v1;
	s24 =	sshra.s32 s25, $0x2;
	s25 =	sadd.s32 $0x200, s25  }
0x22: {  	[tilespmem:s24+$0x81F0] =	vst v1  }
0x23: {  	[tilespmem:s24+$0x8180] =	vst v1  }
0x24: {  	[tilespmem:s24+$0x8190] =	vst v1  }
0x25: {  	[tilespmem:s24+$0x81A0] =	vst v1  }
0x26: {  	[tilespmem:s24+$0x81B0] =	vst v1  }
0x27: {  	[tilespmem:s24+$0x81C0] =	vst v1  }
0x28: {  	[tilespmem:s24+$0x81D0] =	vst v1  }
0x29: {  	[tilespmem:s24+$0x81E0] =	vst v1;
	s24 =	simm.s32 @!p0 $0x8180;
	s25 =	simm.s32 @!p0 $0x3  }
0x2a: {  	[spmem:s6] =	stream.linear.scatter @!p0 [tilespmem:s24], [sflag:$0x3], $0x6400, $0x38;
	[tilespmem:$0x18200] =	vst v63  }
0x2b: {  	_ =	swait.ge @!p0 [sflag:s25], $0x6400  }
0x2c: {  	[sflag:s25] =	ssyncset.done @!p0 $0x0  }
0x2d: {  	[sflag:s25] =	ssyncadd.s32 @!p0 $0xFFFF9C00  }
0x2e: {  	[spmem:s9] =	stream.linear.scatter @!p0 [tilespmem:s24], [sflag:$0x3], $0x6400, $0x38;
	[tilespmem:$0x18200] =	vst v63  }
0x2f: {  	_ =	swait.ge @!p0 [sflag:s25], $0x6400  }
0x30: {  	[sflag:s25] =	ssyncset.done @!p0 $0x0  }
0x31: {  	[sflag:s25] =	ssyncadd.s32 @!p0 $0xFFFF9C00  }
0x32: {  	[spmem:s10] =	stream.linear.scatter @!p0 [tilespmem:s24], [sflag:$0x3], $0x6400, $0x38;
	[tilespmem:$0x18200] =	vst v63  }
0x33: {  	_ =	swait.ge @!p0 [sflag:s25], $0x6400  }
0x34: {  	[sflag:s25] =	ssyncset.done @!p0 $0x0  }
0x35: {  	[sflag:s25] =	ssyncadd.s32 @!p0 $0xFFFF9C00  }
0x36: {  	[spmem:s11] =	stream.linear.scatter @!p0 [tilespmem:s24], [sflag:$0x3], $0x6400, $0x38;
	[tilespmem:$0x18200] =	vst v63  }
0x37: {  	_ =	swait.ge @!p0 [sflag:s25], $0x6400  }
0x38: {  	[sflag:s25] =	ssyncset.done @!p0 $0x0  }
0x39: {  	[sflag:s25] =	ssyncadd.s32 @!p0 $0xFFFF9C00  }
0x3a: {  	[spmem:s12] =	stream.linear.scatter @!p0 [tilespmem:s24], [sflag:$0x3], $0x6400, $0x38;
	[tilespmem:$0x18200] =	vst v63  }
0x3b: {  	_ =	swait.ge @!p0 [sflag:s25], $0x6400  }
0x3c: {  	[sflag:s25] =	ssyncset.done @!p0 $0x0  }
.Ltmp3:
0x3d: {  	[sflag:s25] =	ssyncadd.s32 @!p0 $0xFFFF9C00;
	(pc) =	sbr.rel .LBB2_4-.Ltmp3, $4  }
0x3e: {  	s24 =	simm.s32 $0x0;
	[bflag:$0x0] =	sbarrier.arrive $0xFFFF  }
0x3f: {  	[tilespmem:s24], [sflag:$0x1] =	stream.linear.gather [hbm4b:s4+s24], $0x80, $0x38;
	[tilespmem:$0x18200] =	vst v63  }
0x40: {  	s26 =	smov.u32 s13;
	s25 =	smov.u32 s14  }
0x41: {  	[tilespmem:s15], [sflag:$0x1] =	stream.linear.gather [hbm4b:s5+s24], $0x4000, $0x38;
	[tilespmem:$0x18200] =	vst v63  }
.LBB2_6:
0x42: {  	s28 =	sadd.s32 $0x100, s26  }
0x43: {  	[tilespmem:s3], [sflag:$0x1] =	stream.linear.gather [hbm4b:s28+s3], $0x80, $0x38;
	[tilespmem:$0x18200] =	vst v63  }
0x44: {  	s31 =	sadd.s32 $0x8000, s25  }
0x45: {  	[tilespmem:s15], [sflag:$0x1] =	stream.linear.gather [hbm4b:s31+s3], $0x4000, $0x38;
	[tilespmem:$0x18200] =	vst v63  }
.LBB2_8:
0x46: {  	_ =	swait.ge [sflag:s20], $0x80  }
0x47: {  	[sflag:s20] =	ssyncset.done $0x0  }
0x48: {  	[sflag:s20] =	ssyncadd.s32 $0xFFFFFF80  }
0x49: {  	_ =	swait.ge [sflag:s20], $0x4000  }
0x4a: {  	[sflag:s20] =	ssyncset.done $0x0  }
0x4b: {  	[sflag:s20] =	ssyncadd.s32 $0xFFFFC000  }
0x4c: {  	v2 =	vld [tilespmem:$0x80]  }
0x4d: {  	v3 =	vld [tilespmem:$0x90]  }
0x4e: {  	v4 =	vld [tilespmem:$0xA0]  }
0x4f: {  	v5 =	vld [tilespmem:$0xB0]  }
0x50: {  	v6 =	vld [tilespmem:$0xC0]  }
0x51: {  	v7 =	vld [tilespmem:$0xD0];
	v2 =	vsub.s32 v2, v0  }
0x52: {  	v8 =	vld [tilespmem:$0xE0];
	v3 =	vsub.s32 v3, v0;
	v2 =	vmin.u32 v2, $0x1388  }
0x53: {  	v63 =	vld [tilespmem:$0xF0];
	[tilespmem:$0x100] =	vst v2;
	v2 =	vmin.u32 v3, $0x1388;
	v3 =	vsub.s32 v4, v0  }
0x54: {  	[tilespmem:$0x110] =	vst v2;
	v2 =	vmin.u32 v3, $0x1388;
	v3 =	vsub.s32 v5, v0  }
0x55: {  	[tilespmem:$0x120] =	vst v2;
	v2 =	vmin.u32 v3, $0x1388;
	v3 =	vsub.s32 v6, v0  }
0x56: {  	[tilespmem:$0x130] =	vst v2;
	v2 =	vmin.u32 v3, $0x1388;
	v3 =	vsub.s32 v7, v0  }
0x57: {  	[tilespmem:$0x140] =	vst v2;
	v2 =	vmin.u32 v3, $0x1388;
	v3 =	vsub.s32 v8, v0  }
0x58: {  	[tilespmem:$0x150] =	vst v2;
	v2 =	vmin.u32 v3, $0x1388;
	v3 =	vsub.s32 v63, v0  }
0x59: {  	[tilespmem:$0x160] =	vst v2;
	v2 =	vmin.u32 v3, $0x1388  }
0x5a: {  	[tilespmem:$0x170] =	vst v2  }
0x5b: {  	[spmem:s1] =	stream.indirect.scatter.add.f32 [tilespmem:s21], [sflag:$0x3], $0x80, s18, s17, $0xb8;
	[tilespmem:$0x18200] =	vst v63  }
0x5c: {  	_ =	swait.ge [sflag:s22], $0x4000  }
0x5d: {  	[sflag:s22] =	ssyncset.done $0x0  }
0x5e: {  	[sflag:s22] =	ssyncadd.s32 $0xFFFFC000  }
.LBB2_9:
0x5f: {  	s24 =	sadd.s32 $0x20, s24  }
0x60: {  	p1 =	sne.s32 s24, $0x500  }
.Ltmp4:
0x61: {  	_ = 	snop;
	(pc) =	sbr.rel @!p1 .LBB2_10-.Ltmp4, $2  }
0x62: {  	_ =	sdelay $0x2  }
0x63: {  	s26 =	sadd.s32 $0x200, s26;
	s25 =	sadd.s32 $0x10000, s25  }
.LBB2_4:
0x64: {  	s28 =	sadd.s32 s24, s2  }
0x65: {  	s29 =	sadd.s32 $0x10, s28;
	p2 =	slt.u32 s28, $0x4E2  }
.Ltmp5:
0x66: {  	p1 =	sgt.u32 s29, $0x4E1;
	(pc) =	sbr.rel @!p2 .LBB2_9-.Ltmp5, $4  }
0x67: {  	s29 =	simm.s32 @!p1 $0x0;
	s30 =	simm.s32 @!p1 $0x80  }
0x68: {  	[tilespmem:s30], [sflag:$0x2] =	stream.linear.gather @!p1 [hbm4b:s26+s29], $0x80, $0x38;
	[tilespmem:$0x18200] =	vst v63  }
0x69: {  	s30 =	simm.s32 @!p1 $0x4180  }
0x6a: {  	[tilespmem:s30], [sflag:$0x2] =	stream.linear.gather @!p1 [hbm4b:s25+s29], $0x4000, $0x38;
	[tilespmem:$0x18200] =	vst v63  }
0x6b: {  	_ =	swait.ge [sflag:s16], $0x80  }
0x6c: {  	[sflag:s16] =	ssyncset.done $0x0  }
0x6d: {  	[sflag:s16] =	ssyncadd.s32 $0xFFFFFF80  }
0x6e: {  	_ =	swait.ge [sflag:s16], $0x4000  }
0x6f: {  	[sflag:s16] =	ssyncset.done $0x0  }
0x70: {  	[sflag:s16] =	ssyncadd.s32 $0xFFFFC000  }
0x71: {  	v2 =	vld [tilespmem:$0x0]  }
0x72: {  	v3 =	vld [tilespmem:$0x10]  }
0x73: {  	v4 =	vld [tilespmem:$0x20]  }
0x74: {  	v5 =	vld [tilespmem:$0x30]  }
0x75: {  	v6 =	vld [tilespmem:$0x40]  }
0x76: {  	v7 =	vld [tilespmem:$0x50];
	v2 =	vsub.s32 v2, v0  }
0x77: {  	v8 =	vld [tilespmem:$0x60];
	v3 =	vsub.s32 v3, v0;
	v2 =	vmin.u32 v2, $0x1388  }
0x78: {  	v63 =	vld [tilespmem:$0x70];
	[tilespmem:$0x100] =	vst v2;
	v2 =	vmin.u32 v3, $0x1388;
	v3 =	vsub.s32 v4, v0  }
0x79: {  	[tilespmem:$0x110] =	vst v2;
	v2 =	vmin.u32 v3, $0x1388;
	v3 =	vsub.s32 v5, v0  }
0x7a: {  	[tilespmem:$0x120] =	vst v2;
	v2 =	vmin.u32 v3, $0x1388;
	v3 =	vsub.s32 v6, v0  }
0x7b: {  	[tilespmem:$0x130] =	vst v2;
	v2 =	vmin.u32 v3, $0x1388;
	v3 =	vsub.s32 v7, v0  }
0x7c: {  	[tilespmem:$0x140] =	vst v2;
	v2 =	vmin.u32 v3, $0x1388;
	v3 =	vsub.s32 v8, v0  }
0x7d: {  	[tilespmem:$0x150] =	vst v2;
	v2 =	vmin.u32 v3, $0x1388;
	v3 =	vsub.s32 v63, v0  }
0x7e: {  	p2 =	sgt.u32 s28, $0x4C1;
	[tilespmem:$0x160] =	vst v2;
	v2 =	vmin.u32 v3, $0x1388  }
.Ltmp6:
0x7f: {  	[tilespmem:$0x170] =	vst v2;
	(pc) =	sbr.rel @!p2 .LBB2_6-.Ltmp6, $4  }
0x80: {  	[spmem:s1] =	stream.indirect.scatter.add.f32 [tilespmem:s15], [sflag:$0x4], $0x80, s18, s17, $0xb8;
	[tilespmem:$0x18200] =	vst v63  }
0x81: {  	_ =	swait.ge [sflag:s19], $0x4000  }
0x82: {  	[sflag:s19] =	ssyncset.done $0x0  }
0x83: {  	[sflag:s19] =	ssyncadd.s32 $0xFFFFC000  }
.Ltmp7:
0x84: {  	(pc) =	sbr.rel @p1 .LBB2_9-.Ltmp7, $4  }
.Ltmp8:
0x85: {  	(pc) =	sbr.rel @!p1 .LBB2_8-.Ltmp8, $4  }
0x86: {  	_ = 	snop  }
0x87: {  	_ = 	snop  }
0x88: {  	_ = 	snop  }
0x89: {  	_ = 	snop  }
.LBB2_11:
0x8a: {  	_ =	sfence.sel $0x180000  }
0x8b: {  	[bflag:$0x0] =	sbarrier.arrive $0xFFFF  }
0x8c: {  	p0 =	sne.s32 s2, $0x0;
	_ =	strace $0x90000059  }
0x8d: {  	s0 =	sadd.s32 @!p0 $0x100000, s0;
	[bflag:$0x2] =	sbarrier.arrive $0xFFFF  }
0x8e: {  	[sflag:s0] =	ssyncadd.tile.s32 @!p0 $0x1;
	_ =	shalt  }
.Lfunc_end2:
_tile_overlayer_lowered:
.L_overlay_start_2:
0x8f: {  	(tag) =	ssettag $0x2  }
0x90: {  	s0 =	rddreg [dreg:$0x0];
	s2 =	stileid.u32  }
0x91: {  	s1 =	rddreg [dreg:$0x1];
	p0 =	sne.s32 s2, $0x0  }
0x92: {  	s3 =	rddreg [dreg:$0x2];
	[bflag:$0x3] =	sbarrier.arrive $0xFFFF;
	s2 =	simm.s32 @!p0 $0x1C03  }
0x93: {  	[timem:s3], [sflag:s2] =	dma.local @!p0 [hbm:s0], s1  }
0x94: {  	s0 =	simm.s32 @!p0 $0x3  }
0x95: {  	_ =	swait.ge @!p0 [sflag:s0], s1  }
0x96: {  	s1 =	ssub.s32 @!p0 $0x0, s1;
	[sflag:s0] =	ssyncset.done @!p0 $0x0  }
0x97: {  	[sflag:s0] =	ssyncadd.s32 @!p0 s1  }
0x98: {  	[bflag:$0x3] =	sbarrier.arrive $0xFFFF  }
0x99: {  	_ =	shalt  }

// kernel: kernel.23.cloned.1.call-start
scs
__scs_entry_jumppad:
0x0: {  	(pc) =	sbr.rel $0x88, $3  }
0x1: {  	(tag) =	ssettag $0x0;
	lr =	simm.s32 $0x1  }
0x2: {  	[smem:$0x3F94] =	sst lr;
	_ =	strace $0xD0000000  }
0x3: {  	_ = 	snop  }
0x4: {  	_ = 	snop  }
0x5: {  	_ = 	snop  }
0x6: {  	_ = 	snop  }
0x7: {  	_ = 	snop  }
__scs_overlays_trampoline_lowered:
0x8: {  	[smem:$0x3FA3] =	sst s0  }
0x9: {  	[smem:$0x3FA4] =	sst s1  }
0xa: {  	[smem:$0x3FA5] =	sst s2  }
0xb: {  	[smem:$0x3FA6] =	sst s3  }
0xc: {  	[smem:$0x3FA7] =	sst s4  }
0xd: {  	[smem:$0x3FA8] =	sst s5  }
0xe: {  	[smem:$0x3FA9] =	sst s6  }
0xf: {  	[smem:$0x3FAA] =	sst s7  }
0x10: {  	[smem:$0x3FAB] =	sst s8  }
0x11: {  	[smem:$0x3FAC] =	sst s9;
	s0 =	simm.s32 @!p0 $0x0  }
0x12: {  	s1 =	sld [smem:$0x3F92];
	s0 =	simm.s32 @p0 $0x1  }
0x13: {  	[smem:$0x3FAD] =	sst s0;
	s0 =	simm.s32 @!p1 $0x0  }
0x14: {  	s2 =	sld [smem:$0x3F91];
	s0 =	simm.s32 @p1 $0x1  }
0x15: {  	[smem:$0x3FAE] =	sst s0;
	s0 =	simm.s32 @!p2 $0x0  }
0x16: {  	s3 =	sld [smem:$0x3FDB];
	s0 =	simm.s32 @p2 $0x1  }
0x17: {  	s4 =	simm.s32 $0x1BF5;
	[smem:$0x3FB0] =	sst s0  }
0x18: {  	s0 =	sld [smem:$0x3F93];
	_ =	swait.ge [sflag:s4], $0x0  }
0x19: {  	s7 =	sld [smem:$0x3F94]  }
0x1a: {  	s8 =	sadd.s32 $0xFFFFE003, lr  }
0x1b: {  	s9 =	sadd.s32 $0xFFFFFEF7, lr;
	s5 =	simm.s32 $0xFFFFFFFF;
	p2 =	slt.u32 s8, $0xFFFFF086  }
0x1c: {  	p1 =	slt.u32 s9, $0xF7A;
	s5 =	simm.s32 @!p2 $0x0  }
0x1d: {  	s5 =	simm.s32 @p1 $0x1;
	p0 =	seq.s32 s7, s2  }
0x1e: {  	s7 =	smul.u32 @!p0 $0xF7A, s2;
	p2 =	seq.s32 @!p0 s5, $0x0  }
0x1f: {  	s9 =	smul.u32 $0xF7A, s1;
	s8 =	simm.s32 @!p0 $0x1BF5;
	p2 =	por !p2, p0  }
0x20: {  	[sflag:s8] =	ssyncset.s32 @!p0 $0xFFFFF086;
	s6 =	sadd.s32 @!p0 s3, s7;
	s7 =	simm.s32 @!p0 $0x108  }
0x21: {  	s3 =	sadd.s32 s3, s9;
	s6 =	sadd.s32 @!p0 $0x88, s6;
	s7 =	simm.s32 @p2 $0x1082  }
0x22: {  	[simem:s7], [sflag:s8] =	dma.local @!p0 [hbm:s6], $0xF7A  }
0x23: {  	s9 =	sor.u32 $0xD0000000, s2;
	s6 =	simm.s32 $0x108;
	_ =	swait.ge @!p0 [sflag:s8], $0x0  }
0x24: {  	s3 =	sadd.s32 $0x88, s3;
	s6 =	simm.s32 @!p1 $0x1082;
	[sflag:s4] =	ssyncset.s32 $0xFFFFF086  }
0x25: {  	[simem:s6], [sflag:s4] =	dma.local [hbm:s3], $0xF7A  }
0x26: {  	[smem:$0x3F94] =	sst s1;
	(tag) =	ssettag s2;
	_ =	strace s9  }
0x27: {  	s1 =	sld [smem:$0x3FA4]  }
0x28: {  	s2 =	sld [smem:$0x3FA5]  }
0x29: {  	s4 =	sld [smem:$0x3FA7]  }
0x2a: {  	p0 =	seq.s32 s5, $0x0;
	s5 =	sld [smem:$0x3FA8]  }
0x2b: {  	s6 =	sld [smem:$0x3FA9]  }
0x2c: {  	s7 =	sld [smem:$0x3FAA]  }
0x2d: {  	s3 =	simm.s32 $0x108;
	s8 =	sld [smem:$0x3FAB]  }
0x2e: {  	s3 =	simm.s32 @!p0 $0x1082;
	s9 =	sld [smem:$0x3FAC]  }
0x2f: {  	lr =	sadd.s32 s0, s3;
	s0 =	sld [smem:$0x3FA3]  }
0x30: {  	s3 =	sld [smem:$0x3FA6]  }
0x31: {  	[smem:$0x3FAF] =	sst s10  }
0x32: {  	s10 =	sld [smem:$0x3FAD];
	_ =	sdelay $0x3  }
0x33: {  	p0 =	seq.s32 s10, $0x1;
	s10 =	sld [smem:$0x3FAF];
	_ =	sdelay $0x3  }
0x34: {  	[smem:$0x3FAF] =	sst s10  }
0x35: {  	s10 =	sld [smem:$0x3FAE];
	_ =	sdelay $0x3  }
0x36: {  	p1 =	seq.s32 s10, $0x1;
	s10 =	sld [smem:$0x3FAF];
	_ =	sdelay $0x3  }
0x37: {  	[smem:$0x3FAF] =	sst s10  }
0x38: {  	s10 =	sld [smem:$0x3FB0]  }
0x39: {  	_ = 	snop;
	(pc) =	sbr.ind lr, $3  }
0x3a: {  	_ = 	snop  }
0x3b: {  	_ = 	snop  }
0x3c: {  	p2 =	seq.s32 s10, $0x1;
	s10 =	sld [smem:$0x3FAF]  }
0x3d: {  	_ =	shalt  }
0x3e: {  	_ =	shalt  }
0x3f: {  	_ =	shalt  }
0x40: {  	_ =	shalt  }
0x41: {  	_ =	shalt  }
0x42: {  	_ =	shalt  }
0x43: {  	_ =	shalt  }
0x44: {  	_ =	shalt  }
0x45: {  	_ =	shalt  }
0x46: {  	_ =	shalt  }
0x47: {  	_ =	shalt  }
0x48: {  	_ =	shalt  }
0x49: {  	_ =	shalt  }
0x4a: {  	_ =	shalt  }
0x4b: {  	_ =	shalt  }
0x4c: {  	_ =	shalt  }
0x4d: {  	_ =	shalt  }
0x4e: {  	_ =	shalt  }
0x4f: {  	_ =	shalt  }
0x50: {  	_ =	shalt  }
0x51: {  	_ =	shalt  }
0x52: {  	_ =	shalt  }
0x53: {  	_ =	shalt  }
0x54: {  	_ =	shalt  }
0x55: {  	_ =	shalt  }
0x56: {  	_ =	shalt  }
0x57: {  	_ =	shalt  }
0x58: {  	_ =	shalt  }
0x59: {  	_ =	shalt  }
0x5a: {  	_ =	shalt  }
0x5b: {  	_ =	shalt  }
0x5c: {  	_ =	shalt  }
0x5d: {  	_ =	shalt  }
0x5e: {  	_ =	shalt  }
0x5f: {  	_ =	shalt  }
0x60: {  	_ =	shalt  }
0x61: {  	_ =	shalt  }
0x62: {  	_ =	shalt  }
0x63: {  	_ =	shalt  }
0x64: {  	_ =	shalt  }
0x65: {  	_ =	shalt  }
0x66: {  	_ =	shalt  }
0x67: {  	_ =	shalt  }
0x68: {  	_ =	shalt  }
0x69: {  	_ =	shalt  }
0x6a: {  	_ =	shalt  }
0x6b: {  	_ =	shalt  }
0x6c: {  	_ =	shalt  }
0x6d: {  	_ =	shalt  }
0x6e: {  	_ =	shalt  }
0x6f: {  	_ =	shalt  }
0x70: {  	_ =	shalt  }
0x71: {  	_ =	shalt  }
0x72: {  	_ =	shalt  }
0x73: {  	_ =	shalt  }
0x74: {  	_ =	shalt  }
0x75: {  	_ =	shalt  }
0x76: {  	_ =	shalt  }
0x77: {  	_ =	shalt  }
0x78: {  	_ =	shalt  }
0x79: {  	_ =	shalt  }
0x7a: {  	_ =	shalt  }
0x7b: {  	_ =	shalt  }
0x7c: {  	_ =	shalt  }
0x7d: {  	_ =	shalt  }
0x7e: {  	_ =	shalt  }
0x7f: {  	_ =	shalt  }
0x80: {  	_ =	shalt  }
0x81: {  	_ =	shalt  }
0x82: {  	_ =	shalt  }
0x83: {  	_ =	shalt  }
0x84: {  	_ =	shalt  }
0x85: {  	_ =	shalt  }
0x86: {  	_ =	shalt  }
0x87: {  	_ =	shalt  }
.Lfunc_end0:
.L_simem_size_0:
called_computation.3_lowered:
.L_overlay_start_0:
0x88: {  	s2 =	sld [smem:$0x3FD9]  }
0x89: {  	s3 =	sld [smem:$0x3FFE];
	_ =	sdelay $0x1  }
0x8a: {  	s1 =	srdreg.scid  }
0x8b: {  	s0 =	sand.u32 $0x1, s1  }
0x8c: {  	s17 =	sshll.u32 s0, $0xA;
	s2 =	sadd.s32 s3, s2  }
0x8d: {  	s2 =	sadd.s32 s2, s17  }
0x8e: {  	[smem:$0x3FBB] =	sst s2  }
0x8f: {  	_ = 	snop  }
0x90: {  	(tm) =	ssettm $0x1  }
0x91: {  	s18 =	sld [smem:$0x3FFB];
	_ =	sdelay $0x3  }
0x92: {  	_ =	strace s18  }
0x93: {  	s2 =	sld [smem:$0x3FFC];
	_ =	sdelay $0x3  }
0x94: {  	_ =	strace s2  }
0x95: {  	s2 =	sld [smem:$0x3FFD];
	_ =	sdelay $0x3  }
0x96: {  	_ =	strace s2  }
0x97: {  	_ =	strace $0x8FFFFFFF  }
0x98: {  	s19 =	sld [smem:$0x3FDB];
	_ =	sdelay $0x1  }
0x99: {  	s20 =	simm.s32 $_scs_section_size  }
0x9a: {  	s4 =	simm.s32 $_size__tile_overlayer_lowered;
	s5 =	simm.s32 $_tile_overlayer_lowered  }
0x9b: {  	s6 =	simm.s32 $0x1BFF;
	s21 =	sshll.u32 s5, $0x1;
	s3 =	sadd.s32 s20, s19  }
0x9c: {  	s22 =	simm.s32 $0x0;
	s4 =	sshll.u32 s4, $0x1;
	s5 =	sadd.s32 s21, s3  }
0x9d: {  	[timem:s22], [sflag:s6] =	dma.local [hbm:s5], s4  }
0x9e: {  	_ =	swait.ge [sflag:s6], s4  }
0x9f: {  	s4 =	ssub.s32 $0x0, s4;
	[sflag:s6] =	ssyncset.done $0x0  }
0xa0: {  	[sflag:s6] =	ssyncadd.s32 s4;
	_ =	sdelay $0x1  }
0xa1: {  	s23 =	simm.s32 $0x1B8B  }
0xa2: {  	_ =	swait.ge [sflag:s23], $0x1  }
0xa3: {  	[sflag:s23] =	ssyncset.done $0x0  }
0xa4: {  	[sflag:s23] =	ssyncadd.s32 $0xFFFFFFFF  }
0xa5: {  	s4 =	sld [smem:$0x0]  }
0xa6: {  	s5 =	sand.u32 $0xFFFFFFFE, s1  }
0xa7: {  	p0 =	sne.s32 s1, s5  }
0xa8: {  	s5 =	sshll.u32 @p0 s5, $0xE  }
0xa9: {  	s5 =	sadd.s32 @p0 $0x11B8D, s5;
	s6 =	sshll.u32 @p0 s4, $0x11  }
0xaa: {  	s5 =	sor.u32 @p0 s6, s5  }
0xab: {  	[sflag:s5] =	ssyncadd.remote.s32 @p0 $0x1;
	_ =	sdelay $0x1  }
0xac: {  	s5 =	simm.s32 @p0 $0x1B8D  }
0xad: {  	_ =	swait.eq @p0 [sflag:s5], $0x1  }
0xae: {  	[sflag:s5] =	ssyncadd.s32 @p0 $0xFFFFFFFF  }
0xaf: {  	s6 =	sshll.u32 @!p0 s1, $0xE  }
0xb0: {  	s6 =	sor.u32 @!p0 $0x4000, s6;
	s5 =	simm.s32 @!p0 $0x1B8D  }
0xb1: {  	s4 =	sshll.u32 @!p0 s4, $0x11;
	s6 =	sadd.s32 @!p0 $0x11B8D, s6;
	_ =	swait.eq @!p0 [sflag:s5], $0x1  }
0xb2: {  	s4 =	sor.u32 @!p0 s4, s6;
	[sflag:s5] =	ssyncadd.s32 @!p0 $0xFFFFFFFF  }
0xb3: {  	s25 =	simm.s32 $0x1B8E;
	s24 =	sld [smem:$0x3FFE];
	[sflag:s4] =	ssyncadd.remote.s32 @!p0 $0x1  }
0xb4: {  	s26 =	simm.s32 $execute0_lowered;
	[smem:$0x3FD2] =	sst s25  }
0xb5: {  	s5 =	sshll.u32 s26, $0x1;
	_ =	strace $0x80000055;
	[dreg:$0x1] =	wrdreg $0xFFFFFFFF  }
0xb6: {  	s28 =	simm.s32 $_size_execute0_lowered;
	s3 =	sadd.s32 s3, s5;
	[dreg:$0x0] =	wrdreg $0x0  }
0xb7: {  	s5 =	sshll.u32 s28, $0x1;
	[dreg:$0x2] =	wrdreg s3  }
0xb8: {  	[dreg:$0x3] =	wrdreg s5  }
0xb9: {  	[dreg:$0x4] =	wrdreg $0xC0  }
0xba: {  	_ =	task [dreg:s22], $0x5FFFF  }
0xbb: {  	[dreg:$0x1] =	wrdreg $0xFFFFFFFF  }
0xbc: {  	[dreg:$0x0] =	wrdreg $0x60  }
0xbd: {  	[dreg:$0x2] =	wrdreg s24  }
0xbe: {  	[dreg:$0x3] =	wrdreg $0xE5800  }
0xbf: {  	[dreg:$0x4] =	wrdreg $0xE  }
0xc0: {  	_ =	task.clear_ibuf [dreg:s22], $0x5FFFF;
	_ =	strace $0x90000055  }
0xc1: {  	s29 =	simm.s32 $0xE;
	_ =	strace $0x80000057  }
0xc2: {  	_ =	swait.ge [sflag:s29], $0x1  }
0xc3: {  	[sflag:s29] =	ssyncadd.s32 $0xFFFFFFFF  }
0xc4: {  	_ =	strace $0x90000057  }
0xc5: {  	_ =	sfence  }
0xc6: {  	s30 =	sld [smem:$0x0];
	_ =	sdelay $0x2  }
0xc7: {  	s31 =	sshll.u32 s1, $0xD;
	s1 =	sshrl.u32 s1, $0x2  }
0xc8: {  	s4 =	sand.u32 $0x4000, s31;
	s1 =	sadd.s32 s1, s30  }
0xc9: {  	s0 =	sor.u32 s4, s0;
	s1 =	sshll.u32 s1, $0x11  }
0xca: {  	s0 =	sor.u32 s1, s0  }
0xcb: {  	s0 =	sadd.s32 $0x8F2B, s0  }
0xcc: {  	[sflag:s0] =	ssyncadd.remote.s32 $0x1  }
0xcd: {  	_ =	sfence.sel $0xFFFF  }
0xce: {  	[dreg:$0x0] =	wrdreg $0xFFFFFFFF;
	(pc) =	sbr.abs _section_cstart, $3  }
0xcf: {  	[dreg:$0x1] =	wrdreg $0xFFFFFFFF  }
0xd0: {  	_ =	task.clear_ibuf [dreg:s22], $0x2FFFF;
	_ =	strace $0x9FFFFFFF  }
0xd1: {  	(tm) =	ssettm $0x7FFFFFFF  }
tec
execute0_lowered:
.L_overlay_start_1:
0x0: {  	(tag) =	ssettag $0x1  }
0x1: {  	s4 =	rddreg [dreg:$0x0]  }
0x2: {  	s1 =	rddreg [dreg:$0x1];
	s2 =	srdreg.scid  }
0x3: {  	s0 =	rddreg [dreg:$0x2];
	s3 =	simm.s32 $0x0;
	s15 =	simm.s32 $0x180  }
0x4: {  	s16 =	simm.s32 $0x1;
	s17 =	simm.s32 $0x80;
	s18 =	simm.s32 $0x100  }
0x5: {  	s19 =	simm.s32 $0x4;
	s20 =	simm.s32 $0x2;
	s22 =	simm.s32 $0x3  }
0x6: {  	s23 =	simm.s32 $0x0;
	s5 =	sand.u32 $0x1, s2;
	s2 =	stileid.u32  }
0x7: {  	[smem:$0x7FF] =	sst s3;
	s21 =	smul.u32 $0x1388, s5;
	s6 =	sshll.u32 s2, $0xB  }
0x8: {  	s7 =	smul.u32 $0x3E8, s2;
	_ =	strace $0x80000056;
	s28 =	sshll.u32 s2, $0x4  }
0x9: {  	s5 =	ssub.s32 $0x2, s5;
	s8 =	smul.u32 $0x7D000, s2;
	p0 =	sgt.u32 s2, $0x4  }
0xa: {  	s14 =	sadd.s32 s6, s4;
	s13 =	sadd.s32 s28, s4;
	s30 =	sshrl.u32 s5, $0x1  }
0xb: {  	s7 =	sadd.s32 s7, s21;
	s10 =	ssub.s32 s5, s30;
	s5 =	sadd.s32 $0x1180600, s14  }
.Ltmp0:
0xc: {  	s31 =	sshrl.u32 s8, $0x2;
	s14 =	sadd.s32 $0x1188600, s14;
	(pc) =	sbr.rel .LBB2_1-.Ltmp0, $4  }
0xd: {  	v0 =	vmov s21;
	s21 =	simm.s32 $0x4180;
	s29 =	sshll.u32 s7, $0x4;
	s6 =	sadd.s32 s31, s1  }
0xe: {  	s8 =	smax.u32 s10, $0x1;
	s9 =	sadd.s32 s29, s4;
	s4 =	sadd.s32 $0x544400, s13  }
0xf: {  	s10 =	sadd.s32 $0xC800, s6;
	s11 =	sadd.s32 $0x12C00, s6;
	s12 =	sadd.s32 $0x19000, s6  }
0x10: {  	v1 =	vimm.f32 $0.0e+00;
	s13 =	sadd.s32 $0x544500, s13;
	s7 =	sadd.s32 $0xA000, s9;
	s9 =	sadd.s32 $0x6400, s6  }
.LBB2_10:
0x11: {  	s24 =	sshll.u32 @!p0 s2, $0x6;
	[bflag:$0x0] =	sbarrier.arrive $0xFFFF;
	s23 =	sadd.s32 $0x1, s23  }
0x12: {  	s25 =	sshrl.u32 @!p0 s6, $0x3;
	s24 =	sor.u32 @!p0 $0x1C03, s24;
	p1 =	sne.s32 s23, s8  }
0x13: {  	[hbm:s7], [sflag:s24] =	dma.local @!p0 [spmem:s25], $0x3E80  }
.Ltmp1:
0x14: {  	_ = 	snop;
	(pc) =	sbr.rel @!p1 .LBB2_11-.Ltmp1, $4  }
0x15: {  	s24 =	simm.s32 @!p0 $0x3  }
0x16: {  	_ =	swait.ge @!p0 [sflag:s24], $0x3E80  }
0x17: {  	[sflag:s24] =	ssyncset.done @!p0 $0x0  }
0x18: {  	[sflag:s24] =	ssyncadd.s32 @!p0 $0xFFFFC180  }
.LBB2_1:
0x19: {  	s24 =	simm.s32 $0x0;
	s25 =	simm.s32 $0x200  }
.LBB2_2:
0x1a: {  	p1 =	sne.s32 s25, $0x18E00;
	[tilespmem:s24+$0x81F0] =	vst v1  }
0x1b: {  	[tilespmem:s24+$0x8180] =	vst v1  }
0x1c: {  	[tilespmem:s24+$0x8190] =	vst v1  }
.Ltmp2:
0x1d: {  	[tilespmem:s24+$0x81A0] =	vst v1;
	(pc) =	sbr.rel @p1 .LBB2_2-.Ltmp2, $4  }
0x1e: {  	[tilespmem:s24+$0x81B0] =	vst v1  }
0x1f: {  	[tilespmem:s24+$0x81C0] =	vst v1  }
0x20: {  	[tilespmem:s24+$0x81D0] =	vst v1  }
0x21: {  	[tilespmem:s24+$0x81E0] =	vst v1;
	s24 =	sshra.s32 s25, $0x2;
	s25 =	sadd.s32 $0x200, s25  }
0x22: {  	[tilespmem:s24+$0x81F0] =	vst v1  }
0x23: {  	[tilespmem:s24+$0x8180] =	vst v1  }
0x24: {  	[tilespmem:s24+$0x8190] =	vst v1  }
0x25: {  	[tilespmem:s24+$0x81A0] =	vst v1  }
0x26: {  	[tilespmem:s24+$0x81B0] =	vst v1  }
0x27: {  	[tilespmem:s24+$0x81C0] =	vst v1  }
0x28: {  	[tilespmem:s24+$0x81D0] =	vst v1  }
0x29: {  	[tilespmem:s24+$0x81E0] =	vst v1;
	s24 =	simm.s32 @!p0 $0x8180;
	s25 =	simm.s32 @!p0 $0x3  }
0x2a: {  	[spmem:s6] =	stream.linear.scatter @!p0 [tilespmem:s24], [sflag:$0x3], $0x6400, $0x38;
	[tilespmem:$0x18200] =	vst v63  }
0x2b: {  	_ =	swait.ge @!p0 [sflag:s25], $0x6400  }
0x2c: {  	[sflag:s25] =	ssyncset.done @!p0 $0x0  }
0x2d: {  	[sflag:s25] =	ssyncadd.s32 @!p0 $0xFFFF9C00  }
0x2e: {  	[spmem:s9] =	stream.linear.scatter @!p0 [tilespmem:s24], [sflag:$0x3], $0x6400, $0x38;
	[tilespmem:$0x18200] =	vst v63  }
0x2f: {  	_ =	swait.ge @!p0 [sflag:s25], $0x6400  }
0x30: {  	[sflag:s25] =	ssyncset.done @!p0 $0x0  }
0x31: {  	[sflag:s25] =	ssyncadd.s32 @!p0 $0xFFFF9C00  }
0x32: {  	[spmem:s10] =	stream.linear.scatter @!p0 [tilespmem:s24], [sflag:$0x3], $0x6400, $0x38;
	[tilespmem:$0x18200] =	vst v63  }
0x33: {  	_ =	swait.ge @!p0 [sflag:s25], $0x6400  }
0x34: {  	[sflag:s25] =	ssyncset.done @!p0 $0x0  }
0x35: {  	[sflag:s25] =	ssyncadd.s32 @!p0 $0xFFFF9C00  }
0x36: {  	[spmem:s11] =	stream.linear.scatter @!p0 [tilespmem:s24], [sflag:$0x3], $0x6400, $0x38;
	[tilespmem:$0x18200] =	vst v63  }
0x37: {  	_ =	swait.ge @!p0 [sflag:s25], $0x6400  }
0x38: {  	[sflag:s25] =	ssyncset.done @!p0 $0x0  }
0x39: {  	[sflag:s25] =	ssyncadd.s32 @!p0 $0xFFFF9C00  }
0x3a: {  	[spmem:s12] =	stream.linear.scatter @!p0 [tilespmem:s24], [sflag:$0x3], $0x6400, $0x38;
	[tilespmem:$0x18200] =	vst v63  }
0x3b: {  	_ =	swait.ge @!p0 [sflag:s25], $0x6400  }
0x3c: {  	[sflag:s25] =	ssyncset.done @!p0 $0x0  }
.Ltmp3:
0x3d: {  	[sflag:s25] =	ssyncadd.s32 @!p0 $0xFFFF9C00;
	(pc) =	sbr.rel .LBB2_4-.Ltmp3, $4  }
0x3e: {  	s24 =	simm.s32 $0x0;
	[bflag:$0x0] =	sbarrier.arrive $0xFFFF  }
0x3f: {  	[tilespmem:s24], [sflag:$0x1] =	stream.linear.gather [hbm4b:s4+s24], $0x80, $0x38;
	[tilespmem:$0x18200] =	vst v63  }
0x40: {  	s26 =	smov.u32 s13;
	s25 =	smov.u32 s14  }
0x41: {  	[tilespmem:s15], [sflag:$0x1] =	stream.linear.gather [hbm4b:s5+s24], $0x4000, $0x38;
	[tilespmem:$0x18200] =	vst v63  }
.LBB2_6:
0x42: {  	s28 =	sadd.s32 $0x100, s26  }
0x43: {  	[tilespmem:s3], [sflag:$0x1] =	stream.linear.gather [hbm4b:s28+s3], $0x80, $0x38;
	[tilespmem:$0x18200] =	vst v63  }
0x44: {  	s31 =	sadd.s32 $0x8000, s25  }
0x45: {  	[tilespmem:s15], [sflag:$0x1] =	stream.linear.gather [hbm4b:s31+s3], $0x4000, $0x38;
	[tilespmem:$0x18200] =	vst v63  }
.LBB2_8:
0x46: {  	_ =	swait.ge [sflag:s20], $0x80  }
0x47: {  	[sflag:s20] =	ssyncset.done $0x0  }
0x48: {  	[sflag:s20] =	ssyncadd.s32 $0xFFFFFF80  }
0x49: {  	_ =	swait.ge [sflag:s20], $0x4000  }
0x4a: {  	[sflag:s20] =	ssyncset.done $0x0  }
0x4b: {  	[sflag:s20] =	ssyncadd.s32 $0xFFFFC000  }
0x4c: {  	v2 =	vld [tilespmem:$0x80]  }
0x4d: {  	v3 =	vld [tilespmem:$0x90]  }
0x4e: {  	v4 =	vld [tilespmem:$0xA0]  }
0x4f: {  	v5 =	vld [tilespmem:$0xB0]  }
0x50: {  	v6 =	vld [tilespmem:$0xC0]  }
0x51: {  	v7 =	vld [tilespmem:$0xD0];
	v2 =	vsub.s32 v2, v0  }
0x52: {  	v8 =	vld [tilespmem:$0xE0];
	v3 =	vsub.s32 v3, v0;
	v2 =	vmin.u32 v2, $0x1388  }
0x53: {  	v63 =	vld [tilespmem:$0xF0];
	[tilespmem:$0x100] =	vst v2;
	v2 =	vmin.u32 v3, $0x1388;
	v3 =	vsub.s32 v4, v0  }
0x54: {  	[tilespmem:$0x110] =	vst v2;
	v2 =	vmin.u32 v3, $0x1388;
	v3 =	vsub.s32 v5, v0  }
0x55: {  	[tilespmem:$0x120] =	vst v2;
	v2 =	vmin.u32 v3, $0x1388;
	v3 =	vsub.s32 v6, v0  }
0x56: {  	[tilespmem:$0x130] =	vst v2;
	v2 =	vmin.u32 v3, $0x1388;
	v3 =	vsub.s32 v7, v0  }
0x57: {  	[tilespmem:$0x140] =	vst v2;
	v2 =	vmin.u32 v3, $0x1388;
	v3 =	vsub.s32 v8, v0  }
0x58: {  	[tilespmem:$0x150] =	vst v2;
	v2 =	vmin.u32 v3, $0x1388;
	v3 =	vsub.s32 v63, v0  }
0x59: {  	[tilespmem:$0x160] =	vst v2;
	v2 =	vmin.u32 v3, $0x1388  }
0x5a: {  	[tilespmem:$0x170] =	vst v2  }
0x5b: {  	[spmem:s1] =	stream.indirect.scatter.add.f32 [tilespmem:s21], [sflag:$0x3], $0x80, s18, s17, $0xb8;
	[tilespmem:$0x18200] =	vst v63  }
0x5c: {  	_ =	swait.ge [sflag:s22], $0x4000  }
0x5d: {  	[sflag:s22] =	ssyncset.done $0x0  }
0x5e: {  	[sflag:s22] =	ssyncadd.s32 $0xFFFFC000  }
.LBB2_9:
0x5f: {  	s24 =	sadd.s32 $0x20, s24  }
0x60: {  	p1 =	sne.s32 s24, $0x500  }
.Ltmp4:
0x61: {  	_ = 	snop;
	(pc) =	sbr.rel @!p1 .LBB2_10-.Ltmp4, $2  }
0x62: {  	_ =	sdelay $0x2  }
0x63: {  	s26 =	sadd.s32 $0x200, s26;
	s25 =	sadd.s32 $0x10000, s25  }
.LBB2_4:
0x64: {  	s28 =	sadd.s32 s24, s2  }
0x65: {  	s29 =	sadd.s32 $0x10, s28;
	p2 =	slt.u32 s28, $0x4E2  }
.Ltmp5:
0x66: {  	p1 =	sgt.u32 s29, $0x4E1;
	(pc) =	sbr.rel @!p2 .LBB2_9-.Ltmp5, $4  }
0x67: {  	s29 =	simm.s32 @!p1 $0x0;
	s30 =	simm.s32 @!p1 $0x80  }
0x68: {  	[tilespmem:s30], [sflag:$0x2] =	stream.linear.gather @!p1 [hbm4b:s26+s29], $0x80, $0x38;
	[tilespmem:$0x18200] =	vst v63  }
0x69: {  	s30 =	simm.s32 @!p1 $0x4180  }
0x6a: {  	[tilespmem:s30], [sflag:$0x2] =	stream.linear.gather @!p1 [hbm4b:s25+s29], $0x4000, $0x38;
	[tilespmem:$0x18200] =	vst v63  }
0x6b: {  	_ =	swait.ge [sflag:s16], $0x80  }
0x6c: {  	[sflag:s16] =	ssyncset.done $0x0  }
0x6d: {  	[sflag:s16] =	ssyncadd.s32 $0xFFFFFF80  }
0x6e: {  	_ =	swait.ge [sflag:s16], $0x4000  }
0x6f: {  	[sflag:s16] =	ssyncset.done $0x0  }
0x70: {  	[sflag:s16] =	ssyncadd.s32 $0xFFFFC000  }
0x71: {  	v2 =	vld [tilespmem:$0x0]  }
0x72: {  	v3 =	vld [tilespmem:$0x10]  }
0x73: {  	v4 =	vld [tilespmem:$0x20]  }
0x74: {  	v5 =	vld [tilespmem:$0x30]  }
0x75: {  	v6 =	vld [tilespmem:$0x40]  }
0x76: {  	v7 =	vld [tilespmem:$0x50];
	v2 =	vsub.s32 v2, v0  }
0x77: {  	v8 =	vld [tilespmem:$0x60];
	v3 =	vsub.s32 v3, v0;
	v2 =	vmin.u32 v2, $0x1388  }
0x78: {  	v63 =	vld [tilespmem:$0x70];
	[tilespmem:$0x100] =	vst v2;
	v2 =	vmin.u32 v3, $0x1388;
	v3 =	vsub.s32 v4, v0  }
0x79: {  	[tilespmem:$0x110] =	vst v2;
	v2 =	vmin.u32 v3, $0x1388;
	v3 =	vsub.s32 v5, v0  }
0x7a: {  	[tilespmem:$0x120] =	vst v2;
	v2 =	vmin.u32 v3, $0x1388;
	v3 =	vsub.s32 v6, v0  }
0x7b: {  	[tilespmem:$0x130] =	vst v2;
	v2 =	vmin.u32 v3, $0x1388;
	v3 =	vsub.s32 v7, v0  }
0x7c: {  	[tilespmem:$0x140] =	vst v2;
	v2 =	vmin.u32 v3, $0x1388;
	v3 =	vsub.s32 v8, v0  }
0x7d: {  	[tilespmem:$0x150] =	vst v2;
	v2 =	vmin.u32 v3, $0x1388;
	v3 =	vsub.s32 v63, v0  }
0x7e: {  	p2 =	sgt.u32 s28, $0x4C1;
	[tilespmem:$0x160] =	vst v2;
	v2 =	vmin.u32 v3, $0x1388  }
.Ltmp6:
0x7f: {  	[tilespmem:$0x170] =	vst v2;
	(pc) =	sbr.rel @!p2 .LBB2_6-.Ltmp6, $4  }
0x80: {  	[spmem:s1] =	stream.indirect.scatter.add.f32 [tilespmem:s15], [sflag:$0x4], $0x80, s18, s17, $0xb8;
	[tilespmem:$0x18200] =	vst v63  }
0x81: {  	_ =	swait.ge [sflag:s19], $0x4000  }
0x82: {  	[sflag:s19] =	ssyncset.done $0x0  }
0x83: {  	[sflag:s19] =	ssyncadd.s32 $0xFFFFC000  }
.Ltmp7:
0x84: {  	(pc) =	sbr.rel @p1 .LBB2_9-.Ltmp7, $4  }
.Ltmp8:
0x85: {  	(pc) =	sbr.rel @!p1 .LBB2_8-.Ltmp8, $4  }
0x86: {  	_ = 	snop  }
0x87: {  	_ = 	snop  }
0x88: {  	_ = 	snop  }
0x89: {  	_ = 	snop  }
.LBB2_11:
0x8a: {  	_ =	sfence.sel $0x180000  }
0x8b: {  	[bflag:$0x0] =	sbarrier.arrive $0xFFFF  }
0x8c: {  	p0 =	sne.s32 s2, $0x0;
	_ =	strace $0x90000056  }
0x8d: {  	s0 =	sadd.s32 @!p0 $0x100000, s0;
	[bflag:$0x2] =	sbarrier.arrive $0xFFFF  }
0x8e: {  	[sflag:s0] =	ssyncadd.tile.s32 @!p0 $0x1;
	_ =	shalt  }
.Lfunc_end2:
_tile_overlayer_lowered:
.L_overlay_start_2:
0x8f: {  	(tag) =	ssettag $0x2  }
0x90: {  	s0 =	rddreg [dreg:$0x0];
	s2 =	stileid.u32  }
0x91: {  	s1 =	rddreg [dreg:$0x1];
	p0 =	sne.s32 s2, $0x0  }
0x92: {  	s3 =	rddreg [dreg:$0x2];
	[bflag:$0x3] =	sbarrier.arrive $0xFFFF;
	s2 =	simm.s32 @!p0 $0x1C03  }
0x93: {  	[timem:s3], [sflag:s2] =	dma.local @!p0 [hbm:s0], s1  }
0x94: {  	s0 =	simm.s32 @!p0 $0x3  }
0x95: {  	_ =	swait.ge @!p0 [sflag:s0], s1  }
0x96: {  	s1 =	ssub.s32 @!p0 $0x0, s1;
	[sflag:s0] =	ssyncset.done @!p0 $0x0  }
0x97: {  	[sflag:s0] =	ssyncadd.s32 @!p0 s1  }
0x98: {  	[bflag:$0x3] =	sbarrier.arrive $0xFFFF  }
0x99: {  	_ =	shalt  }

// kernel: kernel.26.cloned.1.call-start
scs
__scs_entry_jumppad:
0x0: {  	(pc) =	sbr.rel $0x88, $3  }
0x1: {  	(tag) =	ssettag $0x0;
	lr =	simm.s32 $0x1  }
0x2: {  	[smem:$0x3F94] =	sst lr;
	_ =	strace $0xD0000000  }
0x3: {  	_ = 	snop  }
0x4: {  	_ = 	snop  }
0x5: {  	_ = 	snop  }
0x6: {  	_ = 	snop  }
0x7: {  	_ = 	snop  }
__scs_overlays_trampoline_lowered:
0x8: {  	[smem:$0x3FA3] =	sst s0  }
0x9: {  	[smem:$0x3FA4] =	sst s1  }
0xa: {  	[smem:$0x3FA5] =	sst s2  }
0xb: {  	[smem:$0x3FA6] =	sst s3  }
0xc: {  	[smem:$0x3FA7] =	sst s4  }
0xd: {  	[smem:$0x3FA8] =	sst s5  }
0xe: {  	[smem:$0x3FA9] =	sst s6  }
0xf: {  	[smem:$0x3FAA] =	sst s7  }
0x10: {  	[smem:$0x3FAB] =	sst s8  }
0x11: {  	[smem:$0x3FAC] =	sst s9;
	s0 =	simm.s32 @!p0 $0x0  }
0x12: {  	s1 =	sld [smem:$0x3F92];
	s0 =	simm.s32 @p0 $0x1  }
0x13: {  	[smem:$0x3FAD] =	sst s0;
	s0 =	simm.s32 @!p1 $0x0  }
0x14: {  	s2 =	sld [smem:$0x3F91];
	s0 =	simm.s32 @p1 $0x1  }
0x15: {  	[smem:$0x3FAE] =	sst s0;
	s0 =	simm.s32 @!p2 $0x0  }
0x16: {  	s3 =	sld [smem:$0x3FDB];
	s0 =	simm.s32 @p2 $0x1  }
0x17: {  	s4 =	simm.s32 $0x1BF5;
	[smem:$0x3FB0] =	sst s0  }
0x18: {  	s0 =	sld [smem:$0x3F93];
	_ =	swait.ge [sflag:s4], $0x0  }
0x19: {  	s7 =	sld [smem:$0x3F94]  }
0x1a: {  	s8 =	sadd.s32 $0xFFFFE003, lr  }
0x1b: {  	s9 =	sadd.s32 $0xFFFFFEF7, lr;
	s5 =	simm.s32 $0xFFFFFFFF;
	p2 =	slt.u32 s8, $0xFFFFF086  }
0x1c: {  	p1 =	slt.u32 s9, $0xF7A;
	s5 =	simm.s32 @!p2 $0x0  }
0x1d: {  	s5 =	simm.s32 @p1 $0x1;
	p0 =	seq.s32 s7, s2  }
0x1e: {  	s7 =	smul.u32 @!p0 $0xF7A, s2;
	p2 =	seq.s32 @!p0 s5, $0x0  }
0x1f: {  	s9 =	smul.u32 $0xF7A, s1;
	s8 =	simm.s32 @!p0 $0x1BF5;
	p2 =	por !p2, p0  }
0x20: {  	[sflag:s8] =	ssyncset.s32 @!p0 $0xFFFFF086;
	s6 =	sadd.s32 @!p0 s3, s7;
	s7 =	simm.s32 @!p0 $0x108  }
0x21: {  	s3 =	sadd.s32 s3, s9;
	s6 =	sadd.s32 @!p0 $0x88, s6;
	s7 =	simm.s32 @p2 $0x1082  }
0x22: {  	[simem:s7], [sflag:s8] =	dma.local @!p0 [hbm:s6], $0xF7A  }
0x23: {  	s9 =	sor.u32 $0xD0000000, s2;
	s6 =	simm.s32 $0x108;
	_ =	swait.ge @!p0 [sflag:s8], $0x0  }
0x24: {  	s3 =	sadd.s32 $0x88, s3;
	s6 =	simm.s32 @!p1 $0x1082;
	[sflag:s4] =	ssyncset.s32 $0xFFFFF086  }
0x25: {  	[simem:s6], [sflag:s4] =	dma.local [hbm:s3], $0xF7A  }
0x26: {  	[smem:$0x3F94] =	sst s1;
	(tag) =	ssettag s2;
	_ =	strace s9  }
0x27: {  	s1 =	sld [smem:$0x3FA4]  }
0x28: {  	s2 =	sld [smem:$0x3FA5]  }
0x29: {  	s4 =	sld [smem:$0x3FA7]  }
0x2a: {  	p0 =	seq.s32 s5, $0x0;
	s5 =	sld [smem:$0x3FA8]  }
0x2b: {  	s6 =	sld [smem:$0x3FA9]  }
0x2c: {  	s7 =	sld [smem:$0x3FAA]  }
0x2d: {  	s3 =	simm.s32 $0x108;
	s8 =	sld [smem:$0x3FAB]  }
0x2e: {  	s3 =	simm.s32 @!p0 $0x1082;
	s9 =	sld [smem:$0x3FAC]  }
0x2f: {  	lr =	sadd.s32 s0, s3;
	s0 =	sld [smem:$0x3FA3]  }
0x30: {  	s3 =	sld [smem:$0x3FA6]  }
0x31: {  	[smem:$0x3FAF] =	sst s10  }
0x32: {  	s10 =	sld [smem:$0x3FAD];
	_ =	sdelay $0x3  }
0x33: {  	p0 =	seq.s32 s10, $0x1;
	s10 =	sld [smem:$0x3FAF];
	_ =	sdelay $0x3  }
0x34: {  	[smem:$0x3FAF] =	sst s10  }
0x35: {  	s10 =	sld [smem:$0x3FAE];
	_ =	sdelay $0x3  }
0x36: {  	p1 =	seq.s32 s10, $0x1;
	s10 =	sld [smem:$0x3FAF];
	_ =	sdelay $0x3  }
0x37: {  	[smem:$0x3FAF] =	sst s10  }
0x38: {  	s10 =	sld [smem:$0x3FB0]  }
0x39: {  	_ = 	snop;
	(pc) =	sbr.ind lr, $3  }
0x3a: {  	_ = 	snop  }
0x3b: {  	_ = 	snop  }
0x3c: {  	p2 =	seq.s32 s10, $0x1;
	s10 =	sld [smem:$0x3FAF]  }
0x3d: {  	_ =	shalt  }
0x3e: {  	_ =	shalt  }
0x3f: {  	_ =	shalt  }
0x40: {  	_ =	shalt  }
0x41: {  	_ =	shalt  }
0x42: {  	_ =	shalt  }
0x43: {  	_ =	shalt  }
0x44: {  	_ =	shalt  }
0x45: {  	_ =	shalt  }
0x46: {  	_ =	shalt  }
0x47: {  	_ =	shalt  }
0x48: {  	_ =	shalt  }
0x49: {  	_ =	shalt  }
0x4a: {  	_ =	shalt  }
0x4b: {  	_ =	shalt  }
0x4c: {  	_ =	shalt  }
0x4d: {  	_ =	shalt  }
0x4e: {  	_ =	shalt  }
0x4f: {  	_ =	shalt  }
0x50: {  	_ =	shalt  }
0x51: {  	_ =	shalt  }
0x52: {  	_ =	shalt  }
0x53: {  	_ =	shalt  }
0x54: {  	_ =	shalt  }
0x55: {  	_ =	shalt  }
0x56: {  	_ =	shalt  }
0x57: {  	_ =	shalt  }
0x58: {  	_ =	shalt  }
0x59: {  	_ =	shalt  }
0x5a: {  	_ =	shalt  }
0x5b: {  	_ =	shalt  }
0x5c: {  	_ =	shalt  }
0x5d: {  	_ =	shalt  }
0x5e: {  	_ =	shalt  }
0x5f: {  	_ =	shalt  }
0x60: {  	_ =	shalt  }
0x61: {  	_ =	shalt  }
0x62: {  	_ =	shalt  }
0x63: {  	_ =	shalt  }
0x64: {  	_ =	shalt  }
0x65: {  	_ =	shalt  }
0x66: {  	_ =	shalt  }
0x67: {  	_ =	shalt  }
0x68: {  	_ =	shalt  }
0x69: {  	_ =	shalt  }
0x6a: {  	_ =	shalt  }
0x6b: {  	_ =	shalt  }
0x6c: {  	_ =	shalt  }
0x6d: {  	_ =	shalt  }
0x6e: {  	_ =	shalt  }
0x6f: {  	_ =	shalt  }
0x70: {  	_ =	shalt  }
0x71: {  	_ =	shalt  }
0x72: {  	_ =	shalt  }
0x73: {  	_ =	shalt  }
0x74: {  	_ =	shalt  }
0x75: {  	_ =	shalt  }
0x76: {  	_ =	shalt  }
0x77: {  	_ =	shalt  }
0x78: {  	_ =	shalt  }
0x79: {  	_ =	shalt  }
0x7a: {  	_ =	shalt  }
0x7b: {  	_ =	shalt  }
0x7c: {  	_ =	shalt  }
0x7d: {  	_ =	shalt  }
0x7e: {  	_ =	shalt  }
0x7f: {  	_ =	shalt  }
0x80: {  	_ =	shalt  }
0x81: {  	_ =	shalt  }
0x82: {  	_ =	shalt  }
0x83: {  	_ =	shalt  }
0x84: {  	_ =	shalt  }
0x85: {  	_ =	shalt  }
0x86: {  	_ =	shalt  }
0x87: {  	_ =	shalt  }
.Lfunc_end0:
.L_simem_size_0:
called_computation.4_lowered:
.L_overlay_start_0:
0x88: {  	s2 =	sld [smem:$0x3FD9]  }
0x89: {  	s3 =	sld [smem:$0x3FFE];
	_ =	sdelay $0x1  }
0x8a: {  	s1 =	srdreg.scid  }
0x8b: {  	s0 =	sand.u32 $0x1, s1  }
0x8c: {  	s14 =	sshll.u32 s0, $0xA;
	s2 =	sadd.s32 s3, s2  }
0x8d: {  	s2 =	sadd.s32 s2, s14  }
0x8e: {  	[smem:$0x3FBB] =	sst s2  }
0x8f: {  	_ = 	snop  }
0x90: {  	s2 =	sld [smem:$0x3FD0];
	_ =	sdelay $0x2  }
0x91: {  	s15 =	simm.s32 $0xF;
	s4 =	simm.s32 $0x10  }
0x92: {  	[smem:s4], [sflag:s15] =	dma.local [hbm:s2], $0x1  }
0x93: {  	_ =	swait.eq [sflag:s15], $0x1  }
0x94: {  	[sflag:s15] =	ssyncset.done $0x0  }
0x95: {  	[sflag:s15] =	ssyncadd.s32 $0xFFFFFFFF  }
0x96: {  	s16 =	sld [smem:$0x10];
	(tm) =	ssettm $0x1  }
0x97: {  	s17 =	sld [smem:$0x3FFB];
	_ =	sdelay $0x3  }
0x98: {  	_ =	strace s17  }
0x99: {  	s3 =	sld [smem:$0x3FFC];
	_ =	sdelay $0x3  }
0x9a: {  	_ =	strace s3  }
0x9b: {  	s3 =	sld [smem:$0x3FFD];
	_ =	sdelay $0x3  }
0x9c: {  	_ =	strace s3  }
0x9d: {  	_ =	strace $0x8FFFFFFF  }
0x9e: {  	s18 =	sld [smem:$0x3FDB];
	_ =	sdelay $0x1  }
0x9f: {  	s19 =	simm.s32 $_scs_section_size  }
0xa0: {  	s5 =	simm.s32 $_size__tile_overlayer_lowered;
	s6 =	simm.s32 $_tile_overlayer_lowered  }
0xa1: {  	s22 =	simm.s32 $0x1BFF;
	s21 =	sshll.u32 s6, $0x1;
	s3 =	sadd.s32 s19, s18  }
0xa2: {  	s7 =	simm.s32 $0x0;
	s20 =	sshll.u32 s5, $0x1;
	s5 =	sadd.s32 s21, s3  }
0xa3: {  	[timem:s7], [sflag:s22] =	dma.local [hbm:s5], s20  }
0xa4: {  	_ =	swait.ge [sflag:s22], s20  }
0xa5: {  	s4 =	ssub.s32 $0x0, s20;
	[sflag:s22] =	ssyncset.done $0x0  }
0xa6: {  	[sflag:s22] =	ssyncadd.s32 s4;
	_ =	sdelay $0x1  }
0xa7: {  	s23 =	simm.s32 $0x1B8B  }
0xa8: {  	_ =	swait.ge [sflag:s23], $0x1  }
0xa9: {  	[sflag:s23] =	ssyncset.done $0x0  }
0xaa: {  	s25 =	simm.s32 $0x1B8E;
	s24 =	sld [smem:$0x3FFE];
	[sflag:s23] =	ssyncadd.s32 $0xFFFFFFFF  }
0xab: {  	s26 =	simm.s32 $execute0_lowered;
	[smem:$0x3FD2] =	sst s25  }
0xac: {  	s5 =	sshll.u32 s26, $0x1;
	_ =	strace $0x80000046;
	[dreg:$0x1] =	wrdreg $0xFFFFFFFF  }
0xad: {  	s28 =	simm.s32 $_size_execute0_lowered;
	s3 =	sadd.s32 s3, s5;
	[dreg:$0x0] =	wrdreg $0x0  }
0xae: {  	s5 =	sshll.u32 s28, $0x1;
	[dreg:$0x2] =	wrdreg s3  }
0xaf: {  	[dreg:$0x3] =	wrdreg s5  }
0xb0: {  	[dreg:$0x4] =	wrdreg $0xC0  }
0xb1: {  	_ =	task [dreg:s7], $0x5FFFF  }
0xb2: {  	[dreg:$0x1] =	wrdreg $0xFFFFFFFF  }
0xb3: {  	[dreg:$0x0] =	wrdreg $0x60  }
0xb4: {  	[dreg:$0x2] =	wrdreg s16  }
0xb5: {  	[dreg:$0x3] =	wrdreg s24  }
0xb6: {  	[dreg:$0x4] =	wrdreg $0x9  }
0xb7: {  	_ =	task.clear_ibuf [dreg:s7], $0x5FFFF;
	_ =	strace $0x90000046  }
0xb8: {  	s29 =	simm.s32 $0x9;
	_ =	strace $0x80000048  }
0xb9: {  	_ =	swait.ge [sflag:s29], $0x1  }
0xba: {  	[sflag:s29] =	ssyncadd.s32 $0xFFFFFFFF  }
0xbb: {  	_ =	strace $0x90000048  }
0xbc: {  	_ =	sfence  }
0xbd: {  	s30 =	sld [smem:$0x0];
	_ =	sdelay $0x2  }
0xbe: {  	s31 =	sshll.u32 s1, $0xD;
	s1 =	sshrl.u32 s1, $0x2  }
0xbf: {  	s3 =	sand.u32 $0x4000, s31;
	s1 =	sadd.s32 s1, s30  }
0xc0: {  	s0 =	sor.u32 s3, s0;
	s1 =	sshll.u32 s1, $0x11  }
0xc1: {  	s0 =	sor.u32 s1, s0  }
0xc2: {  	s0 =	sadd.s32 $0x8F2B, s0  }
0xc3: {  	[sflag:s0] =	ssyncadd.remote.s32 $0x1  }
0xc4: {  	_ =	sfence.sel $0xFFFF  }
0xc5: {  	[dreg:$0x0] =	wrdreg $0xFFFFFFFF;
	(pc) =	sbr.abs _section_cstart, $3  }
0xc6: {  	[dreg:$0x1] =	wrdreg $0xFFFFFFFF  }
0xc7: {  	_ =	task.clear_ibuf [dreg:s7], $0x2FFFF;
	_ =	strace $0x9FFFFFFF  }
0xc8: {  	(tm) =	ssettm $0x7FFFFFFF  }
0xc9: {  	_ =	shalt  }
tec
execute0_lowered:
.L_overlay_start_1:
0x0: {  	(tag) =	ssettag $0x1  }
0x1: {  	s1 =	rddreg [dreg:$0x0]  }
0x2: {  	s10 =	rddreg [dreg:$0x1]  }
0x3: {  	s2 =	simm.s32 $0x0;
	s8 =	srdreg.scid;
	s0 =	stileid.u32  }
0x4: {  	s15 =	simm.s32 $0x80;
	s16 =	simm.s32 $0x200;
	s17 =	simm.s32 $0x4200  }
0x5: {  	s18 =	simm.s32 $0x8200;
	s19 =	simm.s32 $0x1;
	s20 =	simm.s32 $0x3  }
0x6: {  	s21 =	simm.s32 $0x2;
	s22 =	simm.s32 $0xC200;
	s23 =	simm.s32 $0x14200  }
0x7: {  	s24 =	simm.s32 $0x0;
	[smem:$0x7FF] =	sst s2;
	s4 =	sadd.s32 $0xF000, s10  }
0x8: {  	s5 =	sadd.s32 $0x36200, s10;
	s6 =	sadd.s32 $0xA000, s10;
	s7 =	sadd.s32 $0x5000, s10  }
.Ltmp0:
0x9: {  	s9 =	sand.u32 $0x1, s8;
	s11 =	sshll.u32 s0, $0x1;
	(pc) =	sbr.rel .LBB2_1-.Ltmp0, $4  }
0xa: {  	s8 =	sadd.s32 $0x5D400, s10;
	s12 =	ssub.s32 $0x2, s9;
	s9 =	sor.u32 s9, s11  }
0xb: {  	s10 =	sadd.s32 $0x2CE400, s10;
	s31 =	sshrl.u32 s12, $0x1;
	s13 =	sshll.u32 s9, $0x4  }
0xc: {  	_ =	strace $0x80000047;
	s14 =	ssub.s32 s12, s31;
	s11 =	sadd.s32 s6, s13  }
0xd: {  	s12 =	sadd.s32 s7, s13;
	s13 =	smax.u32 s14, $0x1;
	s14 =	simm.s32 $0x4  }
.LBB2_11:
0xe: {  	s24 =	sadd.s32 $0x1, s24  }
0xf: {  	p0 =	sne.s32 s24, s13  }
.Ltmp1:
0x10: {  	_ = 	snop;
	(pc) =	sbr.rel @!p0 .LBB2_12-.Ltmp1, $1  }
0x11: {  	_ =	sdelay $0x3  }
.LBB2_1:
0x12: {  	[tilespmem:s2], [sflag:$0x4] =	stream.linear.gather [hbm4b:s11+s2], $0x80, $0x38;
	[tilespmem:$0x18200] =	vst v63  }
0x13: {  	_ =	swait.ge [sflag:s14], $0x80  }
0x14: {  	[sflag:s14] =	ssyncset.done $0x0  }
0x15: {  	[sflag:s14] =	ssyncadd.s32 $0xFFFFFF80  }
0x16: {  	[tilespmem:s15], [sflag:$0x4] =	stream.linear.gather [hbm4b:s12+s2], $0x80, $0x38;
	[tilespmem:$0x18200] =	vst v63  }
0x17: {  	_ =	swait.ge [sflag:s14], $0x80  }
0x18: {  	[sflag:s14] =	ssyncset.done $0x0  }
0x19: {  	[sflag:s14] =	ssyncadd.s32 $0xFFFFFF80  }
0x1a: {  	[tilespmem:s16], [sflag:$0x1] =	stream.indirect.gather [hbm4b:s4+s15], $0x80, s2, s15, $0xb8;
	[tilespmem:$0x18200] =	vst v63  }
.Ltmp2:
0x1b: {  	_ = 	snop;
	(pc) =	sbr.rel .LBB2_2-.Ltmp2, $4  }
0x1c: {  	_ = 	snop  }
0x1d: {  	[tilespmem:s17], [sflag:$0x1] =	stream.indirect.gather [hbm4b:s1+s15], $0x80, s15, s15, $0xb8;
	[tilespmem:$0x18200] =	vst v63  }
0x1e: {  	s25 =	simm.s32 $0x0  }
0x1f: {  	[tilespmem:s18], [sflag:$0x1] =	stream.indirect.gather [hbm4b:s5+s15], $0x80, s2, s15, $0xb8;
	[tilespmem:$0x18200] =	vst v63  }
.LBB2_10:
0x20: {  	s25 =	sadd.s32 $0x1, s25  }
0x21: {  	p0 =	sne.s32 s25, $0x14  }
.Ltmp3:
0x22: {  	_ = 	snop;
	(pc) =	sbr.rel @!p0 .LBB2_11-.Ltmp3, $1  }
0x23: {  	_ =	sdelay $0x3  }
.LBB2_2:
0x24: {  	s26 =	sshll.u32 s25, $0x6  }
0x25: {  	s28 =	sor.u32 s9, s26  }
0x26: {  	s26 =	sor.u32 $0x20, s28  }
0x27: {  	p0 =	sgt.u32 s26, $0x4E1  }
0x28: {  	s29 =	sshll.u32 @!p0 s26, $0x4  }
0x29: {  	s31 =	simm.s32 @!p0 $0x0;
	s0 =	simm.s32 @!p0 $0x100;
	s30 =	sadd.s32 @!p0 s6, s29  }
0x2a: {  	[tilespmem:s0], [sflag:$0x4] =	stream.linear.gather @!p0 [hbm4b:s30+s31], $0x80, $0x38;
	[tilespmem:$0x18200] =	vst v63  }
0x2b: {  	s30 =	simm.s32 @!p0 $0x4  }
0x2c: {  	_ =	swait.ge @!p0 [sflag:s30], $0x80  }
0x2d: {  	[sflag:s30] =	ssyncset.done @!p0 $0x0  }
0x2e: {  	s3 =	simm.s32 @!p0 $0x180;
	s29 =	sadd.s32 @!p0 s7, s29;
	[sflag:s30] =	ssyncadd.s32 @!p0 $0xFFFFFF80  }
0x2f: {  	[tilespmem:s3], [sflag:$0x4] =	stream.linear.gather @!p0 [hbm4b:s29+s31], $0x80, $0x38;
	[tilespmem:$0x18200] =	vst v63  }
0x30: {  	_ =	swait.ge @!p0 [sflag:s30], $0x80  }
0x31: {  	[sflag:s30] =	ssyncset.done @!p0 $0x0  }
0x32: {  	s29 =	simm.s32 @!p0 $0x80;
	[sflag:s30] =	ssyncadd.s32 @!p0 $0xFFFFFF80;
	s30 =	simm.s32 @!p0 $0xC200  }
0x33: {  	[tilespmem:s30], [sflag:$0x2] =	stream.indirect.gather @!p0 [hbm4b:s4+s29], $0x80, s0, s29, $0xb8;
	[tilespmem:$0x18200] =	vst v63  }
0x34: {  	s30 =	simm.s32 @!p0 $0x10200  }
0x35: {  	[tilespmem:s30], [sflag:$0x2] =	stream.indirect.gather @!p0 [hbm4b:s1+s29], $0x80, s3, s29, $0xb8;
	[tilespmem:$0x18200] =	vst v63  }
0x36: {  	s3 =	simm.s32 @!p0 $0x14200  }
0x37: {  	[tilespmem:s3], [sflag:$0x2] =	stream.indirect.gather @!p0 [hbm4b:s5+s29], $0x80, s0, s29, $0xb8;
	[tilespmem:$0x18200] =	vst v63  }
0x38: {  	_ =	swait.ge [sflag:s19], $0x4000  }
0x39: {  	[sflag:s19] =	ssyncset.done $0x0  }
0x3a: {  	[sflag:s19] =	ssyncadd.s32 $0xFFFFC000  }
0x3b: {  	_ =	swait.ge [sflag:s19], $0x4000  }
0x3c: {  	[sflag:s19] =	ssyncset.done $0x0  }
0x3d: {  	[sflag:s19] =	ssyncadd.s32 $0xFFFFC000  }
0x3e: {  	_ =	swait.ge [sflag:s19], $0x4000  }
0x3f: {  	[sflag:s19] =	ssyncset.done $0x0  }
0x40: {  	s29 =	simm.s32 $0x0;
	[sflag:s19] =	ssyncadd.s32 $0xFFFFC000  }
0x41: {  	v7 =	vld [tilespmem:s29+$0x4200]  }
0x42: {  	v11 =	vld [tilespmem:s29+$0x4210]  }
0x43: {  	v5 =	vld [tilespmem:s29+$0x4220]  }
0x44: {  	v4 =	vld [tilespmem:s29+$0x4230]  }
0x45: {  	v3 =	vld [tilespmem:s29+$0x4240]  }
0x46: {  	v2 =	vld [tilespmem:s29+$0x4250]  }
0x47: {  	v1 =	vld [tilespmem:s29+$0x4260]  }
0x48: {  	v0 =	vld [tilespmem:s29+$0x4270]  }
0x49: {  	v12 =	vld [tilespmem:s29+$0x200]  }
0x4a: {  	v13 =	vld [tilespmem:s29+$0x210]  }
0x4b: {  	v10 =	vld [tilespmem:s29+$0x220]  }
0x4c: {  	v9 =	vld [tilespmem:s29+$0x230]  }
0x4d: {  	v8 =	vld [tilespmem:s29+$0x240]  }
0x4e: {  	v6 =	vld [tilespmem:s29+$0x250];
	v12 =	vadd.f32 v7, v12  }
0x4f: {  	s30 =	simm.s32 $0x200;
	v11 =	vadd.f32 v11, v13;
	v7 =	vld [tilespmem:s29+$0x260]  }
.LBB2_3:
0x50: {  	s0 =	sshra.s32 s30, $0x2;
	p1 =	sne.s32 s30, $0xFE00;
	[tilespmem:s29+$0x200] =	vst v12;
	v5 =	vadd.f32 v5, v10;
	v10 =	vld [tilespmem:s29+$0x270]  }
0x51: {  	v12 =	vld [tilespmem:s0+$0x4200];
	[tilespmem:s29+$0x210] =	vst v11;
	v4 =	vadd.f32 v4, v9  }
0x52: {  	v11 =	vld [tilespmem:s0+$0x4210];
	[tilespmem:s29+$0x220] =	vst v5;
	v3 =	vadd.f32 v3, v8  }
0x53: {  	v5 =	vld [tilespmem:s0+$0x4220];
	[tilespmem:s29+$0x230] =	vst v4;
	v2 =	vadd.f32 v2, v6  }
0x54: {  	v4 =	vld [tilespmem:s0+$0x4230];
	[tilespmem:s29+$0x240] =	vst v3;
	v1 =	vadd.f32 v1, v7  }
0x55: {  	v3 =	vld [tilespmem:s0+$0x4240];
	[tilespmem:s29+$0x250] =	vst v2;
	v0 =	vadd.f32 v0, v10  }
0x56: {  	v2 =	vld [tilespmem:s0+$0x4250];
	[tilespmem:s29+$0x260] =	vst v1  }
0x57: {  	v1 =	vld [tilespmem:s0+$0x4260];
	[tilespmem:s29+$0x270] =	vst v0;
	s29 =	smov.u32 s0  }
0x58: {  	v0 =	vld [tilespmem:s29+$0x4270]  }
0x59: {  	v6 =	vld [tilespmem:s29+$0x200]  }
0x5a: {  	v7 =	vld [tilespmem:s29+$0x210]  }
.Ltmp4:
0x5b: {  	v10 =	vld [tilespmem:s29+$0x220];
	(pc) =	sbr.rel @p1 .LBB2_3-.Ltmp4, $4  }
0x5c: {  	v9 =	vld [tilespmem:s29+$0x230]  }
0x5d: {  	v8 =	vld [tilespmem:s29+$0x240]  }
0x5e: {  	v12 =	vadd.f32 v12, v6;
	v6 =	vld [tilespmem:s29+$0x250]  }
0x5f: {  	s30 =	sadd.s32 $0x200, s30;
	v11 =	vadd.f32 v11, v7;
	v7 =	vld [tilespmem:s29+$0x260]  }
0x60: {  	[tilespmem:s29+$0x200] =	vst v12;
	v5 =	vadd.f32 v5, v10;
	v63 =	vld [tilespmem:s29+$0x270]  }
0x61: {  	[tilespmem:s29+$0x210] =	vst v11;
	v4 =	vadd.f32 v4, v9  }
0x62: {  	[tilespmem:s29+$0x220] =	vst v5;
	v3 =	vadd.f32 v3, v8  }
0x63: {  	[tilespmem:s29+$0x230] =	vst v4;
	v2 =	vadd.f32 v2, v6  }
0x64: {  	[tilespmem:s29+$0x240] =	vst v3;
	v1 =	vadd.f32 v1, v7  }
0x65: {  	[tilespmem:s29+$0x250] =	vst v2;
	v0 =	vadd.f32 v0, v63  }
0x66: {  	s0 =	sshll.u32 s28, $0xB;
	[tilespmem:s29+$0x260] =	vst v1  }
0x67: {  	s3 =	sadd.s32 s8, s0;
	[tilespmem:s29+$0x270] =	vst v0  }
0x68: {  	[hbm4b:s3+s2] =	stream.linear.scatter [tilespmem:s16], [sflag:$0x3], $0x4000, $0x38;
	[tilespmem:$0x18200] =	vst v63  }
0x69: {  	s0 =	sadd.s32 s10, s0  }
0x6a: {  	[hbm4b:s0+s2] =	stream.linear.scatter [tilespmem:s18], [sflag:$0x3], $0x4000, $0x38;
	[tilespmem:$0x18200] =	vst v63  }
0x6b: {  	p1 =	sgt.u32 s28, $0x4A1;
	_ =	swait.ge [sflag:s20], $0x4000  }
.Ltmp5:
0x6c: {  	[sflag:s20] =	ssyncset.done $0x0;
	(pc) =	sbr.rel @p1 .LBB2_6-.Ltmp5, $4  }
0x6d: {  	[sflag:s20] =	ssyncadd.s32 $0xFFFFC000  }
0x6e: {  	_ =	swait.ge [sflag:s20], $0x4000  }
0x6f: {  	[sflag:s20] =	ssyncset.done $0x0  }
0x70: {  	[sflag:s20] =	ssyncadd.s32 $0xFFFFC000  }
0x71: {  	s0 =	sshll.u32 s28, $0x4  }
0x72: {  	s0 =	sadd.s32 $0x400, s0  }
0x73: {  	s3 =	sadd.s32 s6, s0  }
0x74: {  	[tilespmem:s2], [sflag:$0x4] =	stream.linear.gather [hbm4b:s3+s2], $0x80, $0x38;
	[tilespmem:$0x18200] =	vst v63  }
0x75: {  	_ =	swait.ge [sflag:s14], $0x80  }
0x76: {  	[sflag:s14] =	ssyncset.done $0x0  }
0x77: {  	s0 =	sadd.s32 s7, s0;
	[sflag:s14] =	ssyncadd.s32 $0xFFFFFF80  }
0x78: {  	[tilespmem:s15], [sflag:$0x4] =	stream.linear.gather [hbm4b:s0+s2], $0x80, $0x38;
	[tilespmem:$0x18200] =	vst v63  }
0x79: {  	_ =	swait.ge [sflag:s14], $0x80  }
0x7a: {  	[sflag:s14] =	ssyncset.done $0x0  }
0x7b: {  	[sflag:s14] =	ssyncadd.s32 $0xFFFFFF80  }
0x7c: {  	[tilespmem:s16], [sflag:$0x1] =	stream.indirect.gather [hbm4b:s4+s15], $0x80, s2, s15, $0xb8;
	[tilespmem:$0x18200] =	vst v63  }
.Ltmp6:
0x7d: {  	_ = 	snop;
	(pc) =	sbr.rel .LBB2_7-.Ltmp6, $4  }
0x7e: {  	_ = 	snop  }
0x7f: {  	[tilespmem:s17], [sflag:$0x1] =	stream.indirect.gather [hbm4b:s1+s15], $0x80, s15, s15, $0xb8;
	[tilespmem:$0x18200] =	vst v63  }
0x80: {  	_ = 	snop  }
0x81: {  	[tilespmem:s18], [sflag:$0x1] =	stream.indirect.gather [hbm4b:s5+s15], $0x80, s2, s15, $0xb8;
	[tilespmem:$0x18200] =	vst v63  }
.LBB2_6:
.Ltmp7:
0x82: {  	(pc) =	sbr.rel @p0 .LBB2_10-.Ltmp7, $1  }
0x83: {  	_ =	sdelay $0x3  }
.LBB2_7:
0x84: {  	_ =	swait.ge [sflag:s21], $0x4000  }
0x85: {  	[sflag:s21] =	ssyncset.done $0x0  }
0x86: {  	[sflag:s21] =	ssyncadd.s32 $0xFFFFC000  }
0x87: {  	_ =	swait.ge [sflag:s21], $0x4000  }
0x88: {  	[sflag:s21] =	ssyncset.done $0x0  }
0x89: {  	[sflag:s21] =	ssyncadd.s32 $0xFFFFC000  }
0x8a: {  	_ =	swait.ge [sflag:s21], $0x4000  }
0x8b: {  	[sflag:s21] =	ssyncset.done $0x0  }
0x8c: {  	s28 =	simm.s32 $0x0;
	[sflag:s21] =	ssyncadd.s32 $0xFFFFC000  }
0x8d: {  	v7 =	vld [tilespmem:s28+$0x10200]  }
0x8e: {  	v11 =	vld [tilespmem:s28+$0x10210]  }
0x8f: {  	v5 =	vld [tilespmem:s28+$0x10220]  }
0x90: {  	v4 =	vld [tilespmem:s28+$0x10230]  }
0x91: {  	v3 =	vld [tilespmem:s28+$0x10240]  }
0x92: {  	v2 =	vld [tilespmem:s28+$0x10250]  }
0x93: {  	v1 =	vld [tilespmem:s28+$0x10260]  }
0x94: {  	v0 =	vld [tilespmem:s28+$0x10270]  }
0x95: {  	v12 =	vld [tilespmem:s28+$0xC200]  }
0x96: {  	v13 =	vld [tilespmem:s28+$0xC210]  }
0x97: {  	v10 =	vld [tilespmem:s28+$0xC220]  }
0x98: {  	v9 =	vld [tilespmem:s28+$0xC230]  }
0x99: {  	v8 =	vld [tilespmem:s28+$0xC240]  }
0x9a: {  	v6 =	vld [tilespmem:s28+$0xC250];
	v12 =	vadd.f32 v7, v12  }
0x9b: {  	s29 =	simm.s32 $0x200;
	v11 =	vadd.f32 v11, v13;
	v7 =	vld [tilespmem:s28+$0xC260]  }
.LBB2_8:
0x9c: {  	s0 =	sshra.s32 s29, $0x2;
	p0 =	sne.s32 s29, $0xFE00;
	[tilespmem:s28+$0xC200] =	vst v12;
	v5 =	vadd.f32 v5, v10;
	v10 =	vld [tilespmem:s28+$0xC270]  }
0x9d: {  	v12 =	vld [tilespmem:s0+$0x10200];
	[tilespmem:s28+$0xC210] =	vst v11;
	v4 =	vadd.f32 v4, v9  }
0x9e: {  	v11 =	vld [tilespmem:s0+$0x10210];
	[tilespmem:s28+$0xC220] =	vst v5;
	v3 =	vadd.f32 v3, v8  }
0x9f: {  	v5 =	vld [tilespmem:s0+$0x10220];
	[tilespmem:s28+$0xC230] =	vst v4;
	v2 =	vadd.f32 v2, v6  }
0xa0: {  	v4 =	vld [tilespmem:s0+$0x10230];
	[tilespmem:s28+$0xC240] =	vst v3;
	v1 =	vadd.f32 v1, v7  }
0xa1: {  	v3 =	vld [tilespmem:s0+$0x10240];
	[tilespmem:s28+$0xC250] =	vst v2;
	v0 =	vadd.f32 v0, v10  }
0xa2: {  	v2 =	vld [tilespmem:s0+$0x10250];
	[tilespmem:s28+$0xC260] =	vst v1  }
0xa3: {  	v1 =	vld [tilespmem:s0+$0x10260];
	[tilespmem:s28+$0xC270] =	vst v0;
	s28 =	smov.u32 s0  }
0xa4: {  	v0 =	vld [tilespmem:s28+$0x10270]  }
0xa5: {  	v6 =	vld [tilespmem:s28+$0xC200]  }
0xa6: {  	v7 =	vld [tilespmem:s28+$0xC210]  }
.Ltmp8:
0xa7: {  	v10 =	vld [tilespmem:s28+$0xC220];
	(pc) =	sbr.rel @p0 .LBB2_8-.Ltmp8, $4  }
0xa8: {  	v9 =	vld [tilespmem:s28+$0xC230]  }
0xa9: {  	v8 =	vld [tilespmem:s28+$0xC240]  }
0xaa: {  	v12 =	vadd.f32 v12, v6;
	v6 =	vld [tilespmem:s28+$0xC250]  }
0xab: {  	s29 =	sadd.s32 $0x200, s29;
	v11 =	vadd.f32 v11, v7;
	v7 =	vld [tilespmem:s28+$0xC260]  }
0xac: {  	[tilespmem:s28+$0xC200] =	vst v12;
	v5 =	vadd.f32 v5, v10;
	v63 =	vld [tilespmem:s28+$0xC270]  }
0xad: {  	[tilespmem:s28+$0xC210] =	vst v11;
	v4 =	vadd.f32 v4, v9  }
0xae: {  	[tilespmem:s28+$0xC220] =	vst v5;
	v3 =	vadd.f32 v3, v8  }
0xaf: {  	[tilespmem:s28+$0xC230] =	vst v4;
	v2 =	vadd.f32 v2, v6  }
0xb0: {  	[tilespmem:s28+$0xC240] =	vst v3;
	v1 =	vadd.f32 v1, v7  }
0xb1: {  	[tilespmem:s28+$0xC250] =	vst v2;
	v0 =	vadd.f32 v0, v63  }
0xb2: {  	s0 =	sshll.u32 s26, $0xB;
	[tilespmem:s28+$0xC260] =	vst v1  }
0xb3: {  	s3 =	sadd.s32 s8, s0;
	[tilespmem:s28+$0xC270] =	vst v0  }
0xb4: {  	[hbm4b:s3+s2] =	stream.linear.scatter [tilespmem:s22], [sflag:$0x3], $0x4000, $0x38;
	[tilespmem:$0x18200] =	vst v63  }
0xb5: {  	s0 =	sadd.s32 s10, s0  }
0xb6: {  	[hbm4b:s0+s2] =	stream.linear.scatter [tilespmem:s23], [sflag:$0x3], $0x4000, $0x38;
	[tilespmem:$0x18200] =	vst v63  }
0xb7: {  	_ =	swait.ge [sflag:s20], $0x4000  }
.Ltmp9:
0xb8: {  	[sflag:s20] =	ssyncset.done $0x0;
	(pc) =	sbr.rel .LBB2_10-.Ltmp9, $4  }
0xb9: {  	[sflag:s20] =	ssyncadd.s32 $0xFFFFC000  }
0xba: {  	_ =	swait.ge [sflag:s20], $0x4000  }
0xbb: {  	[sflag:s20] =	ssyncset.done $0x0  }
0xbc: {  	[sflag:s20] =	ssyncadd.s32 $0xFFFFC000  }
.LBB2_12:
0xbd: {  	_ =	sfence.sel $0x180000  }
0xbe: {  	[bflag:$0x0] =	sbarrier.arrive $0xFFFF  }
0xbf: {  	_ =	strace $0x90000047  }
0xc0: {  	s0 =	stileid.u32;
	[bflag:$0x2] =	sbarrier.arrive $0xFFFF  }
0xc1: {  	p0 =	sne.s32 s0, $0x0;
	s0 =	rddreg [dreg:$0x2]  }
0xc2: {  	s0 =	sadd.s32 @!p0 $0x100000, s0  }
0xc3: {  	[sflag:s0] =	ssyncadd.tile.s32 @!p0 $0x1;
	_ =	shalt  }
.Lfunc_end2:
_tile_overlayer_lowered:
.L_overlay_start_2:
0xc4: {  	(tag) =	ssettag $0x2  }
0xc5: {  	s0 =	rddreg [dreg:$0x0];
	s2 =	stileid.u32  }
0xc6: {  	s1 =	rddreg [dreg:$0x1];
	p0 =	sne.s32 s2, $0x0  }
0xc7: {  	s3 =	rddreg [dreg:$0x2];
	[bflag:$0x3] =	sbarrier.arrive $0xFFFF;
	s2 =	simm.s32 @!p0 $0x1C04  }
0xc8: {  	[timem:s3], [sflag:s2] =	dma.local @!p0 [hbm:s0], s1  }
0xc9: {  	s0 =	simm.s32 @!p0 $0x4  }
0xca: {  	_ =	swait.ge @!p0 [sflag:s0], s1  }
0xcb: {  	s1 =	ssub.s32 @!p0 $0x0, s1;
	[sflag:s0] =	ssyncset.done @!p0 $0x0  }
0xcc: {  	[sflag:s0] =	ssyncadd.s32 @!p0 s1  }
0xcd: {  	[bflag:$0x3] =	sbarrier.arrive $0xFFFF  }
0xce: {  	_ =	shalt  }

// kernel: kernel.29.cloned.1.call-start
scs
__scs_entry_jumppad:
0x0: {  	(pc) =	sbr.rel $0x88, $3  }
0x1: {  	(tag) =	ssettag $0x0;
	lr =	simm.s32 $0x1  }
0x2: {  	[smem:$0x3F94] =	sst lr;
	_ =	strace $0xD0000000  }
0x3: {  	_ = 	snop  }
0x4: {  	_ = 	snop  }
0x5: {  	_ = 	snop  }
0x6: {  	_ = 	snop  }
0x7: {  	_ = 	snop  }
__scs_overlays_trampoline_lowered:
0x8: {  	[smem:$0x3FA3] =	sst s0  }
0x9: {  	[smem:$0x3FA4] =	sst s1  }
0xa: {  	[smem:$0x3FA5] =	sst s2  }
0xb: {  	[smem:$0x3FA6] =	sst s3  }
0xc: {  	[smem:$0x3FA7] =	sst s4  }
0xd: {  	[smem:$0x3FA8] =	sst s5  }
0xe: {  	[smem:$0x3FA9] =	sst s6  }
0xf: {  	[smem:$0x3FAA] =	sst s7  }
0x10: {  	[smem:$0x3FAB] =	sst s8  }
0x11: {  	[smem:$0x3FAC] =	sst s9;
	s0 =	simm.s32 @!p0 $0x0  }
0x12: {  	s1 =	sld [smem:$0x3F92];
	s0 =	simm.s32 @p0 $0x1  }
0x13: {  	[smem:$0x3FAD] =	sst s0;
	s0 =	simm.s32 @!p1 $0x0  }
0x14: {  	s2 =	sld [smem:$0x3F91];
	s0 =	simm.s32 @p1 $0x1  }
0x15: {  	[smem:$0x3FAE] =	sst s0;
	s0 =	simm.s32 @!p2 $0x0  }
0x16: {  	s3 =	sld [smem:$0x3FDB];
	s0 =	simm.s32 @p2 $0x1  }
0x17: {  	s4 =	simm.s32 $0x1BF5;
	[smem:$0x3FB0] =	sst s0  }
0x18: {  	s0 =	sld [smem:$0x3F93];
	_ =	swait.ge [sflag:s4], $0x0  }
0x19: {  	s7 =	sld [smem:$0x3F94]  }
0x1a: {  	s8 =	sadd.s32 $0xFFFFE003, lr  }
0x1b: {  	s9 =	sadd.s32 $0xFFFFFEF7, lr;
	s5 =	simm.s32 $0xFFFFFFFF;
	p2 =	slt.u32 s8, $0xFFFFF086  }
0x1c: {  	p1 =	slt.u32 s9, $0xF7A;
	s5 =	simm.s32 @!p2 $0x0  }
0x1d: {  	s5 =	simm.s32 @p1 $0x1;
	p0 =	seq.s32 s7, s2  }
0x1e: {  	s7 =	smul.u32 @!p0 $0xF7A, s2;
	p2 =	seq.s32 @!p0 s5, $0x0  }
0x1f: {  	s9 =	smul.u32 $0xF7A, s1;
	s8 =	simm.s32 @!p0 $0x1BF5;
	p2 =	por !p2, p0  }
0x20: {  	[sflag:s8] =	ssyncset.s32 @!p0 $0xFFFFF086;
	s6 =	sadd.s32 @!p0 s3, s7;
	s7 =	simm.s32 @!p0 $0x108  }
0x21: {  	s3 =	sadd.s32 s3, s9;
	s6 =	sadd.s32 @!p0 $0x88, s6;
	s7 =	simm.s32 @p2 $0x1082  }
0x22: {  	[simem:s7], [sflag:s8] =	dma.local @!p0 [hbm:s6], $0xF7A  }
0x23: {  	s9 =	sor.u32 $0xD0000000, s2;
	s6 =	simm.s32 $0x108;
	_ =	swait.ge @!p0 [sflag:s8], $0x0  }
0x24: {  	s3 =	sadd.s32 $0x88, s3;
	s6 =	simm.s32 @!p1 $0x1082;
	[sflag:s4] =	ssyncset.s32 $0xFFFFF086  }
0x25: {  	[simem:s6], [sflag:s4] =	dma.local [hbm:s3], $0xF7A  }
0x26: {  	[smem:$0x3F94] =	sst s1;
	(tag) =	ssettag s2;
	_ =	strace s9  }
0x27: {  	s1 =	sld [smem:$0x3FA4]  }
0x28: {  	s2 =	sld [smem:$0x3FA5]  }
0x29: {  	s4 =	sld [smem:$0x3FA7]  }
0x2a: {  	p0 =	seq.s32 s5, $0x0;
	s5 =	sld [smem:$0x3FA8]  }
0x2b: {  	s6 =	sld [smem:$0x3FA9]  }
0x2c: {  	s7 =	sld [smem:$0x3FAA]  }
0x2d: {  	s3 =	simm.s32 $0x108;
	s8 =	sld [smem:$0x3FAB]  }
0x2e: {  	s3 =	simm.s32 @!p0 $0x1082;
	s9 =	sld [smem:$0x3FAC]  }
0x2f: {  	lr =	sadd.s32 s0, s3;
	s0 =	sld [smem:$0x3FA3]  }
0x30: {  	s3 =	sld [smem:$0x3FA6]  }
0x31: {  	[smem:$0x3FAF] =	sst s10  }
0x32: {  	s10 =	sld [smem:$0x3FAD];
	_ =	sdelay $0x3  }
0x33: {  	p0 =	seq.s32 s10, $0x1;
	s10 =	sld [smem:$0x3FAF];
	_ =	sdelay $0x3  }
0x34: {  	[smem:$0x3FAF] =	sst s10  }
0x35: {  	s10 =	sld [smem:$0x3FAE];
	_ =	sdelay $0x3  }
0x36: {  	p1 =	seq.s32 s10, $0x1;
	s10 =	sld [smem:$0x3FAF];
	_ =	sdelay $0x3  }
0x37: {  	[smem:$0x3FAF] =	sst s10  }
0x38: {  	s10 =	sld [smem:$0x3FB0]  }
0x39: {  	_ = 	snop;
	(pc) =	sbr.ind lr, $3  }
0x3a: {  	_ = 	snop  }
0x3b: {  	_ = 	snop  }
0x3c: {  	p2 =	seq.s32 s10, $0x1;
	s10 =	sld [smem:$0x3FAF]  }
0x3d: {  	_ =	shalt  }
0x3e: {  	_ =	shalt  }
0x3f: {  	_ =	shalt  }
0x40: {  	_ =	shalt  }
0x41: {  	_ =	shalt  }
0x42: {  	_ =	shalt  }
0x43: {  	_ =	shalt  }
0x44: {  	_ =	shalt  }
0x45: {  	_ =	shalt  }
0x46: {  	_ =	shalt  }
0x47: {  	_ =	shalt  }
0x48: {  	_ =	shalt  }
0x49: {  	_ =	shalt  }
0x4a: {  	_ =	shalt  }
0x4b: {  	_ =	shalt  }
0x4c: {  	_ =	shalt  }
0x4d: {  	_ =	shalt  }
0x4e: {  	_ =	shalt  }
0x4f: {  	_ =	shalt  }
0x50: {  	_ =	shalt  }
0x51: {  	_ =	shalt  }
0x52: {  	_ =	shalt  }
0x53: {  	_ =	shalt  }
0x54: {  	_ =	shalt  }
0x55: {  	_ =	shalt  }
0x56: {  	_ =	shalt  }
0x57: {  	_ =	shalt  }
0x58: {  	_ =	shalt  }
0x59: {  	_ =	shalt  }
0x5a: {  	_ =	shalt  }
0x5b: {  	_ =	shalt  }
0x5c: {  	_ =	shalt  }
0x5d: {  	_ =	shalt  }
0x5e: {  	_ =	shalt  }
0x5f: {  	_ =	shalt  }
0x60: {  	_ =	shalt  }
0x61: {  	_ =	shalt  }
0x62: {  	_ =	shalt  }
0x63: {  	_ =	shalt  }
0x64: {  	_ =	shalt  }
0x65: {  	_ =	shalt  }
0x66: {  	_ =	shalt  }
0x67: {  	_ =	shalt  }
0x68: {  	_ =	shalt  }
0x69: {  	_ =	shalt  }
0x6a: {  	_ =	shalt  }
0x6b: {  	_ =	shalt  }
0x6c: {  	_ =	shalt  }
0x6d: {  	_ =	shalt  }
0x6e: {  	_ =	shalt  }
0x6f: {  	_ =	shalt  }
0x70: {  	_ =	shalt  }
0x71: {  	_ =	shalt  }
0x72: {  	_ =	shalt  }
0x73: {  	_ =	shalt  }
0x74: {  	_ =	shalt  }
0x75: {  	_ =	shalt  }
0x76: {  	_ =	shalt  }
0x77: {  	_ =	shalt  }
0x78: {  	_ =	shalt  }
0x79: {  	_ =	shalt  }
0x7a: {  	_ =	shalt  }
0x7b: {  	_ =	shalt  }
0x7c: {  	_ =	shalt  }
0x7d: {  	_ =	shalt  }
0x7e: {  	_ =	shalt  }
0x7f: {  	_ =	shalt  }
0x80: {  	_ =	shalt  }
0x81: {  	_ =	shalt  }
0x82: {  	_ =	shalt  }
0x83: {  	_ =	shalt  }
0x84: {  	_ =	shalt  }
0x85: {  	_ =	shalt  }
0x86: {  	_ =	shalt  }
0x87: {  	_ =	shalt  }
.Lfunc_end0:
.L_simem_size_0:
called_computation.5_lowered:
.L_overlay_start_0:
0x88: {  	s2 =	sld [smem:$0x3FD9]  }
0x89: {  	s3 =	sld [smem:$0x3FFE];
	_ =	sdelay $0x1  }
0x8a: {  	s1 =	srdreg.scid  }
0x8b: {  	s0 =	sand.u32 $0x1, s1  }
0x8c: {  	s17 =	sshll.u32 s0, $0xA;
	s2 =	sadd.s32 s3, s2  }
0x8d: {  	s2 =	sadd.s32 s2, s17  }
0x8e: {  	[smem:$0x3FBB] =	sst s2  }
0x8f: {  	_ = 	snop  }
0x90: {  	(tm) =	ssettm $0x1  }
0x91: {  	s18 =	sld [smem:$0x3FFB];
	_ =	sdelay $0x3  }
0x92: {  	_ =	strace s18  }
0x93: {  	s2 =	sld [smem:$0x3FFC];
	_ =	sdelay $0x3  }
0x94: {  	_ =	strace s2  }
0x95: {  	s2 =	sld [smem:$0x3FFD];
	_ =	sdelay $0x3  }
0x96: {  	_ =	strace s2  }
0x97: {  	_ =	strace $0x8FFFFFFF  }
0x98: {  	s19 =	sld [smem:$0x3FDB];
	_ =	sdelay $0x1  }
0x99: {  	s20 =	simm.s32 $_scs_section_size  }
0x9a: {  	s4 =	simm.s32 $_size__tile_overlayer_lowered;
	s5 =	simm.s32 $_tile_overlayer_lowered  }
0x9b: {  	s6 =	simm.s32 $0x1BFF;
	s21 =	sshll.u32 s5, $0x1;
	s3 =	sadd.s32 s20, s19  }
0x9c: {  	s22 =	simm.s32 $0x0;
	s4 =	sshll.u32 s4, $0x1;
	s5 =	sadd.s32 s21, s3  }
0x9d: {  	[timem:s22], [sflag:s6] =	dma.local [hbm:s5], s4  }
0x9e: {  	_ =	swait.ge [sflag:s6], s4  }
0x9f: {  	s4 =	ssub.s32 $0x0, s4;
	[sflag:s6] =	ssyncset.done $0x0  }
0xa0: {  	[sflag:s6] =	ssyncadd.s32 s4;
	_ =	sdelay $0x1  }
0xa1: {  	s23 =	simm.s32 $0x1B8B  }
0xa2: {  	_ =	swait.ge [sflag:s23], $0x1  }
0xa3: {  	[sflag:s23] =	ssyncset.done $0x0  }
0xa4: {  	[sflag:s23] =	ssyncadd.s32 $0xFFFFFFFF  }
0xa5: {  	s4 =	sld [smem:$0x0]  }
0xa6: {  	s5 =	sand.u32 $0xFFFFFFFE, s1  }
0xa7: {  	p0 =	sne.s32 s1, s5  }
0xa8: {  	s5 =	sshll.u32 @p0 s5, $0xE  }
0xa9: {  	s5 =	sadd.s32 @p0 $0x11B8D, s5;
	s6 =	sshll.u32 @p0 s4, $0x11  }
0xaa: {  	s5 =	sor.u32 @p0 s6, s5  }
0xab: {  	[sflag:s5] =	ssyncadd.remote.s32 @p0 $0x1;
	_ =	sdelay $0x1  }
0xac: {  	s5 =	simm.s32 @p0 $0x1B8D  }
0xad: {  	_ =	swait.eq @p0 [sflag:s5], $0x1  }
0xae: {  	[sflag:s5] =	ssyncadd.s32 @p0 $0xFFFFFFFF  }
0xaf: {  	s6 =	sshll.u32 @!p0 s1, $0xE  }
0xb0: {  	s6 =	sor.u32 @!p0 $0x4000, s6;
	s5 =	simm.s32 @!p0 $0x1B8D  }
0xb1: {  	s4 =	sshll.u32 @!p0 s4, $0x11;
	s6 =	sadd.s32 @!p0 $0x11B8D, s6;
	_ =	swait.eq @!p0 [sflag:s5], $0x1  }
0xb2: {  	s4 =	sor.u32 @!p0 s4, s6;
	[sflag:s5] =	ssyncadd.s32 @!p0 $0xFFFFFFFF  }
0xb3: {  	s25 =	simm.s32 $0x1B8E;
	s24 =	sld [smem:$0x3FFE];
	[sflag:s4] =	ssyncadd.remote.s32 @!p0 $0x1  }
0xb4: {  	s26 =	simm.s32 $execute0_lowered;
	[smem:$0x3FD2] =	sst s25  }
0xb5: {  	s5 =	sshll.u32 s26, $0x1;
	_ =	strace $0x8000004C;
	[dreg:$0x1] =	wrdreg $0xFFFFFFFF  }
0xb6: {  	s28 =	simm.s32 $_size_execute0_lowered;
	s3 =	sadd.s32 s3, s5;
	[dreg:$0x0] =	wrdreg $0x0  }
0xb7: {  	s5 =	sshll.u32 s28, $0x1;
	[dreg:$0x2] =	wrdreg s3  }
0xb8: {  	[dreg:$0x3] =	wrdreg s5  }
0xb9: {  	[dreg:$0x4] =	wrdreg $0xC0  }
0xba: {  	_ =	task [dreg:s22], $0x5FFFF  }
0xbb: {  	[dreg:$0x1] =	wrdreg $0xFFFFFFFF  }
0xbc: {  	[dreg:$0x0] =	wrdreg $0x60  }
0xbd: {  	[dreg:$0x2] =	wrdreg s24  }
0xbe: {  	[dreg:$0x3] =	wrdreg $0xE5800  }
0xbf: {  	[dreg:$0x4] =	wrdreg $0x9  }
0xc0: {  	_ =	task.clear_ibuf [dreg:s22], $0x5FFFF;
	_ =	strace $0x9000004C  }
0xc1: {  	s29 =	simm.s32 $0x9;
	_ =	strace $0x8000004E  }
0xc2: {  	_ =	swait.ge [sflag:s29], $0x1  }
0xc3: {  	[sflag:s29] =	ssyncadd.s32 $0xFFFFFFFF  }
0xc4: {  	_ =	strace $0x9000004E  }
0xc5: {  	_ =	sfence  }
0xc6: {  	s30 =	sld [smem:$0x0];
	_ =	sdelay $0x2  }
0xc7: {  	s31 =	sshll.u32 s1, $0xD;
	s1 =	sshrl.u32 s1, $0x2  }
0xc8: {  	s4 =	sand.u32 $0x4000, s31;
	s1 =	sadd.s32 s1, s30  }
0xc9: {  	s0 =	sor.u32 s4, s0;
	s1 =	sshll.u32 s1, $0x11  }
0xca: {  	s0 =	sor.u32 s1, s0  }
0xcb: {  	s0 =	sadd.s32 $0x8F2B, s0  }
0xcc: {  	[sflag:s0] =	ssyncadd.remote.s32 $0x1  }
0xcd: {  	_ =	sfence.sel $0xFFFF  }
0xce: {  	[dreg:$0x0] =	wrdreg $0xFFFFFFFF;
	(pc) =	sbr.abs _section_cstart, $3  }
0xcf: {  	[dreg:$0x1] =	wrdreg $0xFFFFFFFF  }
0xd0: {  	_ =	task.clear_ibuf [dreg:s22], $0x2FFFF;
	_ =	strace $0x9FFFFFFF  }
0xd1: {  	(tm) =	ssettm $0x7FFFFFFF  }
tec
execute0_lowered:
.L_overlay_start_1:
0x0: {  	(tag) =	ssettag $0x1  }
0x1: {  	s4 =	rddreg [dreg:$0x0]  }
0x2: {  	s1 =	rddreg [dreg:$0x1];
	s2 =	srdreg.scid  }
0x3: {  	s0 =	rddreg [dreg:$0x2];
	s3 =	simm.s32 $0x0;
	s15 =	simm.s32 $0x180  }
0x4: {  	s16 =	simm.s32 $0x1;
	s17 =	simm.s32 $0x80;
	s18 =	simm.s32 $0x100  }
0x5: {  	s19 =	simm.s32 $0x4;
	s20 =	simm.s32 $0x2;
	s22 =	simm.s32 $0x3  }
0x6: {  	s23 =	simm.s32 $0x0;
	s5 =	sand.u32 $0x1, s2;
	s2 =	stileid.u32  }
0x7: {  	[smem:$0x7FF] =	sst s3;
	s21 =	smul.u32 $0x1388, s5;
	s6 =	sshll.u32 s2, $0xB  }
0x8: {  	s7 =	smul.u32 $0x3E8, s2;
	_ =	strace $0x8000004D;
	s28 =	sshll.u32 s2, $0x4  }
0x9: {  	s5 =	ssub.s32 $0x2, s5;
	s8 =	smul.u32 $0x7D000, s2;
	p0 =	sgt.u32 s2, $0x4  }
0xa: {  	s14 =	sadd.s32 s6, s4;
	s13 =	sadd.s32 s28, s4;
	s30 =	sshrl.u32 s5, $0x1  }
0xb: {  	s7 =	sadd.s32 s7, s21;
	s10 =	ssub.s32 s5, s30;
	s5 =	sadd.s32 $0xA2D600, s14  }
.Ltmp0:
0xc: {  	s31 =	sshrl.u32 s8, $0x2;
	s14 =	sadd.s32 $0xA35600, s14;
	(pc) =	sbr.rel .LBB2_1-.Ltmp0, $4  }
0xd: {  	v0 =	vmov s21;
	s21 =	simm.s32 $0x4180;
	s29 =	sshll.u32 s7, $0x4;
	s6 =	sadd.s32 s31, s1  }
0xe: {  	s8 =	smax.u32 s10, $0x1;
	s9 =	sadd.s32 s29, s4;
	s4 =	sadd.s32 $0x5000, s13  }
0xf: {  	s10 =	sadd.s32 $0xC800, s6;
	s11 =	sadd.s32 $0x12C00, s6;
	s12 =	sadd.s32 $0x19000, s6  }
0x10: {  	v1 =	vimm.f32 $0.0e+00;
	s13 =	sadd.s32 $0x5100, s13;
	s7 =	sadd.s32 $0x5D400, s9;
	s9 =	sadd.s32 $0x6400, s6  }
.LBB2_10:
0x11: {  	s24 =	sshll.u32 @!p0 s2, $0x6;
	[bflag:$0x0] =	sbarrier.arrive $0xFFFF;
	s23 =	sadd.s32 $0x1, s23  }
0x12: {  	s25 =	sshrl.u32 @!p0 s6, $0x3;
	s24 =	sor.u32 @!p0 $0x1C03, s24;
	p1 =	sne.s32 s23, s8  }
0x13: {  	[hbm:s7], [sflag:s24] =	dma.local @!p0 [spmem:s25], $0x3E80  }
.Ltmp1:
0x14: {  	_ = 	snop;
	(pc) =	sbr.rel @!p1 .LBB2_11-.Ltmp1, $4  }
0x15: {  	s24 =	simm.s32 @!p0 $0x3  }
0x16: {  	_ =	swait.ge @!p0 [sflag:s24], $0x3E80  }
0x17: {  	[sflag:s24] =	ssyncset.done @!p0 $0x0  }
0x18: {  	[sflag:s24] =	ssyncadd.s32 @!p0 $0xFFFFC180  }
.LBB2_1:
0x19: {  	s24 =	simm.s32 $0x0;
	s25 =	simm.s32 $0x200  }
.LBB2_2:
0x1a: {  	p1 =	sne.s32 s25, $0x18E00;
	[tilespmem:s24+$0x81F0] =	vst v1  }
0x1b: {  	[tilespmem:s24+$0x8180] =	vst v1  }
0x1c: {  	[tilespmem:s24+$0x8190] =	vst v1  }
.Ltmp2:
0x1d: {  	[tilespmem:s24+$0x81A0] =	vst v1;
	(pc) =	sbr.rel @p1 .LBB2_2-.Ltmp2, $4  }
0x1e: {  	[tilespmem:s24+$0x81B0] =	vst v1  }
0x1f: {  	[tilespmem:s24+$0x81C0] =	vst v1  }
0x20: {  	[tilespmem:s24+$0x81D0] =	vst v1  }
0x21: {  	[tilespmem:s24+$0x81E0] =	vst v1;
	s24 =	sshra.s32 s25, $0x2;
	s25 =	sadd.s32 $0x200, s25  }
0x22: {  	[tilespmem:s24+$0x81F0] =	vst v1  }
0x23: {  	[tilespmem:s24+$0x8180] =	vst v1  }
0x24: {  	[tilespmem:s24+$0x8190] =	vst v1  }
0x25: {  	[tilespmem:s24+$0x81A0] =	vst v1  }
0x26: {  	[tilespmem:s24+$0x81B0] =	vst v1  }
0x27: {  	[tilespmem:s24+$0x81C0] =	vst v1  }
0x28: {  	[tilespmem:s24+$0x81D0] =	vst v1  }
0x29: {  	[tilespmem:s24+$0x81E0] =	vst v1;
	s24 =	simm.s32 @!p0 $0x8180;
	s25 =	simm.s32 @!p0 $0x3  }
0x2a: {  	[spmem:s6] =	stream.linear.scatter @!p0 [tilespmem:s24], [sflag:$0x3], $0x6400, $0x38;
	[tilespmem:$0x18200] =	vst v63  }
0x2b: {  	_ =	swait.ge @!p0 [sflag:s25], $0x6400  }
0x2c: {  	[sflag:s25] =	ssyncset.done @!p0 $0x0  }
0x2d: {  	[sflag:s25] =	ssyncadd.s32 @!p0 $0xFFFF9C00  }
0x2e: {  	[spmem:s9] =	stream.linear.scatter @!p0 [tilespmem:s24], [sflag:$0x3], $0x6400, $0x38;
	[tilespmem:$0x18200] =	vst v63  }
0x2f: {  	_ =	swait.ge @!p0 [sflag:s25], $0x6400  }
0x30: {  	[sflag:s25] =	ssyncset.done @!p0 $0x0  }
0x31: {  	[sflag:s25] =	ssyncadd.s32 @!p0 $0xFFFF9C00  }
0x32: {  	[spmem:s10] =	stream.linear.scatter @!p0 [tilespmem:s24], [sflag:$0x3], $0x6400, $0x38;
	[tilespmem:$0x18200] =	vst v63  }
0x33: {  	_ =	swait.ge @!p0 [sflag:s25], $0x6400  }
0x34: {  	[sflag:s25] =	ssyncset.done @!p0 $0x0  }
0x35: {  	[sflag:s25] =	ssyncadd.s32 @!p0 $0xFFFF9C00  }
0x36: {  	[spmem:s11] =	stream.linear.scatter @!p0 [tilespmem:s24], [sflag:$0x3], $0x6400, $0x38;
	[tilespmem:$0x18200] =	vst v63  }
0x37: {  	_ =	swait.ge @!p0 [sflag:s25], $0x6400  }
0x38: {  	[sflag:s25] =	ssyncset.done @!p0 $0x0  }
0x39: {  	[sflag:s25] =	ssyncadd.s32 @!p0 $0xFFFF9C00  }
0x3a: {  	[spmem:s12] =	stream.linear.scatter @!p0 [tilespmem:s24], [sflag:$0x3], $0x6400, $0x38;
	[tilespmem:$0x18200] =	vst v63  }
0x3b: {  	_ =	swait.ge @!p0 [sflag:s25], $0x6400  }
0x3c: {  	[sflag:s25] =	ssyncset.done @!p0 $0x0  }
.Ltmp3:
0x3d: {  	[sflag:s25] =	ssyncadd.s32 @!p0 $0xFFFF9C00;
	(pc) =	sbr.rel .LBB2_4-.Ltmp3, $4  }
0x3e: {  	s24 =	simm.s32 $0x0;
	[bflag:$0x0] =	sbarrier.arrive $0xFFFF  }
0x3f: {  	[tilespmem:s24], [sflag:$0x1] =	stream.linear.gather [hbm4b:s4+s24], $0x80, $0x38;
	[tilespmem:$0x18200] =	vst v63  }
0x40: {  	s26 =	smov.u32 s13;
	s25 =	smov.u32 s14  }
0x41: {  	[tilespmem:s15], [sflag:$0x1] =	stream.linear.gather [hbm4b:s5+s24], $0x4000, $0x38;
	[tilespmem:$0x18200] =	vst v63  }
.LBB2_6:
0x42: {  	s28 =	sadd.s32 $0x100, s26  }
0x43: {  	[tilespmem:s3], [sflag:$0x1] =	stream.linear.gather [hbm4b:s28+s3], $0x80, $0x38;
	[tilespmem:$0x18200] =	vst v63  }
0x44: {  	s31 =	sadd.s32 $0x8000, s25  }
0x45: {  	[tilespmem:s15], [sflag:$0x1] =	stream.linear.gather [hbm4b:s31+s3], $0x4000, $0x38;
	[tilespmem:$0x18200] =	vst v63  }
.LBB2_8:
0x46: {  	_ =	swait.ge [sflag:s20], $0x80  }
0x47: {  	[sflag:s20] =	ssyncset.done $0x0  }
0x48: {  	[sflag:s20] =	ssyncadd.s32 $0xFFFFFF80  }
0x49: {  	_ =	swait.ge [sflag:s20], $0x4000  }
0x4a: {  	[sflag:s20] =	ssyncset.done $0x0  }
0x4b: {  	[sflag:s20] =	ssyncadd.s32 $0xFFFFC000  }
0x4c: {  	v2 =	vld [tilespmem:$0x80]  }
0x4d: {  	v3 =	vld [tilespmem:$0x90]  }
0x4e: {  	v4 =	vld [tilespmem:$0xA0]  }
0x4f: {  	v5 =	vld [tilespmem:$0xB0]  }
0x50: {  	v6 =	vld [tilespmem:$0xC0]  }
0x51: {  	v7 =	vld [tilespmem:$0xD0];
	v2 =	vsub.s32 v2, v0  }
0x52: {  	v8 =	vld [tilespmem:$0xE0];
	v3 =	vsub.s32 v3, v0;
	v2 =	vmin.u32 v2, $0x1388  }
0x53: {  	v63 =	vld [tilespmem:$0xF0];
	[tilespmem:$0x100] =	vst v2;
	v2 =	vmin.u32 v3, $0x1388;
	v3 =	vsub.s32 v4, v0  }
0x54: {  	[tilespmem:$0x110] =	vst v2;
	v2 =	vmin.u32 v3, $0x1388;
	v3 =	vsub.s32 v5, v0  }
0x55: {  	[tilespmem:$0x120] =	vst v2;
	v2 =	vmin.u32 v3, $0x1388;
	v3 =	vsub.s32 v6, v0  }
0x56: {  	[tilespmem:$0x130] =	vst v2;
	v2 =	vmin.u32 v3, $0x1388;
	v3 =	vsub.s32 v7, v0  }
0x57: {  	[tilespmem:$0x140] =	vst v2;
	v2 =	vmin.u32 v3, $0x1388;
	v3 =	vsub.s32 v8, v0  }
0x58: {  	[tilespmem:$0x150] =	vst v2;
	v2 =	vmin.u32 v3, $0x1388;
	v3 =	vsub.s32 v63, v0  }
0x59: {  	[tilespmem:$0x160] =	vst v2;
	v2 =	vmin.u32 v3, $0x1388  }
0x5a: {  	[tilespmem:$0x170] =	vst v2  }
0x5b: {  	[spmem:s1] =	stream.indirect.scatter.add.f32 [tilespmem:s21], [sflag:$0x3], $0x80, s18, s17, $0xb8;
	[tilespmem:$0x18200] =	vst v63  }
0x5c: {  	_ =	swait.ge [sflag:s22], $0x4000  }
0x5d: {  	[sflag:s22] =	ssyncset.done $0x0  }
0x5e: {  	[sflag:s22] =	ssyncadd.s32 $0xFFFFC000  }
.LBB2_9:
0x5f: {  	s24 =	sadd.s32 $0x20, s24  }
0x60: {  	p1 =	sne.s32 s24, $0x500  }
.Ltmp4:
0x61: {  	_ = 	snop;
	(pc) =	sbr.rel @!p1 .LBB2_10-.Ltmp4, $2  }
0x62: {  	_ =	sdelay $0x2  }
0x63: {  	s26 =	sadd.s32 $0x200, s26;
	s25 =	sadd.s32 $0x10000, s25  }
.LBB2_4:
0x64: {  	s28 =	sadd.s32 s24, s2  }
0x65: {  	s29 =	sadd.s32 $0x10, s28;
	p2 =	slt.u32 s28, $0x4E2  }
.Ltmp5:
0x66: {  	p1 =	sgt.u32 s29, $0x4E1;
	(pc) =	sbr.rel @!p2 .LBB2_9-.Ltmp5, $4  }
0x67: {  	s29 =	simm.s32 @!p1 $0x0;
	s30 =	simm.s32 @!p1 $0x80  }
0x68: {  	[tilespmem:s30], [sflag:$0x2] =	stream.linear.gather @!p1 [hbm4b:s26+s29], $0x80, $0x38;
	[tilespmem:$0x18200] =	vst v63  }
0x69: {  	s30 =	simm.s32 @!p1 $0x4180  }
0x6a: {  	[tilespmem:s30], [sflag:$0x2] =	stream.linear.gather @!p1 [hbm4b:s25+s29], $0x4000, $0x38;
	[tilespmem:$0x18200] =	vst v63  }
0x6b: {  	_ =	swait.ge [sflag:s16], $0x80  }
0x6c: {  	[sflag:s16] =	ssyncset.done $0x0  }
0x6d: {  	[sflag:s16] =	ssyncadd.s32 $0xFFFFFF80  }
0x6e: {  	_ =	swait.ge [sflag:s16], $0x4000  }
0x6f: {  	[sflag:s16] =	ssyncset.done $0x0  }
0x70: {  	[sflag:s16] =	ssyncadd.s32 $0xFFFFC000  }
0x71: {  	v2 =	vld [tilespmem:$0x0]  }
0x72: {  	v3 =	vld [tilespmem:$0x10]  }
0x73: {  	v4 =	vld [tilespmem:$0x20]  }
0x74: {  	v5 =	vld [tilespmem:$0x30]  }
0x75: {  	v6 =	vld [tilespmem:$0x40]  }
0x76: {  	v7 =	vld [tilespmem:$0x50];
	v2 =	vsub.s32 v2, v0  }
0x77: {  	v8 =	vld [tilespmem:$0x60];
	v3 =	vsub.s32 v3, v0;
	v2 =	vmin.u32 v2, $0x1388  }
0x78: {  	v63 =	vld [tilespmem:$0x70];
	[tilespmem:$0x100] =	vst v2;
	v2 =	vmin.u32 v3, $0x1388;
	v3 =	vsub.s32 v4, v0  }
0x79: {  	[tilespmem:$0x110] =	vst v2;
	v2 =	vmin.u32 v3, $0x1388;
	v3 =	vsub.s32 v5, v0  }
0x7a: {  	[tilespmem:$0x120] =	vst v2;
	v2 =	vmin.u32 v3, $0x1388;
	v3 =	vsub.s32 v6, v0  }
0x7b: {  	[tilespmem:$0x130] =	vst v2;
	v2 =	vmin.u32 v3, $0x1388;
	v3 =	vsub.s32 v7, v0  }
0x7c: {  	[tilespmem:$0x140] =	vst v2;
	v2 =	vmin.u32 v3, $0x1388;
	v3 =	vsub.s32 v8, v0  }
0x7d: {  	[tilespmem:$0x150] =	vst v2;
	v2 =	vmin.u32 v3, $0x1388;
	v3 =	vsub.s32 v63, v0  }
0x7e: {  	p2 =	sgt.u32 s28, $0x4C1;
	[tilespmem:$0x160] =	vst v2;
	v2 =	vmin.u32 v3, $0x1388  }
.Ltmp6:
0x7f: {  	[tilespmem:$0x170] =	vst v2;
	(pc) =	sbr.rel @!p2 .LBB2_6-.Ltmp6, $4  }
0x80: {  	[spmem:s1] =	stream.indirect.scatter.add.f32 [tilespmem:s15], [sflag:$0x4], $0x80, s18, s17, $0xb8;
	[tilespmem:$0x18200] =	vst v63  }
0x81: {  	_ =	swait.ge [sflag:s19], $0x4000  }
0x82: {  	[sflag:s19] =	ssyncset.done $0x0  }
0x83: {  	[sflag:s19] =	ssyncadd.s32 $0xFFFFC000  }
.Ltmp7:
0x84: {  	(pc) =	sbr.rel @p1 .LBB2_9-.Ltmp7, $4  }
.Ltmp8:
0x85: {  	(pc) =	sbr.rel @!p1 .LBB2_8-.Ltmp8, $4  }
0x86: {  	_ = 	snop  }
0x87: {  	_ = 	snop  }
0x88: {  	_ = 	snop  }
0x89: {  	_ = 	snop  }
.LBB2_11:
0x8a: {  	_ =	sfence.sel $0x180000  }
0x8b: {  	[bflag:$0x0] =	sbarrier.arrive $0xFFFF  }
0x8c: {  	p0 =	sne.s32 s2, $0x0;
	_ =	strace $0x9000004D  }
0x8d: {  	s0 =	sadd.s32 @!p0 $0x100000, s0;
	[bflag:$0x2] =	sbarrier.arrive $0xFFFF  }
0x8e: {  	[sflag:s0] =	ssyncadd.tile.s32 @!p0 $0x1;
	_ =	shalt  }
.Lfunc_end2:
_tile_overlayer_lowered:
.L_overlay_start_2:
0x8f: {  	(tag) =	ssettag $0x2  }
0x90: {  	s0 =	rddreg [dreg:$0x0];
	s2 =	stileid.u32  }
0x91: {  	s1 =	rddreg [dreg:$0x1];
	p0 =	sne.s32 s2, $0x0  }
0x92: {  	s3 =	rddreg [dreg:$0x2];
	[bflag:$0x3] =	sbarrier.arrive $0xFFFF;
	s2 =	simm.s32 @!p0 $0x1C03  }
0x93: {  	[timem:s3], [sflag:s2] =	dma.local @!p0 [hbm:s0], s1  }
0x94: {  	s0 =	simm.s32 @!p0 $0x3  }
0x95: {  	_ =	swait.ge @!p0 [sflag:s0], s1  }
0x96: {  	s1 =	ssub.s32 @!p0 $0x0, s1;
	[sflag:s0] =	ssyncset.done @!p0 $0x0  }
0x97: {  	[sflag:s0] =	ssyncadd.s32 @!p0 s1  }
0x98: {  	[bflag:$0x3] =	sbarrier.arrive $0xFFFF  }
0x99: {  	_ =	shalt  }

// kernel: kernel.32.cloned.1.call-start
scs
__scs_entry_jumppad:
0x0: {  	(pc) =	sbr.rel $0x88, $3  }
0x1: {  	(tag) =	ssettag $0x0;
	lr =	simm.s32 $0x1  }
0x2: {  	[smem:$0x3F94] =	sst lr;
	_ =	strace $0xD0000000  }
0x3: {  	_ = 	snop  }
0x4: {  	_ = 	snop  }
0x5: {  	_ = 	snop  }
0x6: {  	_ = 	snop  }
0x7: {  	_ = 	snop  }
__scs_overlays_trampoline_lowered:
0x8: {  	[smem:$0x3FA3] =	sst s0  }
0x9: {  	[smem:$0x3FA4] =	sst s1  }
0xa: {  	[smem:$0x3FA5] =	sst s2  }
0xb: {  	[smem:$0x3FA6] =	sst s3  }
0xc: {  	[smem:$0x3FA7] =	sst s4  }
0xd: {  	[smem:$0x3FA8] =	sst s5  }
0xe: {  	[smem:$0x3FA9] =	sst s6  }
0xf: {  	[smem:$0x3FAA] =	sst s7  }
0x10: {  	[smem:$0x3FAB] =	sst s8  }
0x11: {  	[smem:$0x3FAC] =	sst s9;
	s0 =	simm.s32 @!p0 $0x0  }
0x12: {  	s1 =	sld [smem:$0x3F92];
	s0 =	simm.s32 @p0 $0x1  }
0x13: {  	[smem:$0x3FAD] =	sst s0;
	s0 =	simm.s32 @!p1 $0x0  }
0x14: {  	s2 =	sld [smem:$0x3F91];
	s0 =	simm.s32 @p1 $0x1  }
0x15: {  	[smem:$0x3FAE] =	sst s0;
	s0 =	simm.s32 @!p2 $0x0  }
0x16: {  	s3 =	sld [smem:$0x3FDB];
	s0 =	simm.s32 @p2 $0x1  }
0x17: {  	s4 =	simm.s32 $0x1BF5;
	[smem:$0x3FB0] =	sst s0  }
0x18: {  	s0 =	sld [smem:$0x3F93];
	_ =	swait.ge [sflag:s4], $0x0  }
0x19: {  	s7 =	sld [smem:$0x3F94]  }
0x1a: {  	s8 =	sadd.s32 $0xFFFFE003, lr  }
0x1b: {  	s9 =	sadd.s32 $0xFFFFFEF7, lr;
	s5 =	simm.s32 $0xFFFFFFFF;
	p2 =	slt.u32 s8, $0xFFFFF086  }
0x1c: {  	p1 =	slt.u32 s9, $0xF7A;
	s5 =	simm.s32 @!p2 $0x0  }
0x1d: {  	s5 =	simm.s32 @p1 $0x1;
	p0 =	seq.s32 s7, s2  }
0x1e: {  	s7 =	smul.u32 @!p0 $0xF7A, s2;
	p2 =	seq.s32 @!p0 s5, $0x0  }
0x1f: {  	s9 =	smul.u32 $0xF7A, s1;
	s8 =	simm.s32 @!p0 $0x1BF5;
	p2 =	por !p2, p0  }
0x20: {  	[sflag:s8] =	ssyncset.s32 @!p0 $0xFFFFF086;
	s6 =	sadd.s32 @!p0 s3, s7;
	s7 =	simm.s32 @!p0 $0x108  }
0x21: {  	s3 =	sadd.s32 s3, s9;
	s6 =	sadd.s32 @!p0 $0x88, s6;
	s7 =	simm.s32 @p2 $0x1082  }
0x22: {  	[simem:s7], [sflag:s8] =	dma.local @!p0 [hbm:s6], $0xF7A  }
0x23: {  	s9 =	sor.u32 $0xD0000000, s2;
	s6 =	simm.s32 $0x108;
	_ =	swait.ge @!p0 [sflag:s8], $0x0  }
0x24: {  	s3 =	sadd.s32 $0x88, s3;
	s6 =	simm.s32 @!p1 $0x1082;
	[sflag:s4] =	ssyncset.s32 $0xFFFFF086  }
0x25: {  	[simem:s6], [sflag:s4] =	dma.local [hbm:s3], $0xF7A  }
0x26: {  	[smem:$0x3F94] =	sst s1;
	(tag) =	ssettag s2;
	_ =	strace s9  }
0x27: {  	s1 =	sld [smem:$0x3FA4]  }
0x28: {  	s2 =	sld [smem:$0x3FA5]  }
0x29: {  	s4 =	sld [smem:$0x3FA7]  }
0x2a: {  	p0 =	seq.s32 s5, $0x0;
	s5 =	sld [smem:$0x3FA8]  }
0x2b: {  	s6 =	sld [smem:$0x3FA9]  }
0x2c: {  	s7 =	sld [smem:$0x3FAA]  }
0x2d: {  	s3 =	simm.s32 $0x108;
	s8 =	sld [smem:$0x3FAB]  }
0x2e: {  	s3 =	simm.s32 @!p0 $0x1082;
	s9 =	sld [smem:$0x3FAC]  }
0x2f: {  	lr =	sadd.s32 s0, s3;
	s0 =	sld [smem:$0x3FA3]  }
0x30: {  	s3 =	sld [smem:$0x3FA6]  }
0x31: {  	[smem:$0x3FAF] =	sst s10  }
0x32: {  	s10 =	sld [smem:$0x3FAD];
	_ =	sdelay $0x3  }
0x33: {  	p0 =	seq.s32 s10, $0x1;
	s10 =	sld [smem:$0x3FAF];
	_ =	sdelay $0x3  }
0x34: {  	[smem:$0x3FAF] =	sst s10  }
0x35: {  	s10 =	sld [smem:$0x3FAE];
	_ =	sdelay $0x3  }
0x36: {  	p1 =	seq.s32 s10, $0x1;
	s10 =	sld [smem:$0x3FAF];
	_ =	sdelay $0x3  }
0x37: {  	[smem:$0x3FAF] =	sst s10  }
0x38: {  	s10 =	sld [smem:$0x3FB0]  }
0x39: {  	_ = 	snop;
	(pc) =	sbr.ind lr, $3  }
0x3a: {  	_ = 	snop  }
0x3b: {  	_ = 	snop  }
0x3c: {  	p2 =	seq.s32 s10, $0x1;
	s10 =	sld [smem:$0x3FAF]  }
0x3d: {  	_ =	shalt  }
0x3e: {  	_ =	shalt  }
0x3f: {  	_ =	shalt  }
0x40: {  	_ =	shalt  }
0x41: {  	_ =	shalt  }
0x42: {  	_ =	shalt  }
0x43: {  	_ =	shalt  }
0x44: {  	_ =	shalt  }
0x45: {  	_ =	shalt  }
0x46: {  	_ =	shalt  }
0x47: {  	_ =	shalt  }
0x48: {  	_ =	shalt  }
0x49: {  	_ =	shalt  }
0x4a: {  	_ =	shalt  }
0x4b: {  	_ =	shalt  }
0x4c: {  	_ =	shalt  }
0x4d: {  	_ =	shalt  }
0x4e: {  	_ =	shalt  }
0x4f: {  	_ =	shalt  }
0x50: {  	_ =	shalt  }
0x51: {  	_ =	shalt  }
0x52: {  	_ =	shalt  }
0x53: {  	_ =	shalt  }
0x54: {  	_ =	shalt  }
0x55: {  	_ =	shalt  }
0x56: {  	_ =	shalt  }
0x57: {  	_ =	shalt  }
0x58: {  	_ =	shalt  }
0x59: {  	_ =	shalt  }
0x5a: {  	_ =	shalt  }
0x5b: {  	_ =	shalt  }
0x5c: {  	_ =	shalt  }
0x5d: {  	_ =	shalt  }
0x5e: {  	_ =	shalt  }
0x5f: {  	_ =	shalt  }
0x60: {  	_ =	shalt  }
0x61: {  	_ =	shalt  }
0x62: {  	_ =	shalt  }
0x63: {  	_ =	shalt  }
0x64: {  	_ =	shalt  }
0x65: {  	_ =	shalt  }
0x66: {  	_ =	shalt  }
0x67: {  	_ =	shalt  }
0x68: {  	_ =	shalt  }
0x69: {  	_ =	shalt  }
0x6a: {  	_ =	shalt  }
0x6b: {  	_ =	shalt  }
0x6c: {  	_ =	shalt  }
0x6d: {  	_ =	shalt  }
0x6e: {  	_ =	shalt  }
0x6f: {  	_ =	shalt  }
0x70: {  	_ =	shalt  }
0x71: {  	_ =	shalt  }
0x72: {  	_ =	shalt  }
0x73: {  	_ =	shalt  }
0x74: {  	_ =	shalt  }
0x75: {  	_ =	shalt  }
0x76: {  	_ =	shalt  }
0x77: {  	_ =	shalt  }
0x78: {  	_ =	shalt  }
0x79: {  	_ =	shalt  }
0x7a: {  	_ =	shalt  }
0x7b: {  	_ =	shalt  }
0x7c: {  	_ =	shalt  }
0x7d: {  	_ =	shalt  }
0x7e: {  	_ =	shalt  }
0x7f: {  	_ =	shalt  }
0x80: {  	_ =	shalt  }
0x81: {  	_ =	shalt  }
0x82: {  	_ =	shalt  }
0x83: {  	_ =	shalt  }
0x84: {  	_ =	shalt  }
0x85: {  	_ =	shalt  }
0x86: {  	_ =	shalt  }
0x87: {  	_ =	shalt  }
.Lfunc_end0:
.L_simem_size_0:
called_computation.6_lowered:
.L_overlay_start_0:
0x88: {  	s2 =	sld [smem:$0x3FD9]  }
0x89: {  	s3 =	sld [smem:$0x3FFE];
	_ =	sdelay $0x1  }
0x8a: {  	s1 =	srdreg.scid  }
0x8b: {  	s0 =	sand.u32 $0x1, s1  }
0x8c: {  	s17 =	sshll.u32 s0, $0xA;
	s2 =	sadd.s32 s3, s2  }
0x8d: {  	s2 =	sadd.s32 s2, s17  }
0x8e: {  	[smem:$0x3FBB] =	sst s2  }
0x8f: {  	_ = 	snop  }
0x90: {  	(tm) =	ssettm $0x1  }
0x91: {  	s18 =	sld [smem:$0x3FFB];
	_ =	sdelay $0x3  }
0x92: {  	_ =	strace s18  }
0x93: {  	s2 =	sld [smem:$0x3FFC];
	_ =	sdelay $0x3  }
0x94: {  	_ =	strace s2  }
0x95: {  	s2 =	sld [smem:$0x3FFD];
	_ =	sdelay $0x3  }
0x96: {  	_ =	strace s2  }
0x97: {  	_ =	strace $0x8FFFFFFF  }
0x98: {  	s19 =	sld [smem:$0x3FDB];
	_ =	sdelay $0x1  }
0x99: {  	s20 =	simm.s32 $_scs_section_size  }
0x9a: {  	s4 =	simm.s32 $_size__tile_overlayer_lowered;
	s5 =	simm.s32 $_tile_overlayer_lowered  }
0x9b: {  	s6 =	simm.s32 $0x1BFF;
	s21 =	sshll.u32 s5, $0x1;
	s3 =	sadd.s32 s20, s19  }
0x9c: {  	s22 =	simm.s32 $0x0;
	s4 =	sshll.u32 s4, $0x1;
	s5 =	sadd.s32 s21, s3  }
0x9d: {  	[timem:s22], [sflag:s6] =	dma.local [hbm:s5], s4  }
0x9e: {  	_ =	swait.ge [sflag:s6], s4  }
0x9f: {  	s4 =	ssub.s32 $0x0, s4;
	[sflag:s6] =	ssyncset.done $0x0  }
0xa0: {  	[sflag:s6] =	ssyncadd.s32 s4;
	_ =	sdelay $0x1  }
0xa1: {  	s23 =	simm.s32 $0x1B8B  }
0xa2: {  	_ =	swait.ge [sflag:s23], $0x1  }
0xa3: {  	[sflag:s23] =	ssyncset.done $0x0  }
0xa4: {  	[sflag:s23] =	ssyncadd.s32 $0xFFFFFFFF  }
0xa5: {  	s4 =	sld [smem:$0x0]  }
0xa6: {  	s5 =	sand.u32 $0xFFFFFFFE, s1  }
0xa7: {  	p0 =	sne.s32 s1, s5  }
0xa8: {  	s5 =	sshll.u32 @p0 s5, $0xE  }
0xa9: {  	s5 =	sadd.s32 @p0 $0x11B8D, s5;
	s6 =	sshll.u32 @p0 s4, $0x11  }
0xaa: {  	s5 =	sor.u32 @p0 s6, s5  }
0xab: {  	[sflag:s5] =	ssyncadd.remote.s32 @p0 $0x1;
	_ =	sdelay $0x1  }
0xac: {  	s5 =	simm.s32 @p0 $0x1B8D  }
0xad: {  	_ =	swait.eq @p0 [sflag:s5], $0x1  }
0xae: {  	[sflag:s5] =	ssyncadd.s32 @p0 $0xFFFFFFFF  }
0xaf: {  	s6 =	sshll.u32 @!p0 s1, $0xE  }
0xb0: {  	s6 =	sor.u32 @!p0 $0x4000, s6;
	s5 =	simm.s32 @!p0 $0x1B8D  }
0xb1: {  	s4 =	sshll.u32 @!p0 s4, $0x11;
	s6 =	sadd.s32 @!p0 $0x11B8D, s6;
	_ =	swait.eq @!p0 [sflag:s5], $0x1  }
0xb2: {  	s4 =	sor.u32 @!p0 s4, s6;
	[sflag:s5] =	ssyncadd.s32 @!p0 $0xFFFFFFFF  }
0xb3: {  	s25 =	simm.s32 $0x1B8E;
	s24 =	sld [smem:$0x3FFE];
	[sflag:s4] =	ssyncadd.remote.s32 @!p0 $0x1  }
0xb4: {  	s26 =	simm.s32 $execute0_lowered;
	[smem:$0x3FD2] =	sst s25  }
0xb5: {  	s5 =	sshll.u32 s26, $0x1;
	_ =	strace $0x8000004F;
	[dreg:$0x1] =	wrdreg $0xFFFFFFFF  }
0xb6: {  	s28 =	simm.s32 $_size_execute0_lowered;
	s3 =	sadd.s32 s3, s5;
	[dreg:$0x0] =	wrdreg $0x0  }
0xb7: {  	s5 =	sshll.u32 s28, $0x1;
	[dreg:$0x2] =	wrdreg s3  }
0xb8: {  	[dreg:$0x3] =	wrdreg s5  }
0xb9: {  	[dreg:$0x4] =	wrdreg $0xC0  }
0xba: {  	_ =	task [dreg:s22], $0x5FFFF  }
0xbb: {  	[dreg:$0x1] =	wrdreg $0xFFFFFFFF  }
0xbc: {  	[dreg:$0x0] =	wrdreg $0x60  }
0xbd: {  	[dreg:$0x2] =	wrdreg s24  }
0xbe: {  	[dreg:$0x3] =	wrdreg $0xE5800  }
0xbf: {  	[dreg:$0x4] =	wrdreg $0xA  }
0xc0: {  	_ =	task.clear_ibuf [dreg:s22], $0x5FFFF;
	_ =	strace $0x9000004F  }
0xc1: {  	s29 =	simm.s32 $0xA;
	_ =	strace $0x80000051  }
0xc2: {  	_ =	swait.ge [sflag:s29], $0x1  }
0xc3: {  	[sflag:s29] =	ssyncadd.s32 $0xFFFFFFFF  }
0xc4: {  	_ =	strace $0x90000051  }
0xc5: {  	_ =	sfence  }
0xc6: {  	s30 =	sld [smem:$0x0];
	_ =	sdelay $0x2  }
0xc7: {  	s31 =	sshll.u32 s1, $0xD;
	s1 =	sshrl.u32 s1, $0x2  }
0xc8: {  	s4 =	sand.u32 $0x4000, s31;
	s1 =	sadd.s32 s1, s30  }
0xc9: {  	s0 =	sor.u32 s4, s0;
	s1 =	sshll.u32 s1, $0x11  }
0xca: {  	s0 =	sor.u32 s1, s0  }
0xcb: {  	s0 =	sadd.s32 $0x8F2B, s0  }
0xcc: {  	[sflag:s0] =	ssyncadd.remote.s32 $0x1  }
0xcd: {  	_ =	sfence.sel $0xFFFF  }
0xce: {  	[dreg:$0x0] =	wrdreg $0xFFFFFFFF;
	(pc) =	sbr.abs _section_cstart, $3  }
0xcf: {  	[dreg:$0x1] =	wrdreg $0xFFFFFFFF  }
0xd0: {  	_ =	task.clear_ibuf [dreg:s22], $0x2FFFF;
	_ =	strace $0x9FFFFFFF  }
0xd1: {  	(tm) =	ssettm $0x7FFFFFFF  }
tec
execute0_lowered:
.L_overlay_start_1:
0x0: {  	(tag) =	ssettag $0x1  }
0x1: {  	s4 =	rddreg [dreg:$0x0]  }
0x2: {  	s1 =	rddreg [dreg:$0x1];
	s2 =	srdreg.scid  }
0x3: {  	s0 =	rddreg [dreg:$0x2];
	s3 =	simm.s32 $0x0;
	s15 =	simm.s32 $0x180  }
0x4: {  	s16 =	simm.s32 $0x1;
	s17 =	simm.s32 $0x80;
	s18 =	simm.s32 $0x100  }
0x5: {  	s19 =	simm.s32 $0x4;
	s20 =	simm.s32 $0x2;
	s22 =	simm.s32 $0x3  }
0x6: {  	s23 =	simm.s32 $0x0;
	s5 =	sand.u32 $0x1, s2;
	s2 =	stileid.u32  }
0x7: {  	[smem:$0x7FF] =	sst s3;
	s21 =	smul.u32 $0x1388, s5;
	s6 =	sshll.u32 s2, $0xB  }
0x8: {  	s7 =	smul.u32 $0x3E8, s2;
	_ =	strace $0x80000050;
	s28 =	sshll.u32 s2, $0x4  }
0x9: {  	s5 =	ssub.s32 $0x2, s5;
	s8 =	smul.u32 $0x7D000, s2;
	p0 =	sgt.u32 s2, $0x4  }
0xa: {  	s14 =	sadd.s32 s6, s4;
	s13 =	sadd.s32 s28, s4;
	s30 =	sshrl.u32 s5, $0x1  }
0xb: {  	s7 =	sadd.s32 s7, s21;
	s10 =	ssub.s32 s5, s30;
	s5 =	sadd.s32 $0xC9E600, s14  }
.Ltmp0:
0xc: {  	s31 =	sshrl.u32 s8, $0x2;
	s14 =	sadd.s32 $0xCA6600, s14;
	(pc) =	sbr.rel .LBB2_1-.Ltmp0, $4  }
0xd: {  	v0 =	vmov s21;
	s21 =	simm.s32 $0x4180;
	s29 =	sshll.u32 s7, $0x4;
	s6 =	sadd.s32 s31, s1  }
0xe: {  	s8 =	smax.u32 s10, $0x1;
	s9 =	sadd.s32 s29, s4;
	s4 =	sadd.s32 $0x5000, s13  }
0xf: {  	s10 =	sadd.s32 $0xC800, s6;
	s11 =	sadd.s32 $0x12C00, s6;
	s12 =	sadd.s32 $0x19000, s6  }
0x10: {  	v1 =	vimm.f32 $0.0e+00;
	s13 =	sadd.s32 $0x5100, s13;
	s7 =	sadd.s32 $0x84600, s9;
	s9 =	sadd.s32 $0x6400, s6  }
.LBB2_10:
0x11: {  	s24 =	sshll.u32 @!p0 s2, $0x6;
	[bflag:$0x0] =	sbarrier.arrive $0xFFFF;
	s23 =	sadd.s32 $0x1, s23  }
0x12: {  	s25 =	sshrl.u32 @!p0 s6, $0x3;
	s24 =	sor.u32 @!p0 $0x1C03, s24;
	p1 =	sne.s32 s23, s8  }
0x13: {  	[hbm:s7], [sflag:s24] =	dma.local @!p0 [spmem:s25], $0x3E80  }
.Ltmp1:
0x14: {  	_ = 	snop;
	(pc) =	sbr.rel @!p1 .LBB2_11-.Ltmp1, $4  }
0x15: {  	s24 =	simm.s32 @!p0 $0x3  }
0x16: {  	_ =	swait.ge @!p0 [sflag:s24], $0x3E80  }
0x17: {  	[sflag:s24] =	ssyncset.done @!p0 $0x0  }
0x18: {  	[sflag:s24] =	ssyncadd.s32 @!p0 $0xFFFFC180  }
.LBB2_1:
0x19: {  	s24 =	simm.s32 $0x0;
	s25 =	simm.s32 $0x200  }
.LBB2_2:
0x1a: {  	p1 =	sne.s32 s25, $0x18E00;
	[tilespmem:s24+$0x81F0] =	vst v1  }
0x1b: {  	[tilespmem:s24+$0x8180] =	vst v1  }
0x1c: {  	[tilespmem:s24+$0x8190] =	vst v1  }
.Ltmp2:
0x1d: {  	[tilespmem:s24+$0x81A0] =	vst v1;
	(pc) =	sbr.rel @p1 .LBB2_2-.Ltmp2, $4  }
0x1e: {  	[tilespmem:s24+$0x81B0] =	vst v1  }
0x1f: {  	[tilespmem:s24+$0x81C0] =	vst v1  }
0x20: {  	[tilespmem:s24+$0x81D0] =	vst v1  }
0x21: {  	[tilespmem:s24+$0x81E0] =	vst v1;
	s24 =	sshra.s32 s25, $0x2;
	s25 =	sadd.s32 $0x200, s25  }
0x22: {  	[tilespmem:s24+$0x81F0] =	vst v1  }
0x23: {  	[tilespmem:s24+$0x8180] =	vst v1  }
0x24: {  	[tilespmem:s24+$0x8190] =	vst v1  }
0x25: {  	[tilespmem:s24+$0x81A0] =	vst v1  }
0x26: {  	[tilespmem:s24+$0x81B0] =	vst v1  }
0x27: {  	[tilespmem:s24+$0x81C0] =	vst v1  }
0x28: {  	[tilespmem:s24+$0x81D0] =	vst v1  }
0x29: {  	[tilespmem:s24+$0x81E0] =	vst v1;
	s24 =	simm.s32 @!p0 $0x8180;
	s25 =	simm.s32 @!p0 $0x3  }
0x2a: {  	[spmem:s6] =	stream.linear.scatter @!p0 [tilespmem:s24], [sflag:$0x3], $0x6400, $0x38;
	[tilespmem:$0x18200] =	vst v63  }
0x2b: {  	_ =	swait.ge @!p0 [sflag:s25], $0x6400  }
0x2c: {  	[sflag:s25] =	ssyncset.done @!p0 $0x0  }
0x2d: {  	[sflag:s25] =	ssyncadd.s32 @!p0 $0xFFFF9C00  }
0x2e: {  	[spmem:s9] =	stream.linear.scatter @!p0 [tilespmem:s24], [sflag:$0x3], $0x6400, $0x38;
	[tilespmem:$0x18200] =	vst v63  }
0x2f: {  	_ =	swait.ge @!p0 [sflag:s25], $0x6400  }
0x30: {  	[sflag:s25] =	ssyncset.done @!p0 $0x0  }
0x31: {  	[sflag:s25] =	ssyncadd.s32 @!p0 $0xFFFF9C00  }
0x32: {  	[spmem:s10] =	stream.linear.scatter @!p0 [tilespmem:s24], [sflag:$0x3], $0x6400, $0x38;
	[tilespmem:$0x18200] =	vst v63  }
0x33: {  	_ =	swait.ge @!p0 [sflag:s25], $0x6400  }
0x34: {  	[sflag:s25] =	ssyncset.done @!p0 $0x0  }
0x35: {  	[sflag:s25] =	ssyncadd.s32 @!p0 $0xFFFF9C00  }
0x36: {  	[spmem:s11] =	stream.linear.scatter @!p0 [tilespmem:s24], [sflag:$0x3], $0x6400, $0x38;
	[tilespmem:$0x18200] =	vst v63  }
0x37: {  	_ =	swait.ge @!p0 [sflag:s25], $0x6400  }
0x38: {  	[sflag:s25] =	ssyncset.done @!p0 $0x0  }
0x39: {  	[sflag:s25] =	ssyncadd.s32 @!p0 $0xFFFF9C00  }
0x3a: {  	[spmem:s12] =	stream.linear.scatter @!p0 [tilespmem:s24], [sflag:$0x3], $0x6400, $0x38;
	[tilespmem:$0x18200] =	vst v63  }
0x3b: {  	_ =	swait.ge @!p0 [sflag:s25], $0x6400  }
0x3c: {  	[sflag:s25] =	ssyncset.done @!p0 $0x0  }
.Ltmp3:
0x3d: {  	[sflag:s25] =	ssyncadd.s32 @!p0 $0xFFFF9C00;
	(pc) =	sbr.rel .LBB2_4-.Ltmp3, $4  }
0x3e: {  	s24 =	simm.s32 $0x0;
	[bflag:$0x0] =	sbarrier.arrive $0xFFFF  }
0x3f: {  	[tilespmem:s24], [sflag:$0x1] =	stream.linear.gather [hbm4b:s4+s24], $0x80, $0x38;
	[tilespmem:$0x18200] =	vst v63  }
0x40: {  	s26 =	smov.u32 s13;
	s25 =	smov.u32 s14  }
0x41: {  	[tilespmem:s15], [sflag:$0x1] =	stream.linear.gather [hbm4b:s5+s24], $0x4000, $0x38;
	[tilespmem:$0x18200] =	vst v63  }
.LBB2_6:
0x42: {  	s28 =	sadd.s32 $0x100, s26  }
0x43: {  	[tilespmem:s3], [sflag:$0x1] =	stream.linear.gather [hbm4b:s28+s3], $0x80, $0x38;
	[tilespmem:$0x18200] =	vst v63  }
0x44: {  	s31 =	sadd.s32 $0x8000, s25  }
0x45: {  	[tilespmem:s15], [sflag:$0x1] =	stream.linear.gather [hbm4b:s31+s3], $0x4000, $0x38;
	[tilespmem:$0x18200] =	vst v63  }
.LBB2_8:
0x46: {  	_ =	swait.ge [sflag:s20], $0x80  }
0x47: {  	[sflag:s20] =	ssyncset.done $0x0  }
0x48: {  	[sflag:s20] =	ssyncadd.s32 $0xFFFFFF80  }
0x49: {  	_ =	swait.ge [sflag:s20], $0x4000  }
0x4a: {  	[sflag:s20] =	ssyncset.done $0x0  }
0x4b: {  	[sflag:s20] =	ssyncadd.s32 $0xFFFFC000  }
0x4c: {  	v2 =	vld [tilespmem:$0x80]  }
0x4d: {  	v3 =	vld [tilespmem:$0x90]  }
0x4e: {  	v4 =	vld [tilespmem:$0xA0]  }
0x4f: {  	v5 =	vld [tilespmem:$0xB0]  }
0x50: {  	v6 =	vld [tilespmem:$0xC0]  }
0x51: {  	v7 =	vld [tilespmem:$0xD0];
	v2 =	vsub.s32 v2, v0  }
0x52: {  	v8 =	vld [tilespmem:$0xE0];
	v3 =	vsub.s32 v3, v0;
	v2 =	vmin.u32 v2, $0x1388  }
0x53: {  	v63 =	vld [tilespmem:$0xF0];
	[tilespmem:$0x100] =	vst v2;
	v2 =	vmin.u32 v3, $0x1388;
	v3 =	vsub.s32 v4, v0  }
0x54: {  	[tilespmem:$0x110] =	vst v2;
	v2 =	vmin.u32 v3, $0x1388;
	v3 =	vsub.s32 v5, v0  }
0x55: {  	[tilespmem:$0x120] =	vst v2;
	v2 =	vmin.u32 v3, $0x1388;
	v3 =	vsub.s32 v6, v0  }
0x56: {  	[tilespmem:$0x130] =	vst v2;
	v2 =	vmin.u32 v3, $0x1388;
	v3 =	vsub.s32 v7, v0  }
0x57: {  	[tilespmem:$0x140] =	vst v2;
	v2 =	vmin.u32 v3, $0x1388;
	v3 =	vsub.s32 v8, v0  }
0x58: {  	[tilespmem:$0x150] =	vst v2;
	v2 =	vmin.u32 v3, $0x1388;
	v3 =	vsub.s32 v63, v0  }
0x59: {  	[tilespmem:$0x160] =	vst v2;
	v2 =	vmin.u32 v3, $0x1388  }
0x5a: {  	[tilespmem:$0x170] =	vst v2  }
0x5b: {  	[spmem:s1] =	stream.indirect.scatter.add.f32 [tilespmem:s21], [sflag:$0x3], $0x80, s18, s17, $0xb8;
	[tilespmem:$0x18200] =	vst v63  }
0x5c: {  	_ =	swait.ge [sflag:s22], $0x4000  }
0x5d: {  	[sflag:s22] =	ssyncset.done $0x0  }
0x5e: {  	[sflag:s22] =	ssyncadd.s32 $0xFFFFC000  }
.LBB2_9:
0x5f: {  	s24 =	sadd.s32 $0x20, s24  }
0x60: {  	p1 =	sne.s32 s24, $0x500  }
.Ltmp4:
0x61: {  	_ = 	snop;
	(pc) =	sbr.rel @!p1 .LBB2_10-.Ltmp4, $2  }
0x62: {  	_ =	sdelay $0x2  }
0x63: {  	s26 =	sadd.s32 $0x200, s26;
	s25 =	sadd.s32 $0x10000, s25  }
.LBB2_4:
0x64: {  	s28 =	sadd.s32 s24, s2  }
0x65: {  	s29 =	sadd.s32 $0x10, s28;
	p2 =	slt.u32 s28, $0x4E2  }
.Ltmp5:
0x66: {  	p1 =	sgt.u32 s29, $0x4E1;
	(pc) =	sbr.rel @!p2 .LBB2_9-.Ltmp5, $4  }
0x67: {  	s29 =	simm.s32 @!p1 $0x0;
	s30 =	simm.s32 @!p1 $0x80  }
0x68: {  	[tilespmem:s30], [sflag:$0x2] =	stream.linear.gather @!p1 [hbm4b:s26+s29], $0x80, $0x38;
	[tilespmem:$0x18200] =	vst v63  }
0x69: {  	s30 =	simm.s32 @!p1 $0x4180  }
0x6a: {  	[tilespmem:s30], [sflag:$0x2] =	stream.linear.gather @!p1 [hbm4b:s25+s29], $0x4000, $0x38;
	[tilespmem:$0x18200] =	vst v63  }
0x6b: {  	_ =	swait.ge [sflag:s16], $0x80  }
0x6c: {  	[sflag:s16] =	ssyncset.done $0x0  }
0x6d: {  	[sflag:s16] =	ssyncadd.s32 $0xFFFFFF80  }
0x6e: {  	_ =	swait.ge [sflag:s16], $0x4000  }
0x6f: {  	[sflag:s16] =	ssyncset.done $0x0  }
0x70: {  	[sflag:s16] =	ssyncadd.s32 $0xFFFFC000  }
0x71: {  	v2 =	vld [tilespmem:$0x0]  }
0x72: {  	v3 =	vld [tilespmem:$0x10]  }
0x73: {  	v4 =	vld [tilespmem:$0x20]  }
0x74: {  	v5 =	vld [tilespmem:$0x30]  }
0x75: {  	v6 =	vld [tilespmem:$0x40]  }
0x76: {  	v7 =	vld [tilespmem:$0x50];
	v2 =	vsub.s32 v2, v0  }
0x77: {  	v8 =	vld [tilespmem:$0x60];
	v3 =	vsub.s32 v3, v0;
	v2 =	vmin.u32 v2, $0x1388  }
0x78: {  	v63 =	vld [tilespmem:$0x70];
	[tilespmem:$0x100] =	vst v2;
	v2 =	vmin.u32 v3, $0x1388;
	v3 =	vsub.s32 v4, v0  }
0x79: {  	[tilespmem:$0x110] =	vst v2;
	v2 =	vmin.u32 v3, $0x1388;
	v3 =	vsub.s32 v5, v0  }
0x7a: {  	[tilespmem:$0x120] =	vst v2;
	v2 =	vmin.u32 v3, $0x1388;
	v3 =	vsub.s32 v6, v0  }
0x7b: {  	[tilespmem:$0x130] =	vst v2;
	v2 =	vmin.u32 v3, $0x1388;
	v3 =	vsub.s32 v7, v0  }
0x7c: {  	[tilespmem:$0x140] =	vst v2;
	v2 =	vmin.u32 v3, $0x1388;
	v3 =	vsub.s32 v8, v0  }
0x7d: {  	[tilespmem:$0x150] =	vst v2;
	v2 =	vmin.u32 v3, $0x1388;
	v3 =	vsub.s32 v63, v0  }
0x7e: {  	p2 =	sgt.u32 s28, $0x4C1;
	[tilespmem:$0x160] =	vst v2;
	v2 =	vmin.u32 v3, $0x1388  }
.Ltmp6:
0x7f: {  	[tilespmem:$0x170] =	vst v2;
	(pc) =	sbr.rel @!p2 .LBB2_6-.Ltmp6, $4  }
0x80: {  	[spmem:s1] =	stream.indirect.scatter.add.f32 [tilespmem:s15], [sflag:$0x4], $0x80, s18, s17, $0xb8;
	[tilespmem:$0x18200] =	vst v63  }
0x81: {  	_ =	swait.ge [sflag:s19], $0x4000  }
0x82: {  	[sflag:s19] =	ssyncset.done $0x0  }
0x83: {  	[sflag:s19] =	ssyncadd.s32 $0xFFFFC000  }
.Ltmp7:
0x84: {  	(pc) =	sbr.rel @p1 .LBB2_9-.Ltmp7, $4  }
.Ltmp8:
0x85: {  	(pc) =	sbr.rel @!p1 .LBB2_8-.Ltmp8, $4  }
0x86: {  	_ = 	snop  }
0x87: {  	_ = 	snop  }
0x88: {  	_ = 	snop  }
0x89: {  	_ = 	snop  }
.LBB2_11:
0x8a: {  	_ =	sfence.sel $0x180000  }
0x8b: {  	[bflag:$0x0] =	sbarrier.arrive $0xFFFF  }
0x8c: {  	p0 =	sne.s32 s2, $0x0;
	_ =	strace $0x90000050  }
0x8d: {  	s0 =	sadd.s32 @!p0 $0x100000, s0;
	[bflag:$0x2] =	sbarrier.arrive $0xFFFF  }
0x8e: {  	[sflag:s0] =	ssyncadd.tile.s32 @!p0 $0x1;
	_ =	shalt  }
.Lfunc_end2:
_tile_overlayer_lowered:
.L_overlay_start_2:
0x8f: {  	(tag) =	ssettag $0x2  }
0x90: {  	s0 =	rddreg [dreg:$0x0];
	s2 =	stileid.u32  }
0x91: {  	s1 =	rddreg [dreg:$0x1];
	p0 =	sne.s32 s2, $0x0  }
0x92: {  	s3 =	rddreg [dreg:$0x2];
	[bflag:$0x3] =	sbarrier.arrive $0xFFFF;
	s2 =	simm.s32 @!p0 $0x1C03  }
0x93: {  	[timem:s3], [sflag:s2] =	dma.local @!p0 [hbm:s0], s1  }
0x94: {  	s0 =	simm.s32 @!p0 $0x3  }
0x95: {  	_ =	swait.ge @!p0 [sflag:s0], s1  }
0x96: {  	s1 =	ssub.s32 @!p0 $0x0, s1;
	[sflag:s0] =	ssyncset.done @!p0 $0x0  }
0x97: {  	[sflag:s0] =	ssyncadd.s32 @!p0 s1  }
0x98: {  	[bflag:$0x3] =	sbarrier.arrive $0xFFFF  }
0x99: {  	_ =	shalt  }

// kernel: kernel.35.cloned.1.call-start
scs
__scs_entry_jumppad:
0x0: {  	(pc) =	sbr.rel $0x88, $3  }
0x1: {  	(tag) =	ssettag $0x0;
	lr =	simm.s32 $0x1  }
0x2: {  	[smem:$0x3F94] =	sst lr;
	_ =	strace $0xD0000000  }
0x3: {  	_ = 	snop  }
0x4: {  	_ = 	snop  }
0x5: {  	_ = 	snop  }
0x6: {  	_ = 	snop  }
0x7: {  	_ = 	snop  }
__scs_overlays_trampoline_lowered:
0x8: {  	[smem:$0x3FA3] =	sst s0  }
0x9: {  	[smem:$0x3FA4] =	sst s1  }
0xa: {  	[smem:$0x3FA5] =	sst s2  }
0xb: {  	[smem:$0x3FA6] =	sst s3  }
0xc: {  	[smem:$0x3FA7] =	sst s4  }
0xd: {  	[smem:$0x3FA8] =	sst s5  }
0xe: {  	[smem:$0x3FA9] =	sst s6  }
0xf: {  	[smem:$0x3FAA] =	sst s7  }
0x10: {  	[smem:$0x3FAB] =	sst s8  }
0x11: {  	[smem:$0x3FAC] =	sst s9;
	s0 =	simm.s32 @!p0 $0x0  }
0x12: {  	s1 =	sld [smem:$0x3F92];
	s0 =	simm.s32 @p0 $0x1  }
0x13: {  	[smem:$0x3FAD] =	sst s0;
	s0 =	simm.s32 @!p1 $0x0  }
0x14: {  	s2 =	sld [smem:$0x3F91];
	s0 =	simm.s32 @p1 $0x1  }
0x15: {  	[smem:$0x3FAE] =	sst s0;
	s0 =	simm.s32 @!p2 $0x0  }
0x16: {  	s3 =	sld [smem:$0x3FDB];
	s0 =	simm.s32 @p2 $0x1  }
0x17: {  	s4 =	simm.s32 $0x1BF5;
	[smem:$0x3FB0] =	sst s0  }
0x18: {  	s0 =	sld [smem:$0x3F93];
	_ =	swait.ge [sflag:s4], $0x0  }
0x19: {  	s7 =	sld [smem:$0x3F94]  }
0x1a: {  	s8 =	sadd.s32 $0xFFFFE003, lr  }
0x1b: {  	s9 =	sadd.s32 $0xFFFFFEF7, lr;
	s5 =	simm.s32 $0xFFFFFFFF;
	p2 =	slt.u32 s8, $0xFFFFF086  }
0x1c: {  	p1 =	slt.u32 s9, $0xF7A;
	s5 =	simm.s32 @!p2 $0x0  }
0x1d: {  	s5 =	simm.s32 @p1 $0x1;
	p0 =	seq.s32 s7, s2  }
0x1e: {  	s7 =	smul.u32 @!p0 $0xF7A, s2;
	p2 =	seq.s32 @!p0 s5, $0x0  }
0x1f: {  	s9 =	smul.u32 $0xF7A, s1;
	s8 =	simm.s32 @!p0 $0x1BF5;
	p2 =	por !p2, p0  }
0x20: {  	[sflag:s8] =	ssyncset.s32 @!p0 $0xFFFFF086;
	s6 =	sadd.s32 @!p0 s3, s7;
	s7 =	simm.s32 @!p0 $0x108  }
0x21: {  	s3 =	sadd.s32 s3, s9;
	s6 =	sadd.s32 @!p0 $0x88, s6;
	s7 =	simm.s32 @p2 $0x1082  }
0x22: {  	[simem:s7], [sflag:s8] =	dma.local @!p0 [hbm:s6], $0xF7A  }
0x23: {  	s9 =	sor.u32 $0xD0000000, s2;
	s6 =	simm.s32 $0x108;
	_ =	swait.ge @!p0 [sflag:s8], $0x0  }
0x24: {  	s3 =	sadd.s32 $0x88, s3;
	s6 =	simm.s32 @!p1 $0x1082;
	[sflag:s4] =	ssyncset.s32 $0xFFFFF086  }
0x25: {  	[simem:s6], [sflag:s4] =	dma.local [hbm:s3], $0xF7A  }
0x26: {  	[smem:$0x3F94] =	sst s1;
	(tag) =	ssettag s2;
	_ =	strace s9  }
0x27: {  	s1 =	sld [smem:$0x3FA4]  }
0x28: {  	s2 =	sld [smem:$0x3FA5]  }
0x29: {  	s4 =	sld [smem:$0x3FA7]  }
0x2a: {  	p0 =	seq.s32 s5, $0x0;
	s5 =	sld [smem:$0x3FA8]  }
0x2b: {  	s6 =	sld [smem:$0x3FA9]  }
0x2c: {  	s7 =	sld [smem:$0x3FAA]  }
0x2d: {  	s3 =	simm.s32 $0x108;
	s8 =	sld [smem:$0x3FAB]  }
0x2e: {  	s3 =	simm.s32 @!p0 $0x1082;
	s9 =	sld [smem:$0x3FAC]  }
0x2f: {  	lr =	sadd.s32 s0, s3;
	s0 =	sld [smem:$0x3FA3]  }
0x30: {  	s3 =	sld [smem:$0x3FA6]  }
0x31: {  	[smem:$0x3FAF] =	sst s10  }
0x32: {  	s10 =	sld [smem:$0x3FAD];
	_ =	sdelay $0x3  }
0x33: {  	p0 =	seq.s32 s10, $0x1;
	s10 =	sld [smem:$0x3FAF];
	_ =	sdelay $0x3  }
0x34: {  	[smem:$0x3FAF] =	sst s10  }
0x35: {  	s10 =	sld [smem:$0x3FAE];
	_ =	sdelay $0x3  }
0x36: {  	p1 =	seq.s32 s10, $0x1;
	s10 =	sld [smem:$0x3FAF];
	_ =	sdelay $0x3  }
0x37: {  	[smem:$0x3FAF] =	sst s10  }
0x38: {  	s10 =	sld [smem:$0x3FB0]  }
0x39: {  	_ = 	snop;
	(pc) =	sbr.ind lr, $3  }
0x3a: {  	_ = 	snop  }
0x3b: {  	_ = 	snop  }
0x3c: {  	p2 =	seq.s32 s10, $0x1;
	s10 =	sld [smem:$0x3FAF]  }
0x3d: {  	_ =	shalt  }
0x3e: {  	_ =	shalt  }
0x3f: {  	_ =	shalt  }
0x40: {  	_ =	shalt  }
0x41: {  	_ =	shalt  }
0x42: {  	_ =	shalt  }
0x43: {  	_ =	shalt  }
0x44: {  	_ =	shalt  }
0x45: {  	_ =	shalt  }
0x46: {  	_ =	shalt  }
0x47: {  	_ =	shalt  }
0x48: {  	_ =	shalt  }
0x49: {  	_ =	shalt  }
0x4a: {  	_ =	shalt  }
0x4b: {  	_ =	shalt  }
0x4c: {  	_ =	shalt  }
0x4d: {  	_ =	shalt  }
0x4e: {  	_ =	shalt  }
0x4f: {  	_ =	shalt  }
0x50: {  	_ =	shalt  }
0x51: {  	_ =	shalt  }
0x52: {  	_ =	shalt  }
0x53: {  	_ =	shalt  }
0x54: {  	_ =	shalt  }
0x55: {  	_ =	shalt  }
0x56: {  	_ =	shalt  }
0x57: {  	_ =	shalt  }
0x58: {  	_ =	shalt  }
0x59: {  	_ =	shalt  }
0x5a: {  	_ =	shalt  }
0x5b: {  	_ =	shalt  }
0x5c: {  	_ =	shalt  }
0x5d: {  	_ =	shalt  }
0x5e: {  	_ =	shalt  }
0x5f: {  	_ =	shalt  }
0x60: {  	_ =	shalt  }
0x61: {  	_ =	shalt  }
0x62: {  	_ =	shalt  }
0x63: {  	_ =	shalt  }
0x64: {  	_ =	shalt  }
0x65: {  	_ =	shalt  }
0x66: {  	_ =	shalt  }
0x67: {  	_ =	shalt  }
0x68: {  	_ =	shalt  }
0x69: {  	_ =	shalt  }
0x6a: {  	_ =	shalt  }
0x6b: {  	_ =	shalt  }
0x6c: {  	_ =	shalt  }
0x6d: {  	_ =	shalt  }
0x6e: {  	_ =	shalt  }
0x6f: {  	_ =	shalt  }
0x70: {  	_ =	shalt  }
0x71: {  	_ =	shalt  }
0x72: {  	_ =	shalt  }
0x73: {  	_ =	shalt  }
0x74: {  	_ =	shalt  }
0x75: {  	_ =	shalt  }
0x76: {  	_ =	shalt  }
0x77: {  	_ =	shalt  }
0x78: {  	_ =	shalt  }
0x79: {  	_ =	shalt  }
0x7a: {  	_ =	shalt  }
0x7b: {  	_ =	shalt  }
0x7c: {  	_ =	shalt  }
0x7d: {  	_ =	shalt  }
0x7e: {  	_ =	shalt  }
0x7f: {  	_ =	shalt  }
0x80: {  	_ =	shalt  }
0x81: {  	_ =	shalt  }
0x82: {  	_ =	shalt  }
0x83: {  	_ =	shalt  }
0x84: {  	_ =	shalt  }
0x85: {  	_ =	shalt  }
0x86: {  	_ =	shalt  }
0x87: {  	_ =	shalt  }
.Lfunc_end0:
.L_simem_size_0:
called_computation.7_lowered:
.L_overlay_start_0:
0x88: {  	s2 =	sld [smem:$0x3FD9]  }
0x89: {  	s3 =	sld [smem:$0x3FFE];
	_ =	sdelay $0x1  }
0x8a: {  	s1 =	srdreg.scid  }
0x8b: {  	s0 =	sand.u32 $0x1, s1  }
0x8c: {  	s17 =	sshll.u32 s0, $0xA;
	s2 =	sadd.s32 s3, s2  }
0x8d: {  	s2 =	sadd.s32 s2, s17  }
0x8e: {  	[smem:$0x3FBB] =	sst s2  }
0x8f: {  	_ = 	snop  }
0x90: {  	(tm) =	ssettm $0x1  }
0x91: {  	s18 =	sld [smem:$0x3FFB];
	_ =	sdelay $0x3  }
0x92: {  	_ =	strace s18  }
0x93: {  	s2 =	sld [smem:$0x3FFC];
	_ =	sdelay $0x3  }
0x94: {  	_ =	strace s2  }
0x95: {  	s2 =	sld [smem:$0x3FFD];
	_ =	sdelay $0x3  }
0x96: {  	_ =	strace s2  }
0x97: {  	_ =	strace $0x8FFFFFFF  }
0x98: {  	s19 =	sld [smem:$0x3FDB];
	_ =	sdelay $0x1  }
0x99: {  	s20 =	simm.s32 $_scs_section_size  }
0x9a: {  	s4 =	simm.s32 $_size__tile_overlayer_lowered;
	s5 =	simm.s32 $_tile_overlayer_lowered  }
0x9b: {  	s6 =	simm.s32 $0x1BFF;
	s21 =	sshll.u32 s5, $0x1;
	s3 =	sadd.s32 s20, s19  }
0x9c: {  	s22 =	simm.s32 $0x0;
	s4 =	sshll.u32 s4, $0x1;
	s5 =	sadd.s32 s21, s3  }
0x9d: {  	[timem:s22], [sflag:s6] =	dma.local [hbm:s5], s4  }
0x9e: {  	_ =	swait.ge [sflag:s6], s4  }
0x9f: {  	s4 =	ssub.s32 $0x0, s4;
	[sflag:s6] =	ssyncset.done $0x0  }
0xa0: {  	[sflag:s6] =	ssyncadd.s32 s4;
	_ =	sdelay $0x1  }
0xa1: {  	s23 =	simm.s32 $0x1B8B  }
0xa2: {  	_ =	swait.ge [sflag:s23], $0x1  }
0xa3: {  	[sflag:s23] =	ssyncset.done $0x0  }
0xa4: {  	[sflag:s23] =	ssyncadd.s32 $0xFFFFFFFF  }
0xa5: {  	s4 =	sld [smem:$0x0]  }
0xa6: {  	s5 =	sand.u32 $0xFFFFFFFE, s1  }
0xa7: {  	p0 =	sne.s32 s1, s5  }
0xa8: {  	s5 =	sshll.u32 @p0 s5, $0xE  }
0xa9: {  	s5 =	sadd.s32 @p0 $0x11B8D, s5;
	s6 =	sshll.u32 @p0 s4, $0x11  }
0xaa: {  	s5 =	sor.u32 @p0 s6, s5  }
0xab: {  	[sflag:s5] =	ssyncadd.remote.s32 @p0 $0x1;
	_ =	sdelay $0x1  }
0xac: {  	s5 =	simm.s32 @p0 $0x1B8D  }
0xad: {  	_ =	swait.eq @p0 [sflag:s5], $0x1  }
0xae: {  	[sflag:s5] =	ssyncadd.s32 @p0 $0xFFFFFFFF  }
0xaf: {  	s6 =	sshll.u32 @!p0 s1, $0xE  }
0xb0: {  	s6 =	sor.u32 @!p0 $0x4000, s6;
	s5 =	simm.s32 @!p0 $0x1B8D  }
0xb1: {  	s4 =	sshll.u32 @!p0 s4, $0x11;
	s6 =	sadd.s32 @!p0 $0x11B8D, s6;
	_ =	swait.eq @!p0 [sflag:s5], $0x1  }
0xb2: {  	s4 =	sor.u32 @!p0 s4, s6;
	[sflag:s5] =	ssyncadd.s32 @!p0 $0xFFFFFFFF  }
0xb3: {  	s25 =	simm.s32 $0x1B8E;
	s24 =	sld [smem:$0x3FFE];
	[sflag:s4] =	ssyncadd.remote.s32 @!p0 $0x1  }
0xb4: {  	s26 =	simm.s32 $execute0_lowered;
	[smem:$0x3FD2] =	sst s25  }
0xb5: {  	s5 =	sshll.u32 s26, $0x1;
	_ =	strace $0x80000052;
	[dreg:$0x1] =	wrdreg $0xFFFFFFFF  }
0xb6: {  	s28 =	simm.s32 $_size_execute0_lowered;
	s3 =	sadd.s32 s3, s5;
	[dreg:$0x0] =	wrdreg $0x0  }
0xb7: {  	s5 =	sshll.u32 s28, $0x1;
	[dreg:$0x2] =	wrdreg s3  }
0xb8: {  	[dreg:$0x3] =	wrdreg s5  }
0xb9: {  	[dreg:$0x4] =	wrdreg $0xC0  }
0xba: {  	_ =	task [dreg:s22], $0x5FFFF  }
0xbb: {  	[dreg:$0x1] =	wrdreg $0xFFFFFFFF  }
0xbc: {  	[dreg:$0x0] =	wrdreg $0x60  }
0xbd: {  	[dreg:$0x2] =	wrdreg s24  }
0xbe: {  	[dreg:$0x3] =	wrdreg $0xE5800  }
0xbf: {  	[dreg:$0x4] =	wrdreg $0xB  }
0xc0: {  	_ =	task.clear_ibuf [dreg:s22], $0x5FFFF;
	_ =	strace $0x90000052  }
0xc1: {  	s29 =	simm.s32 $0xB;
	_ =	strace $0x80000054  }
0xc2: {  	_ =	swait.ge [sflag:s29], $0x1  }
0xc3: {  	[sflag:s29] =	ssyncadd.s32 $0xFFFFFFFF  }
0xc4: {  	_ =	strace $0x90000054  }
0xc5: {  	_ =	sfence  }
0xc6: {  	s30 =	sld [smem:$0x0];
	_ =	sdelay $0x2  }
0xc7: {  	s31 =	sshll.u32 s1, $0xD;
	s1 =	sshrl.u32 s1, $0x2  }
0xc8: {  	s4 =	sand.u32 $0x4000, s31;
	s1 =	sadd.s32 s1, s30  }
0xc9: {  	s0 =	sor.u32 s4, s0;
	s1 =	sshll.u32 s1, $0x11  }
0xca: {  	s0 =	sor.u32 s1, s0  }
0xcb: {  	s0 =	sadd.s32 $0x8F2B, s0  }
0xcc: {  	[sflag:s0] =	ssyncadd.remote.s32 $0x1  }
0xcd: {  	_ =	sfence.sel $0xFFFF  }
0xce: {  	[dreg:$0x0] =	wrdreg $0xFFFFFFFF;
	(pc) =	sbr.abs _section_cstart, $3  }
0xcf: {  	[dreg:$0x1] =	wrdreg $0xFFFFFFFF  }
0xd0: {  	_ =	task.clear_ibuf [dreg:s22], $0x2FFFF;
	_ =	strace $0x9FFFFFFF  }
0xd1: {  	(tm) =	ssettm $0x7FFFFFFF  }
tec
execute0_lowered:
.L_overlay_start_1:
0x0: {  	(tag) =	ssettag $0x1  }
0x1: {  	s4 =	rddreg [dreg:$0x0]  }
0x2: {  	s1 =	rddreg [dreg:$0x1];
	s2 =	srdreg.scid  }
0x3: {  	s0 =	rddreg [dreg:$0x2];
	s3 =	simm.s32 $0x0;
	s15 =	simm.s32 $0x180  }
0x4: {  	s16 =	simm.s32 $0x1;
	s17 =	simm.s32 $0x80;
	s18 =	simm.s32 $0x100  }
0x5: {  	s19 =	simm.s32 $0x4;
	s20 =	simm.s32 $0x2;
	s22 =	simm.s32 $0x3  }
0x6: {  	s23 =	simm.s32 $0x0;
	s5 =	sand.u32 $0x1, s2;
	s2 =	stileid.u32  }
0x7: {  	[smem:$0x7FF] =	sst s3;
	s21 =	smul.u32 $0x1388, s5;
	s6 =	sshll.u32 s2, $0xB  }
0x8: {  	s7 =	smul.u32 $0x3E8, s2;
	_ =	strace $0x80000053;
	s28 =	sshll.u32 s2, $0x4  }
0x9: {  	s5 =	ssub.s32 $0x2, s5;
	s8 =	smul.u32 $0x7D000, s2;
	p0 =	sgt.u32 s2, $0x4  }
0xa: {  	s14 =	sadd.s32 s6, s4;
	s13 =	sadd.s32 s28, s4;
	s30 =	sshrl.u32 s5, $0x1  }
0xb: {  	s7 =	sadd.s32 s7, s21;
	s10 =	ssub.s32 s5, s30;
	s5 =	sadd.s32 $0xF0F600, s14  }
.Ltmp0:
0xc: {  	s31 =	sshrl.u32 s8, $0x2;
	s14 =	sadd.s32 $0xF17600, s14;
	(pc) =	sbr.rel .LBB2_1-.Ltmp0, $4  }
0xd: {  	v0 =	vmov s21;
	s21 =	simm.s32 $0x4180;
	s29 =	sshll.u32 s7, $0x4;
	s6 =	sadd.s32 s31, s1  }
0xe: {  	s8 =	smax.u32 s10, $0x1;
	s9 =	sadd.s32 s29, s4;
	s4 =	sadd.s32 $0x5000, s13  }
0xf: {  	s10 =	sadd.s32 $0xC800, s6;
	s11 =	sadd.s32 $0x12C00, s6;
	s12 =	sadd.s32 $0x19000, s6  }
0x10: {  	v1 =	vimm.f32 $0.0e+00;
	s13 =	sadd.s32 $0x5100, s13;
	s7 =	sadd.s32 $0xAB800, s9;
	s9 =	sadd.s32 $0x6400, s6  }
.LBB2_10:
0x11: {  	s24 =	sshll.u32 @!p0 s2, $0x6;
	[bflag:$0x0] =	sbarrier.arrive $0xFFFF;
	s23 =	sadd.s32 $0x1, s23  }
0x12: {  	s25 =	sshrl.u32 @!p0 s6, $0x3;
	s24 =	sor.u32 @!p0 $0x1C03, s24;
	p1 =	sne.s32 s23, s8  }
0x13: {  	[hbm:s7], [sflag:s24] =	dma.local @!p0 [spmem:s25], $0x3E80  }
.Ltmp1:
0x14: {  	_ = 	snop;
	(pc) =	sbr.rel @!p1 .LBB2_11-.Ltmp1, $4  }
0x15: {  	s24 =	simm.s32 @!p0 $0x3  }
0x16: {  	_ =	swait.ge @!p0 [sflag:s24], $0x3E80  }
0x17: {  	[sflag:s24] =	ssyncset.done @!p0 $0x0  }
0x18: {  	[sflag:s24] =	ssyncadd.s32 @!p0 $0xFFFFC180  }
.LBB2_1:
0x19: {  	s24 =	simm.s32 $0x0;
	s25 =	simm.s32 $0x200  }
.LBB2_2:
0x1a: {  	p1 =	sne.s32 s25, $0x18E00;
	[tilespmem:s24+$0x81F0] =	vst v1  }
0x1b: {  	[tilespmem:s24+$0x8180] =	vst v1  }
0x1c: {  	[tilespmem:s24+$0x8190] =	vst v1  }
.Ltmp2:
0x1d: {  	[tilespmem:s24+$0x81A0] =	vst v1;
	(pc) =	sbr.rel @p1 .LBB2_2-.Ltmp2, $4  }
0x1e: {  	[tilespmem:s24+$0x81B0] =	vst v1  }
0x1f: {  	[tilespmem:s24+$0x81C0] =	vst v1  }
0x20: {  	[tilespmem:s24+$0x81D0] =	vst v1  }
0x21: {  	[tilespmem:s24+$0x81E0] =	vst v1;
	s24 =	sshra.s32 s25, $0x2;
	s25 =	sadd.s32 $0x200, s25  }
0x22: {  	[tilespmem:s24+$0x81F0] =	vst v1  }
0x23: {  	[tilespmem:s24+$0x8180] =	vst v1  }
0x24: {  	[tilespmem:s24+$0x8190] =	vst v1  }
0x25: {  	[tilespmem:s24+$0x81A0] =	vst v1  }
0x26: {  	[tilespmem:s24+$0x81B0] =	vst v1  }
0x27: {  	[tilespmem:s24+$0x81C0] =	vst v1  }
0x28: {  	[tilespmem:s24+$0x81D0] =	vst v1  }
0x29: {  	[tilespmem:s24+$0x81E0] =	vst v1;
	s24 =	simm.s32 @!p0 $0x8180;
	s25 =	simm.s32 @!p0 $0x3  }
0x2a: {  	[spmem:s6] =	stream.linear.scatter @!p0 [tilespmem:s24], [sflag:$0x3], $0x6400, $0x38;
	[tilespmem:$0x18200] =	vst v63  }
0x2b: {  	_ =	swait.ge @!p0 [sflag:s25], $0x6400  }
0x2c: {  	[sflag:s25] =	ssyncset.done @!p0 $0x0  }
0x2d: {  	[sflag:s25] =	ssyncadd.s32 @!p0 $0xFFFF9C00  }
0x2e: {  	[spmem:s9] =	stream.linear.scatter @!p0 [tilespmem:s24], [sflag:$0x3], $0x6400, $0x38;
	[tilespmem:$0x18200] =	vst v63  }
0x2f: {  	_ =	swait.ge @!p0 [sflag:s25], $0x6400  }
0x30: {  	[sflag:s25] =	ssyncset.done @!p0 $0x0  }
0x31: {  	[sflag:s25] =	ssyncadd.s32 @!p0 $0xFFFF9C00  }
0x32: {  	[spmem:s10] =	stream.linear.scatter @!p0 [tilespmem:s24], [sflag:$0x3], $0x6400, $0x38;
	[tilespmem:$0x18200] =	vst v63  }
0x33: {  	_ =	swait.ge @!p0 [sflag:s25], $0x6400  }
0x34: {  	[sflag:s25] =	ssyncset.done @!p0 $0x0  }
0x35: {  	[sflag:s25] =	ssyncadd.s32 @!p0 $0xFFFF9C00  }
0x36: {  	[spmem:s11] =	stream.linear.scatter @!p0 [tilespmem:s24], [sflag:$0x3], $0x6400, $0x38;
	[tilespmem:$0x18200] =	vst v63  }
0x37: {  	_ =	swait.ge @!p0 [sflag:s25], $0x6400  }
0x38: {  	[sflag:s25] =	ssyncset.done @!p0 $0x0  }
0x39: {  	[sflag:s25] =	ssyncadd.s32 @!p0 $0xFFFF9C00  }
0x3a: {  	[spmem:s12] =	stream.linear.scatter @!p0 [tilespmem:s24], [sflag:$0x3], $0x6400, $0x38;
	[tilespmem:$0x18200] =	vst v63  }
0x3b: {  	_ =	swait.ge @!p0 [sflag:s25], $0x6400  }
0x3c: {  	[sflag:s25] =	ssyncset.done @!p0 $0x0  }
.Ltmp3:
0x3d: {  	[sflag:s25] =	ssyncadd.s32 @!p0 $0xFFFF9C00;
	(pc) =	sbr.rel .LBB2_4-.Ltmp3, $4  }
0x3e: {  	s24 =	simm.s32 $0x0;
	[bflag:$0x0] =	sbarrier.arrive $0xFFFF  }
0x3f: {  	[tilespmem:s24], [sflag:$0x1] =	stream.linear.gather [hbm4b:s4+s24], $0x80, $0x38;
	[tilespmem:$0x18200] =	vst v63  }
0x40: {  	s26 =	smov.u32 s13;
	s25 =	smov.u32 s14  }
0x41: {  	[tilespmem:s15], [sflag:$0x1] =	stream.linear.gather [hbm4b:s5+s24], $0x4000, $0x38;
	[tilespmem:$0x18200] =	vst v63  }
.LBB2_6:
0x42: {  	s28 =	sadd.s32 $0x100, s26  }
0x43: {  	[tilespmem:s3], [sflag:$0x1] =	stream.linear.gather [hbm4b:s28+s3], $0x80, $0x38;
	[tilespmem:$0x18200] =	vst v63  }
0x44: {  	s31 =	sadd.s32 $0x8000, s25  }
0x45: {  	[tilespmem:s15], [sflag:$0x1] =	stream.linear.gather [hbm4b:s31+s3], $0x4000, $0x38;
	[tilespmem:$0x18200] =	vst v63  }
.LBB2_8:
0x46: {  	_ =	swait.ge [sflag:s20], $0x80  }
0x47: {  	[sflag:s20] =	ssyncset.done $0x0  }
0x48: {  	[sflag:s20] =	ssyncadd.s32 $0xFFFFFF80  }
0x49: {  	_ =	swait.ge [sflag:s20], $0x4000  }
0x4a: {  	[sflag:s20] =	ssyncset.done $0x0  }
0x4b: {  	[sflag:s20] =	ssyncadd.s32 $0xFFFFC000  }
0x4c: {  	v2 =	vld [tilespmem:$0x80]  }
0x4d: {  	v3 =	vld [tilespmem:$0x90]  }
0x4e: {  	v4 =	vld [tilespmem:$0xA0]  }
0x4f: {  	v5 =	vld [tilespmem:$0xB0]  }
0x50: {  	v6 =	vld [tilespmem:$0xC0]  }
0x51: {  	v7 =	vld [tilespmem:$0xD0];
	v2 =	vsub.s32 v2, v0  }
0x52: {  	v8 =	vld [tilespmem:$0xE0];
	v3 =	vsub.s32 v3, v0;
	v2 =	vmin.u32 v2, $0x1388  }
0x53: {  	v63 =	vld [tilespmem:$0xF0];
	[tilespmem:$0x100] =	vst v2;
	v2 =	vmin.u32 v3, $0x1388;
	v3 =	vsub.s32 v4, v0  }
0x54: {  	[tilespmem:$0x110] =	vst v2;
	v2 =	vmin.u32 v3, $0x1388;
	v3 =	vsub.s32 v5, v0  }
0x55: {  	[tilespmem:$0x120] =	vst v2;
	v2 =	vmin.u32 v3, $0x1388;
	v3 =	vsub.s32 v6, v0  }
0x56: {  	[tilespmem:$0x130] =	vst v2;
	v2 =	vmin.u32 v3, $0x1388;
	v3 =	vsub.s32 v7, v0  }
0x57: {  	[tilespmem:$0x140] =	vst v2;
	v2 =	vmin.u32 v3, $0x1388;
	v3 =	vsub.s32 v8, v0  }
0x58: {  	[tilespmem:$0x150] =	vst v2;
	v2 =	vmin.u32 v3, $0x1388;
	v3 =	vsub.s32 v63, v0  }
0x59: {  	[tilespmem:$0x160] =	vst v2;
	v2 =	vmin.u32 v3, $0x1388  }
0x5a: {  	[tilespmem:$0x170] =	vst v2  }
0x5b: {  	[spmem:s1] =	stream.indirect.scatter.add.f32 [tilespmem:s21], [sflag:$0x3], $0x80, s18, s17, $0xb8;
	[tilespmem:$0x18200] =	vst v63  }
0x5c: {  	_ =	swait.ge [sflag:s22], $0x4000  }
0x5d: {  	[sflag:s22] =	ssyncset.done $0x0  }
0x5e: {  	[sflag:s22] =	ssyncadd.s32 $0xFFFFC000  }
.LBB2_9:
0x5f: {  	s24 =	sadd.s32 $0x20, s24  }
0x60: {  	p1 =	sne.s32 s24, $0x500  }
.Ltmp4:
0x61: {  	_ = 	snop;
	(pc) =	sbr.rel @!p1 .LBB2_10-.Ltmp4, $2  }
0x62: {  	_ =	sdelay $0x2  }
0x63: {  	s26 =	sadd.s32 $0x200, s26;
	s25 =	sadd.s32 $0x10000, s25  }
.LBB2_4:
0x64: {  	s28 =	sadd.s32 s24, s2  }
0x65: {  	s29 =	sadd.s32 $0x10, s28;
	p2 =	slt.u32 s28, $0x4E2  }
.Ltmp5:
0x66: {  	p1 =	sgt.u32 s29, $0x4E1;
	(pc) =	sbr.rel @!p2 .LBB2_9-.Ltmp5, $4  }
0x67: {  	s29 =	simm.s32 @!p1 $0x0;
	s30 =	simm.s32 @!p1 $0x80  }
0x68: {  	[tilespmem:s30], [sflag:$0x2] =	stream.linear.gather @!p1 [hbm4b:s26+s29], $0x80, $0x38;
	[tilespmem:$0x18200] =	vst v63  }
0x69: {  	s30 =	simm.s32 @!p1 $0x4180  }
0x6a: {  	[tilespmem:s30], [sflag:$0x2] =	stream.linear.gather @!p1 [hbm4b:s25+s29], $0x4000, $0x38;
	[tilespmem:$0x18200] =	vst v63  }
0x6b: {  	_ =	swait.ge [sflag:s16], $0x80  }
0x6c: {  	[sflag:s16] =	ssyncset.done $0x0  }
0x6d: {  	[sflag:s16] =	ssyncadd.s32 $0xFFFFFF80  }
0x6e: {  	_ =	swait.ge [sflag:s16], $0x4000  }
0x6f: {  	[sflag:s16] =	ssyncset.done $0x0  }
0x70: {  	[sflag:s16] =	ssyncadd.s32 $0xFFFFC000  }
0x71: {  	v2 =	vld [tilespmem:$0x0]  }
0x72: {  	v3 =	vld [tilespmem:$0x10]  }
0x73: {  	v4 =	vld [tilespmem:$0x20]  }
0x74: {  	v5 =	vld [tilespmem:$0x30]  }
0x75: {  	v6 =	vld [tilespmem:$0x40]  }
0x76: {  	v7 =	vld [tilespmem:$0x50];
	v2 =	vsub.s32 v2, v0  }
0x77: {  	v8 =	vld [tilespmem:$0x60];
	v3 =	vsub.s32 v3, v0;
	v2 =	vmin.u32 v2, $0x1388  }
0x78: {  	v63 =	vld [tilespmem:$0x70];
	[tilespmem:$0x100] =	vst v2;
	v2 =	vmin.u32 v3, $0x1388;
	v3 =	vsub.s32 v4, v0  }
0x79: {  	[tilespmem:$0x110] =	vst v2;
	v2 =	vmin.u32 v3, $0x1388;
	v3 =	vsub.s32 v5, v0  }
0x7a: {  	[tilespmem:$0x120] =	vst v2;
	v2 =	vmin.u32 v3, $0x1388;
	v3 =	vsub.s32 v6, v0  }
0x7b: {  	[tilespmem:$0x130] =	vst v2;
	v2 =	vmin.u32 v3, $0x1388;
	v3 =	vsub.s32 v7, v0  }
0x7c: {  	[tilespmem:$0x140] =	vst v2;
	v2 =	vmin.u32 v3, $0x1388;
	v3 =	vsub.s32 v8, v0  }
0x7d: {  	[tilespmem:$0x150] =	vst v2;
	v2 =	vmin.u32 v3, $0x1388;
	v3 =	vsub.s32 v63, v0  }
0x7e: {  	p2 =	sgt.u32 s28, $0x4C1;
	[tilespmem:$0x160] =	vst v2;
	v2 =	vmin.u32 v3, $0x1388  }
.Ltmp6:
0x7f: {  	[tilespmem:$0x170] =	vst v2;
	(pc) =	sbr.rel @!p2 .LBB2_6-.Ltmp6, $4  }
0x80: {  	[spmem:s1] =	stream.indirect.scatter.add.f32 [tilespmem:s15], [sflag:$0x4], $0x80, s18, s17, $0xb8;
	[tilespmem:$0x18200] =	vst v63  }
0x81: {  	_ =	swait.ge [sflag:s19], $0x4000  }
0x82: {  	[sflag:s19] =	ssyncset.done $0x0  }
0x83: {  	[sflag:s19] =	ssyncadd.s32 $0xFFFFC000  }
.Ltmp7:
0x84: {  	(pc) =	sbr.rel @p1 .LBB2_9-.Ltmp7, $4  }
.Ltmp8:
0x85: {  	(pc) =	sbr.rel @!p1 .LBB2_8-.Ltmp8, $4  }
0x86: {  	_ = 	snop  }
0x87: {  	_ = 	snop  }
0x88: {  	_ = 	snop  }
0x89: {  	_ = 	snop  }
.LBB2_11:
0x8a: {  	_ =	sfence.sel $0x180000  }
0x8b: {  	[bflag:$0x0] =	sbarrier.arrive $0xFFFF  }
0x8c: {  	p0 =	sne.s32 s2, $0x0;
	_ =	strace $0x90000053  }
0x8d: {  	s0 =	sadd.s32 @!p0 $0x100000, s0;
	[bflag:$0x2] =	sbarrier.arrive $0xFFFF  }
0x8e: {  	[sflag:s0] =	ssyncadd.tile.s32 @!p0 $0x1;
	_ =	shalt  }
.Lfunc_end2:
_tile_overlayer_lowered:
.L_overlay_start_2:
0x8f: {  	(tag) =	ssettag $0x2  }
0x90: {  	s0 =	rddreg [dreg:$0x0];
	s2 =	stileid.u32  }
0x91: {  	s1 =	rddreg [dreg:$0x1];
	p0 =	sne.s32 s2, $0x0  }
0x92: {  	s3 =	rddreg [dreg:$0x2];
	[bflag:$0x3] =	sbarrier.arrive $0xFFFF;
	s2 =	simm.s32 @!p0 $0x1C03  }
0x93: {  	[timem:s3], [sflag:s2] =	dma.local @!p0 [hbm:s0], s1  }
0x94: {  	s0 =	simm.s32 @!p0 $0x3  }
0x95: {  	_ =	swait.ge @!p0 [sflag:s0], s1  }
0x96: {  	s1 =	ssub.s32 @!p0 $0x0, s1;
	[sflag:s0] =	ssyncset.done @!p0 $0x0  }
0x97: {  	[sflag:s0] =	ssyncadd.s32 @!p0 s1  }
0x98: {  	[bflag:$0x3] =	sbarrier.arrive $0xFFFF  }
0x99: {  	_ =	shalt  }

</sc_bundles>
